<compile_context>
chip_gen: v7x
topology: tpu7x:2x2x1
jax: 0.10.2.dev20260603
libtpu: 0.0.44.dev20260713+nightly
codegen_flags: <defaults>
</compile_context>

<pallas_src>
import jax
import jax.numpy as jnp
from jax import lax
from jax.experimental import pallas as pl
from jax.experimental.pallas import tpu as pltpu
from jax.experimental.pallas import tpu_sc as plsc

_B = 16
_D = 512
_LANES = 16
_DL = _D // _LANES
_NC = 2
_NS = 16
_NW = _NC * _NS
_CHUNK = 64
_CU_PAD = 32


def _sc_body(fe_hbm, ft_hbm, cu_hbm, ent_hbm, tc_hbm, emb_hbm,
             part_hbm,
             idx_v, rows_v, acc_v, fb_v, ent_v,
             cu_v, tcur_v, tim_v, sems, semf):
    epw = idx_v.shape[0] * idx_v.shape[1]
    nchunk = idx_v.shape[0]
    wid = lax.axis_index("s") * _NC + lax.axis_index("c")
    lo = wid * epw

    pltpu.sync_copy(fe_hbm.at[pl.ds(wid * nchunk, nchunk)], idx_v)

    def zbody(i, _):
        for k in range(8):
            acc_v[i // (_DL // 8),
                  pl.ds(((i % (_DL // 8)) * 8 + k) * _LANES, _LANES)] = (
                jnp.zeros((_LANES,), jnp.float32))
        return 0

    lax.fori_loop(0, _B * _DL // 8, zbody, 0)

    def start(c, slot):
        pltpu.async_copy(emb_hbm.at[idx_v.at[c]], rows_v.at[slot],
                         sems.at[slot])

    def wait(c, slot):
        pltpu.make_async_copy(emb_hbm.at[idx_v.at[c]], rows_v.at[slot],
                              sems.at[slot]).wait()

    def process(c, slot):
        c0 = lo + c * _CHUNK

        def sbody(s, carry):
            cu0 = cu_v[pl.ds(s, _LANES)][0]
            cu1 = cu_v[pl.ds(s + 1, _LANES)][0]
            beg = jnp.clip(cu0 - c0, 0, _CHUNK)
            end = jnp.clip(cu1 - c0, 0, _CHUNK)
            tcs = tcur_v[pl.ds(s, _LANES)][0]
            n = end - beg
            nfull = n // 4

            @pl.when(n > 0)
            def _():
                for h in range(2):
                    hd = h * (_DL // 2)
                    zero16 = tuple(jnp.zeros((_LANES,), jnp.float32)
                                   for _ in range(_DL // 2))

                    def fast(i, acc16, hd=hd):
                        eb = beg + i * 4
                        t16 = tim_v[pl.ds(c * _CHUNK + eb, _LANES)]
                        w16 = jnp.exp(t16 - tcs)
                        out = list(acc16)
                        for j in range(4):
                            wj = w16[j]
                            for d in range(_DL // 2):
                                out[d] = out[d] + (
                                    rows_v[slot, eb + j,
                                           pl.ds((hd + d) * _LANES, _LANES)]
                                    * wj)
                        return tuple(out)

                    acc16 = lax.fori_loop(0, nfull, fast, zero16)

                    def slow(e, acc16, hd=hd):
                        t = tim_v[pl.ds(c * _CHUNK + e, _LANES)][0]
                        wv = jnp.exp(jnp.full((_LANES,), t - tcs,
                                              jnp.float32))
                        out = list(acc16)
                        for d in range(_DL // 2):
                            out[d] = out[d] + (
                                rows_v[slot, e,
                                       pl.ds((hd + d) * _LANES, _LANES)]
                                * wv)
                        return tuple(out)

                    acc16 = lax.fori_loop(beg + nfull * 4, end,
                                          slow, acc16)

                    for d in range(_DL // 2):
                        plsc.addupdate(
                            acc_v.at[s, pl.ds((hd + d) * _LANES, _LANES)],
                            acc16[d])

            return carry

        lax.fori_loop(0, _B, sbody, 0)

    start(0, 0)
    start(1, 1)

    pltpu.sync_copy(ft_hbm.at[pl.ds(lo, epw)], tim_v.at[pl.ds(0, epw)])
    pltpu.sync_copy(cu_hbm, cu_v.at[pl.ds(0, _CU_PAD)])
    pltpu.sync_copy(tc_hbm, tcur_v.at[pl.ds(0, _B)])

    def cbody(c, _):
        slot = lax.rem(c, 3)

        @pl.when(c + 2 < nchunk)
        def _():
            start(c + 2, lax.rem(c + 2, 3))

        wait(c, slot)
        process(c, slot)
        return 0

    lax.fori_loop(0, nchunk, cbody, 0)

    @pl.when(wid == 0)
    def _():
        pltpu.sync_copy(ent_hbm, ent_v)
        pltpu.async_copy(emb_hbm.at[ent_v], fb_v, semf).wait()
        cu_lo = cu_v[pl.ds(0, _LANES)]
        cu_hi = cu_v[pl.ds(_LANES, _LANES)]
        for s in range(_B):
            up = cu_hi[0] if s + 1 == _B else cu_lo[s + 1]

            @pl.when(up == cu_lo[s])
            def _(s=s):
                def fbody(d, _):
                    plsc.addupdate(acc_v.at[s, pl.ds(d * _LANES, _LANES)],
                                   fb_v[s, pl.ds(d * _LANES, _LANES)])
                    return 0
                lax.fori_loop(0, _DL, fbody, 0)

    pltpu.sync_copy(acc_v, part_hbm.at[wid])


def _sc_partials(fe2, flat_times, cu_pad, entities, current_time, emb_table):
    nchunk = fe2.shape[0] // _NW
    mesh = plsc.VectorSubcoreMesh(core_axis_name="c", subcore_axis_name="s")
    return pl.kernel(
        _sc_body,
        out_type=jax.ShapeDtypeStruct((_NW, _B, _D), jnp.float32),
        mesh=mesh,
        scratch_types=[
            pltpu.VMEM((nchunk, _CHUNK), jnp.int32),
            pltpu.VMEM((3, _CHUNK, _D), jnp.float32),
            pltpu.VMEM((_B, _D), jnp.float32),
            pltpu.VMEM((_B, _D), jnp.float32),
            pltpu.VMEM((_B,), jnp.int32),
            pltpu.VMEM((_CU_PAD,), jnp.int32),
            pltpu.VMEM((2 * _B,), jnp.float32),
            pltpu.VMEM((nchunk * _CHUNK + _LANES,), jnp.float32),
            pltpu.SemaphoreType.DMA((3,)),
            pltpu.SemaphoreType.DMA,
        ],
    )(fe2, flat_times, cu_pad, entities, current_time, emb_table)


def _tc_body(part_ref, w_ref, b_ref, out_ref):
    his = jnp.sum(part_ref[...], axis=0)
    out = lax.dot_general(his, w_ref[...], (((1,), (1,)), ((), ())),
                          preferred_element_type=jnp.float32)
    out_ref[...] = out + b_ref[...]


def _tc_project(partials, W, b2):
    return pl.pallas_call(
        _tc_body,
        out_shape=jax.ShapeDtypeStruct((_B, _D), jnp.float32),
    )(partials, W, b2)


def kernel(flat_entities, flat_times, cu_seqlens, entities, current_time,
           emb_table, W, b):
    total = flat_entities.shape[0]
    nchunk = total // (_NW * _CHUNK)
    fe2 = flat_entities.astype(jnp.int32).reshape(_NW * nchunk, _CHUNK)
    cu_pad = jnp.concatenate([
        cu_seqlens.astype(jnp.int32),
        jnp.full((_CU_PAD - cu_seqlens.shape[0],), total, jnp.int32),
    ])
    partials = _sc_partials(fe2, flat_times, cu_pad, entities.astype(jnp.int32),
                            current_time, emb_table)
    return _tc_project(partials, W, b.reshape(1, _D))

# --- scband reference (transcript-rebuilt; emitter-appended) ---
"""Pipeline reference for scband-event-embedding-model-7421703488265 (READ-ONLY COPY).

The authoritative reference and input builder live on the scoring server;
editing this copy changes nothing except your own understanding.
"""

import jax, jax.numpy as jnp
import numpy as np

B = 16
TOTAL = 32768
VOCAB = 100000
D = 512


def setup_inputs(seed: int = 0) -> dict:
    key = jax.random.key(seed)
    k1, k2, k3, k4, k5, k6, k7, k8 = jax.random.split(key, 8)
    flat_entities = jax.random.randint(k1, (TOTAL,), 0, VOCAB, dtype=jnp.int64) if jax.config.jax_enable_x64 else jax.random.randint(k1, (TOTAL,), 0, VOCAB, dtype=jnp.int32)
    flat_times = jax.random.uniform(k2, (TOTAL,), dtype=jnp.float32)
    inner = jnp.sort(jax.random.randint(k3, (B - 1,), 0, TOTAL))
    cu_seqlens = jnp.concatenate([jnp.array([0], dtype=jnp.int32), inner.astype(jnp.int32), jnp.array([TOTAL], dtype=jnp.int32)])
    entities = jax.random.randint(k4, (B,), 0, VOCAB, dtype=jnp.int32)
    current_time = jax.random.uniform(k5, (B,), dtype=jnp.float32) + 1.0
    emb_table = jax.random.normal(k6, (VOCAB, D), dtype=jnp.float32)
    W = jax.random.normal(k7, (D, D), dtype=jnp.float32) * (1.0 / np.sqrt(D))
    b = jax.random.normal(k8, (D,), dtype=jnp.float32) * 0.01
    return {"flat_entities": flat_entities, "flat_times": flat_times, "cu_seqlens": cu_seqlens, "entities": entities, "current_time": current_time, "emb_table": emb_table, "W": W, "b": b}


def reference(flat_entities, flat_times, cu_seqlens, entities, current_time, emb_table, W, b):
    # Ragged flattening of the original per-example Python loop:
    # history for query i lives at flat positions [cu_seqlens[i], cu_seqlens[i+1]).
    total = flat_entities.shape[0]
    nq = entities.shape[0]
    positions = jnp.arange(total)
    seg_ids = jnp.searchsorted(cu_seqlens, positions, side="right") - 1  # [T]
    # entity_embed = entities_emb(entity)
    ent_emb = jnp.take(emb_table, flat_entities, axis=0)  # [T, D]
    # time_weights = exp(-decay_rate * (event_time - time)), decay_rate = 1
    t_cur = jnp.take(current_time, seg_ids)  # [T]
    time_weights = jnp.exp(-(t_cur - flat_times))  # [T]
    # his_1 = time_weights @ entity_embed  (per segment weighted sum)
    weighted = ent_emb * time_weights[:, None]  # [T, D]
    his = jax.ops.segment_sum(weighted, seg_ids, num_segments=nq)  # [B, D]
    # empty-history branch: his_1 = entities_emb(ent)
    seg_len = cu_seqlens[1:] - cu_seqlens[:-1]  # [B]
    fallback = jnp.take(emb_table, entities, axis=0)  # [B, D]
    his_1 = jnp.where((seg_len > 0)[:, None], his, fallback)
    # LinearQ
    out = his_1 @ W.T + b  # [B, D]
    return out

if __name__ == "__main__":
    import jax
    _d = setup_inputs()
    print(jax.jit(kernel)(*tuple(_d.values())))

</pallas_src>

<mosaic_0001>
#map = affine_map<(d0, d1) -> (0, 0)>
#map1 = affine_map<(d0, d1) -> (0)>
#map2 = affine_map<(d0, d1) -> (0, 0, 0)>
module attributes {stable_mosaic.version = 14 : i64} {
  func.func @_sc_body(%arg0: i32, %arg1: i32, %arg2: memref<512x64xi32, #tpu.memory_space<hbm>>, %arg3: memref<32768xf32, #tpu.memory_space<hbm>>, %arg4: memref<32xi32, #tpu.memory_space<hbm>>, %arg5: memref<16xi32, #tpu.memory_space<hbm>>, %arg6: memref<16xf32, #tpu.memory_space<hbm>>, %arg7: memref<100000x512xf32, #tpu.memory_space<hbm>>, %arg8: memref<32x16x512xf32, #tpu.memory_space<hbm>>, %arg9: memref<16x64xi32, #tpu.memory_space<vmem>>, %arg10: memref<3x64x512xf32, #tpu.memory_space<vmem>>, %arg11: memref<16x512xf32, #tpu.memory_space<vmem>>, %arg12: memref<16x512xf32, #tpu.memory_space<vmem>>, %arg13: memref<16xi32, #tpu.memory_space<vmem>>, %arg14: memref<32xi32, #tpu.memory_space<vmem>>, %arg15: memref<32xf32, #tpu.memory_space<vmem>>, %arg16: memref<1040xf32, #tpu.memory_space<vmem>>, %arg17: memref<3x!tpu.dma_semaphore, #tpu.memory_space<semaphore_mem>>, %arg18: memref<!tpu.dma_semaphore, #tpu.memory_space<semaphore_mem>>) attributes {dimension_semantics = [#tpu.dimension_semantics<core_parallel>, #tpu.dimension_semantics<subcore_parallel>], iteration_bounds = array<i64: 2, 16>, scalar_prefetch = 0 : i64, scratch_operands = 10 : i64, tpu.core_type = #tpu.core_type<sc_vector_subcore>, window_params = [{transform_indices = #map}, {transform_indices = #map1}, {transform_indices = #map1}, {transform_indices = #map1}, {transform_indices = #map1}, {transform_indices = #map}, {transform_indices = #map2}]} {
    %mul3A = arith.constant 2 : i32
    %mul3A_0 = arith.muli %arg1, %mul3A : i32
    %add3A = arith.addi %mul3A_0, %arg0 : i32
    %mul3A_1 = arith.constant 1024 : i32
    %mul3A_2 = arith.muli %add3A, %mul3A_1 : i32
    %mul3A_3 = arith.constant 16 : i32
    %mul3A_4 = arith.muli %add3A, %mul3A_3 : i32
    "tpu.region"() ({
      %run_scoped3A = tpu.sem_alloc : memref<!tpu.dma_semaphore, #tpu.memory_space<semaphore_mem>>
      %dma_start3A_49 = arith.constant 0 : i32
      %dma_start3A_50 = tpu.memref_slice %arg2[%mul3A_4, %dma_start3A_49] : memref<512x64xi32, #tpu.memory_space<hbm>> -> memref<16x64xi32, #tpu.memory_space<hbm>>
      %dma_start3A_51 = arith.constant 0 : i32
      %dma_start3A_52 = tpu.memref_slice %arg2[%mul3A_4, %dma_start3A_51] : memref<512x64xi32, #tpu.memory_space<hbm>> -> memref<16x64xi32, #tpu.memory_space<hbm>>
      tpu.enqueue_dma source(%dma_start3A_52 : memref<16x64xi32, #tpu.memory_space<hbm>>) target(%arg9 : memref<16x64xi32, #tpu.memory_space<vmem>>) target_semaphore(%run_scoped3A : memref<!tpu.dma_semaphore, #tpu.memory_space<semaphore_mem>>)
      %dma_wait3A = arith.constant 0 : i32
      %dma_wait3A_53 = tpu.memref_slice %arg2[%mul3A_4, %dma_wait3A] : memref<512x64xi32, #tpu.memory_space<hbm>> -> memref<16x64xi32, #tpu.memory_space<hbm>>
      %dma_wait3A_54 = arith.constant 0 : i32
      %dma_wait3A_55 = tpu.memref_slice %arg2[%mul3A_4, %dma_wait3A_54] : memref<512x64xi32, #tpu.memory_space<hbm>> -> memref<16x64xi32, #tpu.memory_space<hbm>>
      tpu.wait_dma2 semaphore(%run_scoped3A : memref<!tpu.dma_semaphore, #tpu.memory_space<semaphore_mem>>) src(%dma_wait3A_55 : memref<16x64xi32, #tpu.memory_space<hbm>>) dst(%arg9 : memref<16x64xi32, #tpu.memory_space<vmem>>)
      tpu.yield
    }) : () -> ()
    %scan3A = arith.constant 0 : i32
    %scan3A_5 = arith.constant 0 : i32
    %scan3A_6 = arith.constant 64 : i32
    %scan3A_7 = arith.addi %scan3A_5, %scan3A_6 : i32
    %scan3A_8 = arith.constant 1 : i32
    %scan3A_9 = scf.for %scan3A_49 = %scan3A_5 to %scan3A_7 step %scan3A_8 iter_args(%scan3A_50 = %scan3A) -> (i32)  : i32 {
      %broadcast_in_dim3A = arith.constant 0.000000e+00 : f32
      %broadcast_in_dim3A_51 = vector.broadcast %broadcast_in_dim3A : f32 to vector<16xf32>
      %jit3A = arith.constant 4 : i32
      %div3A = arith.divsi %scan3A_49, %jit3A : i32
      %sign3A = arith.constant 0 : i32
      %sign3A_52 = arith.cmpi sgt, %scan3A_49, %sign3A : i32
      %sign3A_53 = arith.extui %sign3A_52 : i1 to i32
      %sign3A_54 = arith.constant 0 : i32
      %sign3A_55 = arith.cmpi slt, %scan3A_49, %sign3A_54 : i32
      %sign3A_56 = arith.extui %sign3A_55 : i1 to i32
      %sign3A_57 = arith.subi %sign3A_53, %sign3A_56 : i32
      %sign3A_58 = arith.constant 0 : i32
      %sign3A_59 = arith.cmpi sgt, %jit3A, %sign3A_58 : i32
      %sign3A_60 = arith.extui %sign3A_59 : i1 to i32
      %sign3A_61 = arith.constant 0 : i32
      %sign3A_62 = arith.cmpi slt, %jit3A, %sign3A_61 : i32
      %sign3A_63 = arith.extui %sign3A_62 : i1 to i32
      %sign3A_64 = arith.subi %sign3A_60, %sign3A_63 : i32
      %ne3A = arith.cmpi ne, %sign3A_57, %sign3A_64 : i32
      %rem3A = arith.remsi %scan3A_49, %jit3A : i32
      %ne3A_65 = arith.constant 0 : i32
      %ne3A_66 = arith.cmpi ne, %rem3A, %ne3A_65 : i32
      %and3A = arith.andi %ne3A, %ne3A_66 : i1
      %sub3A = arith.constant 1 : i32
      %sub3A_67 = arith.subi %div3A, %sub3A : i32
      %select_n3A = arith.select %and3A, %sub3A_67, %div3A : i32
      %jit3A_68 = arith.constant 4 : i32
      %eq3A_69 = arith.constant 0 : i32
      %eq3A_70 = arith.cmpi eq, %jit3A_68, %eq3A_69 : i32
      %jit3A_71 = arith.constant 1 : i32
      %select_n3A_72 = arith.select %eq3A_70, %jit3A_71, %jit3A_68 : i32
      %rem3A_73 = arith.remsi %scan3A_49, %select_n3A_72 : i32
      %ne3A_74 = arith.constant 0 : i32
      %ne3A_75 = arith.cmpi ne, %rem3A_73, %ne3A_74 : i32
      %lt3A = arith.constant 0 : i32
      %lt3A_76 = arith.cmpi slt, %rem3A_73, %lt3A : i32
      %lt3A_77 = arith.constant 0 : i32
      %lt3A_78 = arith.cmpi slt, %select_n3A_72, %lt3A_77 : i32
      %ne3A_79 = arith.xori %lt3A_76, %lt3A_78 : i1
      %and3A_80 = arith.andi %ne3A_79, %ne3A_75 : i1
      %add3A_81 = arith.addi %rem3A_73, %select_n3A_72 : i32
      %select_n3A_82 = arith.select %and3A_80, %add3A_81, %rem3A_73 : i32
      %mul3A_83 = arith.constant 8 : i32
      %mul3A_84 = arith.muli %select_n3A_82, %mul3A_83 : i32
      %add3A_85 = arith.constant 0 : i32
      %add3A_86 = arith.addi %mul3A_84, %add3A_85 : i32
      %mul3A_87 = arith.constant 16 : i32
      %mul3A_88 = arith.muli %add3A_86, %mul3A_87 : i32
      %swap3A = arith.index_cast %select_n3A : i32 to index
      %swap3A_89 = arith.index_cast %mul3A_88 : i32 to index
      %swap3A_90 = tpu.vector_load %arg11[%swap3A, %swap3A_89] {strides = array<i32>} : memref<16x512xf32, #tpu.memory_space<vmem>>, vector<1x16xf32>,
      %swap3A_91 = vector.shape_cast %swap3A_90 : vector<1x16xf32> to vector<16xf32>
      %swap3A_92 = vector.shape_cast %broadcast_in_dim3A_51 : vector<16xf32> to vector<1x16xf32>
      tpu.vector_store %arg11[%swap3A, %swap3A_89], %swap3A_92 {strides = array<i32>} : memref<16x512xf32, #tpu.memory_space<vmem>>, vector<1x16xf32>,
      %broadcast_in_dim3A_93 = arith.constant 0.000000e+00 : f32
      %broadcast_in_dim3A_94 = vector.broadcast %broadcast_in_dim3A_93 : f32 to vector<16xf32>
      %jit3A_95 = arith.constant 4 : i32
      %div3A_96 = arith.divsi %scan3A_49, %jit3A_95 : i32
      %sign3A_97 = arith.constant 0 : i32
      %sign3A_98 = arith.cmpi sgt, %scan3A_49, %sign3A_97 : i32
      %sign3A_99 = arith.extui %sign3A_98 : i1 to i32
      %sign3A_100 = arith.constant 0 : i32
      %sign3A_101 = arith.cmpi slt, %scan3A_49, %sign3A_100 : i32
      %sign3A_102 = arith.extui %sign3A_101 : i1 to i32
      %sign3A_103 = arith.subi %sign3A_99, %sign3A_102 : i32
      %sign3A_104 = arith.constant 0 : i32
      %sign3A_105 = arith.cmpi sgt, %jit3A_95, %sign3A_104 : i32
      %sign3A_106 = arith.extui %sign3A_105 : i1 to i32
      %sign3A_107 = arith.constant 0 : i32
      %sign3A_108 = arith.cmpi slt, %jit3A_95, %sign3A_107 : i32
      %sign3A_109 = arith.extui %sign3A_108 : i1 to i32
      %sign3A_110 = arith.subi %sign3A_106, %sign3A_109 : i32
      %ne3A_111 = arith.cmpi ne, %sign3A_103, %sign3A_110 : i32
      %rem3A_112 = arith.remsi %scan3A_49, %jit3A_95 : i32
      %ne3A_113 = arith.constant 0 : i32
      %ne3A_114 = arith.cmpi ne, %rem3A_112, %ne3A_113 : i32
      %and3A_115 = arith.andi %ne3A_111, %ne3A_114 : i1
      %sub3A_116 = arith.constant 1 : i32
      %sub3A_117 = arith.subi %div3A_96, %sub3A_116 : i32
      %select_n3A_118 = arith.select %and3A_115, %sub3A_117, %div3A_96 : i32
      %jit3A_119 = arith.constant 4 : i32
      %eq3A_120 = arith.constant 0 : i32
      %eq3A_121 = arith.cmpi eq, %jit3A_119, %eq3A_120 : i32
      %jit3A_122 = arith.constant 1 : i32
      %select_n3A_123 = arith.select %eq3A_121, %jit3A_122, %jit3A_119 : i32
      %rem3A_124 = arith.remsi %scan3A_49, %select_n3A_123 : i32
      %ne3A_125 = arith.constant 0 : i32
      %ne3A_126 = arith.cmpi ne, %rem3A_124, %ne3A_125 : i32
      %lt3A_127 = arith.constant 0 : i32
      %lt3A_128 = arith.cmpi slt, %rem3A_124, %lt3A_127 : i32
      %lt3A_129 = arith.constant 0 : i32
      %lt3A_130 = arith.cmpi slt, %select_n3A_123, %lt3A_129 : i32
      %ne3A_131 = arith.xori %lt3A_128, %lt3A_130 : i1
      %and3A_132 = arith.andi %ne3A_131, %ne3A_126 : i1
      %add3A_133 = arith.addi %rem3A_124, %select_n3A_123 : i32
      %select_n3A_134 = arith.select %and3A_132, %add3A_133, %rem3A_124 : i32
      %mul3A_135 = arith.constant 8 : i32
      %mul3A_136 = arith.muli %select_n3A_134, %mul3A_135 : i32
      %add3A_137 = arith.constant 1 : i32
      %add3A_138 = arith.addi %mul3A_136, %add3A_137 : i32
      %mul3A_139 = arith.constant 16 : i32
      %mul3A_140 = arith.muli %add3A_138, %mul3A_139 : i32
      %swap3A_141 = arith.index_cast %select_n3A_118 : i32 to index
      %swap3A_142 = arith.index_cast %mul3A_140 : i32 to index
      %swap3A_143 = tpu.vector_load %arg11[%swap3A_141, %swap3A_142] {strides = array<i32>} : memref<16x512xf32, #tpu.memory_space<vmem>>, vector<1x16xf32>,
      %swap3A_144 = vector.shape_cast %swap3A_143 : vector<1x16xf32> to vector<16xf32>
      %swap3A_145 = vector.shape_cast %broadcast_in_dim3A_94 : vector<16xf32> to vector<1x16xf32>
      tpu.vector_store %arg11[%swap3A_141, %swap3A_142], %swap3A_145 {strides = array<i32>} : memref<16x512xf32, #tpu.memory_space<vmem>>, vector<1x16xf32>,
      %broadcast_in_dim3A_146 = arith.constant 0.000000e+00 : f32
      %broadcast_in_dim3A_147 = vector.broadcast %broadcast_in_dim3A_146 : f32 to vector<16xf32>
      %jit3A_148 = arith.constant 4 : i32
      %div3A_149 = arith.divsi %scan3A_49, %jit3A_148 : i32
      %sign3A_150 = arith.constant 0 : i32
      %sign3A_151 = arith.cmpi sgt, %scan3A_49, %sign3A_150 : i32
      %sign3A_152 = arith.extui %sign3A_151 : i1 to i32
      %sign3A_153 = arith.constant 0 : i32
      %sign3A_154 = arith.cmpi slt, %scan3A_49, %sign3A_153 : i32
      %sign3A_155 = arith.extui %sign3A_154 : i1 to i32
      %sign3A_156 = arith.subi %sign3A_152, %sign3A_155 : i32
      %sign3A_157 = arith.constant 0 : i32
      %sign3A_158 = arith.cmpi sgt, %jit3A_148, %sign3A_157 : i32
      %sign3A_159 = arith.extui %sign3A_158 : i1 to i32
      %sign3A_160 = arith.constant 0 : i32
      %sign3A_161 = arith.cmpi slt, %jit3A_148, %sign3A_160 : i32
      %sign3A_162 = arith.extui %sign3A_161 : i1 to i32
      %sign3A_163 = arith.subi %sign3A_159, %sign3A_162 : i32
      %ne3A_164 = arith.cmpi ne, %sign3A_156, %sign3A_163 : i32
      %rem3A_165 = arith.remsi %scan3A_49, %jit3A_148 : i32
      %ne3A_166 = arith.constant 0 : i32
      %ne3A_167 = arith.cmpi ne, %rem3A_165, %ne3A_166 : i32
      %and3A_168 = arith.andi %ne3A_164, %ne3A_167 : i1
      %sub3A_169 = arith.constant 1 : i32
      %sub3A_170 = arith.subi %div3A_149, %sub3A_169 : i32
      %select_n3A_171 = arith.select %and3A_168, %sub3A_170, %div3A_149 : i32
      %jit3A_172 = arith.constant 4 : i32
      %eq3A_173 = arith.constant 0 : i32
      %eq3A_174 = arith.cmpi eq, %jit3A_172, %eq3A_173 : i32
      %jit3A_175 = arith.constant 1 : i32
      %select_n3A_176 = arith.select %eq3A_174, %jit3A_175, %jit3A_172 : i32
      %rem3A_177 = arith.remsi %scan3A_49, %select_n3A_176 : i32
      %ne3A_178 = arith.constant 0 : i32
      %ne3A_179 = arith.cmpi ne, %rem3A_177, %ne3A_178 : i32
      %lt3A_180 = arith.constant 0 : i32
      %lt3A_181 = arith.cmpi slt, %rem3A_177, %lt3A_180 : i32
      %lt3A_182 = arith.constant 0 : i32
      %lt3A_183 = arith.cmpi slt, %select_n3A_176, %lt3A_182 : i32
      %ne3A_184 = arith.xori %lt3A_181, %lt3A_183 : i1
      %and3A_185 = arith.andi %ne3A_184, %ne3A_179 : i1
      %add3A_186 = arith.addi %rem3A_177, %select_n3A_176 : i32
      %select_n3A_187 = arith.select %and3A_185, %add3A_186, %rem3A_177 : i32
      %mul3A_188 = arith.constant 8 : i32
      %mul3A_189 = arith.muli %select_n3A_187, %mul3A_188 : i32
      %add3A_190 = arith.constant 2 : i32
      %add3A_191 = arith.addi %mul3A_189, %add3A_190 : i32
      %mul3A_192 = arith.constant 16 : i32
      %mul3A_193 = arith.muli %add3A_191, %mul3A_192 : i32
      %swap3A_194 = arith.index_cast %select_n3A_171 : i32 to index
      %swap3A_195 = arith.index_cast %mul3A_193 : i32 to index
      %swap3A_196 = tpu.vector_load %arg11[%swap3A_194, %swap3A_195] {strides = array<i32>} : memref<16x512xf32, #tpu.memory_space<vmem>>, vector<1x16xf32>,
      %swap3A_197 = vector.shape_cast %swap3A_196 : vector<1x16xf32> to vector<16xf32>
      %swap3A_198 = vector.shape_cast %broadcast_in_dim3A_147 : vector<16xf32> to vector<1x16xf32>
      tpu.vector_store %arg11[%swap3A_194, %swap3A_195], %swap3A_198 {strides = array<i32>} : memref<16x512xf32, #tpu.memory_space<vmem>>, vector<1x16xf32>,
      %broadcast_in_dim3A_199 = arith.constant 0.000000e+00 : f32
      %broadcast_in_dim3A_200 = vector.broadcast %broadcast_in_dim3A_199 : f32 to vector<16xf32>
      %jit3A_201 = arith.constant 4 : i32
      %div3A_202 = arith.divsi %scan3A_49, %jit3A_201 : i32
      %sign3A_203 = arith.constant 0 : i32
      %sign3A_204 = arith.cmpi sgt, %scan3A_49, %sign3A_203 : i32
      %sign3A_205 = arith.extui %sign3A_204 : i1 to i32
      %sign3A_206 = arith.constant 0 : i32
      %sign3A_207 = arith.cmpi slt, %scan3A_49, %sign3A_206 : i32
      %sign3A_208 = arith.extui %sign3A_207 : i1 to i32
      %sign3A_209 = arith.subi %sign3A_205, %sign3A_208 : i32
      %sign3A_210 = arith.constant 0 : i32
      %sign3A_211 = arith.cmpi sgt, %jit3A_201, %sign3A_210 : i32
      %sign3A_212 = arith.extui %sign3A_211 : i1 to i32
      %sign3A_213 = arith.constant 0 : i32
      %sign3A_214 = arith.cmpi slt, %jit3A_201, %sign3A_213 : i32
      %sign3A_215 = arith.extui %sign3A_214 : i1 to i32
      %sign3A_216 = arith.subi %sign3A_212, %sign3A_215 : i32
      %ne3A_217 = arith.cmpi ne, %sign3A_209, %sign3A_216 : i32
      %rem3A_218 = arith.remsi %scan3A_49, %jit3A_201 : i32
      %ne3A_219 = arith.constant 0 : i32
      %ne3A_220 = arith.cmpi ne, %rem3A_218, %ne3A_219 : i32
      %and3A_221 = arith.andi %ne3A_217, %ne3A_220 : i1
      %sub3A_222 = arith.constant 1 : i32
      %sub3A_223 = arith.subi %div3A_202, %sub3A_222 : i32
      %select_n3A_224 = arith.select %and3A_221, %sub3A_223, %div3A_202 : i32
      %jit3A_225 = arith.constant 4 : i32
      %eq3A_226 = arith.constant 0 : i32
      %eq3A_227 = arith.cmpi eq, %jit3A_225, %eq3A_226 : i32
      %jit3A_228 = arith.constant 1 : i32
      %select_n3A_229 = arith.select %eq3A_227, %jit3A_228, %jit3A_225 : i32
      %rem3A_230 = arith.remsi %scan3A_49, %select_n3A_229 : i32
      %ne3A_231 = arith.constant 0 : i32
      %ne3A_232 = arith.cmpi ne, %rem3A_230, %ne3A_231 : i32
      %lt3A_233 = arith.constant 0 : i32
      %lt3A_234 = arith.cmpi slt, %rem3A_230, %lt3A_233 : i32
      %lt3A_235 = arith.constant 0 : i32
      %lt3A_236 = arith.cmpi slt, %select_n3A_229, %lt3A_235 : i32
      %ne3A_237 = arith.xori %lt3A_234, %lt3A_236 : i1
      %and3A_238 = arith.andi %ne3A_237, %ne3A_232 : i1
      %add3A_239 = arith.addi %rem3A_230, %select_n3A_229 : i32
      %select_n3A_240 = arith.select %and3A_238, %add3A_239, %rem3A_230 : i32
      %mul3A_241 = arith.constant 8 : i32
      %mul3A_242 = arith.muli %select_n3A_240, %mul3A_241 : i32
      %add3A_243 = arith.constant 3 : i32
      %add3A_244 = arith.addi %mul3A_242, %add3A_243 : i32
      %mul3A_245 = arith.constant 16 : i32
      %mul3A_246 = arith.muli %add3A_244, %mul3A_245 : i32
      %swap3A_247 = arith.index_cast %select_n3A_224 : i32 to index
      %swap3A_248 = arith.index_cast %mul3A_246 : i32 to index
      %swap3A_249 = tpu.vector_load %arg11[%swap3A_247, %swap3A_248] {strides = array<i32>} : memref<16x512xf32, #tpu.memory_space<vmem>>, vector<1x16xf32>,
      %swap3A_250 = vector.shape_cast %swap3A_249 : vector<1x16xf32> to vector<16xf32>
      %swap3A_251 = vector.shape_cast %broadcast_in_dim3A_200 : vector<16xf32> to vector<1x16xf32>
      tpu.vector_store %arg11[%swap3A_247, %swap3A_248], %swap3A_251 {strides = array<i32>} : memref<16x512xf32, #tpu.memory_space<vmem>>, vector<1x16xf32>,
      %broadcast_in_dim3A_252 = arith.constant 0.000000e+00 : f32
      %broadcast_in_dim3A_253 = vector.broadcast %broadcast_in_dim3A_252 : f32 to vector<16xf32>
      %jit3A_254 = arith.constant 4 : i32
      %div3A_255 = arith.divsi %scan3A_49, %jit3A_254 : i32
      %sign3A_256 = arith.constant 0 : i32
      %sign3A_257 = arith.cmpi sgt, %scan3A_49, %sign3A_256 : i32
      %sign3A_258 = arith.extui %sign3A_257 : i1 to i32
      %sign3A_259 = arith.constant 0 : i32
      %sign3A_260 = arith.cmpi slt, %scan3A_49, %sign3A_259 : i32
      %sign3A_261 = arith.extui %sign3A_260 : i1 to i32
      %sign3A_262 = arith.subi %sign3A_258, %sign3A_261 : i32
      %sign3A_263 = arith.constant 0 : i32
      %sign3A_264 = arith.cmpi sgt, %jit3A_254, %sign3A_263 : i32
      %sign3A_265 = arith.extui %sign3A_264 : i1 to i32
      %sign3A_266 = arith.constant 0 : i32
      %sign3A_267 = arith.cmpi slt, %jit3A_254, %sign3A_266 : i32
      %sign3A_268 = arith.extui %sign3A_267 : i1 to i32
      %sign3A_269 = arith.subi %sign3A_265, %sign3A_268 : i32
      %ne3A_270 = arith.cmpi ne, %sign3A_262, %sign3A_269 : i32
      %rem3A_271 = arith.remsi %scan3A_49, %jit3A_254 : i32
      %ne3A_272 = arith.constant 0 : i32
      %ne3A_273 = arith.cmpi ne, %rem3A_271, %ne3A_272 : i32
      %and3A_274 = arith.andi %ne3A_270, %ne3A_273 : i1
      %sub3A_275 = arith.constant 1 : i32
      %sub3A_276 = arith.subi %div3A_255, %sub3A_275 : i32
      %select_n3A_277 = arith.select %and3A_274, %sub3A_276, %div3A_255 : i32
      %jit3A_278 = arith.constant 4 : i32
      %eq3A_279 = arith.constant 0 : i32
      %eq3A_280 = arith.cmpi eq, %jit3A_278, %eq3A_279 : i32
      %jit3A_281 = arith.constant 1 : i32
      %select_n3A_282 = arith.select %eq3A_280, %jit3A_281, %jit3A_278 : i32
      %rem3A_283 = arith.remsi %scan3A_49, %select_n3A_282 : i32
      %ne3A_284 = arith.constant 0 : i32
      %ne3A_285 = arith.cmpi ne, %rem3A_283, %ne3A_284 : i32
      %lt3A_286 = arith.constant 0 : i32
      %lt3A_287 = arith.cmpi slt, %rem3A_283, %lt3A_286 : i32
      %lt3A_288 = arith.constant 0 : i32
      %lt3A_289 = arith.cmpi slt, %select_n3A_282, %lt3A_288 : i32
      %ne3A_290 = arith.xori %lt3A_287, %lt3A_289 : i1
      %and3A_291 = arith.andi %ne3A_290, %ne3A_285 : i1
      %add3A_292 = arith.addi %rem3A_283, %select_n3A_282 : i32
      %select_n3A_293 = arith.select %and3A_291, %add3A_292, %rem3A_283 : i32
      %mul3A_294 = arith.constant 8 : i32
      %mul3A_295 = arith.muli %select_n3A_293, %mul3A_294 : i32
      %add3A_296 = arith.constant 4 : i32
      %add3A_297 = arith.addi %mul3A_295, %add3A_296 : i32
      %mul3A_298 = arith.constant 16 : i32
      %mul3A_299 = arith.muli %add3A_297, %mul3A_298 : i32
      %swap3A_300 = arith.index_cast %select_n3A_277 : i32 to index
      %swap3A_301 = arith.index_cast %mul3A_299 : i32 to index
      %swap3A_302 = tpu.vector_load %arg11[%swap3A_300, %swap3A_301] {strides = array<i32>} : memref<16x512xf32, #tpu.memory_space<vmem>>, vector<1x16xf32>,
      %swap3A_303 = vector.shape_cast %swap3A_302 : vector<1x16xf32> to vector<16xf32>
      %swap3A_304 = vector.shape_cast %broadcast_in_dim3A_253 : vector<16xf32> to vector<1x16xf32>
      tpu.vector_store %arg11[%swap3A_300, %swap3A_301], %swap3A_304 {strides = array<i32>} : memref<16x512xf32, #tpu.memory_space<vmem>>, vector<1x16xf32>,
      %broadcast_in_dim3A_305 = arith.constant 0.000000e+00 : f32
      %broadcast_in_dim3A_306 = vector.broadcast %broadcast_in_dim3A_305 : f32 to vector<16xf32>
      %jit3A_307 = arith.constant 4 : i32
      %div3A_308 = arith.divsi %scan3A_49, %jit3A_307 : i32
      %sign3A_309 = arith.constant 0 : i32
      %sign3A_310 = arith.cmpi sgt, %scan3A_49, %sign3A_309 : i32
      %sign3A_311 = arith.extui %sign3A_310 : i1 to i32
      %sign3A_312 = arith.constant 0 : i32
      %sign3A_313 = arith.cmpi slt, %scan3A_49, %sign3A_312 : i32
      %sign3A_314 = arith.extui %sign3A_313 : i1 to i32
      %sign3A_315 = arith.subi %sign3A_311, %sign3A_314 : i32
      %sign3A_316 = arith.constant 0 : i32
      %sign3A_317 = arith.cmpi sgt, %jit3A_307, %sign3A_316 : i32
      %sign3A_318 = arith.extui %sign3A_317 : i1 to i32
      %sign3A_319 = arith.constant 0 : i32
      %sign3A_320 = arith.cmpi slt, %jit3A_307, %sign3A_319 : i32
      %sign3A_321 = arith.extui %sign3A_320 : i1 to i32
      %sign3A_322 = arith.subi %sign3A_318, %sign3A_321 : i32
      %ne3A_323 = arith.cmpi ne, %sign3A_315, %sign3A_322 : i32
      %rem3A_324 = arith.remsi %scan3A_49, %jit3A_307 : i32
      %ne3A_325 = arith.constant 0 : i32
      %ne3A_326 = arith.cmpi ne, %rem3A_324, %ne3A_325 : i32
      %and3A_327 = arith.andi %ne3A_323, %ne3A_326 : i1
      %sub3A_328 = arith.constant 1 : i32
      %sub3A_329 = arith.subi %div3A_308, %sub3A_328 : i32
      %select_n3A_330 = arith.select %and3A_327, %sub3A_329, %div3A_308 : i32
      %jit3A_331 = arith.constant 4 : i32
      %eq3A_332 = arith.constant 0 : i32
      %eq3A_333 = arith.cmpi eq, %jit3A_331, %eq3A_332 : i32
      %jit3A_334 = arith.constant 1 : i32
      %select_n3A_335 = arith.select %eq3A_333, %jit3A_334, %jit3A_331 : i32
      %rem3A_336 = arith.remsi %scan3A_49, %select_n3A_335 : i32
      %ne3A_337 = arith.constant 0 : i32
      %ne3A_338 = arith.cmpi ne, %rem3A_336, %ne3A_337 : i32
      %lt3A_339 = arith.constant 0 : i32
      %lt3A_340 = arith.cmpi slt, %rem3A_336, %lt3A_339 : i32
      %lt3A_341 = arith.constant 0 : i32
      %lt3A_342 = arith.cmpi slt, %select_n3A_335, %lt3A_341 : i32
      %ne3A_343 = arith.xori %lt3A_340, %lt3A_342 : i1
      %and3A_344 = arith.andi %ne3A_343, %ne3A_338 : i1
      %add3A_345 = arith.addi %rem3A_336, %select_n3A_335 : i32
      %select_n3A_346 = arith.select %and3A_344, %add3A_345, %rem3A_336 : i32
      %mul3A_347 = arith.constant 8 : i32
      %mul3A_348 = arith.muli %select_n3A_346, %mul3A_347 : i32
      %add3A_349 = arith.constant 5 : i32
      %add3A_350 = arith.addi %mul3A_348, %add3A_349 : i32
      %mul3A_351 = arith.constant 16 : i32
      %mul3A_352 = arith.muli %add3A_350, %mul3A_351 : i32
      %swap3A_353 = arith.index_cast %select_n3A_330 : i32 to index
      %swap3A_354 = arith.index_cast %mul3A_352 : i32 to index
      %swap3A_355 = tpu.vector_load %arg11[%swap3A_353, %swap3A_354] {strides = array<i32>} : memref<16x512xf32, #tpu.memory_space<vmem>>, vector<1x16xf32>,
      %swap3A_356 = vector.shape_cast %swap3A_355 : vector<1x16xf32> to vector<16xf32>
      %swap3A_357 = vector.shape_cast %broadcast_in_dim3A_306 : vector<16xf32> to vector<1x16xf32>
      tpu.vector_store %arg11[%swap3A_353, %swap3A_354], %swap3A_357 {strides = array<i32>} : memref<16x512xf32, #tpu.memory_space<vmem>>, vector<1x16xf32>,
      %broadcast_in_dim3A_358 = arith.constant 0.000000e+00 : f32
      %broadcast_in_dim3A_359 = vector.broadcast %broadcast_in_dim3A_358 : f32 to vector<16xf32>
      %jit3A_360 = arith.constant 4 : i32
      %div3A_361 = arith.divsi %scan3A_49, %jit3A_360 : i32
      %sign3A_362 = arith.constant 0 : i32
      %sign3A_363 = arith.cmpi sgt, %scan3A_49, %sign3A_362 : i32
      %sign3A_364 = arith.extui %sign3A_363 : i1 to i32
      %sign3A_365 = arith.constant 0 : i32
      %sign3A_366 = arith.cmpi slt, %scan3A_49, %sign3A_365 : i32
      %sign3A_367 = arith.extui %sign3A_366 : i1 to i32
      %sign3A_368 = arith.subi %sign3A_364, %sign3A_367 : i32
      %sign3A_369 = arith.constant 0 : i32
      %sign3A_370 = arith.cmpi sgt, %jit3A_360, %sign3A_369 : i32
      %sign3A_371 = arith.extui %sign3A_370 : i1 to i32
      %sign3A_372 = arith.constant 0 : i32
      %sign3A_373 = arith.cmpi slt, %jit3A_360, %sign3A_372 : i32
      %sign3A_374 = arith.extui %sign3A_373 : i1 to i32
      %sign3A_375 = arith.subi %sign3A_371, %sign3A_374 : i32
      %ne3A_376 = arith.cmpi ne, %sign3A_368, %sign3A_375 : i32
      %rem3A_377 = arith.remsi %scan3A_49, %jit3A_360 : i32
      %ne3A_378 = arith.constant 0 : i32
      %ne3A_379 = arith.cmpi ne, %rem3A_377, %ne3A_378 : i32
      %and3A_380 = arith.andi %ne3A_376, %ne3A_379 : i1
      %sub3A_381 = arith.constant 1 : i32
      %sub3A_382 = arith.subi %div3A_361, %sub3A_381 : i32
      %select_n3A_383 = arith.select %and3A_380, %sub3A_382, %div3A_361 : i32
      %jit3A_384 = arith.constant 4 : i32
      %eq3A_385 = arith.constant 0 : i32
      %eq3A_386 = arith.cmpi eq, %jit3A_384, %eq3A_385 : i32
      %jit3A_387 = arith.constant 1 : i32
      %select_n3A_388 = arith.select %eq3A_386, %jit3A_387, %jit3A_384 : i32
      %rem3A_389 = arith.remsi %scan3A_49, %select_n3A_388 : i32
      %ne3A_390 = arith.constant 0 : i32
      %ne3A_391 = arith.cmpi ne, %rem3A_389, %ne3A_390 : i32
      %lt3A_392 = arith.constant 0 : i32
      %lt3A_393 = arith.cmpi slt, %rem3A_389, %lt3A_392 : i32
      %lt3A_394 = arith.constant 0 : i32
      %lt3A_395 = arith.cmpi slt, %select_n3A_388, %lt3A_394 : i32
      %ne3A_396 = arith.xori %lt3A_393, %lt3A_395 : i1
      %and3A_397 = arith.andi %ne3A_396, %ne3A_391 : i1
      %add3A_398 = arith.addi %rem3A_389, %select_n3A_388 : i32
      %select_n3A_399 = arith.select %and3A_397, %add3A_398, %rem3A_389 : i32
      %mul3A_400 = arith.constant 8 : i32
      %mul3A_401 = arith.muli %select_n3A_399, %mul3A_400 : i32
      %add3A_402 = arith.constant 6 : i32
      %add3A_403 = arith.addi %mul3A_401, %add3A_402 : i32
      %mul3A_404 = arith.constant 16 : i32
      %mul3A_405 = arith.muli %add3A_403, %mul3A_404 : i32
      %swap3A_406 = arith.index_cast %select_n3A_383 : i32 to index
      %swap3A_407 = arith.index_cast %mul3A_405 : i32 to index
      %swap3A_408 = tpu.vector_load %arg11[%swap3A_406, %swap3A_407] {strides = array<i32>} : memref<16x512xf32, #tpu.memory_space<vmem>>, vector<1x16xf32>,
      %swap3A_409 = vector.shape_cast %swap3A_408 : vector<1x16xf32> to vector<16xf32>
      %swap3A_410 = vector.shape_cast %broadcast_in_dim3A_359 : vector<16xf32> to vector<1x16xf32>
      tpu.vector_store %arg11[%swap3A_406, %swap3A_407], %swap3A_410 {strides = array<i32>} : memref<16x512xf32, #tpu.memory_space<vmem>>, vector<1x16xf32>,
      %broadcast_in_dim3A_411 = arith.constant 0.000000e+00 : f32
      %broadcast_in_dim3A_412 = vector.broadcast %broadcast_in_dim3A_411 : f32 to vector<16xf32>
      %jit3A_413 = arith.constant 4 : i32
      %div3A_414 = arith.divsi %scan3A_49, %jit3A_413 : i32
      %sign3A_415 = arith.constant 0 : i32
      %sign3A_416 = arith.cmpi sgt, %scan3A_49, %sign3A_415 : i32
      %sign3A_417 = arith.extui %sign3A_416 : i1 to i32
      %sign3A_418 = arith.constant 0 : i32
      %sign3A_419 = arith.cmpi slt, %scan3A_49, %sign3A_418 : i32
      %sign3A_420 = arith.extui %sign3A_419 : i1 to i32
      %sign3A_421 = arith.subi %sign3A_417, %sign3A_420 : i32
      %sign3A_422 = arith.constant 0 : i32
      %sign3A_423 = arith.cmpi sgt, %jit3A_413, %sign3A_422 : i32
      %sign3A_424 = arith.extui %sign3A_423 : i1 to i32
      %sign3A_425 = arith.constant 0 : i32
      %sign3A_426 = arith.cmpi slt, %jit3A_413, %sign3A_425 : i32
      %sign3A_427 = arith.extui %sign3A_426 : i1 to i32
      %sign3A_428 = arith.subi %sign3A_424, %sign3A_427 : i32
      %ne3A_429 = arith.cmpi ne, %sign3A_421, %sign3A_428 : i32
      %rem3A_430 = arith.remsi %scan3A_49, %jit3A_413 : i32
      %ne3A_431 = arith.constant 0 : i32
      %ne3A_432 = arith.cmpi ne, %rem3A_430, %ne3A_431 : i32
      %and3A_433 = arith.andi %ne3A_429, %ne3A_432 : i1
      %sub3A_434 = arith.constant 1 : i32
      %sub3A_435 = arith.subi %div3A_414, %sub3A_434 : i32
      %select_n3A_436 = arith.select %and3A_433, %sub3A_435, %div3A_414 : i32
      %jit3A_437 = arith.constant 4 : i32
      %eq3A_438 = arith.constant 0 : i32
      %eq3A_439 = arith.cmpi eq, %jit3A_437, %eq3A_438 : i32
      %jit3A_440 = arith.constant 1 : i32
      %select_n3A_441 = arith.select %eq3A_439, %jit3A_440, %jit3A_437 : i32
      %rem3A_442 = arith.remsi %scan3A_49, %select_n3A_441 : i32
      %ne3A_443 = arith.constant 0 : i32
      %ne3A_444 = arith.cmpi ne, %rem3A_442, %ne3A_443 : i32
      %lt3A_445 = arith.constant 0 : i32
      %lt3A_446 = arith.cmpi slt, %rem3A_442, %lt3A_445 : i32
      %lt3A_447 = arith.constant 0 : i32
      %lt3A_448 = arith.cmpi slt, %select_n3A_441, %lt3A_447 : i32
      %ne3A_449 = arith.xori %lt3A_446, %lt3A_448 : i1
      %and3A_450 = arith.andi %ne3A_449, %ne3A_444 : i1
      %add3A_451 = arith.addi %rem3A_442, %select_n3A_441 : i32
      %select_n3A_452 = arith.select %and3A_450, %add3A_451, %rem3A_442 : i32
      %mul3A_453 = arith.constant 8 : i32
      %mul3A_454 = arith.muli %select_n3A_452, %mul3A_453 : i32
      %add3A_455 = arith.constant 7 : i32
      %add3A_456 = arith.addi %mul3A_454, %add3A_455 : i32
      %mul3A_457 = arith.constant 16 : i32
      %mul3A_458 = arith.muli %add3A_456, %mul3A_457 : i32
      %swap3A_459 = arith.index_cast %select_n3A_436 : i32 to index
      %swap3A_460 = arith.index_cast %mul3A_458 : i32 to index
      %swap3A_461 = tpu.vector_load %arg11[%swap3A_459, %swap3A_460] {strides = array<i32>} : memref<16x512xf32, #tpu.memory_space<vmem>>, vector<1x16xf32>,
      %swap3A_462 = vector.shape_cast %swap3A_461 : vector<1x16xf32> to vector<16xf32>
      %swap3A_463 = vector.shape_cast %broadcast_in_dim3A_412 : vector<16xf32> to vector<1x16xf32>
      tpu.vector_store %arg11[%swap3A_459, %swap3A_460], %swap3A_463 {strides = array<i32>} : memref<16x512xf32, #tpu.memory_space<vmem>>, vector<1x16xf32>,
      %scan3A_464 = arith.constant 0 : i32
      scf.yield %scan3A_464 : i32
    }
    %scan3A_10 = arith.constant 64 : i32
    %dma_start3A = arith.constant 0 : i32
    %dma_start3A_11 = arith.constant 0 : i32
    %dma_start3A_12 = arith.constant 0 : i32
    %dma_start3A_13 = arith.constant 0 : i32
    %dma_start3A_14 = arith.constant 0 : i32
    %dma_start3A_15 = tpu.memref_slice %arg10[%dma_start3A_11, %dma_start3A_13, %dma_start3A_14] : memref<3x64x512xf32, #tpu.memory_space<vmem>> -> memref<1x64x512xf32, #tpu.memory_space<vmem>>
    %dma_start3A_16 = tpu.memref_squeeze %dma_start3A_15 : memref<1x64x512xf32, #tpu.memory_space<vmem>> -> memref<64x512xf32, #tpu.memory_space<vmem>>
    %dma_start3A_17 = arith.constant 0 : i32
    %dma_start3A_18 = tpu.memref_slice %arg9[%dma_start3A, %dma_start3A_17] : memref<16x64xi32, #tpu.memory_space<vmem>> -> memref<1x64xi32, #tpu.memory_space<vmem>>
    %dma_start3A_19 = tpu.memref_squeeze %dma_start3A_18 : memref<1x64xi32, #tpu.memory_space<vmem>> -> memref<64xi32, #tpu.memory_space<vmem>>
    %dma_start3A_20 = arith.constant 0 : i32
    %dma_start3A_21 = arith.constant 0 : i32
    %dma_start3A_22 = tpu.memref_slice %arg7[%dma_start3A_20, %dma_start3A_21] : memref<100000x512xf32, #tpu.memory_space<hbm>> -> memref<100000x512xf32, #tpu.memory_space<hbm>>
    %dma_start3A_23 = tpu.memref_slice %arg17[%dma_start3A_12] : memref<3x!tpu.dma_semaphore, #tpu.memory_space<semaphore_mem>> -> memref<1x!tpu.dma_semaphore, #tpu.memory_space<semaphore_mem>>
    %dma_start3A_24 = tpu.memref_squeeze %dma_start3A_23 : memref<1x!tpu.dma_semaphore, #tpu.memory_space<semaphore_mem>> -> memref<!tpu.dma_semaphore, #tpu.memory_space<semaphore_mem>>
    tpu.enqueue_indirect_dma source(%dma_start3A_22 : memref<100000x512xf32, #tpu.memory_space<hbm>>) target(%dma_start3A_16 : memref<64x512xf32, #tpu.memory_space<vmem>>) offsets(%dma_start3A_19 : memref<64xi32, #tpu.memory_space<vmem>>) semaphore(%dma_start3A_24 : memref<!tpu.dma_semaphore, #tpu.memory_space<semaphore_mem>>)
    %dma_start3A_25 = arith.constant 1 : i32
    %dma_start3A_26 = arith.constant 1 : i32
    %dma_start3A_27 = arith.constant 1 : i32
    %dma_start3A_28 = arith.constant 0 : i32
    %dma_start3A_29 = arith.constant 0 : i32
    %dma_start3A_30 = tpu.memref_slice %arg10[%dma_start3A_26, %dma_start3A_28, %dma_start3A_29] : memref<3x64x512xf32, #tpu.memory_space<vmem>> -> memref<1x64x512xf32, #tpu.memory_space<vmem>>
    %dma_start3A_31 = tpu.memref_squeeze %dma_start3A_30 : memref<1x64x512xf32, #tpu.memory_space<vmem>> -> memref<64x512xf32, #tpu.memory_space<vmem>>
    %dma_start3A_32 = arith.constant 0 : i32
    %dma_start3A_33 = tpu.memref_slice %arg9[%dma_start3A_25, %dma_start3A_32] : memref<16x64xi32, #tpu.memory_space<vmem>> -> memref<1x64xi32, #tpu.memory_space<vmem>>
    %dma_start3A_34 = tpu.memref_squeeze %dma_start3A_33 : memref<1x64xi32, #tpu.memory_space<vmem>> -> memref<64xi32, #tpu.memory_space<vmem>>
    %dma_start3A_35 = arith.constant 0 : i32
    %dma_start3A_36 = arith.constant 0 : i32
    %dma_start3A_37 = tpu.memref_slice %arg7[%dma_start3A_35, %dma_start3A_36] : memref<100000x512xf32, #tpu.memory_space<hbm>> -> memref<100000x512xf32, #tpu.memory_space<hbm>>
    %dma_start3A_38 = tpu.memref_slice %arg17[%dma_start3A_27] : memref<3x!tpu.dma_semaphore, #tpu.memory_space<semaphore_mem>> -> memref<1x!tpu.dma_semaphore, #tpu.memory_space<semaphore_mem>>
    %dma_start3A_39 = tpu.memref_squeeze %dma_start3A_38 : memref<1x!tpu.dma_semaphore, #tpu.memory_space<semaphore_mem>> -> memref<!tpu.dma_semaphore, #tpu.memory_space<semaphore_mem>>
    tpu.enqueue_indirect_dma source(%dma_start3A_37 : memref<100000x512xf32, #tpu.memory_space<hbm>>) target(%dma_start3A_31 : memref<64x512xf32, #tpu.memory_space<vmem>>) offsets(%dma_start3A_34 : memref<64xi32, #tpu.memory_space<vmem>>) semaphore(%dma_start3A_39 : memref<!tpu.dma_semaphore, #tpu.memory_space<semaphore_mem>>)
    "tpu.region"() ({
      %run_scoped3A = tpu.sem_alloc : memref<!tpu.dma_semaphore, #tpu.memory_space<semaphore_mem>>
      %dma_start3A_49 = arith.constant 0 : i32
      %dma_start3A_50 = tpu.memref_slice %arg16[%dma_start3A_49] : memref<1040xf32, #tpu.memory_space<vmem>> -> memref<1024xf32, #tpu.memory_space<vmem>>
      %dma_start3A_51 = tpu.memref_slice %arg3[%mul3A_2] : memref<32768xf32, #tpu.memory_space<hbm>> -> memref<1024xf32, #tpu.memory_space<hbm>>
      %dma_start3A_52 = arith.constant 0 : i32
      %dma_start3A_53 = tpu.memref_slice %arg16[%dma_start3A_52] : memref<1040xf32, #tpu.memory_space<vmem>> -> memref<1024xf32, #tpu.memory_space<vmem>>
      %dma_start3A_54 = tpu.memref_slice %arg3[%mul3A_2] : memref<32768xf32, #tpu.memory_space<hbm>> -> memref<1024xf32, #tpu.memory_space<hbm>>
      tpu.enqueue_dma source(%dma_start3A_54 : memref<1024xf32, #tpu.memory_space<hbm>>) target(%dma_start3A_53 : memref<1024xf32, #tpu.memory_space<vmem>>) target_semaphore(%run_scoped3A : memref<!tpu.dma_semaphore, #tpu.memory_space<semaphore_mem>>)
      %dma_wait3A = arith.constant 0 : i32
      %dma_wait3A_55 = tpu.memref_slice %arg16[%dma_wait3A] : memref<1040xf32, #tpu.memory_space<vmem>> -> memref<1024xf32, #tpu.memory_space<vmem>>
      %dma_wait3A_56 = tpu.memref_slice %arg3[%mul3A_2] : memref<32768xf32, #tpu.memory_space<hbm>> -> memref<1024xf32, #tpu.memory_space<hbm>>
      %dma_wait3A_57 = arith.constant 0 : i32
      %dma_wait3A_58 = tpu.memref_slice %arg16[%dma_wait3A_57] : memref<1040xf32, #tpu.memory_space<vmem>> -> memref<1024xf32, #tpu.memory_space<vmem>>
      %dma_wait3A_59 = tpu.memref_slice %arg3[%mul3A_2] : memref<32768xf32, #tpu.memory_space<hbm>> -> memref<1024xf32, #tpu.memory_space<hbm>>
      tpu.wait_dma2 semaphore(%run_scoped3A : memref<!tpu.dma_semaphore, #tpu.memory_space<semaphore_mem>>) src(%dma_wait3A_59 : memref<1024xf32, #tpu.memory_space<hbm>>) dst(%dma_wait3A_58 : memref<1024xf32, #tpu.memory_space<vmem>>)
      tpu.yield
    }) : () -> ()
    "tpu.region"() ({
      %run_scoped3A = tpu.sem_alloc : memref<!tpu.dma_semaphore, #tpu.memory_space<semaphore_mem>>
      %dma_start3A_49 = arith.constant 0 : i32
      %dma_start3A_50 = tpu.memref_slice %arg14[%dma_start3A_49] : memref<32xi32, #tpu.memory_space<vmem>> -> memref<32xi32, #tpu.memory_space<vmem>>
      %dma_start3A_51 = arith.constant 0 : i32
      %dma_start3A_52 = tpu.memref_slice %arg14[%dma_start3A_51] : memref<32xi32, #tpu.memory_space<vmem>> -> memref<32xi32, #tpu.memory_space<vmem>>
      tpu.enqueue_dma source(%arg4 : memref<32xi32, #tpu.memory_space<hbm>>) target(%dma_start3A_52 : memref<32xi32, #tpu.memory_space<vmem>>) target_semaphore(%run_scoped3A : memref<!tpu.dma_semaphore, #tpu.memory_space<semaphore_mem>>)
      %dma_wait3A = arith.constant 0 : i32
      %dma_wait3A_53 = tpu.memref_slice %arg14[%dma_wait3A] : memref<32xi32, #tpu.memory_space<vmem>> -> memref<32xi32, #tpu.memory_space<vmem>>
      %dma_wait3A_54 = arith.constant 0 : i32
      %dma_wait3A_55 = tpu.memref_slice %arg14[%dma_wait3A_54] : memref<32xi32, #tpu.memory_space<vmem>> -> memref<32xi32, #tpu.memory_space<vmem>>
      tpu.wait_dma2 semaphore(%run_scoped3A : memref<!tpu.dma_semaphore, #tpu.memory_space<semaphore_mem>>) src(%arg4 : memref<32xi32, #tpu.memory_space<hbm>>) dst(%dma_wait3A_55 : memref<32xi32, #tpu.memory_space<vmem>>)
      tpu.yield
    }) : () -> ()
    "tpu.region"() ({
      %run_scoped3A = tpu.sem_alloc : memref<!tpu.dma_semaphore, #tpu.memory_space<semaphore_mem>>
      %dma_start3A_49 = arith.constant 0 : i32
      %dma_start3A_50 = tpu.memref_slice %arg15[%dma_start3A_49] : memref<32xf32, #tpu.memory_space<vmem>> -> memref<16xf32, #tpu.memory_space<vmem>>
      %dma_start3A_51 = arith.constant 0 : i32
      %dma_start3A_52 = tpu.memref_slice %arg15[%dma_start3A_51] : memref<32xf32, #tpu.memory_space<vmem>> -> memref<16xf32, #tpu.memory_space<vmem>>
      tpu.enqueue_dma source(%arg6 : memref<16xf32, #tpu.memory_space<hbm>>) target(%dma_start3A_52 : memref<16xf32, #tpu.memory_space<vmem>>) target_semaphore(%run_scoped3A : memref<!tpu.dma_semaphore, #tpu.memory_space<semaphore_mem>>)
      %dma_wait3A = arith.constant 0 : i32
      %dma_wait3A_53 = tpu.memref_slice %arg15[%dma_wait3A] : memref<32xf32, #tpu.memory_space<vmem>> -> memref<16xf32, #tpu.memory_space<vmem>>
      %dma_wait3A_54 = arith.constant 0 : i32
      %dma_wait3A_55 = tpu.memref_slice %arg15[%dma_wait3A_54] : memref<32xf32, #tpu.memory_space<vmem>> -> memref<16xf32, #tpu.memory_space<vmem>>
      tpu.wait_dma2 semaphore(%run_scoped3A : memref<!tpu.dma_semaphore, #tpu.memory_space<semaphore_mem>>) src(%arg6 : memref<16xf32, #tpu.memory_space<hbm>>) dst(%dma_wait3A_55 : memref<16xf32, #tpu.memory_space<vmem>>)
      tpu.yield
    }) : () -> ()
    %scan3A_40 = arith.constant 0 : i32
    %scan3A_41 = arith.constant 0 : i32
    %scan3A_42 = arith.constant 16 : i32
    %scan3A_43 = arith.addi %scan3A_41, %scan3A_42 : i32
    %scan3A_44 = arith.constant 1 : i32
    %scan3A_45 = scf.for %scan3A_49 = %scan3A_41 to %scan3A_43 step %scan3A_44 iter_args(%scan3A_50 = %scan3A_40) -> (i32)  : i32 {
      %rem3A = arith.constant 3 : i32
      %rem3A_51 = arith.remsi %scan3A_49, %rem3A : i32
      %add3A_52 = arith.constant 2 : i32
      %add3A_53 = arith.addi %scan3A_49, %add3A_52 : i32
      %lt3A = arith.constant 16 : i32
      %lt3A_54 = arith.cmpi slt, %add3A_53, %lt3A : i32
      %convert_element_type3A_55 = arith.extui %lt3A_54 : i1 to i32
      %cond3A_56 = arith.constant 0 : i32
      %cond3A_57 = arith.cmpi ne, %convert_element_type3A_55, %cond3A_56 : i32
      scf.if %cond3A_57 {
        %add3A_79 = arith.constant 2 : i32
        %add3A_80 = arith.addi %scan3A_49, %add3A_79 : i32
        %add3A_81 = arith.constant 2 : i32
        %add3A_82 = arith.addi %scan3A_49, %add3A_81 : i32
        %rem3A_83 = arith.constant 3 : i32
        %rem3A_84 = arith.remsi %add3A_82, %rem3A_83 : i32
        %dma_start3A_85 = arith.constant 0 : i32
        %dma_start3A_86 = arith.constant 0 : i32
        %dma_start3A_87 = tpu.memref_slice %arg10[%rem3A_84, %dma_start3A_85, %dma_start3A_86] : memref<3x64x512xf32, #tpu.memory_space<vmem>> -> memref<1x64x512xf32, #tpu.memory_space<vmem>>
        %dma_start3A_88 = tpu.memref_squeeze %dma_start3A_87 : memref<1x64x512xf32, #tpu.memory_space<vmem>> -> memref<64x512xf32, #tpu.memory_space<vmem>>
        %dma_start3A_89 = arith.constant 0 : i32
        %dma_start3A_90 = tpu.memref_slice %arg9[%add3A_80, %dma_start3A_89] : memref<16x64xi32, #tpu.memory_space<vmem>> -> memref<1x64xi32, #tpu.memory_space<vmem>>
        %dma_start3A_91 = tpu.memref_squeeze %dma_start3A_90 : memref<1x64xi32, #tpu.memory_space<vmem>> -> memref<64xi32, #tpu.memory_space<vmem>>
        %dma_start3A_92 = arith.constant 0 : i32
        %dma_start3A_93 = arith.constant 0 : i32
        %dma_start3A_94 = tpu.memref_slice %arg7[%dma_start3A_92, %dma_start3A_93] : memref<100000x512xf32, #tpu.memory_space<hbm>> -> memref<100000x512xf32, #tpu.memory_space<hbm>>
        %dma_start3A_95 = tpu.memref_slice %arg17[%rem3A_84] : memref<3x!tpu.dma_semaphore, #tpu.memory_space<semaphore_mem>> -> memref<1x!tpu.dma_semaphore, #tpu.memory_space<semaphore_mem>>
        %dma_start3A_96 = tpu.memref_squeeze %dma_start3A_95 : memref<1x!tpu.dma_semaphore, #tpu.memory_space<semaphore_mem>> -> memref<!tpu.dma_semaphore, #tpu.memory_space<semaphore_mem>>
        tpu.enqueue_indirect_dma source(%dma_start3A_94 : memref<100000x512xf32, #tpu.memory_space<hbm>>) target(%dma_start3A_88 : memref<64x512xf32, #tpu.memory_space<vmem>>) offsets(%dma_start3A_91 : memref<64xi32, #tpu.memory_space<vmem>>) semaphore(%dma_start3A_96 : memref<!tpu.dma_semaphore, #tpu.memory_space<semaphore_mem>>)
      } else {
      }
      %dma_wait3A = arith.constant 0 : i32
      %dma_wait3A_58 = arith.constant 0 : i32
      %dma_wait3A_59 = tpu.memref_slice %arg10[%rem3A_51, %dma_wait3A, %dma_wait3A_58] : memref<3x64x512xf32, #tpu.memory_space<vmem>> -> memref<1x64x512xf32, #tpu.memory_space<vmem>>
      %dma_wait3A_60 = tpu.memref_squeeze %dma_wait3A_59 : memref<1x64x512xf32, #tpu.memory_space<vmem>> -> memref<64x512xf32, #tpu.memory_space<vmem>>
      %dma_wait3A_61 = arith.constant 0 : i32
      %dma_wait3A_62 = tpu.memref_slice %arg9[%scan3A_49, %dma_wait3A_61] : memref<16x64xi32, #tpu.memory_space<vmem>> -> memref<1x64xi32, #tpu.memory_space<vmem>>
      %dma_wait3A_63 = tpu.memref_squeeze %dma_wait3A_62 : memref<1x64xi32, #tpu.memory_space<vmem>> -> memref<64xi32, #tpu.memory_space<vmem>>
      %dma_wait3A_64 = arith.constant 0 : i32
      %dma_wait3A_65 = arith.constant 0 : i32
      %dma_wait3A_66 = tpu.memref_slice %arg7[%dma_wait3A_64, %dma_wait3A_65] : memref<100000x512xf32, #tpu.memory_space<hbm>> -> memref<100000x512xf32, #tpu.memory_space<hbm>>
      %dma_wait3A_67 = tpu.memref_slice %arg17[%rem3A_51] : memref<3x!tpu.dma_semaphore, #tpu.memory_space<semaphore_mem>> -> memref<1x!tpu.dma_semaphore, #tpu.memory_space<semaphore_mem>>
      %dma_wait3A_68 = tpu.memref_squeeze %dma_wait3A_67 : memref<1x!tpu.dma_semaphore, #tpu.memory_space<semaphore_mem>> -> memref<!tpu.dma_semaphore, #tpu.memory_space<semaphore_mem>>
      tpu.wait_indirect_dma semaphore(%dma_wait3A_68 : memref<!tpu.dma_semaphore, #tpu.memory_space<semaphore_mem>>) src(%dma_wait3A_66 : memref<100000x512xf32, #tpu.memory_space<hbm>>) dst(%dma_wait3A_60 : memref<64x512xf32, #tpu.memory_space<vmem>>)
      %mul3A_69 = arith.constant 64 : i32
      %mul3A_70 = arith.muli %scan3A_49, %mul3A_69 : i32
      %add3A_71 = arith.addi %mul3A_2, %mul3A_70 : i32
      %scan3A_72 = arith.constant 0 : i32
      %scan3A_73 = arith.constant 0 : i32
      %scan3A_74 = arith.constant 16 : i32
      %scan3A_75 = arith.addi %scan3A_73, %scan3A_74 : i32
      %scan3A_76 = arith.constant 1 : i32
      scf.for %scan3A_79 = %scan3A_73 to %scan3A_75 step %scan3A_76  : i32 {
        %get3A = arith.index_cast %scan3A_79 : i32 to index
        %get3A_80 = tpu.vector_load %arg14[%get3A] {strides = array<i32>} : memref<32xi32, #tpu.memory_space<vmem>>, vector<16xi32>,
        %get3A_81 = vector.shape_cast %get3A_80 : vector<16xi32> to vector<16xi32>
        %slice3A = vector.extract_strided_slice %get3A_81 {offsets = [0], sizes = [1], strides = [1]} : vector<16xi32> to vector<1xi32>
        %squeeze3A = vector.extract %slice3A[0] : i32 from vector<1xi32>
        %add3A_82 = arith.constant 1 : i32
        %add3A_83 = arith.addi %scan3A_79, %add3A_82 : i32
        %get3A_84 = arith.index_cast %add3A_83 : i32 to index
        %get3A_85 = tpu.vector_load %arg14[%get3A_84] {strides = array<i32>} : memref<32xi32, #tpu.memory_space<vmem>>, vector<16xi32>,
        %get3A_86 = vector.shape_cast %get3A_85 : vector<16xi32> to vector<16xi32>
        %slice3A_87 = vector.extract_strided_slice %get3A_86 {offsets = [0], sizes = [1], strides = [1]} : vector<16xi32> to vector<1xi32>
        %squeeze3A_88 = vector.extract %slice3A_87[0] : i32 from vector<1xi32>
        %sub3A = arith.subi %squeeze3A, %add3A_71 : i32
        %jit3A = arith.constant 0 : i32
        %jit3A_89 = arith.constant 64 : i32
        %max3A = arith.maxsi %jit3A, %sub3A : i32
        %min3A = arith.minsi %jit3A_89, %max3A : i32
        %sub3A_90 = arith.subi %squeeze3A_88, %add3A_71 : i32
        %jit3A_91 = arith.constant 0 : i32
        %jit3A_92 = arith.constant 64 : i32
        %max3A_93 = arith.maxsi %jit3A_91, %sub3A_90 : i32
        %min3A_94 = arith.minsi %jit3A_92, %max3A_93 : i32
        %get3A_95 = arith.index_cast %scan3A_79 : i32 to index
        %get3A_96 = tpu.vector_load %arg15[%get3A_95] {strides = array<i32>} : memref<32xf32, #tpu.memory_space<vmem>>, vector<16xf32>,
        %get3A_97 = vector.shape_cast %get3A_96 : vector<16xf32> to vector<16xf32>
        %slice3A_98 = vector.extract_strided_slice %get3A_97 {offsets = [0], sizes = [1], strides = [1]} : vector<16xf32> to vector<1xf32>
        %squeeze3A_99 = vector.extract %slice3A_98[0] : f32 from vector<1xf32>
        %sub3A_100 = arith.subi %min3A_94, %min3A : i32
        %jit3A_101 = arith.constant 4 : i32
        %div3A = arith.divsi %sub3A_100, %jit3A_101 : i32
        %sign3A = arith.constant 0 : i32
        %sign3A_102 = arith.cmpi sgt, %sub3A_100, %sign3A : i32
        %sign3A_103 = arith.extui %sign3A_102 : i1 to i32
        %sign3A_104 = arith.constant 0 : i32
        %sign3A_105 = arith.cmpi slt, %sub3A_100, %sign3A_104 : i32
        %sign3A_106 = arith.extui %sign3A_105 : i1 to i32
        %sign3A_107 = arith.subi %sign3A_103, %sign3A_106 : i32
        %sign3A_108 = arith.constant 0 : i32
        %sign3A_109 = arith.cmpi sgt, %jit3A_101, %sign3A_108 : i32
        %sign3A_110 = arith.extui %sign3A_109 : i1 to i32
        %sign3A_111 = arith.constant 0 : i32
        %sign3A_112 = arith.cmpi slt, %jit3A_101, %sign3A_111 : i32
        %sign3A_113 = arith.extui %sign3A_112 : i1 to i32
        %sign3A_114 = arith.subi %sign3A_110, %sign3A_113 : i32
        %ne3A = arith.cmpi ne, %sign3A_107, %sign3A_114 : i32
        %rem3A_115 = arith.remsi %sub3A_100, %jit3A_101 : i32
        %ne3A_116 = arith.constant 0 : i32
        %ne3A_117 = arith.cmpi ne, %rem3A_115, %ne3A_116 : i32
        %and3A = arith.andi %ne3A, %ne3A_117 : i1
        %sub3A_118 = arith.constant 1 : i32
        %sub3A_119 = arith.subi %div3A, %sub3A_118 : i32
        %select_n3A = arith.select %and3A, %sub3A_119, %div3A : i32
        %gt3A = arith.constant 0 : i32
        %gt3A_120 = arith.cmpi sgt, %sub3A_100, %gt3A : i32
        %convert_element_type3A_121 = arith.extui %gt3A_120 : i1 to i32
        %cond3A_122 = arith.constant 0 : i32
        %cond3A_123 = arith.cmpi ne, %convert_element_type3A_121, %cond3A_122 : i32
        scf.if %cond3A_123 {
          %broadcast_in_dim3A = arith.constant 0.000000e+00 : f32
          %broadcast_in_dim3A_124 = vector.broadcast %broadcast_in_dim3A : f32 to vector<16xf32>
          %broadcast_in_dim3A_125 = arith.constant 0.000000e+00 : f32
          %broadcast_in_dim3A_126 = vector.broadcast %broadcast_in_dim3A_125 : f32 to vector<16xf32>
          %broadcast_in_dim3A_127 = arith.constant 0.000000e+00 : f32
          %broadcast_in_dim3A_128 = vector.broadcast %broadcast_in_dim3A_127 : f32 to vector<16xf32>
          %broadcast_in_dim3A_129 = arith.constant 0.000000e+00 : f32
          %broadcast_in_dim3A_130 = vector.broadcast %broadcast_in_dim3A_129 : f32 to vector<16xf32>
          %broadcast_in_dim3A_131 = arith.constant 0.000000e+00 : f32
          %broadcast_in_dim3A_132 = vector.broadcast %broadcast_in_dim3A_131 : f32 to vector<16xf32>
          %broadcast_in_dim3A_133 = arith.constant 0.000000e+00 : f32
          %broadcast_in_dim3A_134 = vector.broadcast %broadcast_in_dim3A_133 : f32 to vector<16xf32>
          %broadcast_in_dim3A_135 = arith.constant 0.000000e+00 : f32
          %broadcast_in_dim3A_136 = vector.broadcast %broadcast_in_dim3A_135 : f32 to vector<16xf32>
          %broadcast_in_dim3A_137 = arith.constant 0.000000e+00 : f32
          %broadcast_in_dim3A_138 = vector.broadcast %broadcast_in_dim3A_137 : f32 to vector<16xf32>
          %broadcast_in_dim3A_139 = arith.constant 0.000000e+00 : f32
          %broadcast_in_dim3A_140 = vector.broadcast %broadcast_in_dim3A_139 : f32 to vector<16xf32>
          %broadcast_in_dim3A_141 = arith.constant 0.000000e+00 : f32
          %broadcast_in_dim3A_142 = vector.broadcast %broadcast_in_dim3A_141 : f32 to vector<16xf32>
          %broadcast_in_dim3A_143 = arith.constant 0.000000e+00 : f32
          %broadcast_in_dim3A_144 = vector.broadcast %broadcast_in_dim3A_143 : f32 to vector<16xf32>
          %broadcast_in_dim3A_145 = arith.constant 0.000000e+00 : f32
          %broadcast_in_dim3A_146 = vector.broadcast %broadcast_in_dim3A_145 : f32 to vector<16xf32>
          %broadcast_in_dim3A_147 = arith.constant 0.000000e+00 : f32
          %broadcast_in_dim3A_148 = vector.broadcast %broadcast_in_dim3A_147 : f32 to vector<16xf32>
          %broadcast_in_dim3A_149 = arith.constant 0.000000e+00 : f32
          %broadcast_in_dim3A_150 = vector.broadcast %broadcast_in_dim3A_149 : f32 to vector<16xf32>
          %broadcast_in_dim3A_151 = arith.constant 0.000000e+00 : f32
          %broadcast_in_dim3A_152 = vector.broadcast %broadcast_in_dim3A_151 : f32 to vector<16xf32>
          %broadcast_in_dim3A_153 = arith.constant 0.000000e+00 : f32
          %broadcast_in_dim3A_154 = vector.broadcast %broadcast_in_dim3A_153 : f32 to vector<16xf32>
          %while3A = arith.constant 0 : i32
          %while3A_155 = arith.subi %select_n3A, %while3A : i32
          %while3A_156 = arith.addi %while3A, %while3A_155 : i32
          %while3A_157 = arith.constant 1 : i32
          %while3A_158 = arith.divsi %while3A_155, %while3A_157 : i32
          %while3A_159 = arith.muli %while3A_158, %while3A_157 : i32
          %while3A_160 = arith.addi %while3A, %while3A_159 : i32
          %while3A_161 = arith.constant 1 : i32
          %while3A_162:16 = scf.for %while3A_393 = %while3A to %while3A_160 step %while3A_161 iter_args(%while3A_394 = %broadcast_in_dim3A_124, %while3A_395 = %broadcast_in_dim3A_126, %while3A_396 = %broadcast_in_dim3A_128, %while3A_397 = %broadcast_in_dim3A_130, %while3A_398 = %broadcast_in_dim3A_132, %while3A_399 = %broadcast_in_dim3A_134, %while3A_400 = %broadcast_in_dim3A_136, %while3A_401 = %broadcast_in_dim3A_138, %while3A_402 = %broadcast_in_dim3A_140, %while3A_403 = %broadcast_in_dim3A_142, %while3A_404 = %broadcast_in_dim3A_144, %while3A_405 = %broadcast_in_dim3A_146, %while3A_406 = %broadcast_in_dim3A_148, %while3A_407 = %broadcast_in_dim3A_150, %while3A_408 = %broadcast_in_dim3A_152, %while3A_409 = %broadcast_in_dim3A_154) -> (vector<16xf32>, vector<16xf32>, vector<16xf32>, vector<16xf32>, vector<16xf32>, vector<16xf32>, vector<16xf32>, vector<16xf32>, vector<16xf32>, vector<16xf32>, vector<16xf32>, vector<16xf32>, vector<16xf32>, vector<16xf32>, vector<16xf32>, vector<16xf32>)  : i32 {
            %mul3A_410 = arith.constant 4 : i32
            %mul3A_411 = arith.muli %while3A_393, %mul3A_410 : i32
            %add3A_412 = arith.addi %min3A, %mul3A_411 : i32
            %mul3A_413 = arith.constant 64 : i32
            %mul3A_414 = arith.muli %scan3A_49, %mul3A_413 : i32
            %add3A_415 = arith.addi %mul3A_414, %add3A_412 : i32
            %get3A_416 = arith.index_cast %add3A_415 : i32 to index
            %get3A_417 = tpu.vector_load %arg16[%get3A_416] {strides = array<i32>} : memref<1040xf32, #tpu.memory_space<vmem>>, vector<16xf32>,
            %get3A_418 = vector.shape_cast %get3A_417 : vector<16xf32> to vector<16xf32>
            %sub3A_419 = vector.broadcast %squeeze3A_99 : f32 to vector<16xf32>
            %sub3A_420 = arith.subf %get3A_418, %sub3A_419 : vector<16xf32>
            %exp3A = math.exp %sub3A_420 : vector<16xf32>
            %slice3A_421 = vector.extract_strided_slice %exp3A {offsets = [0], sizes = [1], strides = [1]} : vector<16xf32> to vector<1xf32>
            %squeeze3A_422 = vector.extract %slice3A_421[0] : f32 from vector<1xf32>
            %add3A_423 = arith.constant 0 : i32
            %add3A_424 = arith.addi %add3A_412, %add3A_423 : i32
            %get3A_425 = arith.index_cast %rem3A_51 : i32 to index
            %get3A_426 = arith.index_cast %add3A_424 : i32 to index
            %get3A_427 = arith.constant 0 : index
            %get3A_428 = tpu.vector_load %arg10[%get3A_425, %get3A_426, %get3A_427] {strides = array<i32>} : memref<3x64x512xf32, #tpu.memory_space<vmem>>, vector<1x1x16xf32>,
            %get3A_429 = vector.shape_cast %get3A_428 : vector<1x1x16xf32> to vector<16xf32>
            %mul3A_430 = vector.broadcast %squeeze3A_422 : f32 to vector<16xf32>
            %mul3A_431 = arith.mulf %get3A_429, %mul3A_430 : vector<16xf32>
            %add3A_432 = arith.addf %while3A_394, %mul3A_431 : vector<16xf32>
            %add3A_433 = arith.constant 0 : i32
            %add3A_434 = arith.addi %add3A_412, %add3A_433 : i32
            %get3A_435 = arith.index_cast %rem3A_51 : i32 to index
            %get3A_436 = arith.index_cast %add3A_434 : i32 to index
            %get3A_437 = arith.constant 16 : index
            %get3A_438 = tpu.vector_load %arg10[%get3A_435, %get3A_436, %get3A_437] {strides = array<i32>} : memref<3x64x512xf32, #tpu.memory_space<vmem>>, vector<1x1x16xf32>,
            %get3A_439 = vector.shape_cast %get3A_438 : vector<1x1x16xf32> to vector<16xf32>
            %mul3A_440 = vector.broadcast %squeeze3A_422 : f32 to vector<16xf32>
            %mul3A_441 = arith.mulf %get3A_439, %mul3A_440 : vector<16xf32>
            %add3A_442 = arith.addf %while3A_395, %mul3A_441 : vector<16xf32>
            %add3A_443 = arith.constant 0 : i32
            %add3A_444 = arith.addi %add3A_412, %add3A_443 : i32
            %get3A_445 = arith.index_cast %rem3A_51 : i32 to index
            %get3A_446 = arith.index_cast %add3A_444 : i32 to index
            %get3A_447 = arith.constant 32 : index
            %get3A_448 = tpu.vector_load %arg10[%get3A_445, %get3A_446, %get3A_447] {strides = array<i32>} : memref<3x64x512xf32, #tpu.memory_space<vmem>>, vector<1x1x16xf32>,
            %get3A_449 = vector.shape_cast %get3A_448 : vector<1x1x16xf32> to vector<16xf32>
            %mul3A_450 = vector.broadcast %squeeze3A_422 : f32 to vector<16xf32>
            %mul3A_451 = arith.mulf %get3A_449, %mul3A_450 : vector<16xf32>
            %add3A_452 = arith.addf %while3A_396, %mul3A_451 : vector<16xf32>
            %add3A_453 = arith.constant 0 : i32
            %add3A_454 = arith.addi %add3A_412, %add3A_453 : i32
            %get3A_455 = arith.index_cast %rem3A_51 : i32 to index
            %get3A_456 = arith.index_cast %add3A_454 : i32 to index
            %get3A_457 = arith.constant 48 : index
            %get3A_458 = tpu.vector_load %arg10[%get3A_455, %get3A_456, %get3A_457] {strides = array<i32>} : memref<3x64x512xf32, #tpu.memory_space<vmem>>, vector<1x1x16xf32>,
            %get3A_459 = vector.shape_cast %get3A_458 : vector<1x1x16xf32> to vector<16xf32>
            %mul3A_460 = vector.broadcast %squeeze3A_422 : f32 to vector<16xf32>
            %mul3A_461 = arith.mulf %get3A_459, %mul3A_460 : vector<16xf32>
            %add3A_462 = arith.addf %while3A_397, %mul3A_461 : vector<16xf32>
            %add3A_463 = arith.constant 0 : i32
            %add3A_464 = arith.addi %add3A_412, %add3A_463 : i32
            %get3A_465 = arith.index_cast %rem3A_51 : i32 to index
            %get3A_466 = arith.index_cast %add3A_464 : i32 to index
            %get3A_467 = arith.constant 64 : index
            %get3A_468 = tpu.vector_load %arg10[%get3A_465, %get3A_466, %get3A_467] {strides = array<i32>} : memref<3x64x512xf32, #tpu.memory_space<vmem>>, vector<1x1x16xf32>,
            %get3A_469 = vector.shape_cast %get3A_468 : vector<1x1x16xf32> to vector<16xf32>
            %mul3A_470 = vector.broadcast %squeeze3A_422 : f32 to vector<16xf32>
            %mul3A_471 = arith.mulf %get3A_469, %mul3A_470 : vector<16xf32>
            %add3A_472 = arith.addf %while3A_398, %mul3A_471 : vector<16xf32>
            %add3A_473 = arith.constant 0 : i32
            %add3A_474 = arith.addi %add3A_412, %add3A_473 : i32
            %get3A_475 = arith.index_cast %rem3A_51 : i32 to index
            %get3A_476 = arith.index_cast %add3A_474 : i32 to index
            %get3A_477 = arith.constant 80 : index
            %get3A_478 = tpu.vector_load %arg10[%get3A_475, %get3A_476, %get3A_477] {strides = array<i32>} : memref<3x64x512xf32, #tpu.memory_space<vmem>>, vector<1x1x16xf32>,
            %get3A_479 = vector.shape_cast %get3A_478 : vector<1x1x16xf32> to vector<16xf32>
            %mul3A_480 = vector.broadcast %squeeze3A_422 : f32 to vector<16xf32>
            %mul3A_481 = arith.mulf %get3A_479, %mul3A_480 : vector<16xf32>
            %add3A_482 = arith.addf %while3A_399, %mul3A_481 : vector<16xf32>
            %add3A_483 = arith.constant 0 : i32
            %add3A_484 = arith.addi %add3A_412, %add3A_483 : i32
            %get3A_485 = arith.index_cast %rem3A_51 : i32 to index
            %get3A_486 = arith.index_cast %add3A_484 : i32 to index
            %get3A_487 = arith.constant 96 : index
            %get3A_488 = tpu.vector_load %arg10[%get3A_485, %get3A_486, %get3A_487] {strides = array<i32>} : memref<3x64x512xf32, #tpu.memory_space<vmem>>, vector<1x1x16xf32>,
            %get3A_489 = vector.shape_cast %get3A_488 : vector<1x1x16xf32> to vector<16xf32>
            %mul3A_490 = vector.broadcast %squeeze3A_422 : f32 to vector<16xf32>
            %mul3A_491 = arith.mulf %get3A_489, %mul3A_490 : vector<16xf32>
            %add3A_492 = arith.addf %while3A_400, %mul3A_491 : vector<16xf32>
            %add3A_493 = arith.constant 0 : i32
            %add3A_494 = arith.addi %add3A_412, %add3A_493 : i32
            %get3A_495 = arith.index_cast %rem3A_51 : i32 to index
            %get3A_496 = arith.index_cast %add3A_494 : i32 to index
            %get3A_497 = arith.constant 112 : index
            %get3A_498 = tpu.vector_load %arg10[%get3A_495, %get3A_496, %get3A_497] {strides = array<i32>} : memref<3x64x512xf32, #tpu.memory_space<vmem>>, vector<1x1x16xf32>,
            %get3A_499 = vector.shape_cast %get3A_498 : vector<1x1x16xf32> to vector<16xf32>
            %mul3A_500 = vector.broadcast %squeeze3A_422 : f32 to vector<16xf32>
            %mul3A_501 = arith.mulf %get3A_499, %mul3A_500 : vector<16xf32>
            %add3A_502 = arith.addf %while3A_401, %mul3A_501 : vector<16xf32>
            %add3A_503 = arith.constant 0 : i32
            %add3A_504 = arith.addi %add3A_412, %add3A_503 : i32
            %get3A_505 = arith.index_cast %rem3A_51 : i32 to index
            %get3A_506 = arith.index_cast %add3A_504 : i32 to index
            %get3A_507 = arith.constant 128 : index
            %get3A_508 = tpu.vector_load %arg10[%get3A_505, %get3A_506, %get3A_507] {strides = array<i32>} : memref<3x64x512xf32, #tpu.memory_space<vmem>>, vector<1x1x16xf32>,
            %get3A_509 = vector.shape_cast %get3A_508 : vector<1x1x16xf32> to vector<16xf32>
            %mul3A_510 = vector.broadcast %squeeze3A_422 : f32 to vector<16xf32>
            %mul3A_511 = arith.mulf %get3A_509, %mul3A_510 : vector<16xf32>
            %add3A_512 = arith.addf %while3A_402, %mul3A_511 : vector<16xf32>
            %add3A_513 = arith.constant 0 : i32
            %add3A_514 = arith.addi %add3A_412, %add3A_513 : i32
            %get3A_515 = arith.index_cast %rem3A_51 : i32 to index
            %get3A_516 = arith.index_cast %add3A_514 : i32 to index
            %get3A_517 = arith.constant 144 : index
            %get3A_518 = tpu.vector_load %arg10[%get3A_515, %get3A_516, %get3A_517] {strides = array<i32>} : memref<3x64x512xf32, #tpu.memory_space<vmem>>, vector<1x1x16xf32>,
            %get3A_519 = vector.shape_cast %get3A_518 : vector<1x1x16xf32> to vector<16xf32>
            %mul3A_520 = vector.broadcast %squeeze3A_422 : f32 to vector<16xf32>
            %mul3A_521 = arith.mulf %get3A_519, %mul3A_520 : vector<16xf32>
            %add3A_522 = arith.addf %while3A_403, %mul3A_521 : vector<16xf32>
            %add3A_523 = arith.constant 0 : i32
            %add3A_524 = arith.addi %add3A_412, %add3A_523 : i32
            %get3A_525 = arith.index_cast %rem3A_51 : i32 to index
            %get3A_526 = arith.index_cast %add3A_524 : i32 to index
            %get3A_527 = arith.constant 160 : index
            %get3A_528 = tpu.vector_load %arg10[%get3A_525, %get3A_526, %get3A_527] {strides = array<i32>} : memref<3x64x512xf32, #tpu.memory_space<vmem>>, vector<1x1x16xf32>,
            %get3A_529 = vector.shape_cast %get3A_528 : vector<1x1x16xf32> to vector<16xf32>
            %mul3A_530 = vector.broadcast %squeeze3A_422 : f32 to vector<16xf32>
            %mul3A_531 = arith.mulf %get3A_529, %mul3A_530 : vector<16xf32>
            %add3A_532 = arith.addf %while3A_404, %mul3A_531 : vector<16xf32>
            %add3A_533 = arith.constant 0 : i32
            %add3A_534 = arith.addi %add3A_412, %add3A_533 : i32
            %get3A_535 = arith.index_cast %rem3A_51 : i32 to index
            %get3A_536 = arith.index_cast %add3A_534 : i32 to index
            %get3A_537 = arith.constant 176 : index
            %get3A_538 = tpu.vector_load %arg10[%get3A_535, %get3A_536, %get3A_537] {strides = array<i32>} : memref<3x64x512xf32, #tpu.memory_space<vmem>>, vector<1x1x16xf32>,
            %get3A_539 = vector.shape_cast %get3A_538 : vector<1x1x16xf32> to vector<16xf32>
            %mul3A_540 = vector.broadcast %squeeze3A_422 : f32 to vector<16xf32>
            %mul3A_541 = arith.mulf %get3A_539, %mul3A_540 : vector<16xf32>
            %add3A_542 = arith.addf %while3A_405, %mul3A_541 : vector<16xf32>
            %add3A_543 = arith.constant 0 : i32
            %add3A_544 = arith.addi %add3A_412, %add3A_543 : i32
            %get3A_545 = arith.index_cast %rem3A_51 : i32 to index
            %get3A_546 = arith.index_cast %add3A_544 : i32 to index
            %get3A_547 = arith.constant 192 : index
            %get3A_548 = tpu.vector_load %arg10[%get3A_545, %get3A_546, %get3A_547] {strides = array<i32>} : memref<3x64x512xf32, #tpu.memory_space<vmem>>, vector<1x1x16xf32>,
            %get3A_549 = vector.shape_cast %get3A_548 : vector<1x1x16xf32> to vector<16xf32>
            %mul3A_550 = vector.broadcast %squeeze3A_422 : f32 to vector<16xf32>
            %mul3A_551 = arith.mulf %get3A_549, %mul3A_550 : vector<16xf32>
            %add3A_552 = arith.addf %while3A_406, %mul3A_551 : vector<16xf32>
            %add3A_553 = arith.constant 0 : i32
            %add3A_554 = arith.addi %add3A_412, %add3A_553 : i32
            %get3A_555 = arith.index_cast %rem3A_51 : i32 to index
            %get3A_556 = arith.index_cast %add3A_554 : i32 to index
            %get3A_557 = arith.constant 208 : index
            %get3A_558 = tpu.vector_load %arg10[%get3A_555, %get3A_556, %get3A_557] {strides = array<i32>} : memref<3x64x512xf32, #tpu.memory_space<vmem>>, vector<1x1x16xf32>,
            %get3A_559 = vector.shape_cast %get3A_558 : vector<1x1x16xf32> to vector<16xf32>
            %mul3A_560 = vector.broadcast %squeeze3A_422 : f32 to vector<16xf32>
            %mul3A_561 = arith.mulf %get3A_559, %mul3A_560 : vector<16xf32>
            %add3A_562 = arith.addf %while3A_407, %mul3A_561 : vector<16xf32>
            %add3A_563 = arith.constant 0 : i32
            %add3A_564 = arith.addi %add3A_412, %add3A_563 : i32
            %get3A_565 = arith.index_cast %rem3A_51 : i32 to index
            %get3A_566 = arith.index_cast %add3A_564 : i32 to index
            %get3A_567 = arith.constant 224 : index
            %get3A_568 = tpu.vector_load %arg10[%get3A_565, %get3A_566, %get3A_567] {strides = array<i32>} : memref<3x64x512xf32, #tpu.memory_space<vmem>>, vector<1x1x16xf32>,
            %get3A_569 = vector.shape_cast %get3A_568 : vector<1x1x16xf32> to vector<16xf32>
            %mul3A_570 = vector.broadcast %squeeze3A_422 : f32 to vector<16xf32>
            %mul3A_571 = arith.mulf %get3A_569, %mul3A_570 : vector<16xf32>
            %add3A_572 = arith.addf %while3A_408, %mul3A_571 : vector<16xf32>
            %add3A_573 = arith.constant 0 : i32
            %add3A_574 = arith.addi %add3A_412, %add3A_573 : i32
            %get3A_575 = arith.index_cast %rem3A_51 : i32 to index
            %get3A_576 = arith.index_cast %add3A_574 : i32 to index
            %get3A_577 = arith.constant 240 : index
            %get3A_578 = tpu.vector_load %arg10[%get3A_575, %get3A_576, %get3A_577] {strides = array<i32>} : memref<3x64x512xf32, #tpu.memory_space<vmem>>, vector<1x1x16xf32>,
            %get3A_579 = vector.shape_cast %get3A_578 : vector<1x1x16xf32> to vector<16xf32>
            %mul3A_580 = vector.broadcast %squeeze3A_422 : f32 to vector<16xf32>
            %mul3A_581 = arith.mulf %get3A_579, %mul3A_580 : vector<16xf32>
            %add3A_582 = arith.addf %while3A_409, %mul3A_581 : vector<16xf32>
            %slice3A_583 = vector.extract_strided_slice %exp3A {offsets = [1], sizes = [1], strides = [1]} : vector<16xf32> to vector<1xf32>
            %squeeze3A_584 = vector.extract %slice3A_583[0] : f32 from vector<1xf32>
            %add3A_585 = arith.constant 1 : i32
            %add3A_586 = arith.addi %add3A_412, %add3A_585 : i32
            %get3A_587 = arith.index_cast %rem3A_51 : i32 to index
            %get3A_588 = arith.index_cast %add3A_586 : i32 to index
            %get3A_589 = arith.constant 0 : index
            %get3A_590 = tpu.vector_load %arg10[%get3A_587, %get3A_588, %get3A_589] {strides = array<i32>} : memref<3x64x512xf32, #tpu.memory_space<vmem>>, vector<1x1x16xf32>,
            %get3A_591 = vector.shape_cast %get3A_590 : vector<1x1x16xf32> to vector<16xf32>
            %mul3A_592 = vector.broadcast %squeeze3A_584 : f32 to vector<16xf32>
            %mul3A_593 = arith.mulf %get3A_591, %mul3A_592 : vector<16xf32>
            %add3A_594 = arith.addf %add3A_432, %mul3A_593 : vector<16xf32>
            %add3A_595 = arith.constant 1 : i32
            %add3A_596 = arith.addi %add3A_412, %add3A_595 : i32
            %get3A_597 = arith.index_cast %rem3A_51 : i32 to index
            %get3A_598 = arith.index_cast %add3A_596 : i32 to index
            %get3A_599 = arith.constant 16 : index
            %get3A_600 = tpu.vector_load %arg10[%get3A_597, %get3A_598, %get3A_599] {strides = array<i32>} : memref<3x64x512xf32, #tpu.memory_space<vmem>>, vector<1x1x16xf32>,
            %get3A_601 = vector.shape_cast %get3A_600 : vector<1x1x16xf32> to vector<16xf32>
            %mul3A_602 = vector.broadcast %squeeze3A_584 : f32 to vector<16xf32>
            %mul3A_603 = arith.mulf %get3A_601, %mul3A_602 : vector<16xf32>
            %add3A_604 = arith.addf %add3A_442, %mul3A_603 : vector<16xf32>
            %add3A_605 = arith.constant 1 : i32
            %add3A_606 = arith.addi %add3A_412, %add3A_605 : i32
            %get3A_607 = arith.index_cast %rem3A_51 : i32 to index
            %get3A_608 = arith.index_cast %add3A_606 : i32 to index
            %get3A_609 = arith.constant 32 : index
            %get3A_610 = tpu.vector_load %arg10[%get3A_607, %get3A_608, %get3A_609] {strides = array<i32>} : memref<3x64x512xf32, #tpu.memory_space<vmem>>, vector<1x1x16xf32>,
            %get3A_611 = vector.shape_cast %get3A_610 : vector<1x1x16xf32> to vector<16xf32>
            %mul3A_612 = vector.broadcast %squeeze3A_584 : f32 to vector<16xf32>
            %mul3A_613 = arith.mulf %get3A_611, %mul3A_612 : vector<16xf32>
            %add3A_614 = arith.addf %add3A_452, %mul3A_613 : vector<16xf32>
            %add3A_615 = arith.constant 1 : i32
            %add3A_616 = arith.addi %add3A_412, %add3A_615 : i32
            %get3A_617 = arith.index_cast %rem3A_51 : i32 to index
            %get3A_618 = arith.index_cast %add3A_616 : i32 to index
            %get3A_619 = arith.constant 48 : index
            %get3A_620 = tpu.vector_load %arg10[%get3A_617, %get3A_618, %get3A_619] {strides = array<i32>} : memref<3x64x512xf32, #tpu.memory_space<vmem>>, vector<1x1x16xf32>,
            %get3A_621 = vector.shape_cast %get3A_620 : vector<1x1x16xf32> to vector<16xf32>
            %mul3A_622 = vector.broadcast %squeeze3A_584 : f32 to vector<16xf32>
            %mul3A_623 = arith.mulf %get3A_621, %mul3A_622 : vector<16xf32>
            %add3A_624 = arith.addf %add3A_462, %mul3A_623 : vector<16xf32>
            %add3A_625 = arith.constant 1 : i32
            %add3A_626 = arith.addi %add3A_412, %add3A_625 : i32
            %get3A_627 = arith.index_cast %rem3A_51 : i32 to index
            %get3A_628 = arith.index_cast %add3A_626 : i32 to index
            %get3A_629 = arith.constant 64 : index
            %get3A_630 = tpu.vector_load %arg10[%get3A_627, %get3A_628, %get3A_629] {strides = array<i32>} : memref<3x64x512xf32, #tpu.memory_space<vmem>>, vector<1x1x16xf32>,
            %get3A_631 = vector.shape_cast %get3A_630 : vector<1x1x16xf32> to vector<16xf32>
            %mul3A_632 = vector.broadcast %squeeze3A_584 : f32 to vector<16xf32>
            %mul3A_633 = arith.mulf %get3A_631, %mul3A_632 : vector<16xf32>
            %add3A_634 = arith.addf %add3A_472, %mul3A_633 : vector<16xf32>
            %add3A_635 = arith.constant 1 : i32
            %add3A_636 = arith.addi %add3A_412, %add3A_635 : i32
            %get3A_637 = arith.index_cast %rem3A_51 : i32 to index
            %get3A_638 = arith.index_cast %add3A_636 : i32 to index
            %get3A_639 = arith.constant 80 : index
            %get3A_640 = tpu.vector_load %arg10[%get3A_637, %get3A_638, %get3A_639] {strides = array<i32>} : memref<3x64x512xf32, #tpu.memory_space<vmem>>, vector<1x1x16xf32>,
            %get3A_641 = vector.shape_cast %get3A_640 : vector<1x1x16xf32> to vector<16xf32>
            %mul3A_642 = vector.broadcast %squeeze3A_584 : f32 to vector<16xf32>
            %mul3A_643 = arith.mulf %get3A_641, %mul3A_642 : vector<16xf32>
            %add3A_644 = arith.addf %add3A_482, %mul3A_643 : vector<16xf32>
            %add3A_645 = arith.constant 1 : i32
            %add3A_646 = arith.addi %add3A_412, %add3A_645 : i32
            %get3A_647 = arith.index_cast %rem3A_51 : i32 to index
            %get3A_648 = arith.index_cast %add3A_646 : i32 to index
            %get3A_649 = arith.constant 96 : index
            %get3A_650 = tpu.vector_load %arg10[%get3A_647, %get3A_648, %get3A_649] {strides = array<i32>} : memref<3x64x512xf32, #tpu.memory_space<vmem>>, vector<1x1x16xf32>,
            %get3A_651 = vector.shape_cast %get3A_650 : vector<1x1x16xf32> to vector<16xf32>
            %mul3A_652 = vector.broadcast %squeeze3A_584 : f32 to vector<16xf32>
            %mul3A_653 = arith.mulf %get3A_651, %mul3A_652 : vector<16xf32>
            %add3A_654 = arith.addf %add3A_492, %mul3A_653 : vector<16xf32>
            %add3A_655 = arith.constant 1 : i32
            %add3A_656 = arith.addi %add3A_412, %add3A_655 : i32
            %get3A_657 = arith.index_cast %rem3A_51 : i32 to index
            %get3A_658 = arith.index_cast %add3A_656 : i32 to index
            %get3A_659 = arith.constant 112 : index
            %get3A_660 = tpu.vector_load %arg10[%get3A_657, %get3A_658, %get3A_659] {strides = array<i32>} : memref<3x64x512xf32, #tpu.memory_space<vmem>>, vector<1x1x16xf32>,
            %get3A_661 = vector.shape_cast %get3A_660 : vector<1x1x16xf32> to vector<16xf32>
            %mul3A_662 = vector.broadcast %squeeze3A_584 : f32 to vector<16xf32>
            %mul3A_663 = arith.mulf %get3A_661, %mul3A_662 : vector<16xf32>
            %add3A_664 = arith.addf %add3A_502, %mul3A_663 : vector<16xf32>
            %add3A_665 = arith.constant 1 : i32
            %add3A_666 = arith.addi %add3A_412, %add3A_665 : i32
            %get3A_667 = arith.index_cast %rem3A_51 : i32 to index
            %get3A_668 = arith.index_cast %add3A_666 : i32 to index
            %get3A_669 = arith.constant 128 : index
            %get3A_670 = tpu.vector_load %arg10[%get3A_667, %get3A_668, %get3A_669] {strides = array<i32>} : memref<3x64x512xf32, #tpu.memory_space<vmem>>, vector<1x1x16xf32>,
            %get3A_671 = vector.shape_cast %get3A_670 : vector<1x1x16xf32> to vector<16xf32>
            %mul3A_672 = vector.broadcast %squeeze3A_584 : f32 to vector<16xf32>
            %mul3A_673 = arith.mulf %get3A_671, %mul3A_672 : vector<16xf32>
            %add3A_674 = arith.addf %add3A_512, %mul3A_673 : vector<16xf32>
            %add3A_675 = arith.constant 1 : i32
            %add3A_676 = arith.addi %add3A_412, %add3A_675 : i32
            %get3A_677 = arith.index_cast %rem3A_51 : i32 to index
            %get3A_678 = arith.index_cast %add3A_676 : i32 to index
            %get3A_679 = arith.constant 144 : index
            %get3A_680 = tpu.vector_load %arg10[%get3A_677, %get3A_678, %get3A_679] {strides = array<i32>} : memref<3x64x512xf32, #tpu.memory_space<vmem>>, vector<1x1x16xf32>,
            %get3A_681 = vector.shape_cast %get3A_680 : vector<1x1x16xf32> to vector<16xf32>
            %mul3A_682 = vector.broadcast %squeeze3A_584 : f32 to vector<16xf32>
            %mul3A_683 = arith.mulf %get3A_681, %mul3A_682 : vector<16xf32>
            %add3A_684 = arith.addf %add3A_522, %mul3A_683 : vector<16xf32>
            %add3A_685 = arith.constant 1 : i32
            %add3A_686 = arith.addi %add3A_412, %add3A_685 : i32
            %get3A_687 = arith.index_cast %rem3A_51 : i32 to index
            %get3A_688 = arith.index_cast %add3A_686 : i32 to index
            %get3A_689 = arith.constant 160 : index
            %get3A_690 = tpu.vector_load %arg10[%get3A_687, %get3A_688, %get3A_689] {strides = array<i32>} : memref<3x64x512xf32, #tpu.memory_space<vmem>>, vector<1x1x16xf32>,
            %get3A_691 = vector.shape_cast %get3A_690 : vector<1x1x16xf32> to vector<16xf32>
            %mul3A_692 = vector.broadcast %squeeze3A_584 : f32 to vector<16xf32>
            %mul3A_693 = arith.mulf %get3A_691, %mul3A_692 : vector<16xf32>
            %add3A_694 = arith.addf %add3A_532, %mul3A_693 : vector<16xf32>
            %add3A_695 = arith.constant 1 : i32
            %add3A_696 = arith.addi %add3A_412, %add3A_695 : i32
            %get3A_697 = arith.index_cast %rem3A_51 : i32 to index
            %get3A_698 = arith.index_cast %add3A_696 : i32 to index
            %get3A_699 = arith.constant 176 : index
            %get3A_700 = tpu.vector_load %arg10[%get3A_697, %get3A_698, %get3A_699] {strides = array<i32>} : memref<3x64x512xf32, #tpu.memory_space<vmem>>, vector<1x1x16xf32>,
            %get3A_701 = vector.shape_cast %get3A_700 : vector<1x1x16xf32> to vector<16xf32>
            %mul3A_702 = vector.broadcast %squeeze3A_584 : f32 to vector<16xf32>
            %mul3A_703 = arith.mulf %get3A_701, %mul3A_702 : vector<16xf32>
            %add3A_704 = arith.addf %add3A_542, %mul3A_703 : vector<16xf32>
            %add3A_705 = arith.constant 1 : i32
            %add3A_706 = arith.addi %add3A_412, %add3A_705 : i32
            %get3A_707 = arith.index_cast %rem3A_51 : i32 to index
            %get3A_708 = arith.index_cast %add3A_706 : i32 to index
            %get3A_709 = arith.constant 192 : index
            %get3A_710 = tpu.vector_load %arg10[%get3A_707, %get3A_708, %get3A_709] {strides = array<i32>} : memref<3x64x512xf32, #tpu.memory_space<vmem>>, vector<1x1x16xf32>,
            %get3A_711 = vector.shape_cast %get3A_710 : vector<1x1x16xf32> to vector<16xf32>
            %mul3A_712 = vector.broadcast %squeeze3A_584 : f32 to vector<16xf32>
            %mul3A_713 = arith.mulf %get3A_711, %mul3A_712 : vector<16xf32>
            %add3A_714 = arith.addf %add3A_552, %mul3A_713 : vector<16xf32>
            %add3A_715 = arith.constant 1 : i32
            %add3A_716 = arith.addi %add3A_412, %add3A_715 : i32
            %get3A_717 = arith.index_cast %rem3A_51 : i32 to index
            %get3A_718 = arith.index_cast %add3A_716 : i32 to index
            %get3A_719 = arith.constant 208 : index
            %get3A_720 = tpu.vector_load %arg10[%get3A_717, %get3A_718, %get3A_719] {strides = array<i32>} : memref<3x64x512xf32, #tpu.memory_space<vmem>>, vector<1x1x16xf32>,
            %get3A_721 = vector.shape_cast %get3A_720 : vector<1x1x16xf32> to vector<16xf32>
            %mul3A_722 = vector.broadcast %squeeze3A_584 : f32 to vector<16xf32>
            %mul3A_723 = arith.mulf %get3A_721, %mul3A_722 : vector<16xf32>
            %add3A_724 = arith.addf %add3A_562, %mul3A_723 : vector<16xf32>
            %add3A_725 = arith.constant 1 : i32
            %add3A_726 = arith.addi %add3A_412, %add3A_725 : i32
            %get3A_727 = arith.index_cast %rem3A_51 : i32 to index
            %get3A_728 = arith.index_cast %add3A_726 : i32 to index
            %get3A_729 = arith.constant 224 : index
            %get3A_730 = tpu.vector_load %arg10[%get3A_727, %get3A_728, %get3A_729] {strides = array<i32>} : memref<3x64x512xf32, #tpu.memory_space<vmem>>, vector<1x1x16xf32>,
            %get3A_731 = vector.shape_cast %get3A_730 : vector<1x1x16xf32> to vector<16xf32>
            %mul3A_732 = vector.broadcast %squeeze3A_584 : f32 to vector<16xf32>
            %mul3A_733 = arith.mulf %get3A_731, %mul3A_732 : vector<16xf32>
            %add3A_734 = arith.addf %add3A_572, %mul3A_733 : vector<16xf32>
            %add3A_735 = arith.constant 1 : i32
            %add3A_736 = arith.addi %add3A_412, %add3A_735 : i32
            %get3A_737 = arith.index_cast %rem3A_51 : i32 to index
            %get3A_738 = arith.index_cast %add3A_736 : i32 to index
            %get3A_739 = arith.constant 240 : index
            %get3A_740 = tpu.vector_load %arg10[%get3A_737, %get3A_738, %get3A_739] {strides = array<i32>} : memref<3x64x512xf32, #tpu.memory_space<vmem>>, vector<1x1x16xf32>,
            %get3A_741 = vector.shape_cast %get3A_740 : vector<1x1x16xf32> to vector<16xf32>
            %mul3A_742 = vector.broadcast %squeeze3A_584 : f32 to vector<16xf32>
            %mul3A_743 = arith.mulf %get3A_741, %mul3A_742 : vector<16xf32>
            %add3A_744 = arith.addf %add3A_582, %mul3A_743 : vector<16xf32>
            %slice3A_745 = vector.extract_strided_slice %exp3A {offsets = [2], sizes = [1], strides = [1]} : vector<16xf32> to vector<1xf32>
            %squeeze3A_746 = vector.extract %slice3A_745[0] : f32 from vector<1xf32>
            %add3A_747 = arith.constant 2 : i32
            %add3A_748 = arith.addi %add3A_412, %add3A_747 : i32
            %get3A_749 = arith.index_cast %rem3A_51 : i32 to index
            %get3A_750 = arith.index_cast %add3A_748 : i32 to index
            %get3A_751 = arith.constant 0 : index
            %get3A_752 = tpu.vector_load %arg10[%get3A_749, %get3A_750, %get3A_751] {strides = array<i32>} : memref<3x64x512xf32, #tpu.memory_space<vmem>>, vector<1x1x16xf32>,
            %get3A_753 = vector.shape_cast %get3A_752 : vector<1x1x16xf32> to vector<16xf32>
            %mul3A_754 = vector.broadcast %squeeze3A_746 : f32 to vector<16xf32>
            %mul3A_755 = arith.mulf %get3A_753, %mul3A_754 : vector<16xf32>
            %add3A_756 = arith.addf %add3A_594, %mul3A_755 : vector<16xf32>
            %add3A_757 = arith.constant 2 : i32
            %add3A_758 = arith.addi %add3A_412, %add3A_757 : i32
            %get3A_759 = arith.index_cast %rem3A_51 : i32 to index
            %get3A_760 = arith.index_cast %add3A_758 : i32 to index
            %get3A_761 = arith.constant 16 : index
            %get3A_762 = tpu.vector_load %arg10[%get3A_759, %get3A_760, %get3A_761] {strides = array<i32>} : memref<3x64x512xf32, #tpu.memory_space<vmem>>, vector<1x1x16xf32>,
            %get3A_763 = vector.shape_cast %get3A_762 : vector<1x1x16xf32> to vector<16xf32>
            %mul3A_764 = vector.broadcast %squeeze3A_746 : f32 to vector<16xf32>
            %mul3A_765 = arith.mulf %get3A_763, %mul3A_764 : vector<16xf32>
            %add3A_766 = arith.addf %add3A_604, %mul3A_765 : vector<16xf32>
            %add3A_767 = arith.constant 2 : i32
            %add3A_768 = arith.addi %add3A_412, %add3A_767 : i32
            %get3A_769 = arith.index_cast %rem3A_51 : i32 to index
            %get3A_770 = arith.index_cast %add3A_768 : i32 to index
            %get3A_771 = arith.constant 32 : index
            %get3A_772 = tpu.vector_load %arg10[%get3A_769, %get3A_770, %get3A_771] {strides = array<i32>} : memref<3x64x512xf32, #tpu.memory_space<vmem>>, vector<1x1x16xf32>,
            %get3A_773 = vector.shape_cast %get3A_772 : vector<1x1x16xf32> to vector<16xf32>
            %mul3A_774 = vector.broadcast %squeeze3A_746 : f32 to vector<16xf32>
            %mul3A_775 = arith.mulf %get3A_773, %mul3A_774 : vector<16xf32>
            %add3A_776 = arith.addf %add3A_614, %mul3A_775 : vector<16xf32>
            %add3A_777 = arith.constant 2 : i32
            %add3A_778 = arith.addi %add3A_412, %add3A_777 : i32
            %get3A_779 = arith.index_cast %rem3A_51 : i32 to index
            %get3A_780 = arith.index_cast %add3A_778 : i32 to index
            %get3A_781 = arith.constant 48 : index
            %get3A_782 = tpu.vector_load %arg10[%get3A_779, %get3A_780, %get3A_781] {strides = array<i32>} : memref<3x64x512xf32, #tpu.memory_space<vmem>>, vector<1x1x16xf32>,
            %get3A_783 = vector.shape_cast %get3A_782 : vector<1x1x16xf32> to vector<16xf32>
            %mul3A_784 = vector.broadcast %squeeze3A_746 : f32 to vector<16xf32>
            %mul3A_785 = arith.mulf %get3A_783, %mul3A_784 : vector<16xf32>
            %add3A_786 = arith.addf %add3A_624, %mul3A_785 : vector<16xf32>
            %add3A_787 = arith.constant 2 : i32
            %add3A_788 = arith.addi %add3A_412, %add3A_787 : i32
            %get3A_789 = arith.index_cast %rem3A_51 : i32 to index
            %get3A_790 = arith.index_cast %add3A_788 : i32 to index
            %get3A_791 = arith.constant 64 : index
            %get3A_792 = tpu.vector_load %arg10[%get3A_789, %get3A_790, %get3A_791] {strides = array<i32>} : memref<3x64x512xf32, #tpu.memory_space<vmem>>, vector<1x1x16xf32>,
            %get3A_793 = vector.shape_cast %get3A_792 : vector<1x1x16xf32> to vector<16xf32>
            %mul3A_794 = vector.broadcast %squeeze3A_746 : f32 to vector<16xf32>
            %mul3A_795 = arith.mulf %get3A_793, %mul3A_794 : vector<16xf32>
            %add3A_796 = arith.addf %add3A_634, %mul3A_795 : vector<16xf32>
            %add3A_797 = arith.constant 2 : i32
            %add3A_798 = arith.addi %add3A_412, %add3A_797 : i32
            %get3A_799 = arith.index_cast %rem3A_51 : i32 to index
            %get3A_800 = arith.index_cast %add3A_798 : i32 to index
            %get3A_801 = arith.constant 80 : index
            %get3A_802 = tpu.vector_load %arg10[%get3A_799, %get3A_800, %get3A_801] {strides = array<i32>} : memref<3x64x512xf32, #tpu.memory_space<vmem>>, vector<1x1x16xf32>,
            %get3A_803 = vector.shape_cast %get3A_802 : vector<1x1x16xf32> to vector<16xf32>
            %mul3A_804 = vector.broadcast %squeeze3A_746 : f32 to vector<16xf32>
            %mul3A_805 = arith.mulf %get3A_803, %mul3A_804 : vector<16xf32>
            %add3A_806 = arith.addf %add3A_644, %mul3A_805 : vector<16xf32>
            %add3A_807 = arith.constant 2 : i32
            %add3A_808 = arith.addi %add3A_412, %add3A_807 : i32
            %get3A_809 = arith.index_cast %rem3A_51 : i32 to index
            %get3A_810 = arith.index_cast %add3A_808 : i32 to index
            %get3A_811 = arith.constant 96 : index
            %get3A_812 = tpu.vector_load %arg10[%get3A_809, %get3A_810, %get3A_811] {strides = array<i32>} : memref<3x64x512xf32, #tpu.memory_space<vmem>>, vector<1x1x16xf32>,
            %get3A_813 = vector.shape_cast %get3A_812 : vector<1x1x16xf32> to vector<16xf32>
            %mul3A_814 = vector.broadcast %squeeze3A_746 : f32 to vector<16xf32>
            %mul3A_815 = arith.mulf %get3A_813, %mul3A_814 : vector<16xf32>
            %add3A_816 = arith.addf %add3A_654, %mul3A_815 : vector<16xf32>
            %add3A_817 = arith.constant 2 : i32
            %add3A_818 = arith.addi %add3A_412, %add3A_817 : i32
            %get3A_819 = arith.index_cast %rem3A_51 : i32 to index
            %get3A_820 = arith.index_cast %add3A_818 : i32 to index
            %get3A_821 = arith.constant 112 : index
            %get3A_822 = tpu.vector_load %arg10[%get3A_819, %get3A_820, %get3A_821] {strides = array<i32>} : memref<3x64x512xf32, #tpu.memory_space<vmem>>, vector<1x1x16xf32>,
            %get3A_823 = vector.shape_cast %get3A_822 : vector<1x1x16xf32> to vector<16xf32>
            %mul3A_824 = vector.broadcast %squeeze3A_746 : f32 to vector<16xf32>
            %mul3A_825 = arith.mulf %get3A_823, %mul3A_824 : vector<16xf32>
            %add3A_826 = arith.addf %add3A_664, %mul3A_825 : vector<16xf32>
            %add3A_827 = arith.constant 2 : i32
            %add3A_828 = arith.addi %add3A_412, %add3A_827 : i32
            %get3A_829 = arith.index_cast %rem3A_51 : i32 to index
            %get3A_830 = arith.index_cast %add3A_828 : i32 to index
            %get3A_831 = arith.constant 128 : index
            %get3A_832 = tpu.vector_load %arg10[%get3A_829, %get3A_830, %get3A_831] {strides = array<i32>} : memref<3x64x512xf32, #tpu.memory_space<vmem>>, vector<1x1x16xf32>,
            %get3A_833 = vector.shape_cast %get3A_832 : vector<1x1x16xf32> to vector<16xf32>
            %mul3A_834 = vector.broadcast %squeeze3A_746 : f32 to vector<16xf32>
            %mul3A_835 = arith.mulf %get3A_833, %mul3A_834 : vector<16xf32>
            %add3A_836 = arith.addf %add3A_674, %mul3A_835 : vector<16xf32>
            %add3A_837 = arith.constant 2 : i32
            %add3A_838 = arith.addi %add3A_412, %add3A_837 : i32
            %get3A_839 = arith.index_cast %rem3A_51 : i32 to index
            %get3A_840 = arith.index_cast %add3A_838 : i32 to index
            %get3A_841 = arith.constant 144 : index
            %get3A_842 = tpu.vector_load %arg10[%get3A_839, %get3A_840, %get3A_841] {strides = array<i32>} : memref<3x64x512xf32, #tpu.memory_space<vmem>>, vector<1x1x16xf32>,
            %get3A_843 = vector.shape_cast %get3A_842 : vector<1x1x16xf32> to vector<16xf32>
            %mul3A_844 = vector.broadcast %squeeze3A_746 : f32 to vector<16xf32>
            %mul3A_845 = arith.mulf %get3A_843, %mul3A_844 : vector<16xf32>
            %add3A_846 = arith.addf %add3A_684, %mul3A_845 : vector<16xf32>
            %add3A_847 = arith.constant 2 : i32
            %add3A_848 = arith.addi %add3A_412, %add3A_847 : i32
            %get3A_849 = arith.index_cast %rem3A_51 : i32 to index
            %get3A_850 = arith.index_cast %add3A_848 : i32 to index
            %get3A_851 = arith.constant 160 : index
            %get3A_852 = tpu.vector_load %arg10[%get3A_849, %get3A_850, %get3A_851] {strides = array<i32>} : memref<3x64x512xf32, #tpu.memory_space<vmem>>, vector<1x1x16xf32>,
            %get3A_853 = vector.shape_cast %get3A_852 : vector<1x1x16xf32> to vector<16xf32>
            %mul3A_854 = vector.broadcast %squeeze3A_746 : f32 to vector<16xf32>
            %mul3A_855 = arith.mulf %get3A_853, %mul3A_854 : vector<16xf32>
            %add3A_856 = arith.addf %add3A_694, %mul3A_855 : vector<16xf32>
            %add3A_857 = arith.constant 2 : i32
            %add3A_858 = arith.addi %add3A_412, %add3A_857 : i32
            %get3A_859 = arith.index_cast %rem3A_51 : i32 to index
            %get3A_860 = arith.index_cast %add3A_858 : i32 to index
            %get3A_861 = arith.constant 176 : index
            %get3A_862 = tpu.vector_load %arg10[%get3A_859, %get3A_860, %get3A_861] {strides = array<i32>} : memref<3x64x512xf32, #tpu.memory_space<vmem>>, vector<1x1x16xf32>,
            %get3A_863 = vector.shape_cast %get3A_862 : vector<1x1x16xf32> to vector<16xf32>
            %mul3A_864 = vector.broadcast %squeeze3A_746 : f32 to vector<16xf32>
            %mul3A_865 = arith.mulf %get3A_863, %mul3A_864 : vector<16xf32>
            %add3A_866 = arith.addf %add3A_704, %mul3A_865 : vector<16xf32>
            %add3A_867 = arith.constant 2 : i32
            %add3A_868 = arith.addi %add3A_412, %add3A_867 : i32
            %get3A_869 = arith.index_cast %rem3A_51 : i32 to index
            %get3A_870 = arith.index_cast %add3A_868 : i32 to index
            %get3A_871 = arith.constant 192 : index
            %get3A_872 = tpu.vector_load %arg10[%get3A_869, %get3A_870, %get3A_871] {strides = array<i32>} : memref<3x64x512xf32, #tpu.memory_space<vmem>>, vector<1x1x16xf32>,
            %get3A_873 = vector.shape_cast %get3A_872 : vector<1x1x16xf32> to vector<16xf32>
            %mul3A_874 = vector.broadcast %squeeze3A_746 : f32 to vector<16xf32>
            %mul3A_875 = arith.mulf %get3A_873, %mul3A_874 : vector<16xf32>
            %add3A_876 = arith.addf %add3A_714, %mul3A_875 : vector<16xf32>
            %add3A_877 = arith.constant 2 : i32
            %add3A_878 = arith.addi %add3A_412, %add3A_877 : i32
            %get3A_879 = arith.index_cast %rem3A_51 : i32 to index
            %get3A_880 = arith.index_cast %add3A_878 : i32 to index
            %get3A_881 = arith.constant 208 : index
            %get3A_882 = tpu.vector_load %arg10[%get3A_879, %get3A_880, %get3A_881] {strides = array<i32>} : memref<3x64x512xf32, #tpu.memory_space<vmem>>, vector<1x1x16xf32>,
            %get3A_883 = vector.shape_cast %get3A_882 : vector<1x1x16xf32> to vector<16xf32>
            %mul3A_884 = vector.broadcast %squeeze3A_746 : f32 to vector<16xf32>
            %mul3A_885 = arith.mulf %get3A_883, %mul3A_884 : vector<16xf32>
            %add3A_886 = arith.addf %add3A_724, %mul3A_885 : vector<16xf32>
            %add3A_887 = arith.constant 2 : i32
            %add3A_888 = arith.addi %add3A_412, %add3A_887 : i32
            %get3A_889 = arith.index_cast %rem3A_51 : i32 to index
            %get3A_890 = arith.index_cast %add3A_888 : i32 to index
            %get3A_891 = arith.constant 224 : index
            %get3A_892 = tpu.vector_load %arg10[%get3A_889, %get3A_890, %get3A_891] {strides = array<i32>} : memref<3x64x512xf32, #tpu.memory_space<vmem>>, vector<1x1x16xf32>,
            %get3A_893 = vector.shape_cast %get3A_892 : vector<1x1x16xf32> to vector<16xf32>
            %mul3A_894 = vector.broadcast %squeeze3A_746 : f32 to vector<16xf32>
            %mul3A_895 = arith.mulf %get3A_893, %mul3A_894 : vector<16xf32>
            %add3A_896 = arith.addf %add3A_734, %mul3A_895 : vector<16xf32>
            %add3A_897 = arith.constant 2 : i32
            %add3A_898 = arith.addi %add3A_412, %add3A_897 : i32
            %get3A_899 = arith.index_cast %rem3A_51 : i32 to index
            %get3A_900 = arith.index_cast %add3A_898 : i32 to index
            %get3A_901 = arith.constant 240 : index
            %get3A_902 = tpu.vector_load %arg10[%get3A_899, %get3A_900, %get3A_901] {strides = array<i32>} : memref<3x64x512xf32, #tpu.memory_space<vmem>>, vector<1x1x16xf32>,
            %get3A_903 = vector.shape_cast %get3A_902 : vector<1x1x16xf32> to vector<16xf32>
            %mul3A_904 = vector.broadcast %squeeze3A_746 : f32 to vector<16xf32>
            %mul3A_905 = arith.mulf %get3A_903, %mul3A_904 : vector<16xf32>
            %add3A_906 = arith.addf %add3A_744, %mul3A_905 : vector<16xf32>
            %slice3A_907 = vector.extract_strided_slice %exp3A {offsets = [3], sizes = [1], strides = [1]} : vector<16xf32> to vector<1xf32>
            %squeeze3A_908 = vector.extract %slice3A_907[0] : f32 from vector<1xf32>
            %add3A_909 = arith.constant 3 : i32
            %add3A_910 = arith.addi %add3A_412, %add3A_909 : i32
            %get3A_911 = arith.index_cast %rem3A_51 : i32 to index
            %get3A_912 = arith.index_cast %add3A_910 : i32 to index
            %get3A_913 = arith.constant 0 : index
            %get3A_914 = tpu.vector_load %arg10[%get3A_911, %get3A_912, %get3A_913] {strides = array<i32>} : memref<3x64x512xf32, #tpu.memory_space<vmem>>, vector<1x1x16xf32>,
            %get3A_915 = vector.shape_cast %get3A_914 : vector<1x1x16xf32> to vector<16xf32>
            %mul3A_916 = vector.broadcast %squeeze3A_908 : f32 to vector<16xf32>
            %mul3A_917 = arith.mulf %get3A_915, %mul3A_916 : vector<16xf32>
            %add3A_918 = arith.addf %add3A_756, %mul3A_917 : vector<16xf32>
            %add3A_919 = arith.constant 3 : i32
            %add3A_920 = arith.addi %add3A_412, %add3A_919 : i32
            %get3A_921 = arith.index_cast %rem3A_51 : i32 to index
            %get3A_922 = arith.index_cast %add3A_920 : i32 to index
            %get3A_923 = arith.constant 16 : index
            %get3A_924 = tpu.vector_load %arg10[%get3A_921, %get3A_922, %get3A_923] {strides = array<i32>} : memref<3x64x512xf32, #tpu.memory_space<vmem>>, vector<1x1x16xf32>,
            %get3A_925 = vector.shape_cast %get3A_924 : vector<1x1x16xf32> to vector<16xf32>
            %mul3A_926 = vector.broadcast %squeeze3A_908 : f32 to vector<16xf32>
            %mul3A_927 = arith.mulf %get3A_925, %mul3A_926 : vector<16xf32>
            %add3A_928 = arith.addf %add3A_766, %mul3A_927 : vector<16xf32>
            %add3A_929 = arith.constant 3 : i32
            %add3A_930 = arith.addi %add3A_412, %add3A_929 : i32
            %get3A_931 = arith.index_cast %rem3A_51 : i32 to index
            %get3A_932 = arith.index_cast %add3A_930 : i32 to index
            %get3A_933 = arith.constant 32 : index
            %get3A_934 = tpu.vector_load %arg10[%get3A_931, %get3A_932, %get3A_933] {strides = array<i32>} : memref<3x64x512xf32, #tpu.memory_space<vmem>>, vector<1x1x16xf32>,
            %get3A_935 = vector.shape_cast %get3A_934 : vector<1x1x16xf32> to vector<16xf32>
            %mul3A_936 = vector.broadcast %squeeze3A_908 : f32 to vector<16xf32>
            %mul3A_937 = arith.mulf %get3A_935, %mul3A_936 : vector<16xf32>
            %add3A_938 = arith.addf %add3A_776, %mul3A_937 : vector<16xf32>
            %add3A_939 = arith.constant 3 : i32
            %add3A_940 = arith.addi %add3A_412, %add3A_939 : i32
            %get3A_941 = arith.index_cast %rem3A_51 : i32 to index
            %get3A_942 = arith.index_cast %add3A_940 : i32 to index
            %get3A_943 = arith.constant 48 : index
            %get3A_944 = tpu.vector_load %arg10[%get3A_941, %get3A_942, %get3A_943] {strides = array<i32>} : memref<3x64x512xf32, #tpu.memory_space<vmem>>, vector<1x1x16xf32>,
            %get3A_945 = vector.shape_cast %get3A_944 : vector<1x1x16xf32> to vector<16xf32>
            %mul3A_946 = vector.broadcast %squeeze3A_908 : f32 to vector<16xf32>
            %mul3A_947 = arith.mulf %get3A_945, %mul3A_946 : vector<16xf32>
            %add3A_948 = arith.addf %add3A_786, %mul3A_947 : vector<16xf32>
            %add3A_949 = arith.constant 3 : i32
            %add3A_950 = arith.addi %add3A_412, %add3A_949 : i32
            %get3A_951 = arith.index_cast %rem3A_51 : i32 to index
            %get3A_952 = arith.index_cast %add3A_950 : i32 to index
            %get3A_953 = arith.constant 64 : index
            %get3A_954 = tpu.vector_load %arg10[%get3A_951, %get3A_952, %get3A_953] {strides = array<i32>} : memref<3x64x512xf32, #tpu.memory_space<vmem>>, vector<1x1x16xf32>,
            %get3A_955 = vector.shape_cast %get3A_954 : vector<1x1x16xf32> to vector<16xf32>
            %mul3A_956 = vector.broadcast %squeeze3A_908 : f32 to vector<16xf32>
            %mul3A_957 = arith.mulf %get3A_955, %mul3A_956 : vector<16xf32>
            %add3A_958 = arith.addf %add3A_796, %mul3A_957 : vector<16xf32>
            %add3A_959 = arith.constant 3 : i32
            %add3A_960 = arith.addi %add3A_412, %add3A_959 : i32
            %get3A_961 = arith.index_cast %rem3A_51 : i32 to index
            %get3A_962 = arith.index_cast %add3A_960 : i32 to index
            %get3A_963 = arith.constant 80 : index
            %get3A_964 = tpu.vector_load %arg10[%get3A_961, %get3A_962, %get3A_963] {strides = array<i32>} : memref<3x64x512xf32, #tpu.memory_space<vmem>>, vector<1x1x16xf32>,
            %get3A_965 = vector.shape_cast %get3A_964 : vector<1x1x16xf32> to vector<16xf32>
            %mul3A_966 = vector.broadcast %squeeze3A_908 : f32 to vector<16xf32>
            %mul3A_967 = arith.mulf %get3A_965, %mul3A_966 : vector<16xf32>
            %add3A_968 = arith.addf %add3A_806, %mul3A_967 : vector<16xf32>
            %add3A_969 = arith.constant 3 : i32
            %add3A_970 = arith.addi %add3A_412, %add3A_969 : i32
            %get3A_971 = arith.index_cast %rem3A_51 : i32 to index
            %get3A_972 = arith.index_cast %add3A_970 : i32 to index
            %get3A_973 = arith.constant 96 : index
            %get3A_974 = tpu.vector_load %arg10[%get3A_971, %get3A_972, %get3A_973] {strides = array<i32>} : memref<3x64x512xf32, #tpu.memory_space<vmem>>, vector<1x1x16xf32>,
            %get3A_975 = vector.shape_cast %get3A_974 : vector<1x1x16xf32> to vector<16xf32>
            %mul3A_976 = vector.broadcast %squeeze3A_908 : f32 to vector<16xf32>
            %mul3A_977 = arith.mulf %get3A_975, %mul3A_976 : vector<16xf32>
            %add3A_978 = arith.addf %add3A_816, %mul3A_977 : vector<16xf32>
            %add3A_979 = arith.constant 3 : i32
            %add3A_980 = arith.addi %add3A_412, %add3A_979 : i32
            %get3A_981 = arith.index_cast %rem3A_51 : i32 to index
            %get3A_982 = arith.index_cast %add3A_980 : i32 to index
            %get3A_983 = arith.constant 112 : index
            %get3A_984 = tpu.vector_load %arg10[%get3A_981, %get3A_982, %get3A_983] {strides = array<i32>} : memref<3x64x512xf32, #tpu.memory_space<vmem>>, vector<1x1x16xf32>,
            %get3A_985 = vector.shape_cast %get3A_984 : vector<1x1x16xf32> to vector<16xf32>
            %mul3A_986 = vector.broadcast %squeeze3A_908 : f32 to vector<16xf32>
            %mul3A_987 = arith.mulf %get3A_985, %mul3A_986 : vector<16xf32>
            %add3A_988 = arith.addf %add3A_826, %mul3A_987 : vector<16xf32>
            %add3A_989 = arith.constant 3 : i32
            %add3A_990 = arith.addi %add3A_412, %add3A_989 : i32
            %get3A_991 = arith.index_cast %rem3A_51 : i32 to index
            %get3A_992 = arith.index_cast %add3A_990 : i32 to index
            %get3A_993 = arith.constant 128 : index
            %get3A_994 = tpu.vector_load %arg10[%get3A_991, %get3A_992, %get3A_993] {strides = array<i32>} : memref<3x64x512xf32, #tpu.memory_space<vmem>>, vector<1x1x16xf32>,
            %get3A_995 = vector.shape_cast %get3A_994 : vector<1x1x16xf32> to vector<16xf32>
            %mul3A_996 = vector.broadcast %squeeze3A_908 : f32 to vector<16xf32>
            %mul3A_997 = arith.mulf %get3A_995, %mul3A_996 : vector<16xf32>
            %add3A_998 = arith.addf %add3A_836, %mul3A_997 : vector<16xf32>
            %add3A_999 = arith.constant 3 : i32
            %add3A_1000 = arith.addi %add3A_412, %add3A_999 : i32
            %get3A_1001 = arith.index_cast %rem3A_51 : i32 to index
            %get3A_1002 = arith.index_cast %add3A_1000 : i32 to index
            %get3A_1003 = arith.constant 144 : index
            %get3A_1004 = tpu.vector_load %arg10[%get3A_1001, %get3A_1002, %get3A_1003] {strides = array<i32>} : memref<3x64x512xf32, #tpu.memory_space<vmem>>, vector<1x1x16xf32>,
            %get3A_1005 = vector.shape_cast %get3A_1004 : vector<1x1x16xf32> to vector<16xf32>
            %mul3A_1006 = vector.broadcast %squeeze3A_908 : f32 to vector<16xf32>
            %mul3A_1007 = arith.mulf %get3A_1005, %mul3A_1006 : vector<16xf32>
            %add3A_1008 = arith.addf %add3A_846, %mul3A_1007 : vector<16xf32>
            %add3A_1009 = arith.constant 3 : i32
            %add3A_1010 = arith.addi %add3A_412, %add3A_1009 : i32
            %get3A_1011 = arith.index_cast %rem3A_51 : i32 to index
            %get3A_1012 = arith.index_cast %add3A_1010 : i32 to index
            %get3A_1013 = arith.constant 160 : index
            %get3A_1014 = tpu.vector_load %arg10[%get3A_1011, %get3A_1012, %get3A_1013] {strides = array<i32>} : memref<3x64x512xf32, #tpu.memory_space<vmem>>, vector<1x1x16xf32>,
            %get3A_1015 = vector.shape_cast %get3A_1014 : vector<1x1x16xf32> to vector<16xf32>
            %mul3A_1016 = vector.broadcast %squeeze3A_908 : f32 to vector<16xf32>
            %mul3A_1017 = arith.mulf %get3A_1015, %mul3A_1016 : vector<16xf32>
            %add3A_1018 = arith.addf %add3A_856, %mul3A_1017 : vector<16xf32>
            %add3A_1019 = arith.constant 3 : i32
            %add3A_1020 = arith.addi %add3A_412, %add3A_1019 : i32
            %get3A_1021 = arith.index_cast %rem3A_51 : i32 to index
            %get3A_1022 = arith.index_cast %add3A_1020 : i32 to index
            %get3A_1023 = arith.constant 176 : index
            %get3A_1024 = tpu.vector_load %arg10[%get3A_1021, %get3A_1022, %get3A_1023] {strides = array<i32>} : memref<3x64x512xf32, #tpu.memory_space<vmem>>, vector<1x1x16xf32>,
            %get3A_1025 = vector.shape_cast %get3A_1024 : vector<1x1x16xf32> to vector<16xf32>
            %mul3A_1026 = vector.broadcast %squeeze3A_908 : f32 to vector<16xf32>
            %mul3A_1027 = arith.mulf %get3A_1025, %mul3A_1026 : vector<16xf32>
            %add3A_1028 = arith.addf %add3A_866, %mul3A_1027 : vector<16xf32>
            %add3A_1029 = arith.constant 3 : i32
            %add3A_1030 = arith.addi %add3A_412, %add3A_1029 : i32
            %get3A_1031 = arith.index_cast %rem3A_51 : i32 to index
            %get3A_1032 = arith.index_cast %add3A_1030 : i32 to index
            %get3A_1033 = arith.constant 192 : index
            %get3A_1034 = tpu.vector_load %arg10[%get3A_1031, %get3A_1032, %get3A_1033] {strides = array<i32>} : memref<3x64x512xf32, #tpu.memory_space<vmem>>, vector<1x1x16xf32>,
            %get3A_1035 = vector.shape_cast %get3A_1034 : vector<1x1x16xf32> to vector<16xf32>
            %mul3A_1036 = vector.broadcast %squeeze3A_908 : f32 to vector<16xf32>
            %mul3A_1037 = arith.mulf %get3A_1035, %mul3A_1036 : vector<16xf32>
            %add3A_1038 = arith.addf %add3A_876, %mul3A_1037 : vector<16xf32>
            %add3A_1039 = arith.constant 3 : i32
            %add3A_1040 = arith.addi %add3A_412, %add3A_1039 : i32
            %get3A_1041 = arith.index_cast %rem3A_51 : i32 to index
            %get3A_1042 = arith.index_cast %add3A_1040 : i32 to index
            %get3A_1043 = arith.constant 208 : index
            %get3A_1044 = tpu.vector_load %arg10[%get3A_1041, %get3A_1042, %get3A_1043] {strides = array<i32>} : memref<3x64x512xf32, #tpu.memory_space<vmem>>, vector<1x1x16xf32>,
            %get3A_1045 = vector.shape_cast %get3A_1044 : vector<1x1x16xf32> to vector<16xf32>
            %mul3A_1046 = vector.broadcast %squeeze3A_908 : f32 to vector<16xf32>
            %mul3A_1047 = arith.mulf %get3A_1045, %mul3A_1046 : vector<16xf32>
            %add3A_1048 = arith.addf %add3A_886, %mul3A_1047 : vector<16xf32>
            %add3A_1049 = arith.constant 3 : i32
            %add3A_1050 = arith.addi %add3A_412, %add3A_1049 : i32
            %get3A_1051 = arith.index_cast %rem3A_51 : i32 to index
            %get3A_1052 = arith.index_cast %add3A_1050 : i32 to index
            %get3A_1053 = arith.constant 224 : index
            %get3A_1054 = tpu.vector_load %arg10[%get3A_1051, %get3A_1052, %get3A_1053] {strides = array<i32>} : memref<3x64x512xf32, #tpu.memory_space<vmem>>, vector<1x1x16xf32>,
            %get3A_1055 = vector.shape_cast %get3A_1054 : vector<1x1x16xf32> to vector<16xf32>
            %mul3A_1056 = vector.broadcast %squeeze3A_908 : f32 to vector<16xf32>
            %mul3A_1057 = arith.mulf %get3A_1055, %mul3A_1056 : vector<16xf32>
            %add3A_1058 = arith.addf %add3A_896, %mul3A_1057 : vector<16xf32>
            %add3A_1059 = arith.constant 3 : i32
            %add3A_1060 = arith.addi %add3A_412, %add3A_1059 : i32
            %get3A_1061 = arith.index_cast %rem3A_51 : i32 to index
            %get3A_1062 = arith.index_cast %add3A_1060 : i32 to index
            %get3A_1063 = arith.constant 240 : index
            %get3A_1064 = tpu.vector_load %arg10[%get3A_1061, %get3A_1062, %get3A_1063] {strides = array<i32>} : memref<3x64x512xf32, #tpu.memory_space<vmem>>, vector<1x1x16xf32>,
            %get3A_1065 = vector.shape_cast %get3A_1064 : vector<1x1x16xf32> to vector<16xf32>
            %mul3A_1066 = vector.broadcast %squeeze3A_908 : f32 to vector<16xf32>
            %mul3A_1067 = arith.mulf %get3A_1065, %mul3A_1066 : vector<16xf32>
            %add3A_1068 = arith.addf %add3A_906, %mul3A_1067 : vector<16xf32>
            scf.yield %add3A_918, %add3A_928, %add3A_938, %add3A_948, %add3A_958, %add3A_968, %add3A_978, %add3A_988, %add3A_998, %add3A_1008, %add3A_1018, %add3A_1028, %add3A_1038, %add3A_1048, %add3A_1058, %add3A_1068 : vector<16xf32>, vector<16xf32>, vector<16xf32>, vector<16xf32>, vector<16xf32>, vector<16xf32>, vector<16xf32>, vector<16xf32>, vector<16xf32>, vector<16xf32>, vector<16xf32>, vector<16xf32>, vector<16xf32>, vector<16xf32>, vector<16xf32>, vector<16xf32>
          }
          %while3A_163 = arith.constant 1 : i32
          %while3A_164:16 = scf.for %while3A_393 = %while3A_160 to %while3A_156 step %while3A_163 iter_args(%while3A_394 = %while3A_162#0, %while3A_395 = %while3A_162#1, %while3A_396 = %while3A_162#2, %while3A_397 = %while3A_162#3, %while3A_398 = %while3A_162#4, %while3A_399 = %while3A_162#5, %while3A_400 = %while3A_162#6, %while3A_401 = %while3A_162#7, %while3A_402 = %while3A_162#8, %while3A_403 = %while3A_162#9, %while3A_404 = %while3A_162#10, %while3A_405 = %while3A_162#11, %while3A_406 = %while3A_162#12, %while3A_407 = %while3A_162#13, %while3A_408 = %while3A_162#14, %while3A_409 = %while3A_162#15) -> (vector<16xf32>, vector<16xf32>, vector<16xf32>, vector<16xf32>, vector<16xf32>, vector<16xf32>, vector<16xf32>, vector<16xf32>, vector<16xf32>, vector<16xf32>, vector<16xf32>, vector<16xf32>, vector<16xf32>, vector<16xf32>, vector<16xf32>, vector<16xf32>)  : i32 {
            %mul3A_410 = arith.constant 4 : i32
            %mul3A_411 = arith.muli %while3A_393, %mul3A_410 : i32
            %add3A_412 = arith.addi %min3A, %mul3A_411 : i32
            %mul3A_413 = arith.constant 64 : i32
            %mul3A_414 = arith.muli %scan3A_49, %mul3A_413 : i32
            %add3A_415 = arith.addi %mul3A_414, %add3A_412 : i32
            %get3A_416 = arith.index_cast %add3A_415 : i32 to index
            %get3A_417 = tpu.vector_load %arg16[%get3A_416] {strides = array<i32>} : memref<1040xf32, #tpu.memory_space<vmem>>, vector<16xf32>,
            %get3A_418 = vector.shape_cast %get3A_417 : vector<16xf32> to vector<16xf32>
            %sub3A_419 = vector.broadcast %squeeze3A_99 : f32 to vector<16xf32>
            %sub3A_420 = arith.subf %get3A_418, %sub3A_419 : vector<16xf32>
            %exp3A = math.exp %sub3A_420 : vector<16xf32>
            %slice3A_421 = vector.extract_strided_slice %exp3A {offsets = [0], sizes = [1], strides = [1]} : vector<16xf32> to vector<1xf32>
            %squeeze3A_422 = vector.extract %slice3A_421[0] : f32 from vector<1xf32>
            %add3A_423 = arith.constant 0 : i32
            %add3A_424 = arith.addi %add3A_412, %add3A_423 : i32
            %get3A_425 = arith.index_cast %rem3A_51 : i32 to index
            %get3A_426 = arith.index_cast %add3A_424 : i32 to index
            %get3A_427 = arith.constant 0 : index
            %get3A_428 = tpu.vector_load %arg10[%get3A_425, %get3A_426, %get3A_427] {strides = array<i32>} : memref<3x64x512xf32, #tpu.memory_space<vmem>>, vector<1x1x16xf32>,
            %get3A_429 = vector.shape_cast %get3A_428 : vector<1x1x16xf32> to vector<16xf32>
            %mul3A_430 = vector.broadcast %squeeze3A_422 : f32 to vector<16xf32>
            %mul3A_431 = arith.mulf %get3A_429, %mul3A_430 : vector<16xf32>
            %add3A_432 = arith.addf %while3A_394, %mul3A_431 : vector<16xf32>
            %add3A_433 = arith.constant 0 : i32
            %add3A_434 = arith.addi %add3A_412, %add3A_433 : i32
            %get3A_435 = arith.index_cast %rem3A_51 : i32 to index
            %get3A_436 = arith.index_cast %add3A_434 : i32 to index
            %get3A_437 = arith.constant 16 : index
            %get3A_438 = tpu.vector_load %arg10[%get3A_435, %get3A_436, %get3A_437] {strides = array<i32>} : memref<3x64x512xf32, #tpu.memory_space<vmem>>, vector<1x1x16xf32>,
            %get3A_439 = vector.shape_cast %get3A_438 : vector<1x1x16xf32> to vector<16xf32>
            %mul3A_440 = vector.broadcast %squeeze3A_422 : f32 to vector<16xf32>
            %mul3A_441 = arith.mulf %get3A_439, %mul3A_440 : vector<16xf32>
            %add3A_442 = arith.addf %while3A_395, %mul3A_441 : vector<16xf32>
            %add3A_443 = arith.constant 0 : i32
            %add3A_444 = arith.addi %add3A_412, %add3A_443 : i32
            %get3A_445 = arith.index_cast %rem3A_51 : i32 to index
            %get3A_446 = arith.index_cast %add3A_444 : i32 to index
            %get3A_447 = arith.constant 32 : index
            %get3A_448 = tpu.vector_load %arg10[%get3A_445, %get3A_446, %get3A_447] {strides = array<i32>} : memref<3x64x512xf32, #tpu.memory_space<vmem>>, vector<1x1x16xf32>,
            %get3A_449 = vector.shape_cast %get3A_448 : vector<1x1x16xf32> to vector<16xf32>
            %mul3A_450 = vector.broadcast %squeeze3A_422 : f32 to vector<16xf32>
            %mul3A_451 = arith.mulf %get3A_449, %mul3A_450 : vector<16xf32>
            %add3A_452 = arith.addf %while3A_396, %mul3A_451 : vector<16xf32>
            %add3A_453 = arith.constant 0 : i32
            %add3A_454 = arith.addi %add3A_412, %add3A_453 : i32
            %get3A_455 = arith.index_cast %rem3A_51 : i32 to index
            %get3A_456 = arith.index_cast %add3A_454 : i32 to index
            %get3A_457 = arith.constant 48 : index
            %get3A_458 = tpu.vector_load %arg10[%get3A_455, %get3A_456, %get3A_457] {strides = array<i32>} : memref<3x64x512xf32, #tpu.memory_space<vmem>>, vector<1x1x16xf32>,
            %get3A_459 = vector.shape_cast %get3A_458 : vector<1x1x16xf32> to vector<16xf32>
            %mul3A_460 = vector.broadcast %squeeze3A_422 : f32 to vector<16xf32>
            %mul3A_461 = arith.mulf %get3A_459, %mul3A_460 : vector<16xf32>
            %add3A_462 = arith.addf %while3A_397, %mul3A_461 : vector<16xf32>
            %add3A_463 = arith.constant 0 : i32
            %add3A_464 = arith.addi %add3A_412, %add3A_463 : i32
            %get3A_465 = arith.index_cast %rem3A_51 : i32 to index
            %get3A_466 = arith.index_cast %add3A_464 : i32 to index
            %get3A_467 = arith.constant 64 : index
            %get3A_468 = tpu.vector_load %arg10[%get3A_465, %get3A_466, %get3A_467] {strides = array<i32>} : memref<3x64x512xf32, #tpu.memory_space<vmem>>, vector<1x1x16xf32>,
            %get3A_469 = vector.shape_cast %get3A_468 : vector<1x1x16xf32> to vector<16xf32>
            %mul3A_470 = vector.broadcast %squeeze3A_422 : f32 to vector<16xf32>
            %mul3A_471 = arith.mulf %get3A_469, %mul3A_470 : vector<16xf32>
            %add3A_472 = arith.addf %while3A_398, %mul3A_471 : vector<16xf32>
            %add3A_473 = arith.constant 0 : i32
            %add3A_474 = arith.addi %add3A_412, %add3A_473 : i32
            %get3A_475 = arith.index_cast %rem3A_51 : i32 to index
            %get3A_476 = arith.index_cast %add3A_474 : i32 to index
            %get3A_477 = arith.constant 80 : index
            %get3A_478 = tpu.vector_load %arg10[%get3A_475, %get3A_476, %get3A_477] {strides = array<i32>} : memref<3x64x512xf32, #tpu.memory_space<vmem>>, vector<1x1x16xf32>,
            %get3A_479 = vector.shape_cast %get3A_478 : vector<1x1x16xf32> to vector<16xf32>
            %mul3A_480 = vector.broadcast %squeeze3A_422 : f32 to vector<16xf32>
            %mul3A_481 = arith.mulf %get3A_479, %mul3A_480 : vector<16xf32>
            %add3A_482 = arith.addf %while3A_399, %mul3A_481 : vector<16xf32>
            %add3A_483 = arith.constant 0 : i32
            %add3A_484 = arith.addi %add3A_412, %add3A_483 : i32
            %get3A_485 = arith.index_cast %rem3A_51 : i32 to index
            %get3A_486 = arith.index_cast %add3A_484 : i32 to index
            %get3A_487 = arith.constant 96 : index
            %get3A_488 = tpu.vector_load %arg10[%get3A_485, %get3A_486, %get3A_487] {strides = array<i32>} : memref<3x64x512xf32, #tpu.memory_space<vmem>>, vector<1x1x16xf32>,
            %get3A_489 = vector.shape_cast %get3A_488 : vector<1x1x16xf32> to vector<16xf32>
            %mul3A_490 = vector.broadcast %squeeze3A_422 : f32 to vector<16xf32>
            %mul3A_491 = arith.mulf %get3A_489, %mul3A_490 : vector<16xf32>
            %add3A_492 = arith.addf %while3A_400, %mul3A_491 : vector<16xf32>
            %add3A_493 = arith.constant 0 : i32
            %add3A_494 = arith.addi %add3A_412, %add3A_493 : i32
            %get3A_495 = arith.index_cast %rem3A_51 : i32 to index
            %get3A_496 = arith.index_cast %add3A_494 : i32 to index
            %get3A_497 = arith.constant 112 : index
            %get3A_498 = tpu.vector_load %arg10[%get3A_495, %get3A_496, %get3A_497] {strides = array<i32>} : memref<3x64x512xf32, #tpu.memory_space<vmem>>, vector<1x1x16xf32>,
            %get3A_499 = vector.shape_cast %get3A_498 : vector<1x1x16xf32> to vector<16xf32>
            %mul3A_500 = vector.broadcast %squeeze3A_422 : f32 to vector<16xf32>
            %mul3A_501 = arith.mulf %get3A_499, %mul3A_500 : vector<16xf32>
            %add3A_502 = arith.addf %while3A_401, %mul3A_501 : vector<16xf32>
            %add3A_503 = arith.constant 0 : i32
            %add3A_504 = arith.addi %add3A_412, %add3A_503 : i32
            %get3A_505 = arith.index_cast %rem3A_51 : i32 to index
            %get3A_506 = arith.index_cast %add3A_504 : i32 to index
            %get3A_507 = arith.constant 128 : index
            %get3A_508 = tpu.vector_load %arg10[%get3A_505, %get3A_506, %get3A_507] {strides = array<i32>} : memref<3x64x512xf32, #tpu.memory_space<vmem>>, vector<1x1x16xf32>,
            %get3A_509 = vector.shape_cast %get3A_508 : vector<1x1x16xf32> to vector<16xf32>
            %mul3A_510 = vector.broadcast %squeeze3A_422 : f32 to vector<16xf32>
            %mul3A_511 = arith.mulf %get3A_509, %mul3A_510 : vector<16xf32>
            %add3A_512 = arith.addf %while3A_402, %mul3A_511 : vector<16xf32>
            %add3A_513 = arith.constant 0 : i32
            %add3A_514 = arith.addi %add3A_412, %add3A_513 : i32
            %get3A_515 = arith.index_cast %rem3A_51 : i32 to index
            %get3A_516 = arith.index_cast %add3A_514 : i32 to index
            %get3A_517 = arith.constant 144 : index
            %get3A_518 = tpu.vector_load %arg10[%get3A_515, %get3A_516, %get3A_517] {strides = array<i32>} : memref<3x64x512xf32, #tpu.memory_space<vmem>>, vector<1x1x16xf32>,
            %get3A_519 = vector.shape_cast %get3A_518 : vector<1x1x16xf32> to vector<16xf32>
            %mul3A_520 = vector.broadcast %squeeze3A_422 : f32 to vector<16xf32>
            %mul3A_521 = arith.mulf %get3A_519, %mul3A_520 : vector<16xf32>
            %add3A_522 = arith.addf %while3A_403, %mul3A_521 : vector<16xf32>
            %add3A_523 = arith.constant 0 : i32
            %add3A_524 = arith.addi %add3A_412, %add3A_523 : i32
            %get3A_525 = arith.index_cast %rem3A_51 : i32 to index
            %get3A_526 = arith.index_cast %add3A_524 : i32 to index
            %get3A_527 = arith.constant 160 : index
            %get3A_528 = tpu.vector_load %arg10[%get3A_525, %get3A_526, %get3A_527] {strides = array<i32>} : memref<3x64x512xf32, #tpu.memory_space<vmem>>, vector<1x1x16xf32>,
            %get3A_529 = vector.shape_cast %get3A_528 : vector<1x1x16xf32> to vector<16xf32>
            %mul3A_530 = vector.broadcast %squeeze3A_422 : f32 to vector<16xf32>
            %mul3A_531 = arith.mulf %get3A_529, %mul3A_530 : vector<16xf32>
            %add3A_532 = arith.addf %while3A_404, %mul3A_531 : vector<16xf32>
            %add3A_533 = arith.constant 0 : i32
            %add3A_534 = arith.addi %add3A_412, %add3A_533 : i32
            %get3A_535 = arith.index_cast %rem3A_51 : i32 to index
            %get3A_536 = arith.index_cast %add3A_534 : i32 to index
            %get3A_537 = arith.constant 176 : index
            %get3A_538 = tpu.vector_load %arg10[%get3A_535, %get3A_536, %get3A_537] {strides = array<i32>} : memref<3x64x512xf32, #tpu.memory_space<vmem>>, vector<1x1x16xf32>,
            %get3A_539 = vector.shape_cast %get3A_538 : vector<1x1x16xf32> to vector<16xf32>
            %mul3A_540 = vector.broadcast %squeeze3A_422 : f32 to vector<16xf32>
            %mul3A_541 = arith.mulf %get3A_539, %mul3A_540 : vector<16xf32>
            %add3A_542 = arith.addf %while3A_405, %mul3A_541 : vector<16xf32>
            %add3A_543 = arith.constant 0 : i32
            %add3A_544 = arith.addi %add3A_412, %add3A_543 : i32
            %get3A_545 = arith.index_cast %rem3A_51 : i32 to index
            %get3A_546 = arith.index_cast %add3A_544 : i32 to index
            %get3A_547 = arith.constant 192 : index
            %get3A_548 = tpu.vector_load %arg10[%get3A_545, %get3A_546, %get3A_547] {strides = array<i32>} : memref<3x64x512xf32, #tpu.memory_space<vmem>>, vector<1x1x16xf32>,
            %get3A_549 = vector.shape_cast %get3A_548 : vector<1x1x16xf32> to vector<16xf32>
            %mul3A_550 = vector.broadcast %squeeze3A_422 : f32 to vector<16xf32>
            %mul3A_551 = arith.mulf %get3A_549, %mul3A_550 : vector<16xf32>
            %add3A_552 = arith.addf %while3A_406, %mul3A_551 : vector<16xf32>
            %add3A_553 = arith.constant 0 : i32
            %add3A_554 = arith.addi %add3A_412, %add3A_553 : i32
            %get3A_555 = arith.index_cast %rem3A_51 : i32 to index
            %get3A_556 = arith.index_cast %add3A_554 : i32 to index
            %get3A_557 = arith.constant 208 : index
            %get3A_558 = tpu.vector_load %arg10[%get3A_555, %get3A_556, %get3A_557] {strides = array<i32>} : memref<3x64x512xf32, #tpu.memory_space<vmem>>, vector<1x1x16xf32>,
            %get3A_559 = vector.shape_cast %get3A_558 : vector<1x1x16xf32> to vector<16xf32>
            %mul3A_560 = vector.broadcast %squeeze3A_422 : f32 to vector<16xf32>
            %mul3A_561 = arith.mulf %get3A_559, %mul3A_560 : vector<16xf32>
            %add3A_562 = arith.addf %while3A_407, %mul3A_561 : vector<16xf32>
            %add3A_563 = arith.constant 0 : i32
            %add3A_564 = arith.addi %add3A_412, %add3A_563 : i32
            %get3A_565 = arith.index_cast %rem3A_51 : i32 to index
            %get3A_566 = arith.index_cast %add3A_564 : i32 to index
            %get3A_567 = arith.constant 224 : index
            %get3A_568 = tpu.vector_load %arg10[%get3A_565, %get3A_566, %get3A_567] {strides = array<i32>} : memref<3x64x512xf32, #tpu.memory_space<vmem>>, vector<1x1x16xf32>,
            %get3A_569 = vector.shape_cast %get3A_568 : vector<1x1x16xf32> to vector<16xf32>
            %mul3A_570 = vector.broadcast %squeeze3A_422 : f32 to vector<16xf32>
            %mul3A_571 = arith.mulf %get3A_569, %mul3A_570 : vector<16xf32>
            %add3A_572 = arith.addf %while3A_408, %mul3A_571 : vector<16xf32>
            %add3A_573 = arith.constant 0 : i32
            %add3A_574 = arith.addi %add3A_412, %add3A_573 : i32
            %get3A_575 = arith.index_cast %rem3A_51 : i32 to index
            %get3A_576 = arith.index_cast %add3A_574 : i32 to index
            %get3A_577 = arith.constant 240 : index
            %get3A_578 = tpu.vector_load %arg10[%get3A_575, %get3A_576, %get3A_577] {strides = array<i32>} : memref<3x64x512xf32, #tpu.memory_space<vmem>>, vector<1x1x16xf32>,
            %get3A_579 = vector.shape_cast %get3A_578 : vector<1x1x16xf32> to vector<16xf32>
            %mul3A_580 = vector.broadcast %squeeze3A_422 : f32 to vector<16xf32>
            %mul3A_581 = arith.mulf %get3A_579, %mul3A_580 : vector<16xf32>
            %add3A_582 = arith.addf %while3A_409, %mul3A_581 : vector<16xf32>
            %slice3A_583 = vector.extract_strided_slice %exp3A {offsets = [1], sizes = [1], strides = [1]} : vector<16xf32> to vector<1xf32>
            %squeeze3A_584 = vector.extract %slice3A_583[0] : f32 from vector<1xf32>
            %add3A_585 = arith.constant 1 : i32
            %add3A_586 = arith.addi %add3A_412, %add3A_585 : i32
            %get3A_587 = arith.index_cast %rem3A_51 : i32 to index
            %get3A_588 = arith.index_cast %add3A_586 : i32 to index
            %get3A_589 = arith.constant 0 : index
            %get3A_590 = tpu.vector_load %arg10[%get3A_587, %get3A_588, %get3A_589] {strides = array<i32>} : memref<3x64x512xf32, #tpu.memory_space<vmem>>, vector<1x1x16xf32>,
            %get3A_591 = vector.shape_cast %get3A_590 : vector<1x1x16xf32> to vector<16xf32>
            %mul3A_592 = vector.broadcast %squeeze3A_584 : f32 to vector<16xf32>
            %mul3A_593 = arith.mulf %get3A_591, %mul3A_592 : vector<16xf32>
            %add3A_594 = arith.addf %add3A_432, %mul3A_593 : vector<16xf32>
            %add3A_595 = arith.constant 1 : i32
            %add3A_596 = arith.addi %add3A_412, %add3A_595 : i32
            %get3A_597 = arith.index_cast %rem3A_51 : i32 to index
            %get3A_598 = arith.index_cast %add3A_596 : i32 to index
            %get3A_599 = arith.constant 16 : index
            %get3A_600 = tpu.vector_load %arg10[%get3A_597, %get3A_598, %get3A_599] {strides = array<i32>} : memref<3x64x512xf32, #tpu.memory_space<vmem>>, vector<1x1x16xf32>,
            %get3A_601 = vector.shape_cast %get3A_600 : vector<1x1x16xf32> to vector<16xf32>
            %mul3A_602 = vector.broadcast %squeeze3A_584 : f32 to vector<16xf32>
            %mul3A_603 = arith.mulf %get3A_601, %mul3A_602 : vector<16xf32>
            %add3A_604 = arith.addf %add3A_442, %mul3A_603 : vector<16xf32>
            %add3A_605 = arith.constant 1 : i32
            %add3A_606 = arith.addi %add3A_412, %add3A_605 : i32
            %get3A_607 = arith.index_cast %rem3A_51 : i32 to index
            %get3A_608 = arith.index_cast %add3A_606 : i32 to index
            %get3A_609 = arith.constant 32 : index
            %get3A_610 = tpu.vector_load %arg10[%get3A_607, %get3A_608, %get3A_609] {strides = array<i32>} : memref<3x64x512xf32, #tpu.memory_space<vmem>>, vector<1x1x16xf32>,
            %get3A_611 = vector.shape_cast %get3A_610 : vector<1x1x16xf32> to vector<16xf32>
            %mul3A_612 = vector.broadcast %squeeze3A_584 : f32 to vector<16xf32>
            %mul3A_613 = arith.mulf %get3A_611, %mul3A_612 : vector<16xf32>
            %add3A_614 = arith.addf %add3A_452, %mul3A_613 : vector<16xf32>
            %add3A_615 = arith.constant 1 : i32
            %add3A_616 = arith.addi %add3A_412, %add3A_615 : i32
            %get3A_617 = arith.index_cast %rem3A_51 : i32 to index
            %get3A_618 = arith.index_cast %add3A_616 : i32 to index
            %get3A_619 = arith.constant 48 : index
            %get3A_620 = tpu.vector_load %arg10[%get3A_617, %get3A_618, %get3A_619] {strides = array<i32>} : memref<3x64x512xf32, #tpu.memory_space<vmem>>, vector<1x1x16xf32>,
            %get3A_621 = vector.shape_cast %get3A_620 : vector<1x1x16xf32> to vector<16xf32>
            %mul3A_622 = vector.broadcast %squeeze3A_584 : f32 to vector<16xf32>
            %mul3A_623 = arith.mulf %get3A_621, %mul3A_622 : vector<16xf32>
            %add3A_624 = arith.addf %add3A_462, %mul3A_623 : vector<16xf32>
            %add3A_625 = arith.constant 1 : i32
            %add3A_626 = arith.addi %add3A_412, %add3A_625 : i32
            %get3A_627 = arith.index_cast %rem3A_51 : i32 to index
            %get3A_628 = arith.index_cast %add3A_626 : i32 to index
            %get3A_629 = arith.constant 64 : index
            %get3A_630 = tpu.vector_load %arg10[%get3A_627, %get3A_628, %get3A_629] {strides = array<i32>} : memref<3x64x512xf32, #tpu.memory_space<vmem>>, vector<1x1x16xf32>,
            %get3A_631 = vector.shape_cast %get3A_630 : vector<1x1x16xf32> to vector<16xf32>
            %mul3A_632 = vector.broadcast %squeeze3A_584 : f32 to vector<16xf32>
            %mul3A_633 = arith.mulf %get3A_631, %mul3A_632 : vector<16xf32>
            %add3A_634 = arith.addf %add3A_472, %mul3A_633 : vector<16xf32>
            %add3A_635 = arith.constant 1 : i32
            %add3A_636 = arith.addi %add3A_412, %add3A_635 : i32
            %get3A_637 = arith.index_cast %rem3A_51 : i32 to index
            %get3A_638 = arith.index_cast %add3A_636 : i32 to index
            %get3A_639 = arith.constant 80 : index
            %get3A_640 = tpu.vector_load %arg10[%get3A_637, %get3A_638, %get3A_639] {strides = array<i32>} : memref<3x64x512xf32, #tpu.memory_space<vmem>>, vector<1x1x16xf32>,
            %get3A_641 = vector.shape_cast %get3A_640 : vector<1x1x16xf32> to vector<16xf32>
            %mul3A_642 = vector.broadcast %squeeze3A_584 : f32 to vector<16xf32>
            %mul3A_643 = arith.mulf %get3A_641, %mul3A_642 : vector<16xf32>
            %add3A_644 = arith.addf %add3A_482, %mul3A_643 : vector<16xf32>
            %add3A_645 = arith.constant 1 : i32
            %add3A_646 = arith.addi %add3A_412, %add3A_645 : i32
            %get3A_647 = arith.index_cast %rem3A_51 : i32 to index
            %get3A_648 = arith.index_cast %add3A_646 : i32 to index
            %get3A_649 = arith.constant 96 : index
            %get3A_650 = tpu.vector_load %arg10[%get3A_647, %get3A_648, %get3A_649] {strides = array<i32>} : memref<3x64x512xf32, #tpu.memory_space<vmem>>, vector<1x1x16xf32>,
            %get3A_651 = vector.shape_cast %get3A_650 : vector<1x1x16xf32> to vector<16xf32>
            %mul3A_652 = vector.broadcast %squeeze3A_584 : f32 to vector<16xf32>
            %mul3A_653 = arith.mulf %get3A_651, %mul3A_652 : vector<16xf32>
            %add3A_654 = arith.addf %add3A_492, %mul3A_653 : vector<16xf32>
            %add3A_655 = arith.constant 1 : i32
            %add3A_656 = arith.addi %add3A_412, %add3A_655 : i32
            %get3A_657 = arith.index_cast %rem3A_51 : i32 to index
            %get3A_658 = arith.index_cast %add3A_656 : i32 to index
            %get3A_659 = arith.constant 112 : index
            %get3A_660 = tpu.vector_load %arg10[%get3A_657, %get3A_658, %get3A_659] {strides = array<i32>} : memref<3x64x512xf32, #tpu.memory_space<vmem>>, vector<1x1x16xf32>,
            %get3A_661 = vector.shape_cast %get3A_660 : vector<1x1x16xf32> to vector<16xf32>
            %mul3A_662 = vector.broadcast %squeeze3A_584 : f32 to vector<16xf32>
            %mul3A_663 = arith.mulf %get3A_661, %mul3A_662 : vector<16xf32>
            %add3A_664 = arith.addf %add3A_502, %mul3A_663 : vector<16xf32>
            %add3A_665 = arith.constant 1 : i32
            %add3A_666 = arith.addi %add3A_412, %add3A_665 : i32
            %get3A_667 = arith.index_cast %rem3A_51 : i32 to index
            %get3A_668 = arith.index_cast %add3A_666 : i32 to index
            %get3A_669 = arith.constant 128 : index
            %get3A_670 = tpu.vector_load %arg10[%get3A_667, %get3A_668, %get3A_669] {strides = array<i32>} : memref<3x64x512xf32, #tpu.memory_space<vmem>>, vector<1x1x16xf32>,
            %get3A_671 = vector.shape_cast %get3A_670 : vector<1x1x16xf32> to vector<16xf32>
            %mul3A_672 = vector.broadcast %squeeze3A_584 : f32 to vector<16xf32>
            %mul3A_673 = arith.mulf %get3A_671, %mul3A_672 : vector<16xf32>
            %add3A_674 = arith.addf %add3A_512, %mul3A_673 : vector<16xf32>
            %add3A_675 = arith.constant 1 : i32
            %add3A_676 = arith.addi %add3A_412, %add3A_675 : i32
            %get3A_677 = arith.index_cast %rem3A_51 : i32 to index
            %get3A_678 = arith.index_cast %add3A_676 : i32 to index
            %get3A_679 = arith.constant 144 : index
            %get3A_680 = tpu.vector_load %arg10[%get3A_677, %get3A_678, %get3A_679] {strides = array<i32>} : memref<3x64x512xf32, #tpu.memory_space<vmem>>, vector<1x1x16xf32>,
            %get3A_681 = vector.shape_cast %get3A_680 : vector<1x1x16xf32> to vector<16xf32>
            %mul3A_682 = vector.broadcast %squeeze3A_584 : f32 to vector<16xf32>
            %mul3A_683 = arith.mulf %get3A_681, %mul3A_682 : vector<16xf32>
            %add3A_684 = arith.addf %add3A_522, %mul3A_683 : vector<16xf32>
            %add3A_685 = arith.constant 1 : i32
            %add3A_686 = arith.addi %add3A_412, %add3A_685 : i32
            %get3A_687 = arith.index_cast %rem3A_51 : i32 to index
            %get3A_688 = arith.index_cast %add3A_686 : i32 to index
            %get3A_689 = arith.constant 160 : index
            %get3A_690 = tpu.vector_load %arg10[%get3A_687, %get3A_688, %get3A_689] {strides = array<i32>} : memref<3x64x512xf32, #tpu.memory_space<vmem>>, vector<1x1x16xf32>,
            %get3A_691 = vector.shape_cast %get3A_690 : vector<1x1x16xf32> to vector<16xf32>
            %mul3A_692 = vector.broadcast %squeeze3A_584 : f32 to vector<16xf32>
            %mul3A_693 = arith.mulf %get3A_691, %mul3A_692 : vector<16xf32>
            %add3A_694 = arith.addf %add3A_532, %mul3A_693 : vector<16xf32>
            %add3A_695 = arith.constant 1 : i32
            %add3A_696 = arith.addi %add3A_412, %add3A_695 : i32
            %get3A_697 = arith.index_cast %rem3A_51 : i32 to index
            %get3A_698 = arith.index_cast %add3A_696 : i32 to index
            %get3A_699 = arith.constant 176 : index
            %get3A_700 = tpu.vector_load %arg10[%get3A_697, %get3A_698, %get3A_699] {strides = array<i32>} : memref<3x64x512xf32, #tpu.memory_space<vmem>>, vector<1x1x16xf32>,
            %get3A_701 = vector.shape_cast %get3A_700 : vector<1x1x16xf32> to vector<16xf32>
            %mul3A_702 = vector.broadcast %squeeze3A_584 : f32 to vector<16xf32>
            %mul3A_703 = arith.mulf %get3A_701, %mul3A_702 : vector<16xf32>
            %add3A_704 = arith.addf %add3A_542, %mul3A_703 : vector<16xf32>
            %add3A_705 = arith.constant 1 : i32
            %add3A_706 = arith.addi %add3A_412, %add3A_705 : i32
            %get3A_707 = arith.index_cast %rem3A_51 : i32 to index
            %get3A_708 = arith.index_cast %add3A_706 : i32 to index
            %get3A_709 = arith.constant 192 : index
            %get3A_710 = tpu.vector_load %arg10[%get3A_707, %get3A_708, %get3A_709] {strides = array<i32>} : memref<3x64x512xf32, #tpu.memory_space<vmem>>, vector<1x1x16xf32>,
            %get3A_711 = vector.shape_cast %get3A_710 : vector<1x1x16xf32> to vector<16xf32>
            %mul3A_712 = vector.broadcast %squeeze3A_584 : f32 to vector<16xf32>
            %mul3A_713 = arith.mulf %get3A_711, %mul3A_712 : vector<16xf32>
            %add3A_714 = arith.addf %add3A_552, %mul3A_713 : vector<16xf32>
            %add3A_715 = arith.constant 1 : i32
            %add3A_716 = arith.addi %add3A_412, %add3A_715 : i32
            %get3A_717 = arith.index_cast %rem3A_51 : i32 to index
            %get3A_718 = arith.index_cast %add3A_716 : i32 to index
            %get3A_719 = arith.constant 208 : index
            %get3A_720 = tpu.vector_load %arg10[%get3A_717, %get3A_718, %get3A_719] {strides = array<i32>} : memref<3x64x512xf32, #tpu.memory_space<vmem>>, vector<1x1x16xf32>,
            %get3A_721 = vector.shape_cast %get3A_720 : vector<1x1x16xf32> to vector<16xf32>
            %mul3A_722 = vector.broadcast %squeeze3A_584 : f32 to vector<16xf32>
            %mul3A_723 = arith.mulf %get3A_721, %mul3A_722 : vector<16xf32>
            %add3A_724 = arith.addf %add3A_562, %mul3A_723 : vector<16xf32>
            %add3A_725 = arith.constant 1 : i32
            %add3A_726 = arith.addi %add3A_412, %add3A_725 : i32
            %get3A_727 = arith.index_cast %rem3A_51 : i32 to index
            %get3A_728 = arith.index_cast %add3A_726 : i32 to index
            %get3A_729 = arith.constant 224 : index
            %get3A_730 = tpu.vector_load %arg10[%get3A_727, %get3A_728, %get3A_729] {strides = array<i32>} : memref<3x64x512xf32, #tpu.memory_space<vmem>>, vector<1x1x16xf32>,
            %get3A_731 = vector.shape_cast %get3A_730 : vector<1x1x16xf32> to vector<16xf32>
            %mul3A_732 = vector.broadcast %squeeze3A_584 : f32 to vector<16xf32>
            %mul3A_733 = arith.mulf %get3A_731, %mul3A_732 : vector<16xf32>
            %add3A_734 = arith.addf %add3A_572, %mul3A_733 : vector<16xf32>
            %add3A_735 = arith.constant 1 : i32
            %add3A_736 = arith.addi %add3A_412, %add3A_735 : i32
            %get3A_737 = arith.index_cast %rem3A_51 : i32 to index
            %get3A_738 = arith.index_cast %add3A_736 : i32 to index
            %get3A_739 = arith.constant 240 : index
            %get3A_740 = tpu.vector_load %arg10[%get3A_737, %get3A_738, %get3A_739] {strides = array<i32>} : memref<3x64x512xf32, #tpu.memory_space<vmem>>, vector<1x1x16xf32>,
            %get3A_741 = vector.shape_cast %get3A_740 : vector<1x1x16xf32> to vector<16xf32>
            %mul3A_742 = vector.broadcast %squeeze3A_584 : f32 to vector<16xf32>
            %mul3A_743 = arith.mulf %get3A_741, %mul3A_742 : vector<16xf32>
            %add3A_744 = arith.addf %add3A_582, %mul3A_743 : vector<16xf32>
            %slice3A_745 = vector.extract_strided_slice %exp3A {offsets = [2], sizes = [1], strides = [1]} : vector<16xf32> to vector<1xf32>
            %squeeze3A_746 = vector.extract %slice3A_745[0] : f32 from vector<1xf32>
            %add3A_747 = arith.constant 2 : i32
            %add3A_748 = arith.addi %add3A_412, %add3A_747 : i32
            %get3A_749 = arith.index_cast %rem3A_51 : i32 to index
            %get3A_750 = arith.index_cast %add3A_748 : i32 to index
            %get3A_751 = arith.constant 0 : index
            %get3A_752 = tpu.vector_load %arg10[%get3A_749, %get3A_750, %get3A_751] {strides = array<i32>} : memref<3x64x512xf32, #tpu.memory_space<vmem>>, vector<1x1x16xf32>,
            %get3A_753 = vector.shape_cast %get3A_752 : vector<1x1x16xf32> to vector<16xf32>
            %mul3A_754 = vector.broadcast %squeeze3A_746 : f32 to vector<16xf32>
            %mul3A_755 = arith.mulf %get3A_753, %mul3A_754 : vector<16xf32>
            %add3A_756 = arith.addf %add3A_594, %mul3A_755 : vector<16xf32>
            %add3A_757 = arith.constant 2 : i32
            %add3A_758 = arith.addi %add3A_412, %add3A_757 : i32
            %get3A_759 = arith.index_cast %rem3A_51 : i32 to index
            %get3A_760 = arith.index_cast %add3A_758 : i32 to index
            %get3A_761 = arith.constant 16 : index
            %get3A_762 = tpu.vector_load %arg10[%get3A_759, %get3A_760, %get3A_761] {strides = array<i32>} : memref<3x64x512xf32, #tpu.memory_space<vmem>>, vector<1x1x16xf32>,
            %get3A_763 = vector.shape_cast %get3A_762 : vector<1x1x16xf32> to vector<16xf32>
            %mul3A_764 = vector.broadcast %squeeze3A_746 : f32 to vector<16xf32>
            %mul3A_765 = arith.mulf %get3A_763, %mul3A_764 : vector<16xf32>
            %add3A_766 = arith.addf %add3A_604, %mul3A_765 : vector<16xf32>
            %add3A_767 = arith.constant 2 : i32
            %add3A_768 = arith.addi %add3A_412, %add3A_767 : i32
            %get3A_769 = arith.index_cast %rem3A_51 : i32 to index
            %get3A_770 = arith.index_cast %add3A_768 : i32 to index
            %get3A_771 = arith.constant 32 : index
            %get3A_772 = tpu.vector_load %arg10[%get3A_769, %get3A_770, %get3A_771] {strides = array<i32>} : memref<3x64x512xf32, #tpu.memory_space<vmem>>, vector<1x1x16xf32>,
            %get3A_773 = vector.shape_cast %get3A_772 : vector<1x1x16xf32> to vector<16xf32>
            %mul3A_774 = vector.broadcast %squeeze3A_746 : f32 to vector<16xf32>
            %mul3A_775 = arith.mulf %get3A_773, %mul3A_774 : vector<16xf32>
            %add3A_776 = arith.addf %add3A_614, %mul3A_775 : vector<16xf32>
            %add3A_777 = arith.constant 2 : i32
            %add3A_778 = arith.addi %add3A_412, %add3A_777 : i32
            %get3A_779 = arith.index_cast %rem3A_51 : i32 to index
            %get3A_780 = arith.index_cast %add3A_778 : i32 to index
            %get3A_781 = arith.constant 48 : index
            %get3A_782 = tpu.vector_load %arg10[%get3A_779, %get3A_780, %get3A_781] {strides = array<i32>} : memref<3x64x512xf32, #tpu.memory_space<vmem>>, vector<1x1x16xf32>,
            %get3A_783 = vector.shape_cast %get3A_782 : vector<1x1x16xf32> to vector<16xf32>
            %mul3A_784 = vector.broadcast %squeeze3A_746 : f32 to vector<16xf32>
            %mul3A_785 = arith.mulf %get3A_783, %mul3A_784 : vector<16xf32>
            %add3A_786 = arith.addf %add3A_624, %mul3A_785 : vector<16xf32>
            %add3A_787 = arith.constant 2 : i32
            %add3A_788 = arith.addi %add3A_412, %add3A_787 : i32
            %get3A_789 = arith.index_cast %rem3A_51 : i32 to index
            %get3A_790 = arith.index_cast %add3A_788 : i32 to index
            %get3A_791 = arith.constant 64 : index
            %get3A_792 = tpu.vector_load %arg10[%get3A_789, %get3A_790, %get3A_791] {strides = array<i32>} : memref<3x64x512xf32, #tpu.memory_space<vmem>>, vector<1x1x16xf32>,
            %get3A_793 = vector.shape_cast %get3A_792 : vector<1x1x16xf32> to vector<16xf32>
            %mul3A_794 = vector.broadcast %squeeze3A_746 : f32 to vector<16xf32>
            %mul3A_795 = arith.mulf %get3A_793, %mul3A_794 : vector<16xf32>
            %add3A_796 = arith.addf %add3A_634, %mul3A_795 : vector<16xf32>
            %add3A_797 = arith.constant 2 : i32
            %add3A_798 = arith.addi %add3A_412, %add3A_797 : i32
            %get3A_799 = arith.index_cast %rem3A_51 : i32 to index
            %get3A_800 = arith.index_cast %add3A_798 : i32 to index
            %get3A_801 = arith.constant 80 : index
            %get3A_802 = tpu.vector_load %arg10[%get3A_799, %get3A_800, %get3A_801] {strides = array<i32>} : memref<3x64x512xf32, #tpu.memory_space<vmem>>, vector<1x1x16xf32>,
            %get3A_803 = vector.shape_cast %get3A_802 : vector<1x1x16xf32> to vector<16xf32>
            %mul3A_804 = vector.broadcast %squeeze3A_746 : f32 to vector<16xf32>
            %mul3A_805 = arith.mulf %get3A_803, %mul3A_804 : vector<16xf32>
            %add3A_806 = arith.addf %add3A_644, %mul3A_805 : vector<16xf32>
            %add3A_807 = arith.constant 2 : i32
            %add3A_808 = arith.addi %add3A_412, %add3A_807 : i32
            %get3A_809 = arith.index_cast %rem3A_51 : i32 to index
            %get3A_810 = arith.index_cast %add3A_808 : i32 to index
            %get3A_811 = arith.constant 96 : index
            %get3A_812 = tpu.vector_load %arg10[%get3A_809, %get3A_810, %get3A_811] {strides = array<i32>} : memref<3x64x512xf32, #tpu.memory_space<vmem>>, vector<1x1x16xf32>,
            %get3A_813 = vector.shape_cast %get3A_812 : vector<1x1x16xf32> to vector<16xf32>
            %mul3A_814 = vector.broadcast %squeeze3A_746 : f32 to vector<16xf32>
            %mul3A_815 = arith.mulf %get3A_813, %mul3A_814 : vector<16xf32>
            %add3A_816 = arith.addf %add3A_654, %mul3A_815 : vector<16xf32>
            %add3A_817 = arith.constant 2 : i32
            %add3A_818 = arith.addi %add3A_412, %add3A_817 : i32
            %get3A_819 = arith.index_cast %rem3A_51 : i32 to index
            %get3A_820 = arith.index_cast %add3A_818 : i32 to index
            %get3A_821 = arith.constant 112 : index
            %get3A_822 = tpu.vector_load %arg10[%get3A_819, %get3A_820, %get3A_821] {strides = array<i32>} : memref<3x64x512xf32, #tpu.memory_space<vmem>>, vector<1x1x16xf32>,
            %get3A_823 = vector.shape_cast %get3A_822 : vector<1x1x16xf32> to vector<16xf32>
            %mul3A_824 = vector.broadcast %squeeze3A_746 : f32 to vector<16xf32>
            %mul3A_825 = arith.mulf %get3A_823, %mul3A_824 : vector<16xf32>
            %add3A_826 = arith.addf %add3A_664, %mul3A_825 : vector<16xf32>
            %add3A_827 = arith.constant 2 : i32
            %add3A_828 = arith.addi %add3A_412, %add3A_827 : i32
            %get3A_829 = arith.index_cast %rem3A_51 : i32 to index
            %get3A_830 = arith.index_cast %add3A_828 : i32 to index
            %get3A_831 = arith.constant 128 : index
            %get3A_832 = tpu.vector_load %arg10[%get3A_829, %get3A_830, %get3A_831] {strides = array<i32>} : memref<3x64x512xf32, #tpu.memory_space<vmem>>, vector<1x1x16xf32>,
            %get3A_833 = vector.shape_cast %get3A_832 : vector<1x1x16xf32> to vector<16xf32>
            %mul3A_834 = vector.broadcast %squeeze3A_746 : f32 to vector<16xf32>
            %mul3A_835 = arith.mulf %get3A_833, %mul3A_834 : vector<16xf32>
            %add3A_836 = arith.addf %add3A_674, %mul3A_835 : vector<16xf32>
            %add3A_837 = arith.constant 2 : i32
            %add3A_838 = arith.addi %add3A_412, %add3A_837 : i32
            %get3A_839 = arith.index_cast %rem3A_51 : i32 to index
            %get3A_840 = arith.index_cast %add3A_838 : i32 to index
            %get3A_841 = arith.constant 144 : index
            %get3A_842 = tpu.vector_load %arg10[%get3A_839, %get3A_840, %get3A_841] {strides = array<i32>} : memref<3x64x512xf32, #tpu.memory_space<vmem>>, vector<1x1x16xf32>,
            %get3A_843 = vector.shape_cast %get3A_842 : vector<1x1x16xf32> to vector<16xf32>
            %mul3A_844 = vector.broadcast %squeeze3A_746 : f32 to vector<16xf32>
            %mul3A_845 = arith.mulf %get3A_843, %mul3A_844 : vector<16xf32>
            %add3A_846 = arith.addf %add3A_684, %mul3A_845 : vector<16xf32>
            %add3A_847 = arith.constant 2 : i32
            %add3A_848 = arith.addi %add3A_412, %add3A_847 : i32
            %get3A_849 = arith.index_cast %rem3A_51 : i32 to index
            %get3A_850 = arith.index_cast %add3A_848 : i32 to index
            %get3A_851 = arith.constant 160 : index
            %get3A_852 = tpu.vector_load %arg10[%get3A_849, %get3A_850, %get3A_851] {strides = array<i32>} : memref<3x64x512xf32, #tpu.memory_space<vmem>>, vector<1x1x16xf32>,
            %get3A_853 = vector.shape_cast %get3A_852 : vector<1x1x16xf32> to vector<16xf32>
            %mul3A_854 = vector.broadcast %squeeze3A_746 : f32 to vector<16xf32>
            %mul3A_855 = arith.mulf %get3A_853, %mul3A_854 : vector<16xf32>
            %add3A_856 = arith.addf %add3A_694, %mul3A_855 : vector<16xf32>
            %add3A_857 = arith.constant 2 : i32
            %add3A_858 = arith.addi %add3A_412, %add3A_857 : i32
            %get3A_859 = arith.index_cast %rem3A_51 : i32 to index
            %get3A_860 = arith.index_cast %add3A_858 : i32 to index
            %get3A_861 = arith.constant 176 : index
            %get3A_862 = tpu.vector_load %arg10[%get3A_859, %get3A_860, %get3A_861] {strides = array<i32>} : memref<3x64x512xf32, #tpu.memory_space<vmem>>, vector<1x1x16xf32>,
            %get3A_863 = vector.shape_cast %get3A_862 : vector<1x1x16xf32> to vector<16xf32>
            %mul3A_864 = vector.broadcast %squeeze3A_746 : f32 to vector<16xf32>
            %mul3A_865 = arith.mulf %get3A_863, %mul3A_864 : vector<16xf32>
            %add3A_866 = arith.addf %add3A_704, %mul3A_865 : vector<16xf32>
            %add3A_867 = arith.constant 2 : i32
            %add3A_868 = arith.addi %add3A_412, %add3A_867 : i32
            %get3A_869 = arith.index_cast %rem3A_51 : i32 to index
            %get3A_870 = arith.index_cast %add3A_868 : i32 to index
            %get3A_871 = arith.constant 192 : index
            %get3A_872 = tpu.vector_load %arg10[%get3A_869, %get3A_870, %get3A_871] {strides = array<i32>} : memref<3x64x512xf32, #tpu.memory_space<vmem>>, vector<1x1x16xf32>,
            %get3A_873 = vector.shape_cast %get3A_872 : vector<1x1x16xf32> to vector<16xf32>
            %mul3A_874 = vector.broadcast %squeeze3A_746 : f32 to vector<16xf32>
            %mul3A_875 = arith.mulf %get3A_873, %mul3A_874 : vector<16xf32>
            %add3A_876 = arith.addf %add3A_714, %mul3A_875 : vector<16xf32>
            %add3A_877 = arith.constant 2 : i32
            %add3A_878 = arith.addi %add3A_412, %add3A_877 : i32
            %get3A_879 = arith.index_cast %rem3A_51 : i32 to index
            %get3A_880 = arith.index_cast %add3A_878 : i32 to index
            %get3A_881 = arith.constant 208 : index
            %get3A_882 = tpu.vector_load %arg10[%get3A_879, %get3A_880, %get3A_881] {strides = array<i32>} : memref<3x64x512xf32, #tpu.memory_space<vmem>>, vector<1x1x16xf32>,
            %get3A_883 = vector.shape_cast %get3A_882 : vector<1x1x16xf32> to vector<16xf32>
            %mul3A_884 = vector.broadcast %squeeze3A_746 : f32 to vector<16xf32>
            %mul3A_885 = arith.mulf %get3A_883, %mul3A_884 : vector<16xf32>
            %add3A_886 = arith.addf %add3A_724, %mul3A_885 : vector<16xf32>
            %add3A_887 = arith.constant 2 : i32
            %add3A_888 = arith.addi %add3A_412, %add3A_887 : i32
            %get3A_889 = arith.index_cast %rem3A_51 : i32 to index
            %get3A_890 = arith.index_cast %add3A_888 : i32 to index
            %get3A_891 = arith.constant 224 : index
            %get3A_892 = tpu.vector_load %arg10[%get3A_889, %get3A_890, %get3A_891] {strides = array<i32>} : memref<3x64x512xf32, #tpu.memory_space<vmem>>, vector<1x1x16xf32>,
            %get3A_893 = vector.shape_cast %get3A_892 : vector<1x1x16xf32> to vector<16xf32>
            %mul3A_894 = vector.broadcast %squeeze3A_746 : f32 to vector<16xf32>
            %mul3A_895 = arith.mulf %get3A_893, %mul3A_894 : vector<16xf32>
            %add3A_896 = arith.addf %add3A_734, %mul3A_895 : vector<16xf32>
            %add3A_897 = arith.constant 2 : i32
            %add3A_898 = arith.addi %add3A_412, %add3A_897 : i32
            %get3A_899 = arith.index_cast %rem3A_51 : i32 to index
            %get3A_900 = arith.index_cast %add3A_898 : i32 to index
            %get3A_901 = arith.constant 240 : index
            %get3A_902 = tpu.vector_load %arg10[%get3A_899, %get3A_900, %get3A_901] {strides = array<i32>} : memref<3x64x512xf32, #tpu.memory_space<vmem>>, vector<1x1x16xf32>,
            %get3A_903 = vector.shape_cast %get3A_902 : vector<1x1x16xf32> to vector<16xf32>
            %mul3A_904 = vector.broadcast %squeeze3A_746 : f32 to vector<16xf32>
            %mul3A_905 = arith.mulf %get3A_903, %mul3A_904 : vector<16xf32>
            %add3A_906 = arith.addf %add3A_744, %mul3A_905 : vector<16xf32>
            %slice3A_907 = vector.extract_strided_slice %exp3A {offsets = [3], sizes = [1], strides = [1]} : vector<16xf32> to vector<1xf32>
            %squeeze3A_908 = vector.extract %slice3A_907[0] : f32 from vector<1xf32>
            %add3A_909 = arith.constant 3 : i32
            %add3A_910 = arith.addi %add3A_412, %add3A_909 : i32
            %get3A_911 = arith.index_cast %rem3A_51 : i32 to index
            %get3A_912 = arith.index_cast %add3A_910 : i32 to index
            %get3A_913 = arith.constant 0 : index
            %get3A_914 = tpu.vector_load %arg10[%get3A_911, %get3A_912, %get3A_913] {strides = array<i32>} : memref<3x64x512xf32, #tpu.memory_space<vmem>>, vector<1x1x16xf32>,
            %get3A_915 = vector.shape_cast %get3A_914 : vector<1x1x16xf32> to vector<16xf32>
            %mul3A_916 = vector.broadcast %squeeze3A_908 : f32 to vector<16xf32>
            %mul3A_917 = arith.mulf %get3A_915, %mul3A_916 : vector<16xf32>
            %add3A_918 = arith.addf %add3A_756, %mul3A_917 : vector<16xf32>
            %add3A_919 = arith.constant 3 : i32
            %add3A_920 = arith.addi %add3A_412, %add3A_919 : i32
            %get3A_921 = arith.index_cast %rem3A_51 : i32 to index
            %get3A_922 = arith.index_cast %add3A_920 : i32 to index
            %get3A_923 = arith.constant 16 : index
            %get3A_924 = tpu.vector_load %arg10[%get3A_921, %get3A_922, %get3A_923] {strides = array<i32>} : memref<3x64x512xf32, #tpu.memory_space<vmem>>, vector<1x1x16xf32>,
            %get3A_925 = vector.shape_cast %get3A_924 : vector<1x1x16xf32> to vector<16xf32>
            %mul3A_926 = vector.broadcast %squeeze3A_908 : f32 to vector<16xf32>
            %mul3A_927 = arith.mulf %get3A_925, %mul3A_926 : vector<16xf32>
            %add3A_928 = arith.addf %add3A_766, %mul3A_927 : vector<16xf32>
            %add3A_929 = arith.constant 3 : i32
            %add3A_930 = arith.addi %add3A_412, %add3A_929 : i32
            %get3A_931 = arith.index_cast %rem3A_51 : i32 to index
            %get3A_932 = arith.index_cast %add3A_930 : i32 to index
            %get3A_933 = arith.constant 32 : index
            %get3A_934 = tpu.vector_load %arg10[%get3A_931, %get3A_932, %get3A_933] {strides = array<i32>} : memref<3x64x512xf32, #tpu.memory_space<vmem>>, vector<1x1x16xf32>,
            %get3A_935 = vector.shape_cast %get3A_934 : vector<1x1x16xf32> to vector<16xf32>
            %mul3A_936 = vector.broadcast %squeeze3A_908 : f32 to vector<16xf32>
            %mul3A_937 = arith.mulf %get3A_935, %mul3A_936 : vector<16xf32>
            %add3A_938 = arith.addf %add3A_776, %mul3A_937 : vector<16xf32>
            %add3A_939 = arith.constant 3 : i32
            %add3A_940 = arith.addi %add3A_412, %add3A_939 : i32
            %get3A_941 = arith.index_cast %rem3A_51 : i32 to index
            %get3A_942 = arith.index_cast %add3A_940 : i32 to index
            %get3A_943 = arith.constant 48 : index
            %get3A_944 = tpu.vector_load %arg10[%get3A_941, %get3A_942, %get3A_943] {strides = array<i32>} : memref<3x64x512xf32, #tpu.memory_space<vmem>>, vector<1x1x16xf32>,
            %get3A_945 = vector.shape_cast %get3A_944 : vector<1x1x16xf32> to vector<16xf32>
            %mul3A_946 = vector.broadcast %squeeze3A_908 : f32 to vector<16xf32>
            %mul3A_947 = arith.mulf %get3A_945, %mul3A_946 : vector<16xf32>
            %add3A_948 = arith.addf %add3A_786, %mul3A_947 : vector<16xf32>
            %add3A_949 = arith.constant 3 : i32
            %add3A_950 = arith.addi %add3A_412, %add3A_949 : i32
            %get3A_951 = arith.index_cast %rem3A_51 : i32 to index
            %get3A_952 = arith.index_cast %add3A_950 : i32 to index
            %get3A_953 = arith.constant 64 : index
            %get3A_954 = tpu.vector_load %arg10[%get3A_951, %get3A_952, %get3A_953] {strides = array<i32>} : memref<3x64x512xf32, #tpu.memory_space<vmem>>, vector<1x1x16xf32>,
            %get3A_955 = vector.shape_cast %get3A_954 : vector<1x1x16xf32> to vector<16xf32>
            %mul3A_956 = vector.broadcast %squeeze3A_908 : f32 to vector<16xf32>
            %mul3A_957 = arith.mulf %get3A_955, %mul3A_956 : vector<16xf32>
            %add3A_958 = arith.addf %add3A_796, %mul3A_957 : vector<16xf32>
            %add3A_959 = arith.constant 3 : i32
            %add3A_960 = arith.addi %add3A_412, %add3A_959 : i32
            %get3A_961 = arith.index_cast %rem3A_51 : i32 to index
            %get3A_962 = arith.index_cast %add3A_960 : i32 to index
            %get3A_963 = arith.constant 80 : index
            %get3A_964 = tpu.vector_load %arg10[%get3A_961, %get3A_962, %get3A_963] {strides = array<i32>} : memref<3x64x512xf32, #tpu.memory_space<vmem>>, vector<1x1x16xf32>,
            %get3A_965 = vector.shape_cast %get3A_964 : vector<1x1x16xf32> to vector<16xf32>
            %mul3A_966 = vector.broadcast %squeeze3A_908 : f32 to vector<16xf32>
            %mul3A_967 = arith.mulf %get3A_965, %mul3A_966 : vector<16xf32>
            %add3A_968 = arith.addf %add3A_806, %mul3A_967 : vector<16xf32>
            %add3A_969 = arith.constant 3 : i32
            %add3A_970 = arith.addi %add3A_412, %add3A_969 : i32
            %get3A_971 = arith.index_cast %rem3A_51 : i32 to index
            %get3A_972 = arith.index_cast %add3A_970 : i32 to index
            %get3A_973 = arith.constant 96 : index
            %get3A_974 = tpu.vector_load %arg10[%get3A_971, %get3A_972, %get3A_973] {strides = array<i32>} : memref<3x64x512xf32, #tpu.memory_space<vmem>>, vector<1x1x16xf32>,
            %get3A_975 = vector.shape_cast %get3A_974 : vector<1x1x16xf32> to vector<16xf32>
            %mul3A_976 = vector.broadcast %squeeze3A_908 : f32 to vector<16xf32>
            %mul3A_977 = arith.mulf %get3A_975, %mul3A_976 : vector<16xf32>
            %add3A_978 = arith.addf %add3A_816, %mul3A_977 : vector<16xf32>
            %add3A_979 = arith.constant 3 : i32
            %add3A_980 = arith.addi %add3A_412, %add3A_979 : i32
            %get3A_981 = arith.index_cast %rem3A_51 : i32 to index
            %get3A_982 = arith.index_cast %add3A_980 : i32 to index
            %get3A_983 = arith.constant 112 : index
            %get3A_984 = tpu.vector_load %arg10[%get3A_981, %get3A_982, %get3A_983] {strides = array<i32>} : memref<3x64x512xf32, #tpu.memory_space<vmem>>, vector<1x1x16xf32>,
            %get3A_985 = vector.shape_cast %get3A_984 : vector<1x1x16xf32> to vector<16xf32>
            %mul3A_986 = vector.broadcast %squeeze3A_908 : f32 to vector<16xf32>
            %mul3A_987 = arith.mulf %get3A_985, %mul3A_986 : vector<16xf32>
            %add3A_988 = arith.addf %add3A_826, %mul3A_987 : vector<16xf32>
            %add3A_989 = arith.constant 3 : i32
            %add3A_990 = arith.addi %add3A_412, %add3A_989 : i32
            %get3A_991 = arith.index_cast %rem3A_51 : i32 to index
            %get3A_992 = arith.index_cast %add3A_990 : i32 to index
            %get3A_993 = arith.constant 128 : index
            %get3A_994 = tpu.vector_load %arg10[%get3A_991, %get3A_992, %get3A_993] {strides = array<i32>} : memref<3x64x512xf32, #tpu.memory_space<vmem>>, vector<1x1x16xf32>,
            %get3A_995 = vector.shape_cast %get3A_994 : vector<1x1x16xf32> to vector<16xf32>
            %mul3A_996 = vector.broadcast %squeeze3A_908 : f32 to vector<16xf32>
            %mul3A_997 = arith.mulf %get3A_995, %mul3A_996 : vector<16xf32>
            %add3A_998 = arith.addf %add3A_836, %mul3A_997 : vector<16xf32>
            %add3A_999 = arith.constant 3 : i32
            %add3A_1000 = arith.addi %add3A_412, %add3A_999 : i32
            %get3A_1001 = arith.index_cast %rem3A_51 : i32 to index
            %get3A_1002 = arith.index_cast %add3A_1000 : i32 to index
            %get3A_1003 = arith.constant 144 : index
            %get3A_1004 = tpu.vector_load %arg10[%get3A_1001, %get3A_1002, %get3A_1003] {strides = array<i32>} : memref<3x64x512xf32, #tpu.memory_space<vmem>>, vector<1x1x16xf32>,
            %get3A_1005 = vector.shape_cast %get3A_1004 : vector<1x1x16xf32> to vector<16xf32>
            %mul3A_1006 = vector.broadcast %squeeze3A_908 : f32 to vector<16xf32>
            %mul3A_1007 = arith.mulf %get3A_1005, %mul3A_1006 : vector<16xf32>
            %add3A_1008 = arith.addf %add3A_846, %mul3A_1007 : vector<16xf32>
            %add3A_1009 = arith.constant 3 : i32
            %add3A_1010 = arith.addi %add3A_412, %add3A_1009 : i32
            %get3A_1011 = arith.index_cast %rem3A_51 : i32 to index
            %get3A_1012 = arith.index_cast %add3A_1010 : i32 to index
            %get3A_1013 = arith.constant 160 : index
            %get3A_1014 = tpu.vector_load %arg10[%get3A_1011, %get3A_1012, %get3A_1013] {strides = array<i32>} : memref<3x64x512xf32, #tpu.memory_space<vmem>>, vector<1x1x16xf32>,
            %get3A_1015 = vector.shape_cast %get3A_1014 : vector<1x1x16xf32> to vector<16xf32>
            %mul3A_1016 = vector.broadcast %squeeze3A_908 : f32 to vector<16xf32>
            %mul3A_1017 = arith.mulf %get3A_1015, %mul3A_1016 : vector<16xf32>
            %add3A_1018 = arith.addf %add3A_856, %mul3A_1017 : vector<16xf32>
            %add3A_1019 = arith.constant 3 : i32
            %add3A_1020 = arith.addi %add3A_412, %add3A_1019 : i32
            %get3A_1021 = arith.index_cast %rem3A_51 : i32 to index
            %get3A_1022 = arith.index_cast %add3A_1020 : i32 to index
            %get3A_1023 = arith.constant 176 : index
            %get3A_1024 = tpu.vector_load %arg10[%get3A_1021, %get3A_1022, %get3A_1023] {strides = array<i32>} : memref<3x64x512xf32, #tpu.memory_space<vmem>>, vector<1x1x16xf32>,
            %get3A_1025 = vector.shape_cast %get3A_1024 : vector<1x1x16xf32> to vector<16xf32>
            %mul3A_1026 = vector.broadcast %squeeze3A_908 : f32 to vector<16xf32>
            %mul3A_1027 = arith.mulf %get3A_1025, %mul3A_1026 : vector<16xf32>
            %add3A_1028 = arith.addf %add3A_866, %mul3A_1027 : vector<16xf32>
            %add3A_1029 = arith.constant 3 : i32
            %add3A_1030 = arith.addi %add3A_412, %add3A_1029 : i32
            %get3A_1031 = arith.index_cast %rem3A_51 : i32 to index
            %get3A_1032 = arith.index_cast %add3A_1030 : i32 to index
            %get3A_1033 = arith.constant 192 : index
            %get3A_1034 = tpu.vector_load %arg10[%get3A_1031, %get3A_1032, %get3A_1033] {strides = array<i32>} : memref<3x64x512xf32, #tpu.memory_space<vmem>>, vector<1x1x16xf32>,
            %get3A_1035 = vector.shape_cast %get3A_1034 : vector<1x1x16xf32> to vector<16xf32>
            %mul3A_1036 = vector.broadcast %squeeze3A_908 : f32 to vector<16xf32>
            %mul3A_1037 = arith.mulf %get3A_1035, %mul3A_1036 : vector<16xf32>
            %add3A_1038 = arith.addf %add3A_876, %mul3A_1037 : vector<16xf32>
            %add3A_1039 = arith.constant 3 : i32
            %add3A_1040 = arith.addi %add3A_412, %add3A_1039 : i32
            %get3A_1041 = arith.index_cast %rem3A_51 : i32 to index
            %get3A_1042 = arith.index_cast %add3A_1040 : i32 to index
            %get3A_1043 = arith.constant 208 : index
            %get3A_1044 = tpu.vector_load %arg10[%get3A_1041, %get3A_1042, %get3A_1043] {strides = array<i32>} : memref<3x64x512xf32, #tpu.memory_space<vmem>>, vector<1x1x16xf32>,
            %get3A_1045 = vector.shape_cast %get3A_1044 : vector<1x1x16xf32> to vector<16xf32>
            %mul3A_1046 = vector.broadcast %squeeze3A_908 : f32 to vector<16xf32>
            %mul3A_1047 = arith.mulf %get3A_1045, %mul3A_1046 : vector<16xf32>
            %add3A_1048 = arith.addf %add3A_886, %mul3A_1047 : vector<16xf32>
            %add3A_1049 = arith.constant 3 : i32
            %add3A_1050 = arith.addi %add3A_412, %add3A_1049 : i32
            %get3A_1051 = arith.index_cast %rem3A_51 : i32 to index
            %get3A_1052 = arith.index_cast %add3A_1050 : i32 to index
            %get3A_1053 = arith.constant 224 : index
            %get3A_1054 = tpu.vector_load %arg10[%get3A_1051, %get3A_1052, %get3A_1053] {strides = array<i32>} : memref<3x64x512xf32, #tpu.memory_space<vmem>>, vector<1x1x16xf32>,
            %get3A_1055 = vector.shape_cast %get3A_1054 : vector<1x1x16xf32> to vector<16xf32>
            %mul3A_1056 = vector.broadcast %squeeze3A_908 : f32 to vector<16xf32>
            %mul3A_1057 = arith.mulf %get3A_1055, %mul3A_1056 : vector<16xf32>
            %add3A_1058 = arith.addf %add3A_896, %mul3A_1057 : vector<16xf32>
            %add3A_1059 = arith.constant 3 : i32
            %add3A_1060 = arith.addi %add3A_412, %add3A_1059 : i32
            %get3A_1061 = arith.index_cast %rem3A_51 : i32 to index
            %get3A_1062 = arith.index_cast %add3A_1060 : i32 to index
            %get3A_1063 = arith.constant 240 : index
            %get3A_1064 = tpu.vector_load %arg10[%get3A_1061, %get3A_1062, %get3A_1063] {strides = array<i32>} : memref<3x64x512xf32, #tpu.memory_space<vmem>>, vector<1x1x16xf32>,
            %get3A_1065 = vector.shape_cast %get3A_1064 : vector<1x1x16xf32> to vector<16xf32>
            %mul3A_1066 = vector.broadcast %squeeze3A_908 : f32 to vector<16xf32>
            %mul3A_1067 = arith.mulf %get3A_1065, %mul3A_1066 : vector<16xf32>
            %add3A_1068 = arith.addf %add3A_906, %mul3A_1067 : vector<16xf32>
            scf.yield %add3A_918, %add3A_928, %add3A_938, %add3A_948, %add3A_958, %add3A_968, %add3A_978, %add3A_988, %add3A_998, %add3A_1008, %add3A_1018, %add3A_1028, %add3A_1038, %add3A_1048, %add3A_1058, %add3A_1068 : vector<16xf32>, vector<16xf32>, vector<16xf32>, vector<16xf32>, vector<16xf32>, vector<16xf32>, vector<16xf32>, vector<16xf32>, vector<16xf32>, vector<16xf32>, vector<16xf32>, vector<16xf32>, vector<16xf32>, vector<16xf32>, vector<16xf32>, vector<16xf32>
          }
          %mul3A_165 = arith.constant 4 : i32
          %mul3A_166 = arith.muli %select_n3A, %mul3A_165 : i32
          %add3A_167 = arith.addi %min3A, %mul3A_166 : i32
          %while3A_168 = arith.subi %min3A_94, %add3A_167 : i32
          %while3A_169 = arith.addi %add3A_167, %while3A_168 : i32
          %while3A_170 = arith.constant 1 : i32
          %while3A_171 = arith.divsi %while3A_168, %while3A_170 : i32
          %while3A_172 = arith.muli %while3A_171, %while3A_170 : i32
          %while3A_173 = arith.addi %add3A_167, %while3A_172 : i32
          %while3A_174 = arith.constant 1 : i32
          %while3A_175:16 = scf.for %while3A_393 = %add3A_167 to %while3A_173 step %while3A_174 iter_args(%while3A_394 = %while3A_164#0, %while3A_395 = %while3A_164#1, %while3A_396 = %while3A_164#2, %while3A_397 = %while3A_164#3, %while3A_398 = %while3A_164#4, %while3A_399 = %while3A_164#5, %while3A_400 = %while3A_164#6, %while3A_401 = %while3A_164#7, %while3A_402 = %while3A_164#8, %while3A_403 = %while3A_164#9, %while3A_404 = %while3A_164#10, %while3A_405 = %while3A_164#11, %while3A_406 = %while3A_164#12, %while3A_407 = %while3A_164#13, %while3A_408 = %while3A_164#14, %while3A_409 = %while3A_164#15) -> (vector<16xf32>, vector<16xf32>, vector<16xf32>, vector<16xf32>, vector<16xf32>, vector<16xf32>, vector<16xf32>, vector<16xf32>, vector<16xf32>, vector<16xf32>, vector<16xf32>, vector<16xf32>, vector<16xf32>, vector<16xf32>, vector<16xf32>, vector<16xf32>)  : i32 {
            %mul3A_410 = arith.constant 64 : i32
            %mul3A_411 = arith.muli %scan3A_49, %mul3A_410 : i32
            %add3A_412 = arith.addi %mul3A_411, %while3A_393 : i32
            %get3A_413 = arith.index_cast %add3A_412 : i32 to index
            %get3A_414 = tpu.vector_load %arg16[%get3A_413] {strides = array<i32>} : memref<1040xf32, #tpu.memory_space<vmem>>, vector<16xf32>,
            %get3A_415 = vector.shape_cast %get3A_414 : vector<16xf32> to vector<16xf32>
            %slice3A_416 = vector.extract_strided_slice %get3A_415 {offsets = [0], sizes = [1], strides = [1]} : vector<16xf32> to vector<1xf32>
            %squeeze3A_417 = vector.extract %slice3A_416[0] : f32 from vector<1xf32>
            %sub3A_418 = arith.subf %squeeze3A_417, %squeeze3A_99 : f32
            %broadcast_in_dim3A_419 = vector.broadcast %sub3A_418 : f32 to vector<16xf32>
            %exp3A = math.exp %broadcast_in_dim3A_419 : vector<16xf32>
            %get3A_420 = arith.index_cast %rem3A_51 : i32 to index
            %get3A_421 = arith.index_cast %while3A_393 : i32 to index
            %get3A_422 = arith.constant 0 : index
            %get3A_423 = tpu.vector_load %arg10[%get3A_420, %get3A_421, %get3A_422] {strides = array<i32>} : memref<3x64x512xf32, #tpu.memory_space<vmem>>, vector<1x1x16xf32>,
            %get3A_424 = vector.shape_cast %get3A_423 : vector<1x1x16xf32> to vector<16xf32>
            %mul3A_425 = arith.mulf %get3A_424, %exp3A : vector<16xf32>
            %add3A_426 = arith.addf %while3A_394, %mul3A_425 : vector<16xf32>
            %get3A_427 = arith.index_cast %rem3A_51 : i32 to index
            %get3A_428 = arith.index_cast %while3A_393 : i32 to index
            %get3A_429 = arith.constant 16 : index
            %get3A_430 = tpu.vector_load %arg10[%get3A_427, %get3A_428, %get3A_429] {strides = array<i32>} : memref<3x64x512xf32, #tpu.memory_space<vmem>>, vector<1x1x16xf32>,
            %get3A_431 = vector.shape_cast %get3A_430 : vector<1x1x16xf32> to vector<16xf32>
            %mul3A_432 = arith.mulf %get3A_431, %exp3A : vector<16xf32>
            %add3A_433 = arith.addf %while3A_395, %mul3A_432 : vector<16xf32>
            %get3A_434 = arith.index_cast %rem3A_51 : i32 to index
            %get3A_435 = arith.index_cast %while3A_393 : i32 to index
            %get3A_436 = arith.constant 32 : index
            %get3A_437 = tpu.vector_load %arg10[%get3A_434, %get3A_435, %get3A_436] {strides = array<i32>} : memref<3x64x512xf32, #tpu.memory_space<vmem>>, vector<1x1x16xf32>,
            %get3A_438 = vector.shape_cast %get3A_437 : vector<1x1x16xf32> to vector<16xf32>
            %mul3A_439 = arith.mulf %get3A_438, %exp3A : vector<16xf32>
            %add3A_440 = arith.addf %while3A_396, %mul3A_439 : vector<16xf32>
            %get3A_441 = arith.index_cast %rem3A_51 : i32 to index
            %get3A_442 = arith.index_cast %while3A_393 : i32 to index
            %get3A_443 = arith.constant 48 : index
            %get3A_444 = tpu.vector_load %arg10[%get3A_441, %get3A_442, %get3A_443] {strides = array<i32>} : memref<3x64x512xf32, #tpu.memory_space<vmem>>, vector<1x1x16xf32>,
            %get3A_445 = vector.shape_cast %get3A_444 : vector<1x1x16xf32> to vector<16xf32>
            %mul3A_446 = arith.mulf %get3A_445, %exp3A : vector<16xf32>
            %add3A_447 = arith.addf %while3A_397, %mul3A_446 : vector<16xf32>
            %get3A_448 = arith.index_cast %rem3A_51 : i32 to index
            %get3A_449 = arith.index_cast %while3A_393 : i32 to index
            %get3A_450 = arith.constant 64 : index
            %get3A_451 = tpu.vector_load %arg10[%get3A_448, %get3A_449, %get3A_450] {strides = array<i32>} : memref<3x64x512xf32, #tpu.memory_space<vmem>>, vector<1x1x16xf32>,
            %get3A_452 = vector.shape_cast %get3A_451 : vector<1x1x16xf32> to vector<16xf32>
            %mul3A_453 = arith.mulf %get3A_452, %exp3A : vector<16xf32>
            %add3A_454 = arith.addf %while3A_398, %mul3A_453 : vector<16xf32>
            %get3A_455 = arith.index_cast %rem3A_51 : i32 to index
            %get3A_456 = arith.index_cast %while3A_393 : i32 to index
            %get3A_457 = arith.constant 80 : index
            %get3A_458 = tpu.vector_load %arg10[%get3A_455, %get3A_456, %get3A_457] {strides = array<i32>} : memref<3x64x512xf32, #tpu.memory_space<vmem>>, vector<1x1x16xf32>,
            %get3A_459 = vector.shape_cast %get3A_458 : vector<1x1x16xf32> to vector<16xf32>
            %mul3A_460 = arith.mulf %get3A_459, %exp3A : vector<16xf32>
            %add3A_461 = arith.addf %while3A_399, %mul3A_460 : vector<16xf32>
            %get3A_462 = arith.index_cast %rem3A_51 : i32 to index
            %get3A_463 = arith.index_cast %while3A_393 : i32 to index
            %get3A_464 = arith.constant 96 : index
            %get3A_465 = tpu.vector_load %arg10[%get3A_462, %get3A_463, %get3A_464] {strides = array<i32>} : memref<3x64x512xf32, #tpu.memory_space<vmem>>, vector<1x1x16xf32>,
            %get3A_466 = vector.shape_cast %get3A_465 : vector<1x1x16xf32> to vector<16xf32>
            %mul3A_467 = arith.mulf %get3A_466, %exp3A : vector<16xf32>
            %add3A_468 = arith.addf %while3A_400, %mul3A_467 : vector<16xf32>
            %get3A_469 = arith.index_cast %rem3A_51 : i32 to index
            %get3A_470 = arith.index_cast %while3A_393 : i32 to index
            %get3A_471 = arith.constant 112 : index
            %get3A_472 = tpu.vector_load %arg10[%get3A_469, %get3A_470, %get3A_471] {strides = array<i32>} : memref<3x64x512xf32, #tpu.memory_space<vmem>>, vector<1x1x16xf32>,
            %get3A_473 = vector.shape_cast %get3A_472 : vector<1x1x16xf32> to vector<16xf32>
            %mul3A_474 = arith.mulf %get3A_473, %exp3A : vector<16xf32>
            %add3A_475 = arith.addf %while3A_401, %mul3A_474 : vector<16xf32>
            %get3A_476 = arith.index_cast %rem3A_51 : i32 to index
            %get3A_477 = arith.index_cast %while3A_393 : i32 to index
            %get3A_478 = arith.constant 128 : index
            %get3A_479 = tpu.vector_load %arg10[%get3A_476, %get3A_477, %get3A_478] {strides = array<i32>} : memref<3x64x512xf32, #tpu.memory_space<vmem>>, vector<1x1x16xf32>,
            %get3A_480 = vector.shape_cast %get3A_479 : vector<1x1x16xf32> to vector<16xf32>
            %mul3A_481 = arith.mulf %get3A_480, %exp3A : vector<16xf32>
            %add3A_482 = arith.addf %while3A_402, %mul3A_481 : vector<16xf32>
            %get3A_483 = arith.index_cast %rem3A_51 : i32 to index
            %get3A_484 = arith.index_cast %while3A_393 : i32 to index
            %get3A_485 = arith.constant 144 : index
            %get3A_486 = tpu.vector_load %arg10[%get3A_483, %get3A_484, %get3A_485] {strides = array<i32>} : memref<3x64x512xf32, #tpu.memory_space<vmem>>, vector<1x1x16xf32>,
            %get3A_487 = vector.shape_cast %get3A_486 : vector<1x1x16xf32> to vector<16xf32>
            %mul3A_488 = arith.mulf %get3A_487, %exp3A : vector<16xf32>
            %add3A_489 = arith.addf %while3A_403, %mul3A_488 : vector<16xf32>
            %get3A_490 = arith.index_cast %rem3A_51 : i32 to index
            %get3A_491 = arith.index_cast %while3A_393 : i32 to index
            %get3A_492 = arith.constant 160 : index
            %get3A_493 = tpu.vector_load %arg10[%get3A_490, %get3A_491, %get3A_492] {strides = array<i32>} : memref<3x64x512xf32, #tpu.memory_space<vmem>>, vector<1x1x16xf32>,
            %get3A_494 = vector.shape_cast %get3A_493 : vector<1x1x16xf32> to vector<16xf32>
            %mul3A_495 = arith.mulf %get3A_494, %exp3A : vector<16xf32>
            %add3A_496 = arith.addf %while3A_404, %mul3A_495 : vector<16xf32>
            %get3A_497 = arith.index_cast %rem3A_51 : i32 to index
            %get3A_498 = arith.index_cast %while3A_393 : i32 to index
            %get3A_499 = arith.constant 176 : index
            %get3A_500 = tpu.vector_load %arg10[%get3A_497, %get3A_498, %get3A_499] {strides = array<i32>} : memref<3x64x512xf32, #tpu.memory_space<vmem>>, vector<1x1x16xf32>,
            %get3A_501 = vector.shape_cast %get3A_500 : vector<1x1x16xf32> to vector<16xf32>
            %mul3A_502 = arith.mulf %get3A_501, %exp3A : vector<16xf32>
            %add3A_503 = arith.addf %while3A_405, %mul3A_502 : vector<16xf32>
            %get3A_504 = arith.index_cast %rem3A_51 : i32 to index
            %get3A_505 = arith.index_cast %while3A_393 : i32 to index
            %get3A_506 = arith.constant 192 : index
            %get3A_507 = tpu.vector_load %arg10[%get3A_504, %get3A_505, %get3A_506] {strides = array<i32>} : memref<3x64x512xf32, #tpu.memory_space<vmem>>, vector<1x1x16xf32>,
            %get3A_508 = vector.shape_cast %get3A_507 : vector<1x1x16xf32> to vector<16xf32>
            %mul3A_509 = arith.mulf %get3A_508, %exp3A : vector<16xf32>
            %add3A_510 = arith.addf %while3A_406, %mul3A_509 : vector<16xf32>
            %get3A_511 = arith.index_cast %rem3A_51 : i32 to index
            %get3A_512 = arith.index_cast %while3A_393 : i32 to index
            %get3A_513 = arith.constant 208 : index
            %get3A_514 = tpu.vector_load %arg10[%get3A_511, %get3A_512, %get3A_513] {strides = array<i32>} : memref<3x64x512xf32, #tpu.memory_space<vmem>>, vector<1x1x16xf32>,
            %get3A_515 = vector.shape_cast %get3A_514 : vector<1x1x16xf32> to vector<16xf32>
            %mul3A_516 = arith.mulf %get3A_515, %exp3A : vector<16xf32>
            %add3A_517 = arith.addf %while3A_407, %mul3A_516 : vector<16xf32>
            %get3A_518 = arith.index_cast %rem3A_51 : i32 to index
            %get3A_519 = arith.index_cast %while3A_393 : i32 to index
            %get3A_520 = arith.constant 224 : index
            %get3A_521 = tpu.vector_load %arg10[%get3A_518, %get3A_519, %get3A_520] {strides = array<i32>} : memref<3x64x512xf32, #tpu.memory_space<vmem>>, vector<1x1x16xf32>,
            %get3A_522 = vector.shape_cast %get3A_521 : vector<1x1x16xf32> to vector<16xf32>
            %mul3A_523 = arith.mulf %get3A_522, %exp3A : vector<16xf32>
            %add3A_524 = arith.addf %while3A_408, %mul3A_523 : vector<16xf32>
            %get3A_525 = arith.index_cast %rem3A_51 : i32 to index
            %get3A_526 = arith.index_cast %while3A_393 : i32 to index
            %get3A_527 = arith.constant 240 : index
            %get3A_528 = tpu.vector_load %arg10[%get3A_525, %get3A_526, %get3A_527] {strides = array<i32>} : memref<3x64x512xf32, #tpu.memory_space<vmem>>, vector<1x1x16xf32>,
            %get3A_529 = vector.shape_cast %get3A_528 : vector<1x1x16xf32> to vector<16xf32>
            %mul3A_530 = arith.mulf %get3A_529, %exp3A : vector<16xf32>
            %add3A_531 = arith.addf %while3A_409, %mul3A_530 : vector<16xf32>
            scf.yield %add3A_426, %add3A_433, %add3A_440, %add3A_447, %add3A_454, %add3A_461, %add3A_468, %add3A_475, %add3A_482, %add3A_489, %add3A_496, %add3A_503, %add3A_510, %add3A_517, %add3A_524, %add3A_531 : vector<16xf32>, vector<16xf32>, vector<16xf32>, vector<16xf32>, vector<16xf32>, vector<16xf32>, vector<16xf32>, vector<16xf32>, vector<16xf32>, vector<16xf32>, vector<16xf32>, vector<16xf32>, vector<16xf32>, vector<16xf32>, vector<16xf32>, vector<16xf32>
          }
          %while3A_176 = arith.constant 1 : i32
          %while3A_177:16 = scf.for %while3A_393 = %while3A_173 to %while3A_169 step %while3A_176 iter_args(%while3A_394 = %while3A_175#0, %while3A_395 = %while3A_175#1, %while3A_396 = %while3A_175#2, %while3A_397 = %while3A_175#3, %while3A_398 = %while3A_175#4, %while3A_399 = %while3A_175#5, %while3A_400 = %while3A_175#6, %while3A_401 = %while3A_175#7, %while3A_402 = %while3A_175#8, %while3A_403 = %while3A_175#9, %while3A_404 = %while3A_175#10, %while3A_405 = %while3A_175#11, %while3A_406 = %while3A_175#12, %while3A_407 = %while3A_175#13, %while3A_408 = %while3A_175#14, %while3A_409 = %while3A_175#15) -> (vector<16xf32>, vector<16xf32>, vector<16xf32>, vector<16xf32>, vector<16xf32>, vector<16xf32>, vector<16xf32>, vector<16xf32>, vector<16xf32>, vector<16xf32>, vector<16xf32>, vector<16xf32>, vector<16xf32>, vector<16xf32>, vector<16xf32>, vector<16xf32>)  : i32 {
            %mul3A_410 = arith.constant 64 : i32
            %mul3A_411 = arith.muli %scan3A_49, %mul3A_410 : i32
            %add3A_412 = arith.addi %mul3A_411, %while3A_393 : i32
            %get3A_413 = arith.index_cast %add3A_412 : i32 to index
            %get3A_414 = tpu.vector_load %arg16[%get3A_413] {strides = array<i32>} : memref<1040xf32, #tpu.memory_space<vmem>>, vector<16xf32>,
            %get3A_415 = vector.shape_cast %get3A_414 : vector<16xf32> to vector<16xf32>
            %slice3A_416 = vector.extract_strided_slice %get3A_415 {offsets = [0], sizes = [1], strides = [1]} : vector<16xf32> to vector<1xf32>
            %squeeze3A_417 = vector.extract %slice3A_416[0] : f32 from vector<1xf32>
            %sub3A_418 = arith.subf %squeeze3A_417, %squeeze3A_99 : f32
            %broadcast_in_dim3A_419 = vector.broadcast %sub3A_418 : f32 to vector<16xf32>
            %exp3A = math.exp %broadcast_in_dim3A_419 : vector<16xf32>
            %get3A_420 = arith.index_cast %rem3A_51 : i32 to index
            %get3A_421 = arith.index_cast %while3A_393 : i32 to index
            %get3A_422 = arith.constant 0 : index
            %get3A_423 = tpu.vector_load %arg10[%get3A_420, %get3A_421, %get3A_422] {strides = array<i32>} : memref<3x64x512xf32, #tpu.memory_space<vmem>>, vector<1x1x16xf32>,
            %get3A_424 = vector.shape_cast %get3A_423 : vector<1x1x16xf32> to vector<16xf32>
            %mul3A_425 = arith.mulf %get3A_424, %exp3A : vector<16xf32>
            %add3A_426 = arith.addf %while3A_394, %mul3A_425 : vector<16xf32>
            %get3A_427 = arith.index_cast %rem3A_51 : i32 to index
            %get3A_428 = arith.index_cast %while3A_393 : i32 to index
            %get3A_429 = arith.constant 16 : index
            %get3A_430 = tpu.vector_load %arg10[%get3A_427, %get3A_428, %get3A_429] {strides = array<i32>} : memref<3x64x512xf32, #tpu.memory_space<vmem>>, vector<1x1x16xf32>,
            %get3A_431 = vector.shape_cast %get3A_430 : vector<1x1x16xf32> to vector<16xf32>
            %mul3A_432 = arith.mulf %get3A_431, %exp3A : vector<16xf32>
            %add3A_433 = arith.addf %while3A_395, %mul3A_432 : vector<16xf32>
            %get3A_434 = arith.index_cast %rem3A_51 : i32 to index
            %get3A_435 = arith.index_cast %while3A_393 : i32 to index
            %get3A_436 = arith.constant 32 : index
            %get3A_437 = tpu.vector_load %arg10[%get3A_434, %get3A_435, %get3A_436] {strides = array<i32>} : memref<3x64x512xf32, #tpu.memory_space<vmem>>, vector<1x1x16xf32>,
            %get3A_438 = vector.shape_cast %get3A_437 : vector<1x1x16xf32> to vector<16xf32>
            %mul3A_439 = arith.mulf %get3A_438, %exp3A : vector<16xf32>
            %add3A_440 = arith.addf %while3A_396, %mul3A_439 : vector<16xf32>
            %get3A_441 = arith.index_cast %rem3A_51 : i32 to index
            %get3A_442 = arith.index_cast %while3A_393 : i32 to index
            %get3A_443 = arith.constant 48 : index
            %get3A_444 = tpu.vector_load %arg10[%get3A_441, %get3A_442, %get3A_443] {strides = array<i32>} : memref<3x64x512xf32, #tpu.memory_space<vmem>>, vector<1x1x16xf32>,
            %get3A_445 = vector.shape_cast %get3A_444 : vector<1x1x16xf32> to vector<16xf32>
            %mul3A_446 = arith.mulf %get3A_445, %exp3A : vector<16xf32>
            %add3A_447 = arith.addf %while3A_397, %mul3A_446 : vector<16xf32>
            %get3A_448 = arith.index_cast %rem3A_51 : i32 to index
            %get3A_449 = arith.index_cast %while3A_393 : i32 to index
            %get3A_450 = arith.constant 64 : index
            %get3A_451 = tpu.vector_load %arg10[%get3A_448, %get3A_449, %get3A_450] {strides = array<i32>} : memref<3x64x512xf32, #tpu.memory_space<vmem>>, vector<1x1x16xf32>,
            %get3A_452 = vector.shape_cast %get3A_451 : vector<1x1x16xf32> to vector<16xf32>
            %mul3A_453 = arith.mulf %get3A_452, %exp3A : vector<16xf32>
            %add3A_454 = arith.addf %while3A_398, %mul3A_453 : vector<16xf32>
            %get3A_455 = arith.index_cast %rem3A_51 : i32 to index
            %get3A_456 = arith.index_cast %while3A_393 : i32 to index
            %get3A_457 = arith.constant 80 : index
            %get3A_458 = tpu.vector_load %arg10[%get3A_455, %get3A_456, %get3A_457] {strides = array<i32>} : memref<3x64x512xf32, #tpu.memory_space<vmem>>, vector<1x1x16xf32>,
            %get3A_459 = vector.shape_cast %get3A_458 : vector<1x1x16xf32> to vector<16xf32>
            %mul3A_460 = arith.mulf %get3A_459, %exp3A : vector<16xf32>
            %add3A_461 = arith.addf %while3A_399, %mul3A_460 : vector<16xf32>
            %get3A_462 = arith.index_cast %rem3A_51 : i32 to index
            %get3A_463 = arith.index_cast %while3A_393 : i32 to index
            %get3A_464 = arith.constant 96 : index
            %get3A_465 = tpu.vector_load %arg10[%get3A_462, %get3A_463, %get3A_464] {strides = array<i32>} : memref<3x64x512xf32, #tpu.memory_space<vmem>>, vector<1x1x16xf32>,
            %get3A_466 = vector.shape_cast %get3A_465 : vector<1x1x16xf32> to vector<16xf32>
            %mul3A_467 = arith.mulf %get3A_466, %exp3A : vector<16xf32>
            %add3A_468 = arith.addf %while3A_400, %mul3A_467 : vector<16xf32>
            %get3A_469 = arith.index_cast %rem3A_51 : i32 to index
            %get3A_470 = arith.index_cast %while3A_393 : i32 to index
            %get3A_471 = arith.constant 112 : index
            %get3A_472 = tpu.vector_load %arg10[%get3A_469, %get3A_470, %get3A_471] {strides = array<i32>} : memref<3x64x512xf32, #tpu.memory_space<vmem>>, vector<1x1x16xf32>,
            %get3A_473 = vector.shape_cast %get3A_472 : vector<1x1x16xf32> to vector<16xf32>
            %mul3A_474 = arith.mulf %get3A_473, %exp3A : vector<16xf32>
            %add3A_475 = arith.addf %while3A_401, %mul3A_474 : vector<16xf32>
            %get3A_476 = arith.index_cast %rem3A_51 : i32 to index
            %get3A_477 = arith.index_cast %while3A_393 : i32 to index
            %get3A_478 = arith.constant 128 : index
            %get3A_479 = tpu.vector_load %arg10[%get3A_476, %get3A_477, %get3A_478] {strides = array<i32>} : memref<3x64x512xf32, #tpu.memory_space<vmem>>, vector<1x1x16xf32>,
            %get3A_480 = vector.shape_cast %get3A_479 : vector<1x1x16xf32> to vector<16xf32>
            %mul3A_481 = arith.mulf %get3A_480, %exp3A : vector<16xf32>
            %add3A_482 = arith.addf %while3A_402, %mul3A_481 : vector<16xf32>
            %get3A_483 = arith.index_cast %rem3A_51 : i32 to index
            %get3A_484 = arith.index_cast %while3A_393 : i32 to index
            %get3A_485 = arith.constant 144 : index
            %get3A_486 = tpu.vector_load %arg10[%get3A_483, %get3A_484, %get3A_485] {strides = array<i32>} : memref<3x64x512xf32, #tpu.memory_space<vmem>>, vector<1x1x16xf32>,
            %get3A_487 = vector.shape_cast %get3A_486 : vector<1x1x16xf32> to vector<16xf32>
            %mul3A_488 = arith.mulf %get3A_487, %exp3A : vector<16xf32>
            %add3A_489 = arith.addf %while3A_403, %mul3A_488 : vector<16xf32>
            %get3A_490 = arith.index_cast %rem3A_51 : i32 to index
            %get3A_491 = arith.index_cast %while3A_393 : i32 to index
            %get3A_492 = arith.constant 160 : index
            %get3A_493 = tpu.vector_load %arg10[%get3A_490, %get3A_491, %get3A_492] {strides = array<i32>} : memref<3x64x512xf32, #tpu.memory_space<vmem>>, vector<1x1x16xf32>,
            %get3A_494 = vector.shape_cast %get3A_493 : vector<1x1x16xf32> to vector<16xf32>
            %mul3A_495 = arith.mulf %get3A_494, %exp3A : vector<16xf32>
            %add3A_496 = arith.addf %while3A_404, %mul3A_495 : vector<16xf32>
            %get3A_497 = arith.index_cast %rem3A_51 : i32 to index
            %get3A_498 = arith.index_cast %while3A_393 : i32 to index
            %get3A_499 = arith.constant 176 : index
            %get3A_500 = tpu.vector_load %arg10[%get3A_497, %get3A_498, %get3A_499] {strides = array<i32>} : memref<3x64x512xf32, #tpu.memory_space<vmem>>, vector<1x1x16xf32>,
            %get3A_501 = vector.shape_cast %get3A_500 : vector<1x1x16xf32> to vector<16xf32>
            %mul3A_502 = arith.mulf %get3A_501, %exp3A : vector<16xf32>
            %add3A_503 = arith.addf %while3A_405, %mul3A_502 : vector<16xf32>
            %get3A_504 = arith.index_cast %rem3A_51 : i32 to index
            %get3A_505 = arith.index_cast %while3A_393 : i32 to index
            %get3A_506 = arith.constant 192 : index
            %get3A_507 = tpu.vector_load %arg10[%get3A_504, %get3A_505, %get3A_506] {strides = array<i32>} : memref<3x64x512xf32, #tpu.memory_space<vmem>>, vector<1x1x16xf32>,
            %get3A_508 = vector.shape_cast %get3A_507 : vector<1x1x16xf32> to vector<16xf32>
            %mul3A_509 = arith.mulf %get3A_508, %exp3A : vector<16xf32>
            %add3A_510 = arith.addf %while3A_406, %mul3A_509 : vector<16xf32>
            %get3A_511 = arith.index_cast %rem3A_51 : i32 to index
            %get3A_512 = arith.index_cast %while3A_393 : i32 to index
            %get3A_513 = arith.constant 208 : index
            %get3A_514 = tpu.vector_load %arg10[%get3A_511, %get3A_512, %get3A_513] {strides = array<i32>} : memref<3x64x512xf32, #tpu.memory_space<vmem>>, vector<1x1x16xf32>,
            %get3A_515 = vector.shape_cast %get3A_514 : vector<1x1x16xf32> to vector<16xf32>
            %mul3A_516 = arith.mulf %get3A_515, %exp3A : vector<16xf32>
            %add3A_517 = arith.addf %while3A_407, %mul3A_516 : vector<16xf32>
            %get3A_518 = arith.index_cast %rem3A_51 : i32 to index
            %get3A_519 = arith.index_cast %while3A_393 : i32 to index
            %get3A_520 = arith.constant 224 : index
            %get3A_521 = tpu.vector_load %arg10[%get3A_518, %get3A_519, %get3A_520] {strides = array<i32>} : memref<3x64x512xf32, #tpu.memory_space<vmem>>, vector<1x1x16xf32>,
            %get3A_522 = vector.shape_cast %get3A_521 : vector<1x1x16xf32> to vector<16xf32>
            %mul3A_523 = arith.mulf %get3A_522, %exp3A : vector<16xf32>
            %add3A_524 = arith.addf %while3A_408, %mul3A_523 : vector<16xf32>
            %get3A_525 = arith.index_cast %rem3A_51 : i32 to index
            %get3A_526 = arith.index_cast %while3A_393 : i32 to index
            %get3A_527 = arith.constant 240 : index
            %get3A_528 = tpu.vector_load %arg10[%get3A_525, %get3A_526, %get3A_527] {strides = array<i32>} : memref<3x64x512xf32, #tpu.memory_space<vmem>>, vector<1x1x16xf32>,
            %get3A_529 = vector.shape_cast %get3A_528 : vector<1x1x16xf32> to vector<16xf32>
            %mul3A_530 = arith.mulf %get3A_529, %exp3A : vector<16xf32>
            %add3A_531 = arith.addf %while3A_409, %mul3A_530 : vector<16xf32>
            scf.yield %add3A_426, %add3A_433, %add3A_440, %add3A_447, %add3A_454, %add3A_461, %add3A_468, %add3A_475, %add3A_482, %add3A_489, %add3A_496, %add3A_503, %add3A_510, %add3A_517, %add3A_524, %add3A_531 : vector<16xf32>, vector<16xf32>, vector<16xf32>, vector<16xf32>, vector<16xf32>, vector<16xf32>, vector<16xf32>, vector<16xf32>, vector<16xf32>, vector<16xf32>, vector<16xf32>, vector<16xf32>, vector<16xf32>, vector<16xf32>, vector<16xf32>, vector<16xf32>
          }
          %swap3A = arith.index_cast %scan3A_79 : i32 to index
          %swap3A_178 = arith.constant 0 : index
          %swap3A_179 = tpu.vector_load %arg11[%swap3A, %swap3A_178] {strides = array<i32>} : memref<16x512xf32, #tpu.memory_space<vmem>>, vector<1x16xf32>,
          %swap3A_180 = vector.shape_cast %swap3A_179 : vector<1x16xf32> to vector<16xf32>
          %swap3A_181 = vector.shape_cast %while3A_177#0 : vector<16xf32> to vector<1x16xf32>
          tpu.vector_store %arg11[%swap3A, %swap3A_178], %swap3A_181 {add = true, strides = array<i32>} : memref<16x512xf32, #tpu.memory_space<vmem>>, vector<1x16xf32>,
          %swap3A_182 = arith.index_cast %scan3A_79 : i32 to index
          %swap3A_183 = arith.constant 16 : index
          %swap3A_184 = tpu.vector_load %arg11[%swap3A_182, %swap3A_183] {strides = array<i32>} : memref<16x512xf32, #tpu.memory_space<vmem>>, vector<1x16xf32>,
          %swap3A_185 = vector.shape_cast %swap3A_184 : vector<1x16xf32> to vector<16xf32>
          %swap3A_186 = vector.shape_cast %while3A_177#1 : vector<16xf32> to vector<1x16xf32>
          tpu.vector_store %arg11[%swap3A_182, %swap3A_183], %swap3A_186 {add = true, strides = array<i32>} : memref<16x512xf32, #tpu.memory_space<vmem>>, vector<1x16xf32>,
          %swap3A_187 = arith.index_cast %scan3A_79 : i32 to index
          %swap3A_188 = arith.constant 32 : index
          %swap3A_189 = tpu.vector_load %arg11[%swap3A_187, %swap3A_188] {strides = array<i32>} : memref<16x512xf32, #tpu.memory_space<vmem>>, vector<1x16xf32>,
          %swap3A_190 = vector.shape_cast %swap3A_189 : vector<1x16xf32> to vector<16xf32>
          %swap3A_191 = vector.shape_cast %while3A_177#2 : vector<16xf32> to vector<1x16xf32>
          tpu.vector_store %arg11[%swap3A_187, %swap3A_188], %swap3A_191 {add = true, strides = array<i32>} : memref<16x512xf32, #tpu.memory_space<vmem>>, vector<1x16xf32>,
          %swap3A_192 = arith.index_cast %scan3A_79 : i32 to index
          %swap3A_193 = arith.constant 48 : index
          %swap3A_194 = tpu.vector_load %arg11[%swap3A_192, %swap3A_193] {strides = array<i32>} : memref<16x512xf32, #tpu.memory_space<vmem>>, vector<1x16xf32>,
          %swap3A_195 = vector.shape_cast %swap3A_194 : vector<1x16xf32> to vector<16xf32>
          %swap3A_196 = vector.shape_cast %while3A_177#3 : vector<16xf32> to vector<1x16xf32>
          tpu.vector_store %arg11[%swap3A_192, %swap3A_193], %swap3A_196 {add = true, strides = array<i32>} : memref<16x512xf32, #tpu.memory_space<vmem>>, vector<1x16xf32>,
          %swap3A_197 = arith.index_cast %scan3A_79 : i32 to index
          %swap3A_198 = arith.constant 64 : index
          %swap3A_199 = tpu.vector_load %arg11[%swap3A_197, %swap3A_198] {strides = array<i32>} : memref<16x512xf32, #tpu.memory_space<vmem>>, vector<1x16xf32>,
          %swap3A_200 = vector.shape_cast %swap3A_199 : vector<1x16xf32> to vector<16xf32>
          %swap3A_201 = vector.shape_cast %while3A_177#4 : vector<16xf32> to vector<1x16xf32>
          tpu.vector_store %arg11[%swap3A_197, %swap3A_198], %swap3A_201 {add = true, strides = array<i32>} : memref<16x512xf32, #tpu.memory_space<vmem>>, vector<1x16xf32>,
          %swap3A_202 = arith.index_cast %scan3A_79 : i32 to index
          %swap3A_203 = arith.constant 80 : index
          %swap3A_204 = tpu.vector_load %arg11[%swap3A_202, %swap3A_203] {strides = array<i32>} : memref<16x512xf32, #tpu.memory_space<vmem>>, vector<1x16xf32>,
          %swap3A_205 = vector.shape_cast %swap3A_204 : vector<1x16xf32> to vector<16xf32>
          %swap3A_206 = vector.shape_cast %while3A_177#5 : vector<16xf32> to vector<1x16xf32>
          tpu.vector_store %arg11[%swap3A_202, %swap3A_203], %swap3A_206 {add = true, strides = array<i32>} : memref<16x512xf32, #tpu.memory_space<vmem>>, vector<1x16xf32>,
          %swap3A_207 = arith.index_cast %scan3A_79 : i32 to index
          %swap3A_208 = arith.constant 96 : index
          %swap3A_209 = tpu.vector_load %arg11[%swap3A_207, %swap3A_208] {strides = array<i32>} : memref<16x512xf32, #tpu.memory_space<vmem>>, vector<1x16xf32>,
          %swap3A_210 = vector.shape_cast %swap3A_209 : vector<1x16xf32> to vector<16xf32>
          %swap3A_211 = vector.shape_cast %while3A_177#6 : vector<16xf32> to vector<1x16xf32>
          tpu.vector_store %arg11[%swap3A_207, %swap3A_208], %swap3A_211 {add = true, strides = array<i32>} : memref<16x512xf32, #tpu.memory_space<vmem>>, vector<1x16xf32>,
          %swap3A_212 = arith.index_cast %scan3A_79 : i32 to index
          %swap3A_213 = arith.constant 112 : index
          %swap3A_214 = tpu.vector_load %arg11[%swap3A_212, %swap3A_213] {strides = array<i32>} : memref<16x512xf32, #tpu.memory_space<vmem>>, vector<1x16xf32>,
          %swap3A_215 = vector.shape_cast %swap3A_214 : vector<1x16xf32> to vector<16xf32>
          %swap3A_216 = vector.shape_cast %while3A_177#7 : vector<16xf32> to vector<1x16xf32>
          tpu.vector_store %arg11[%swap3A_212, %swap3A_213], %swap3A_216 {add = true, strides = array<i32>} : memref<16x512xf32, #tpu.memory_space<vmem>>, vector<1x16xf32>,
          %swap3A_217 = arith.index_cast %scan3A_79 : i32 to index
          %swap3A_218 = arith.constant 128 : index
          %swap3A_219 = tpu.vector_load %arg11[%swap3A_217, %swap3A_218] {strides = array<i32>} : memref<16x512xf32, #tpu.memory_space<vmem>>, vector<1x16xf32>,
          %swap3A_220 = vector.shape_cast %swap3A_219 : vector<1x16xf32> to vector<16xf32>
          %swap3A_221 = vector.shape_cast %while3A_177#8 : vector<16xf32> to vector<1x16xf32>
          tpu.vector_store %arg11[%swap3A_217, %swap3A_218], %swap3A_221 {add = true, strides = array<i32>} : memref<16x512xf32, #tpu.memory_space<vmem>>, vector<1x16xf32>,
          %swap3A_222 = arith.index_cast %scan3A_79 : i32 to index
          %swap3A_223 = arith.constant 144 : index
          %swap3A_224 = tpu.vector_load %arg11[%swap3A_222, %swap3A_223] {strides = array<i32>} : memref<16x512xf32, #tpu.memory_space<vmem>>, vector<1x16xf32>,
          %swap3A_225 = vector.shape_cast %swap3A_224 : vector<1x16xf32> to vector<16xf32>
          %swap3A_226 = vector.shape_cast %while3A_177#9 : vector<16xf32> to vector<1x16xf32>
          tpu.vector_store %arg11[%swap3A_222, %swap3A_223], %swap3A_226 {add = true, strides = array<i32>} : memref<16x512xf32, #tpu.memory_space<vmem>>, vector<1x16xf32>,
          %swap3A_227 = arith.index_cast %scan3A_79 : i32 to index
          %swap3A_228 = arith.constant 160 : index
          %swap3A_229 = tpu.vector_load %arg11[%swap3A_227, %swap3A_228] {strides = array<i32>} : memref<16x512xf32, #tpu.memory_space<vmem>>, vector<1x16xf32>,
          %swap3A_230 = vector.shape_cast %swap3A_229 : vector<1x16xf32> to vector<16xf32>
          %swap3A_231 = vector.shape_cast %while3A_177#10 : vector<16xf32> to vector<1x16xf32>
          tpu.vector_store %arg11[%swap3A_227, %swap3A_228], %swap3A_231 {add = true, strides = array<i32>} : memref<16x512xf32, #tpu.memory_space<vmem>>, vector<1x16xf32>,
          %swap3A_232 = arith.index_cast %scan3A_79 : i32 to index
          %swap3A_233 = arith.constant 176 : index
          %swap3A_234 = tpu.vector_load %arg11[%swap3A_232, %swap3A_233] {strides = array<i32>} : memref<16x512xf32, #tpu.memory_space<vmem>>, vector<1x16xf32>,
          %swap3A_235 = vector.shape_cast %swap3A_234 : vector<1x16xf32> to vector<16xf32>
          %swap3A_236 = vector.shape_cast %while3A_177#11 : vector<16xf32> to vector<1x16xf32>
          tpu.vector_store %arg11[%swap3A_232, %swap3A_233], %swap3A_236 {add = true, strides = array<i32>} : memref<16x512xf32, #tpu.memory_space<vmem>>, vector<1x16xf32>,
          %swap3A_237 = arith.index_cast %scan3A_79 : i32 to index
          %swap3A_238 = arith.constant 192 : index
          %swap3A_239 = tpu.vector_load %arg11[%swap3A_237, %swap3A_238] {strides = array<i32>} : memref<16x512xf32, #tpu.memory_space<vmem>>, vector<1x16xf32>,
          %swap3A_240 = vector.shape_cast %swap3A_239 : vector<1x16xf32> to vector<16xf32>
          %swap3A_241 = vector.shape_cast %while3A_177#12 : vector<16xf32> to vector<1x16xf32>
          tpu.vector_store %arg11[%swap3A_237, %swap3A_238], %swap3A_241 {add = true, strides = array<i32>} : memref<16x512xf32, #tpu.memory_space<vmem>>, vector<1x16xf32>,
          %swap3A_242 = arith.index_cast %scan3A_79 : i32 to index
          %swap3A_243 = arith.constant 208 : index
          %swap3A_244 = tpu.vector_load %arg11[%swap3A_242, %swap3A_243] {strides = array<i32>} : memref<16x512xf32, #tpu.memory_space<vmem>>, vector<1x16xf32>,
          %swap3A_245 = vector.shape_cast %swap3A_244 : vector<1x16xf32> to vector<16xf32>
          %swap3A_246 = vector.shape_cast %while3A_177#13 : vector<16xf32> to vector<1x16xf32>
          tpu.vector_store %arg11[%swap3A_242, %swap3A_243], %swap3A_246 {add = true, strides = array<i32>} : memref<16x512xf32, #tpu.memory_space<vmem>>, vector<1x16xf32>,
          %swap3A_247 = arith.index_cast %scan3A_79 : i32 to index
          %swap3A_248 = arith.constant 224 : index
          %swap3A_249 = tpu.vector_load %arg11[%swap3A_247, %swap3A_248] {strides = array<i32>} : memref<16x512xf32, #tpu.memory_space<vmem>>, vector<1x16xf32>,
          %swap3A_250 = vector.shape_cast %swap3A_249 : vector<1x16xf32> to vector<16xf32>
          %swap3A_251 = vector.shape_cast %while3A_177#14 : vector<16xf32> to vector<1x16xf32>
          tpu.vector_store %arg11[%swap3A_247, %swap3A_248], %swap3A_251 {add = true, strides = array<i32>} : memref<16x512xf32, #tpu.memory_space<vmem>>, vector<1x16xf32>,
          %swap3A_252 = arith.index_cast %scan3A_79 : i32 to index
          %swap3A_253 = arith.constant 240 : index
          %swap3A_254 = tpu.vector_load %arg11[%swap3A_252, %swap3A_253] {strides = array<i32>} : memref<16x512xf32, #tpu.memory_space<vmem>>, vector<1x16xf32>,
          %swap3A_255 = vector.shape_cast %swap3A_254 : vector<1x16xf32> to vector<16xf32>
          %swap3A_256 = vector.shape_cast %while3A_177#15 : vector<16xf32> to vector<1x16xf32>
          tpu.vector_store %arg11[%swap3A_252, %swap3A_253], %swap3A_256 {add = true, strides = array<i32>} : memref<16x512xf32, #tpu.memory_space<vmem>>, vector<1x16xf32>,
          %broadcast_in_dim3A_257 = arith.constant 0.000000e+00 : f32
          %broadcast_in_dim3A_258 = vector.broadcast %broadcast_in_dim3A_257 : f32 to vector<16xf32>
          %broadcast_in_dim3A_259 = arith.constant 0.000000e+00 : f32
          %broadcast_in_dim3A_260 = vector.broadcast %broadcast_in_dim3A_259 : f32 to vector<16xf32>
          %broadcast_in_dim3A_261 = arith.constant 0.000000e+00 : f32
          %broadcast_in_dim3A_262 = vector.broadcast %broadcast_in_dim3A_261 : f32 to vector<16xf32>
          %broadcast_in_dim3A_263 = arith.constant 0.000000e+00 : f32
          %broadcast_in_dim3A_264 = vector.broadcast %broadcast_in_dim3A_263 : f32 to vector<16xf32>
          %broadcast_in_dim3A_265 = arith.constant 0.000000e+00 : f32
          %broadcast_in_dim3A_266 = vector.broadcast %broadcast_in_dim3A_265 : f32 to vector<16xf32>
          %broadcast_in_dim3A_267 = arith.constant 0.000000e+00 : f32
          %broadcast_in_dim3A_268 = vector.broadcast %broadcast_in_dim3A_267 : f32 to vector<16xf32>
          %broadcast_in_dim3A_269 = arith.constant 0.000000e+00 : f32
          %broadcast_in_dim3A_270 = vector.broadcast %broadcast_in_dim3A_269 : f32 to vector<16xf32>
          %broadcast_in_dim3A_271 = arith.constant 0.000000e+00 : f32
          %broadcast_in_dim3A_272 = vector.broadcast %broadcast_in_dim3A_271 : f32 to vector<16xf32>
          %broadcast_in_dim3A_273 = arith.constant 0.000000e+00 : f32
          %broadcast_in_dim3A_274 = vector.broadcast %broadcast_in_dim3A_273 : f32 to vector<16xf32>
          %broadcast_in_dim3A_275 = arith.constant 0.000000e+00 : f32
          %broadcast_in_dim3A_276 = vector.broadcast %broadcast_in_dim3A_275 : f32 to vector<16xf32>
          %broadcast_in_dim3A_277 = arith.constant 0.000000e+00 : f32
          %broadcast_in_dim3A_278 = vector.broadcast %broadcast_in_dim3A_277 : f32 to vector<16xf32>
          %broadcast_in_dim3A_279 = arith.constant 0.000000e+00 : f32
          %broadcast_in_dim3A_280 = vector.broadcast %broadcast_in_dim3A_279 : f32 to vector<16xf32>
          %broadcast_in_dim3A_281 = arith.constant 0.000000e+00 : f32
          %broadcast_in_dim3A_282 = vector.broadcast %broadcast_in_dim3A_281 : f32 to vector<16xf32>
          %broadcast_in_dim3A_283 = arith.constant 0.000000e+00 : f32
          %broadcast_in_dim3A_284 = vector.broadcast %broadcast_in_dim3A_283 : f32 to vector<16xf32>
          %broadcast_in_dim3A_285 = arith.constant 0.000000e+00 : f32
          %broadcast_in_dim3A_286 = vector.broadcast %broadcast_in_dim3A_285 : f32 to vector<16xf32>
          %broadcast_in_dim3A_287 = arith.constant 0.000000e+00 : f32
          %broadcast_in_dim3A_288 = vector.broadcast %broadcast_in_dim3A_287 : f32 to vector<16xf32>
          %while3A_289 = arith.constant 0 : i32
          %while3A_290 = arith.subi %select_n3A, %while3A_289 : i32
          %while3A_291 = arith.addi %while3A_289, %while3A_290 : i32
          %while3A_292 = arith.constant 1 : i32
          %while3A_293 = arith.divsi %while3A_290, %while3A_292 : i32
          %while3A_294 = arith.muli %while3A_293, %while3A_292 : i32
          %while3A_295 = arith.addi %while3A_289, %while3A_294 : i32
          %while3A_296 = arith.constant 1 : i32
          %while3A_297:16 = scf.for %while3A_393 = %while3A_289 to %while3A_295 step %while3A_296 iter_args(%while3A_394 = %broadcast_in_dim3A_258, %while3A_395 = %broadcast_in_dim3A_260, %while3A_396 = %broadcast_in_dim3A_262, %while3A_397 = %broadcast_in_dim3A_264, %while3A_398 = %broadcast_in_dim3A_266, %while3A_399 = %broadcast_in_dim3A_268, %while3A_400 = %broadcast_in_dim3A_270, %while3A_401 = %broadcast_in_dim3A_272, %while3A_402 = %broadcast_in_dim3A_274, %while3A_403 = %broadcast_in_dim3A_276, %while3A_404 = %broadcast_in_dim3A_278, %while3A_405 = %broadcast_in_dim3A_280, %while3A_406 = %broadcast_in_dim3A_282, %while3A_407 = %broadcast_in_dim3A_284, %while3A_408 = %broadcast_in_dim3A_286, %while3A_409 = %broadcast_in_dim3A_288) -> (vector<16xf32>, vector<16xf32>, vector<16xf32>, vector<16xf32>, vector<16xf32>, vector<16xf32>, vector<16xf32>, vector<16xf32>, vector<16xf32>, vector<16xf32>, vector<16xf32>, vector<16xf32>, vector<16xf32>, vector<16xf32>, vector<16xf32>, vector<16xf32>)  : i32 {
            %mul3A_410 = arith.constant 4 : i32
            %mul3A_411 = arith.muli %while3A_393, %mul3A_410 : i32
            %add3A_412 = arith.addi %min3A, %mul3A_411 : i32
            %mul3A_413 = arith.constant 64 : i32
            %mul3A_414 = arith.muli %scan3A_49, %mul3A_413 : i32
            %add3A_415 = arith.addi %mul3A_414, %add3A_412 : i32
            %get3A_416 = arith.index_cast %add3A_415 : i32 to index
            %get3A_417 = tpu.vector_load %arg16[%get3A_416] {strides = array<i32>} : memref<1040xf32, #tpu.memory_space<vmem>>, vector<16xf32>,
            %get3A_418 = vector.shape_cast %get3A_417 : vector<16xf32> to vector<16xf32>
            %sub3A_419 = vector.broadcast %squeeze3A_99 : f32 to vector<16xf32>
            %sub3A_420 = arith.subf %get3A_418, %sub3A_419 : vector<16xf32>
            %exp3A = math.exp %sub3A_420 : vector<16xf32>
            %slice3A_421 = vector.extract_strided_slice %exp3A {offsets = [0], sizes = [1], strides = [1]} : vector<16xf32> to vector<1xf32>
            %squeeze3A_422 = vector.extract %slice3A_421[0] : f32 from vector<1xf32>
            %add3A_423 = arith.constant 0 : i32
            %add3A_424 = arith.addi %add3A_412, %add3A_423 : i32
            %get3A_425 = arith.index_cast %rem3A_51 : i32 to index
            %get3A_426 = arith.index_cast %add3A_424 : i32 to index
            %get3A_427 = arith.constant 256 : index
            %get3A_428 = tpu.vector_load %arg10[%get3A_425, %get3A_426, %get3A_427] {strides = array<i32>} : memref<3x64x512xf32, #tpu.memory_space<vmem>>, vector<1x1x16xf32>,
            %get3A_429 = vector.shape_cast %get3A_428 : vector<1x1x16xf32> to vector<16xf32>
            %mul3A_430 = vector.broadcast %squeeze3A_422 : f32 to vector<16xf32>
            %mul3A_431 = arith.mulf %get3A_429, %mul3A_430 : vector<16xf32>
            %add3A_432 = arith.addf %while3A_394, %mul3A_431 : vector<16xf32>
            %add3A_433 = arith.constant 0 : i32
            %add3A_434 = arith.addi %add3A_412, %add3A_433 : i32
            %get3A_435 = arith.index_cast %rem3A_51 : i32 to index
            %get3A_436 = arith.index_cast %add3A_434 : i32 to index
            %get3A_437 = arith.constant 272 : index
            %get3A_438 = tpu.vector_load %arg10[%get3A_435, %get3A_436, %get3A_437] {strides = array<i32>} : memref<3x64x512xf32, #tpu.memory_space<vmem>>, vector<1x1x16xf32>,
            %get3A_439 = vector.shape_cast %get3A_438 : vector<1x1x16xf32> to vector<16xf32>
            %mul3A_440 = vector.broadcast %squeeze3A_422 : f32 to vector<16xf32>
            %mul3A_441 = arith.mulf %get3A_439, %mul3A_440 : vector<16xf32>
            %add3A_442 = arith.addf %while3A_395, %mul3A_441 : vector<16xf32>
            %add3A_443 = arith.constant 0 : i32
            %add3A_444 = arith.addi %add3A_412, %add3A_443 : i32
            %get3A_445 = arith.index_cast %rem3A_51 : i32 to index
            %get3A_446 = arith.index_cast %add3A_444 : i32 to index
            %get3A_447 = arith.constant 288 : index
            %get3A_448 = tpu.vector_load %arg10[%get3A_445, %get3A_446, %get3A_447] {strides = array<i32>} : memref<3x64x512xf32, #tpu.memory_space<vmem>>, vector<1x1x16xf32>,
            %get3A_449 = vector.shape_cast %get3A_448 : vector<1x1x16xf32> to vector<16xf32>
            %mul3A_450 = vector.broadcast %squeeze3A_422 : f32 to vector<16xf32>
            %mul3A_451 = arith.mulf %get3A_449, %mul3A_450 : vector<16xf32>
            %add3A_452 = arith.addf %while3A_396, %mul3A_451 : vector<16xf32>
            %add3A_453 = arith.constant 0 : i32
            %add3A_454 = arith.addi %add3A_412, %add3A_453 : i32
            %get3A_455 = arith.index_cast %rem3A_51 : i32 to index
            %get3A_456 = arith.index_cast %add3A_454 : i32 to index
            %get3A_457 = arith.constant 304 : index
            %get3A_458 = tpu.vector_load %arg10[%get3A_455, %get3A_456, %get3A_457] {strides = array<i32>} : memref<3x64x512xf32, #tpu.memory_space<vmem>>, vector<1x1x16xf32>,
            %get3A_459 = vector.shape_cast %get3A_458 : vector<1x1x16xf32> to vector<16xf32>
            %mul3A_460 = vector.broadcast %squeeze3A_422 : f32 to vector<16xf32>
            %mul3A_461 = arith.mulf %get3A_459, %mul3A_460 : vector<16xf32>
            %add3A_462 = arith.addf %while3A_397, %mul3A_461 : vector<16xf32>
            %add3A_463 = arith.constant 0 : i32
            %add3A_464 = arith.addi %add3A_412, %add3A_463 : i32
            %get3A_465 = arith.index_cast %rem3A_51 : i32 to index
            %get3A_466 = arith.index_cast %add3A_464 : i32 to index
            %get3A_467 = arith.constant 320 : index
            %get3A_468 = tpu.vector_load %arg10[%get3A_465, %get3A_466, %get3A_467] {strides = array<i32>} : memref<3x64x512xf32, #tpu.memory_space<vmem>>, vector<1x1x16xf32>,
            %get3A_469 = vector.shape_cast %get3A_468 : vector<1x1x16xf32> to vector<16xf32>
            %mul3A_470 = vector.broadcast %squeeze3A_422 : f32 to vector<16xf32>
            %mul3A_471 = arith.mulf %get3A_469, %mul3A_470 : vector<16xf32>
            %add3A_472 = arith.addf %while3A_398, %mul3A_471 : vector<16xf32>
            %add3A_473 = arith.constant 0 : i32
            %add3A_474 = arith.addi %add3A_412, %add3A_473 : i32
            %get3A_475 = arith.index_cast %rem3A_51 : i32 to index
            %get3A_476 = arith.index_cast %add3A_474 : i32 to index
            %get3A_477 = arith.constant 336 : index
            %get3A_478 = tpu.vector_load %arg10[%get3A_475, %get3A_476, %get3A_477] {strides = array<i32>} : memref<3x64x512xf32, #tpu.memory_space<vmem>>, vector<1x1x16xf32>,
            %get3A_479 = vector.shape_cast %get3A_478 : vector<1x1x16xf32> to vector<16xf32>
            %mul3A_480 = vector.broadcast %squeeze3A_422 : f32 to vector<16xf32>
            %mul3A_481 = arith.mulf %get3A_479, %mul3A_480 : vector<16xf32>
            %add3A_482 = arith.addf %while3A_399, %mul3A_481 : vector<16xf32>
            %add3A_483 = arith.constant 0 : i32
            %add3A_484 = arith.addi %add3A_412, %add3A_483 : i32
            %get3A_485 = arith.index_cast %rem3A_51 : i32 to index
            %get3A_486 = arith.index_cast %add3A_484 : i32 to index
            %get3A_487 = arith.constant 352 : index
            %get3A_488 = tpu.vector_load %arg10[%get3A_485, %get3A_486, %get3A_487] {strides = array<i32>} : memref<3x64x512xf32, #tpu.memory_space<vmem>>, vector<1x1x16xf32>,
            %get3A_489 = vector.shape_cast %get3A_488 : vector<1x1x16xf32> to vector<16xf32>
            %mul3A_490 = vector.broadcast %squeeze3A_422 : f32 to vector<16xf32>
            %mul3A_491 = arith.mulf %get3A_489, %mul3A_490 : vector<16xf32>
            %add3A_492 = arith.addf %while3A_400, %mul3A_491 : vector<16xf32>
            %add3A_493 = arith.constant 0 : i32
            %add3A_494 = arith.addi %add3A_412, %add3A_493 : i32
            %get3A_495 = arith.index_cast %rem3A_51 : i32 to index
            %get3A_496 = arith.index_cast %add3A_494 : i32 to index
            %get3A_497 = arith.constant 368 : index
            %get3A_498 = tpu.vector_load %arg10[%get3A_495, %get3A_496, %get3A_497] {strides = array<i32>} : memref<3x64x512xf32, #tpu.memory_space<vmem>>, vector<1x1x16xf32>,
            %get3A_499 = vector.shape_cast %get3A_498 : vector<1x1x16xf32> to vector<16xf32>
            %mul3A_500 = vector.broadcast %squeeze3A_422 : f32 to vector<16xf32>
            %mul3A_501 = arith.mulf %get3A_499, %mul3A_500 : vector<16xf32>
            %add3A_502 = arith.addf %while3A_401, %mul3A_501 : vector<16xf32>
            %add3A_503 = arith.constant 0 : i32
            %add3A_504 = arith.addi %add3A_412, %add3A_503 : i32
            %get3A_505 = arith.index_cast %rem3A_51 : i32 to index
            %get3A_506 = arith.index_cast %add3A_504 : i32 to index
            %get3A_507 = arith.constant 384 : index
            %get3A_508 = tpu.vector_load %arg10[%get3A_505, %get3A_506, %get3A_507] {strides = array<i32>} : memref<3x64x512xf32, #tpu.memory_space<vmem>>, vector<1x1x16xf32>,
            %get3A_509 = vector.shape_cast %get3A_508 : vector<1x1x16xf32> to vector<16xf32>
            %mul3A_510 = vector.broadcast %squeeze3A_422 : f32 to vector<16xf32>
            %mul3A_511 = arith.mulf %get3A_509, %mul3A_510 : vector<16xf32>
            %add3A_512 = arith.addf %while3A_402, %mul3A_511 : vector<16xf32>
            %add3A_513 = arith.constant 0 : i32
            %add3A_514 = arith.addi %add3A_412, %add3A_513 : i32
            %get3A_515 = arith.index_cast %rem3A_51 : i32 to index
            %get3A_516 = arith.index_cast %add3A_514 : i32 to index
            %get3A_517 = arith.constant 400 : index
            %get3A_518 = tpu.vector_load %arg10[%get3A_515, %get3A_516, %get3A_517] {strides = array<i32>} : memref<3x64x512xf32, #tpu.memory_space<vmem>>, vector<1x1x16xf32>,
            %get3A_519 = vector.shape_cast %get3A_518 : vector<1x1x16xf32> to vector<16xf32>
            %mul3A_520 = vector.broadcast %squeeze3A_422 : f32 to vector<16xf32>
            %mul3A_521 = arith.mulf %get3A_519, %mul3A_520 : vector<16xf32>
            %add3A_522 = arith.addf %while3A_403, %mul3A_521 : vector<16xf32>
            %add3A_523 = arith.constant 0 : i32
            %add3A_524 = arith.addi %add3A_412, %add3A_523 : i32
            %get3A_525 = arith.index_cast %rem3A_51 : i32 to index
            %get3A_526 = arith.index_cast %add3A_524 : i32 to index
            %get3A_527 = arith.constant 416 : index
            %get3A_528 = tpu.vector_load %arg10[%get3A_525, %get3A_526, %get3A_527] {strides = array<i32>} : memref<3x64x512xf32, #tpu.memory_space<vmem>>, vector<1x1x16xf32>,
            %get3A_529 = vector.shape_cast %get3A_528 : vector<1x1x16xf32> to vector<16xf32>
            %mul3A_530 = vector.broadcast %squeeze3A_422 : f32 to vector<16xf32>
            %mul3A_531 = arith.mulf %get3A_529, %mul3A_530 : vector<16xf32>
            %add3A_532 = arith.addf %while3A_404, %mul3A_531 : vector<16xf32>
            %add3A_533 = arith.constant 0 : i32
            %add3A_534 = arith.addi %add3A_412, %add3A_533 : i32
            %get3A_535 = arith.index_cast %rem3A_51 : i32 to index
            %get3A_536 = arith.index_cast %add3A_534 : i32 to index
            %get3A_537 = arith.constant 432 : index
            %get3A_538 = tpu.vector_load %arg10[%get3A_535, %get3A_536, %get3A_537] {strides = array<i32>} : memref<3x64x512xf32, #tpu.memory_space<vmem>>, vector<1x1x16xf32>,
            %get3A_539 = vector.shape_cast %get3A_538 : vector<1x1x16xf32> to vector<16xf32>
            %mul3A_540 = vector.broadcast %squeeze3A_422 : f32 to vector<16xf32>
            %mul3A_541 = arith.mulf %get3A_539, %mul3A_540 : vector<16xf32>
            %add3A_542 = arith.addf %while3A_405, %mul3A_541 : vector<16xf32>
            %add3A_543 = arith.constant 0 : i32
            %add3A_544 = arith.addi %add3A_412, %add3A_543 : i32
            %get3A_545 = arith.index_cast %rem3A_51 : i32 to index
            %get3A_546 = arith.index_cast %add3A_544 : i32 to index
            %get3A_547 = arith.constant 448 : index
            %get3A_548 = tpu.vector_load %arg10[%get3A_545, %get3A_546, %get3A_547] {strides = array<i32>} : memref<3x64x512xf32, #tpu.memory_space<vmem>>, vector<1x1x16xf32>,
            %get3A_549 = vector.shape_cast %get3A_548 : vector<1x1x16xf32> to vector<16xf32>
            %mul3A_550 = vector.broadcast %squeeze3A_422 : f32 to vector<16xf32>
            %mul3A_551 = arith.mulf %get3A_549, %mul3A_550 : vector<16xf32>
            %add3A_552 = arith.addf %while3A_406, %mul3A_551 : vector<16xf32>
            %add3A_553 = arith.constant 0 : i32
            %add3A_554 = arith.addi %add3A_412, %add3A_553 : i32
            %get3A_555 = arith.index_cast %rem3A_51 : i32 to index
            %get3A_556 = arith.index_cast %add3A_554 : i32 to index
            %get3A_557 = arith.constant 464 : index
            %get3A_558 = tpu.vector_load %arg10[%get3A_555, %get3A_556, %get3A_557] {strides = array<i32>} : memref<3x64x512xf32, #tpu.memory_space<vmem>>, vector<1x1x16xf32>,
            %get3A_559 = vector.shape_cast %get3A_558 : vector<1x1x16xf32> to vector<16xf32>
            %mul3A_560 = vector.broadcast %squeeze3A_422 : f32 to vector<16xf32>
            %mul3A_561 = arith.mulf %get3A_559, %mul3A_560 : vector<16xf32>
            %add3A_562 = arith.addf %while3A_407, %mul3A_561 : vector<16xf32>
            %add3A_563 = arith.constant 0 : i32
            %add3A_564 = arith.addi %add3A_412, %add3A_563 : i32
            %get3A_565 = arith.index_cast %rem3A_51 : i32 to index
            %get3A_566 = arith.index_cast %add3A_564 : i32 to index
            %get3A_567 = arith.constant 480 : index
            %get3A_568 = tpu.vector_load %arg10[%get3A_565, %get3A_566, %get3A_567] {strides = array<i32>} : memref<3x64x512xf32, #tpu.memory_space<vmem>>, vector<1x1x16xf32>,
            %get3A_569 = vector.shape_cast %get3A_568 : vector<1x1x16xf32> to vector<16xf32>
            %mul3A_570 = vector.broadcast %squeeze3A_422 : f32 to vector<16xf32>
            %mul3A_571 = arith.mulf %get3A_569, %mul3A_570 : vector<16xf32>
            %add3A_572 = arith.addf %while3A_408, %mul3A_571 : vector<16xf32>
            %add3A_573 = arith.constant 0 : i32
            %add3A_574 = arith.addi %add3A_412, %add3A_573 : i32
            %get3A_575 = arith.index_cast %rem3A_51 : i32 to index
            %get3A_576 = arith.index_cast %add3A_574 : i32 to index
            %get3A_577 = arith.constant 496 : index
            %get3A_578 = tpu.vector_load %arg10[%get3A_575, %get3A_576, %get3A_577] {strides = array<i32>} : memref<3x64x512xf32, #tpu.memory_space<vmem>>, vector<1x1x16xf32>,
            %get3A_579 = vector.shape_cast %get3A_578 : vector<1x1x16xf32> to vector<16xf32>
            %mul3A_580 = vector.broadcast %squeeze3A_422 : f32 to vector<16xf32>
            %mul3A_581 = arith.mulf %get3A_579, %mul3A_580 : vector<16xf32>
            %add3A_582 = arith.addf %while3A_409, %mul3A_581 : vector<16xf32>
            %slice3A_583 = vector.extract_strided_slice %exp3A {offsets = [1], sizes = [1], strides = [1]} : vector<16xf32> to vector<1xf32>
            %squeeze3A_584 = vector.extract %slice3A_583[0] : f32 from vector<1xf32>
            %add3A_585 = arith.constant 1 : i32
            %add3A_586 = arith.addi %add3A_412, %add3A_585 : i32
            %get3A_587 = arith.index_cast %rem3A_51 : i32 to index
            %get3A_588 = arith.index_cast %add3A_586 : i32 to index
            %get3A_589 = arith.constant 256 : index
            %get3A_590 = tpu.vector_load %arg10[%get3A_587, %get3A_588, %get3A_589] {strides = array<i32>} : memref<3x64x512xf32, #tpu.memory_space<vmem>>, vector<1x1x16xf32>,
            %get3A_591 = vector.shape_cast %get3A_590 : vector<1x1x16xf32> to vector<16xf32>
            %mul3A_592 = vector.broadcast %squeeze3A_584 : f32 to vector<16xf32>
            %mul3A_593 = arith.mulf %get3A_591, %mul3A_592 : vector<16xf32>
            %add3A_594 = arith.addf %add3A_432, %mul3A_593 : vector<16xf32>
            %add3A_595 = arith.constant 1 : i32
            %add3A_596 = arith.addi %add3A_412, %add3A_595 : i32
            %get3A_597 = arith.index_cast %rem3A_51 : i32 to index
            %get3A_598 = arith.index_cast %add3A_596 : i32 to index
            %get3A_599 = arith.constant 272 : index
            %get3A_600 = tpu.vector_load %arg10[%get3A_597, %get3A_598, %get3A_599] {strides = array<i32>} : memref<3x64x512xf32, #tpu.memory_space<vmem>>, vector<1x1x16xf32>,
            %get3A_601 = vector.shape_cast %get3A_600 : vector<1x1x16xf32> to vector<16xf32>
            %mul3A_602 = vector.broadcast %squeeze3A_584 : f32 to vector<16xf32>
            %mul3A_603 = arith.mulf %get3A_601, %mul3A_602 : vector<16xf32>
            %add3A_604 = arith.addf %add3A_442, %mul3A_603 : vector<16xf32>
            %add3A_605 = arith.constant 1 : i32
            %add3A_606 = arith.addi %add3A_412, %add3A_605 : i32
            %get3A_607 = arith.index_cast %rem3A_51 : i32 to index
            %get3A_608 = arith.index_cast %add3A_606 : i32 to index
            %get3A_609 = arith.constant 288 : index
            %get3A_610 = tpu.vector_load %arg10[%get3A_607, %get3A_608, %get3A_609] {strides = array<i32>} : memref<3x64x512xf32, #tpu.memory_space<vmem>>, vector<1x1x16xf32>,
            %get3A_611 = vector.shape_cast %get3A_610 : vector<1x1x16xf32> to vector<16xf32>
            %mul3A_612 = vector.broadcast %squeeze3A_584 : f32 to vector<16xf32>
            %mul3A_613 = arith.mulf %get3A_611, %mul3A_612 : vector<16xf32>
            %add3A_614 = arith.addf %add3A_452, %mul3A_613 : vector<16xf32>
            %add3A_615 = arith.constant 1 : i32
            %add3A_616 = arith.addi %add3A_412, %add3A_615 : i32
            %get3A_617 = arith.index_cast %rem3A_51 : i32 to index
            %get3A_618 = arith.index_cast %add3A_616 : i32 to index
            %get3A_619 = arith.constant 304 : index
            %get3A_620 = tpu.vector_load %arg10[%get3A_617, %get3A_618, %get3A_619] {strides = array<i32>} : memref<3x64x512xf32, #tpu.memory_space<vmem>>, vector<1x1x16xf32>,
            %get3A_621 = vector.shape_cast %get3A_620 : vector<1x1x16xf32> to vector<16xf32>
            %mul3A_622 = vector.broadcast %squeeze3A_584 : f32 to vector<16xf32>
            %mul3A_623 = arith.mulf %get3A_621, %mul3A_622 : vector<16xf32>
            %add3A_624 = arith.addf %add3A_462, %mul3A_623 : vector<16xf32>
            %add3A_625 = arith.constant 1 : i32
            %add3A_626 = arith.addi %add3A_412, %add3A_625 : i32
            %get3A_627 = arith.index_cast %rem3A_51 : i32 to index
            %get3A_628 = arith.index_cast %add3A_626 : i32 to index
            %get3A_629 = arith.constant 320 : index
            %get3A_630 = tpu.vector_load %arg10[%get3A_627, %get3A_628, %get3A_629] {strides = array<i32>} : memref<3x64x512xf32, #tpu.memory_space<vmem>>, vector<1x1x16xf32>,
            %get3A_631 = vector.shape_cast %get3A_630 : vector<1x1x16xf32> to vector<16xf32>
            %mul3A_632 = vector.broadcast %squeeze3A_584 : f32 to vector<16xf32>
            %mul3A_633 = arith.mulf %get3A_631, %mul3A_632 : vector<16xf32>
            %add3A_634 = arith.addf %add3A_472, %mul3A_633 : vector<16xf32>
            %add3A_635 = arith.constant 1 : i32
            %add3A_636 = arith.addi %add3A_412, %add3A_635 : i32
            %get3A_637 = arith.index_cast %rem3A_51 : i32 to index
            %get3A_638 = arith.index_cast %add3A_636 : i32 to index
            %get3A_639 = arith.constant 336 : index
            %get3A_640 = tpu.vector_load %arg10[%get3A_637, %get3A_638, %get3A_639] {strides = array<i32>} : memref<3x64x512xf32, #tpu.memory_space<vmem>>, vector<1x1x16xf32>,
            %get3A_641 = vector.shape_cast %get3A_640 : vector<1x1x16xf32> to vector<16xf32>
            %mul3A_642 = vector.broadcast %squeeze3A_584 : f32 to vector<16xf32>
            %mul3A_643 = arith.mulf %get3A_641, %mul3A_642 : vector<16xf32>
            %add3A_644 = arith.addf %add3A_482, %mul3A_643 : vector<16xf32>
            %add3A_645 = arith.constant 1 : i32
            %add3A_646 = arith.addi %add3A_412, %add3A_645 : i32
            %get3A_647 = arith.index_cast %rem3A_51 : i32 to index
            %get3A_648 = arith.index_cast %add3A_646 : i32 to index
            %get3A_649 = arith.constant 352 : index
            %get3A_650 = tpu.vector_load %arg10[%get3A_647, %get3A_648, %get3A_649] {strides = array<i32>} : memref<3x64x512xf32, #tpu.memory_space<vmem>>, vector<1x1x16xf32>,
            %get3A_651 = vector.shape_cast %get3A_650 : vector<1x1x16xf32> to vector<16xf32>
            %mul3A_652 = vector.broadcast %squeeze3A_584 : f32 to vector<16xf32>
            %mul3A_653 = arith.mulf %get3A_651, %mul3A_652 : vector<16xf32>
            %add3A_654 = arith.addf %add3A_492, %mul3A_653 : vector<16xf32>
            %add3A_655 = arith.constant 1 : i32
            %add3A_656 = arith.addi %add3A_412, %add3A_655 : i32
            %get3A_657 = arith.index_cast %rem3A_51 : i32 to index
            %get3A_658 = arith.index_cast %add3A_656 : i32 to index
            %get3A_659 = arith.constant 368 : index
            %get3A_660 = tpu.vector_load %arg10[%get3A_657, %get3A_658, %get3A_659] {strides = array<i32>} : memref<3x64x512xf32, #tpu.memory_space<vmem>>, vector<1x1x16xf32>,
            %get3A_661 = vector.shape_cast %get3A_660 : vector<1x1x16xf32> to vector<16xf32>
            %mul3A_662 = vector.broadcast %squeeze3A_584 : f32 to vector<16xf32>
            %mul3A_663 = arith.mulf %get3A_661, %mul3A_662 : vector<16xf32>
            %add3A_664 = arith.addf %add3A_502, %mul3A_663 : vector<16xf32>
            %add3A_665 = arith.constant 1 : i32
            %add3A_666 = arith.addi %add3A_412, %add3A_665 : i32
            %get3A_667 = arith.index_cast %rem3A_51 : i32 to index
            %get3A_668 = arith.index_cast %add3A_666 : i32 to index
            %get3A_669 = arith.constant 384 : index
            %get3A_670 = tpu.vector_load %arg10[%get3A_667, %get3A_668, %get3A_669] {strides = array<i32>} : memref<3x64x512xf32, #tpu.memory_space<vmem>>, vector<1x1x16xf32>,
            %get3A_671 = vector.shape_cast %get3A_670 : vector<1x1x16xf32> to vector<16xf32>
            %mul3A_672 = vector.broadcast %squeeze3A_584 : f32 to vector<16xf32>
            %mul3A_673 = arith.mulf %get3A_671, %mul3A_672 : vector<16xf32>
            %add3A_674 = arith.addf %add3A_512, %mul3A_673 : vector<16xf32>
            %add3A_675 = arith.constant 1 : i32
            %add3A_676 = arith.addi %add3A_412, %add3A_675 : i32
            %get3A_677 = arith.index_cast %rem3A_51 : i32 to index
            %get3A_678 = arith.index_cast %add3A_676 : i32 to index
            %get3A_679 = arith.constant 400 : index
            %get3A_680 = tpu.vector_load %arg10[%get3A_677, %get3A_678, %get3A_679] {strides = array<i32>} : memref<3x64x512xf32, #tpu.memory_space<vmem>>, vector<1x1x16xf32>,
            %get3A_681 = vector.shape_cast %get3A_680 : vector<1x1x16xf32> to vector<16xf32>
            %mul3A_682 = vector.broadcast %squeeze3A_584 : f32 to vector<16xf32>
            %mul3A_683 = arith.mulf %get3A_681, %mul3A_682 : vector<16xf32>
            %add3A_684 = arith.addf %add3A_522, %mul3A_683 : vector<16xf32>
            %add3A_685 = arith.constant 1 : i32
            %add3A_686 = arith.addi %add3A_412, %add3A_685 : i32
            %get3A_687 = arith.index_cast %rem3A_51 : i32 to index
            %get3A_688 = arith.index_cast %add3A_686 : i32 to index
            %get3A_689 = arith.constant 416 : index
            %get3A_690 = tpu.vector_load %arg10[%get3A_687, %get3A_688, %get3A_689] {strides = array<i32>} : memref<3x64x512xf32, #tpu.memory_space<vmem>>, vector<1x1x16xf32>,
            %get3A_691 = vector.shape_cast %get3A_690 : vector<1x1x16xf32> to vector<16xf32>
            %mul3A_692 = vector.broadcast %squeeze3A_584 : f32 to vector<16xf32>
            %mul3A_693 = arith.mulf %get3A_691, %mul3A_692 : vector<16xf32>
            %add3A_694 = arith.addf %add3A_532, %mul3A_693 : vector<16xf32>
            %add3A_695 = arith.constant 1 : i32
            %add3A_696 = arith.addi %add3A_412, %add3A_695 : i32
            %get3A_697 = arith.index_cast %rem3A_51 : i32 to index
            %get3A_698 = arith.index_cast %add3A_696 : i32 to index
            %get3A_699 = arith.constant 432 : index
            %get3A_700 = tpu.vector_load %arg10[%get3A_697, %get3A_698, %get3A_699] {strides = array<i32>} : memref<3x64x512xf32, #tpu.memory_space<vmem>>, vector<1x1x16xf32>,
            %get3A_701 = vector.shape_cast %get3A_700 : vector<1x1x16xf32> to vector<16xf32>
            %mul3A_702 = vector.broadcast %squeeze3A_584 : f32 to vector<16xf32>
            %mul3A_703 = arith.mulf %get3A_701, %mul3A_702 : vector<16xf32>
            %add3A_704 = arith.addf %add3A_542, %mul3A_703 : vector<16xf32>
            %add3A_705 = arith.constant 1 : i32
            %add3A_706 = arith.addi %add3A_412, %add3A_705 : i32
            %get3A_707 = arith.index_cast %rem3A_51 : i32 to index
            %get3A_708 = arith.index_cast %add3A_706 : i32 to index
            %get3A_709 = arith.constant 448 : index
            %get3A_710 = tpu.vector_load %arg10[%get3A_707, %get3A_708, %get3A_709] {strides = array<i32>} : memref<3x64x512xf32, #tpu.memory_space<vmem>>, vector<1x1x16xf32>,
            %get3A_711 = vector.shape_cast %get3A_710 : vector<1x1x16xf32> to vector<16xf32>
            %mul3A_712 = vector.broadcast %squeeze3A_584 : f32 to vector<16xf32>
            %mul3A_713 = arith.mulf %get3A_711, %mul3A_712 : vector<16xf32>
            %add3A_714 = arith.addf %add3A_552, %mul3A_713 : vector<16xf32>
            %add3A_715 = arith.constant 1 : i32
            %add3A_716 = arith.addi %add3A_412, %add3A_715 : i32
            %get3A_717 = arith.index_cast %rem3A_51 : i32 to index
            %get3A_718 = arith.index_cast %add3A_716 : i32 to index
            %get3A_719 = arith.constant 464 : index
            %get3A_720 = tpu.vector_load %arg10[%get3A_717, %get3A_718, %get3A_719] {strides = array<i32>} : memref<3x64x512xf32, #tpu.memory_space<vmem>>, vector<1x1x16xf32>,
            %get3A_721 = vector.shape_cast %get3A_720 : vector<1x1x16xf32> to vector<16xf32>
            %mul3A_722 = vector.broadcast %squeeze3A_584 : f32 to vector<16xf32>
            %mul3A_723 = arith.mulf %get3A_721, %mul3A_722 : vector<16xf32>
            %add3A_724 = arith.addf %add3A_562, %mul3A_723 : vector<16xf32>
            %add3A_725 = arith.constant 1 : i32
            %add3A_726 = arith.addi %add3A_412, %add3A_725 : i32
            %get3A_727 = arith.index_cast %rem3A_51 : i32 to index
            %get3A_728 = arith.index_cast %add3A_726 : i32 to index
            %get3A_729 = arith.constant 480 : index
            %get3A_730 = tpu.vector_load %arg10[%get3A_727, %get3A_728, %get3A_729] {strides = array<i32>} : memref<3x64x512xf32, #tpu.memory_space<vmem>>, vector<1x1x16xf32>,
            %get3A_731 = vector.shape_cast %get3A_730 : vector<1x1x16xf32> to vector<16xf32>
            %mul3A_732 = vector.broadcast %squeeze3A_584 : f32 to vector<16xf32>
            %mul3A_733 = arith.mulf %get3A_731, %mul3A_732 : vector<16xf32>
            %add3A_734 = arith.addf %add3A_572, %mul3A_733 : vector<16xf32>
            %add3A_735 = arith.constant 1 : i32
            %add3A_736 = arith.addi %add3A_412, %add3A_735 : i32
            %get3A_737 = arith.index_cast %rem3A_51 : i32 to index
            %get3A_738 = arith.index_cast %add3A_736 : i32 to index
            %get3A_739 = arith.constant 496 : index
            %get3A_740 = tpu.vector_load %arg10[%get3A_737, %get3A_738, %get3A_739] {strides = array<i32>} : memref<3x64x512xf32, #tpu.memory_space<vmem>>, vector<1x1x16xf32>,
            %get3A_741 = vector.shape_cast %get3A_740 : vector<1x1x16xf32> to vector<16xf32>
            %mul3A_742 = vector.broadcast %squeeze3A_584 : f32 to vector<16xf32>
            %mul3A_743 = arith.mulf %get3A_741, %mul3A_742 : vector<16xf32>
            %add3A_744 = arith.addf %add3A_582, %mul3A_743 : vector<16xf32>
            %slice3A_745 = vector.extract_strided_slice %exp3A {offsets = [2], sizes = [1], strides = [1]} : vector<16xf32> to vector<1xf32>
            %squeeze3A_746 = vector.extract %slice3A_745[0] : f32 from vector<1xf32>
            %add3A_747 = arith.constant 2 : i32
            %add3A_748 = arith.addi %add3A_412, %add3A_747 : i32
            %get3A_749 = arith.index_cast %rem3A_51 : i32 to index
            %get3A_750 = arith.index_cast %add3A_748 : i32 to index
            %get3A_751 = arith.constant 256 : index
            %get3A_752 = tpu.vector_load %arg10[%get3A_749, %get3A_750, %get3A_751] {strides = array<i32>} : memref<3x64x512xf32, #tpu.memory_space<vmem>>, vector<1x1x16xf32>,
            %get3A_753 = vector.shape_cast %get3A_752 : vector<1x1x16xf32> to vector<16xf32>
            %mul3A_754 = vector.broadcast %squeeze3A_746 : f32 to vector<16xf32>
            %mul3A_755 = arith.mulf %get3A_753, %mul3A_754 : vector<16xf32>
            %add3A_756 = arith.addf %add3A_594, %mul3A_755 : vector<16xf32>
            %add3A_757 = arith.constant 2 : i32
            %add3A_758 = arith.addi %add3A_412, %add3A_757 : i32
            %get3A_759 = arith.index_cast %rem3A_51 : i32 to index
            %get3A_760 = arith.index_cast %add3A_758 : i32 to index
            %get3A_761 = arith.constant 272 : index
            %get3A_762 = tpu.vector_load %arg10[%get3A_759, %get3A_760, %get3A_761] {strides = array<i32>} : memref<3x64x512xf32, #tpu.memory_space<vmem>>, vector<1x1x16xf32>,
            %get3A_763 = vector.shape_cast %get3A_762 : vector<1x1x16xf32> to vector<16xf32>
            %mul3A_764 = vector.broadcast %squeeze3A_746 : f32 to vector<16xf32>
            %mul3A_765 = arith.mulf %get3A_763, %mul3A_764 : vector<16xf32>
            %add3A_766 = arith.addf %add3A_604, %mul3A_765 : vector<16xf32>
            %add3A_767 = arith.constant 2 : i32
            %add3A_768 = arith.addi %add3A_412, %add3A_767 : i32
            %get3A_769 = arith.index_cast %rem3A_51 : i32 to index
            %get3A_770 = arith.index_cast %add3A_768 : i32 to index
            %get3A_771 = arith.constant 288 : index
            %get3A_772 = tpu.vector_load %arg10[%get3A_769, %get3A_770, %get3A_771] {strides = array<i32>} : memref<3x64x512xf32, #tpu.memory_space<vmem>>, vector<1x1x16xf32>,
            %get3A_773 = vector.shape_cast %get3A_772 : vector<1x1x16xf32> to vector<16xf32>
            %mul3A_774 = vector.broadcast %squeeze3A_746 : f32 to vector<16xf32>
            %mul3A_775 = arith.mulf %get3A_773, %mul3A_774 : vector<16xf32>
            %add3A_776 = arith.addf %add3A_614, %mul3A_775 : vector<16xf32>
            %add3A_777 = arith.constant 2 : i32
            %add3A_778 = arith.addi %add3A_412, %add3A_777 : i32
            %get3A_779 = arith.index_cast %rem3A_51 : i32 to index
            %get3A_780 = arith.index_cast %add3A_778 : i32 to index
            %get3A_781 = arith.constant 304 : index
            %get3A_782 = tpu.vector_load %arg10[%get3A_779, %get3A_780, %get3A_781] {strides = array<i32>} : memref<3x64x512xf32, #tpu.memory_space<vmem>>, vector<1x1x16xf32>,
            %get3A_783 = vector.shape_cast %get3A_782 : vector<1x1x16xf32> to vector<16xf32>
            %mul3A_784 = vector.broadcast %squeeze3A_746 : f32 to vector<16xf32>
            %mul3A_785 = arith.mulf %get3A_783, %mul3A_784 : vector<16xf32>
            %add3A_786 = arith.addf %add3A_624, %mul3A_785 : vector<16xf32>
            %add3A_787 = arith.constant 2 : i32
            %add3A_788 = arith.addi %add3A_412, %add3A_787 : i32
            %get3A_789 = arith.index_cast %rem3A_51 : i32 to index
            %get3A_790 = arith.index_cast %add3A_788 : i32 to index
            %get3A_791 = arith.constant 320 : index
            %get3A_792 = tpu.vector_load %arg10[%get3A_789, %get3A_790, %get3A_791] {strides = array<i32>} : memref<3x64x512xf32, #tpu.memory_space<vmem>>, vector<1x1x16xf32>,
            %get3A_793 = vector.shape_cast %get3A_792 : vector<1x1x16xf32> to vector<16xf32>
            %mul3A_794 = vector.broadcast %squeeze3A_746 : f32 to vector<16xf32>
            %mul3A_795 = arith.mulf %get3A_793, %mul3A_794 : vector<16xf32>
            %add3A_796 = arith.addf %add3A_634, %mul3A_795 : vector<16xf32>
            %add3A_797 = arith.constant 2 : i32
            %add3A_798 = arith.addi %add3A_412, %add3A_797 : i32
            %get3A_799 = arith.index_cast %rem3A_51 : i32 to index
            %get3A_800 = arith.index_cast %add3A_798 : i32 to index
            %get3A_801 = arith.constant 336 : index
            %get3A_802 = tpu.vector_load %arg10[%get3A_799, %get3A_800, %get3A_801] {strides = array<i32>} : memref<3x64x512xf32, #tpu.memory_space<vmem>>, vector<1x1x16xf32>,
            %get3A_803 = vector.shape_cast %get3A_802 : vector<1x1x16xf32> to vector<16xf32>
            %mul3A_804 = vector.broadcast %squeeze3A_746 : f32 to vector<16xf32>
            %mul3A_805 = arith.mulf %get3A_803, %mul3A_804 : vector<16xf32>
            %add3A_806 = arith.addf %add3A_644, %mul3A_805 : vector<16xf32>
            %add3A_807 = arith.constant 2 : i32
            %add3A_808 = arith.addi %add3A_412, %add3A_807 : i32
            %get3A_809 = arith.index_cast %rem3A_51 : i32 to index
            %get3A_810 = arith.index_cast %add3A_808 : i32 to index
            %get3A_811 = arith.constant 352 : index
            %get3A_812 = tpu.vector_load %arg10[%get3A_809, %get3A_810, %get3A_811] {strides = array<i32>} : memref<3x64x512xf32, #tpu.memory_space<vmem>>, vector<1x1x16xf32>,
            %get3A_813 = vector.shape_cast %get3A_812 : vector<1x1x16xf32> to vector<16xf32>
            %mul3A_814 = vector.broadcast %squeeze3A_746 : f32 to vector<16xf32>
            %mul3A_815 = arith.mulf %get3A_813, %mul3A_814 : vector<16xf32>
            %add3A_816 = arith.addf %add3A_654, %mul3A_815 : vector<16xf32>
            %add3A_817 = arith.constant 2 : i32
            %add3A_818 = arith.addi %add3A_412, %add3A_817 : i32
            %get3A_819 = arith.index_cast %rem3A_51 : i32 to index
            %get3A_820 = arith.index_cast %add3A_818 : i32 to index
            %get3A_821 = arith.constant 368 : index
            %get3A_822 = tpu.vector_load %arg10[%get3A_819, %get3A_820, %get3A_821] {strides = array<i32>} : memref<3x64x512xf32, #tpu.memory_space<vmem>>, vector<1x1x16xf32>,
            %get3A_823 = vector.shape_cast %get3A_822 : vector<1x1x16xf32> to vector<16xf32>
            %mul3A_824 = vector.broadcast %squeeze3A_746 : f32 to vector<16xf32>
            %mul3A_825 = arith.mulf %get3A_823, %mul3A_824 : vector<16xf32>
            %add3A_826 = arith.addf %add3A_664, %mul3A_825 : vector<16xf32>
            %add3A_827 = arith.constant 2 : i32
            %add3A_828 = arith.addi %add3A_412, %add3A_827 : i32
            %get3A_829 = arith.index_cast %rem3A_51 : i32 to index
            %get3A_830 = arith.index_cast %add3A_828 : i32 to index
            %get3A_831 = arith.constant 384 : index
            %get3A_832 = tpu.vector_load %arg10[%get3A_829, %get3A_830, %get3A_831] {strides = array<i32>} : memref<3x64x512xf32, #tpu.memory_space<vmem>>, vector<1x1x16xf32>,
            %get3A_833 = vector.shape_cast %get3A_832 : vector<1x1x16xf32> to vector<16xf32>
            %mul3A_834 = vector.broadcast %squeeze3A_746 : f32 to vector<16xf32>
            %mul3A_835 = arith.mulf %get3A_833, %mul3A_834 : vector<16xf32>
            %add3A_836 = arith.addf %add3A_674, %mul3A_835 : vector<16xf32>
            %add3A_837 = arith.constant 2 : i32
            %add3A_838 = arith.addi %add3A_412, %add3A_837 : i32
            %get3A_839 = arith.index_cast %rem3A_51 : i32 to index
            %get3A_840 = arith.index_cast %add3A_838 : i32 to index
            %get3A_841 = arith.constant 400 : index
            %get3A_842 = tpu.vector_load %arg10[%get3A_839, %get3A_840, %get3A_841] {strides = array<i32>} : memref<3x64x512xf32, #tpu.memory_space<vmem>>, vector<1x1x16xf32>,
            %get3A_843 = vector.shape_cast %get3A_842 : vector<1x1x16xf32> to vector<16xf32>
            %mul3A_844 = vector.broadcast %squeeze3A_746 : f32 to vector<16xf32>
            %mul3A_845 = arith.mulf %get3A_843, %mul3A_844 : vector<16xf32>
            %add3A_846 = arith.addf %add3A_684, %mul3A_845 : vector<16xf32>
            %add3A_847 = arith.constant 2 : i32
            %add3A_848 = arith.addi %add3A_412, %add3A_847 : i32
            %get3A_849 = arith.index_cast %rem3A_51 : i32 to index
            %get3A_850 = arith.index_cast %add3A_848 : i32 to index
            %get3A_851 = arith.constant 416 : index
            %get3A_852 = tpu.vector_load %arg10[%get3A_849, %get3A_850, %get3A_851] {strides = array<i32>} : memref<3x64x512xf32, #tpu.memory_space<vmem>>, vector<1x1x16xf32>,
            %get3A_853 = vector.shape_cast %get3A_852 : vector<1x1x16xf32> to vector<16xf32>
            %mul3A_854 = vector.broadcast %squeeze3A_746 : f32 to vector<16xf32>
            %mul3A_855 = arith.mulf %get3A_853, %mul3A_854 : vector<16xf32>
            %add3A_856 = arith.addf %add3A_694, %mul3A_855 : vector<16xf32>
            %add3A_857 = arith.constant 2 : i32
            %add3A_858 = arith.addi %add3A_412, %add3A_857 : i32
            %get3A_859 = arith.index_cast %rem3A_51 : i32 to index
            %get3A_860 = arith.index_cast %add3A_858 : i32 to index
            %get3A_861 = arith.constant 432 : index
            %get3A_862 = tpu.vector_load %arg10[%get3A_859, %get3A_860, %get3A_861] {strides = array<i32>} : memref<3x64x512xf32, #tpu.memory_space<vmem>>, vector<1x1x16xf32>,
            %get3A_863 = vector.shape_cast %get3A_862 : vector<1x1x16xf32> to vector<16xf32>
            %mul3A_864 = vector.broadcast %squeeze3A_746 : f32 to vector<16xf32>
            %mul3A_865 = arith.mulf %get3A_863, %mul3A_864 : vector<16xf32>
            %add3A_866 = arith.addf %add3A_704, %mul3A_865 : vector<16xf32>
            %add3A_867 = arith.constant 2 : i32
            %add3A_868 = arith.addi %add3A_412, %add3A_867 : i32
            %get3A_869 = arith.index_cast %rem3A_51 : i32 to index
            %get3A_870 = arith.index_cast %add3A_868 : i32 to index
            %get3A_871 = arith.constant 448 : index
            %get3A_872 = tpu.vector_load %arg10[%get3A_869, %get3A_870, %get3A_871] {strides = array<i32>} : memref<3x64x512xf32, #tpu.memory_space<vmem>>, vector<1x1x16xf32>,
            %get3A_873 = vector.shape_cast %get3A_872 : vector<1x1x16xf32> to vector<16xf32>
            %mul3A_874 = vector.broadcast %squeeze3A_746 : f32 to vector<16xf32>
            %mul3A_875 = arith.mulf %get3A_873, %mul3A_874 : vector<16xf32>
            %add3A_876 = arith.addf %add3A_714, %mul3A_875 : vector<16xf32>
            %add3A_877 = arith.constant 2 : i32
            %add3A_878 = arith.addi %add3A_412, %add3A_877 : i32
            %get3A_879 = arith.index_cast %rem3A_51 : i32 to index
            %get3A_880 = arith.index_cast %add3A_878 : i32 to index
            %get3A_881 = arith.constant 464 : index
            %get3A_882 = tpu.vector_load %arg10[%get3A_879, %get3A_880, %get3A_881] {strides = array<i32>} : memref<3x64x512xf32, #tpu.memory_space<vmem>>, vector<1x1x16xf32>,
            %get3A_883 = vector.shape_cast %get3A_882 : vector<1x1x16xf32> to vector<16xf32>
            %mul3A_884 = vector.broadcast %squeeze3A_746 : f32 to vector<16xf32>
            %mul3A_885 = arith.mulf %get3A_883, %mul3A_884 : vector<16xf32>
            %add3A_886 = arith.addf %add3A_724, %mul3A_885 : vector<16xf32>
            %add3A_887 = arith.constant 2 : i32
            %add3A_888 = arith.addi %add3A_412, %add3A_887 : i32
            %get3A_889 = arith.index_cast %rem3A_51 : i32 to index
            %get3A_890 = arith.index_cast %add3A_888 : i32 to index
            %get3A_891 = arith.constant 480 : index
            %get3A_892 = tpu.vector_load %arg10[%get3A_889, %get3A_890, %get3A_891] {strides = array<i32>} : memref<3x64x512xf32, #tpu.memory_space<vmem>>, vector<1x1x16xf32>,
            %get3A_893 = vector.shape_cast %get3A_892 : vector<1x1x16xf32> to vector<16xf32>
            %mul3A_894 = vector.broadcast %squeeze3A_746 : f32 to vector<16xf32>
            %mul3A_895 = arith.mulf %get3A_893, %mul3A_894 : vector<16xf32>
            %add3A_896 = arith.addf %add3A_734, %mul3A_895 : vector<16xf32>
            %add3A_897 = arith.constant 2 : i32
            %add3A_898 = arith.addi %add3A_412, %add3A_897 : i32
            %get3A_899 = arith.index_cast %rem3A_51 : i32 to index
            %get3A_900 = arith.index_cast %add3A_898 : i32 to index
            %get3A_901 = arith.constant 496 : index
            %get3A_902 = tpu.vector_load %arg10[%get3A_899, %get3A_900, %get3A_901] {strides = array<i32>} : memref<3x64x512xf32, #tpu.memory_space<vmem>>, vector<1x1x16xf32>,
            %get3A_903 = vector.shape_cast %get3A_902 : vector<1x1x16xf32> to vector<16xf32>
            %mul3A_904 = vector.broadcast %squeeze3A_746 : f32 to vector<16xf32>
            %mul3A_905 = arith.mulf %get3A_903, %mul3A_904 : vector<16xf32>
            %add3A_906 = arith.addf %add3A_744, %mul3A_905 : vector<16xf32>
            %slice3A_907 = vector.extract_strided_slice %exp3A {offsets = [3], sizes = [1], strides = [1]} : vector<16xf32> to vector<1xf32>
            %squeeze3A_908 = vector.extract %slice3A_907[0] : f32 from vector<1xf32>
            %add3A_909 = arith.constant 3 : i32
            %add3A_910 = arith.addi %add3A_412, %add3A_909 : i32
            %get3A_911 = arith.index_cast %rem3A_51 : i32 to index
            %get3A_912 = arith.index_cast %add3A_910 : i32 to index
            %get3A_913 = arith.constant 256 : index
            %get3A_914 = tpu.vector_load %arg10[%get3A_911, %get3A_912, %get3A_913] {strides = array<i32>} : memref<3x64x512xf32, #tpu.memory_space<vmem>>, vector<1x1x16xf32>,
            %get3A_915 = vector.shape_cast %get3A_914 : vector<1x1x16xf32> to vector<16xf32>
            %mul3A_916 = vector.broadcast %squeeze3A_908 : f32 to vector<16xf32>
            %mul3A_917 = arith.mulf %get3A_915, %mul3A_916 : vector<16xf32>
            %add3A_918 = arith.addf %add3A_756, %mul3A_917 : vector<16xf32>
            %add3A_919 = arith.constant 3 : i32
            %add3A_920 = arith.addi %add3A_412, %add3A_919 : i32
            %get3A_921 = arith.index_cast %rem3A_51 : i32 to index
            %get3A_922 = arith.index_cast %add3A_920 : i32 to index
            %get3A_923 = arith.constant 272 : index
            %get3A_924 = tpu.vector_load %arg10[%get3A_921, %get3A_922, %get3A_923] {strides = array<i32>} : memref<3x64x512xf32, #tpu.memory_space<vmem>>, vector<1x1x16xf32>,
            %get3A_925 = vector.shape_cast %get3A_924 : vector<1x1x16xf32> to vector<16xf32>
            %mul3A_926 = vector.broadcast %squeeze3A_908 : f32 to vector<16xf32>
            %mul3A_927 = arith.mulf %get3A_925, %mul3A_926 : vector<16xf32>
            %add3A_928 = arith.addf %add3A_766, %mul3A_927 : vector<16xf32>
            %add3A_929 = arith.constant 3 : i32
            %add3A_930 = arith.addi %add3A_412, %add3A_929 : i32
            %get3A_931 = arith.index_cast %rem3A_51 : i32 to index
            %get3A_932 = arith.index_cast %add3A_930 : i32 to index
            %get3A_933 = arith.constant 288 : index
            %get3A_934 = tpu.vector_load %arg10[%get3A_931, %get3A_932, %get3A_933] {strides = array<i32>} : memref<3x64x512xf32, #tpu.memory_space<vmem>>, vector<1x1x16xf32>,
            %get3A_935 = vector.shape_cast %get3A_934 : vector<1x1x16xf32> to vector<16xf32>
            %mul3A_936 = vector.broadcast %squeeze3A_908 : f32 to vector<16xf32>
            %mul3A_937 = arith.mulf %get3A_935, %mul3A_936 : vector<16xf32>
            %add3A_938 = arith.addf %add3A_776, %mul3A_937 : vector<16xf32>
            %add3A_939 = arith.constant 3 : i32
            %add3A_940 = arith.addi %add3A_412, %add3A_939 : i32
            %get3A_941 = arith.index_cast %rem3A_51 : i32 to index
            %get3A_942 = arith.index_cast %add3A_940 : i32 to index
            %get3A_943 = arith.constant 304 : index
            %get3A_944 = tpu.vector_load %arg10[%get3A_941, %get3A_942, %get3A_943] {strides = array<i32>} : memref<3x64x512xf32, #tpu.memory_space<vmem>>, vector<1x1x16xf32>,
            %get3A_945 = vector.shape_cast %get3A_944 : vector<1x1x16xf32> to vector<16xf32>
            %mul3A_946 = vector.broadcast %squeeze3A_908 : f32 to vector<16xf32>
            %mul3A_947 = arith.mulf %get3A_945, %mul3A_946 : vector<16xf32>
            %add3A_948 = arith.addf %add3A_786, %mul3A_947 : vector<16xf32>
            %add3A_949 = arith.constant 3 : i32
            %add3A_950 = arith.addi %add3A_412, %add3A_949 : i32
            %get3A_951 = arith.index_cast %rem3A_51 : i32 to index
            %get3A_952 = arith.index_cast %add3A_950 : i32 to index
            %get3A_953 = arith.constant 320 : index
            %get3A_954 = tpu.vector_load %arg10[%get3A_951, %get3A_952, %get3A_953] {strides = array<i32>} : memref<3x64x512xf32, #tpu.memory_space<vmem>>, vector<1x1x16xf32>,
            %get3A_955 = vector.shape_cast %get3A_954 : vector<1x1x16xf32> to vector<16xf32>
            %mul3A_956 = vector.broadcast %squeeze3A_908 : f32 to vector<16xf32>
            %mul3A_957 = arith.mulf %get3A_955, %mul3A_956 : vector<16xf32>
            %add3A_958 = arith.addf %add3A_796, %mul3A_957 : vector<16xf32>
            %add3A_959 = arith.constant 3 : i32
            %add3A_960 = arith.addi %add3A_412, %add3A_959 : i32
            %get3A_961 = arith.index_cast %rem3A_51 : i32 to index
            %get3A_962 = arith.index_cast %add3A_960 : i32 to index
            %get3A_963 = arith.constant 336 : index
            %get3A_964 = tpu.vector_load %arg10[%get3A_961, %get3A_962, %get3A_963] {strides = array<i32>} : memref<3x64x512xf32, #tpu.memory_space<vmem>>, vector<1x1x16xf32>,
            %get3A_965 = vector.shape_cast %get3A_964 : vector<1x1x16xf32> to vector<16xf32>
            %mul3A_966 = vector.broadcast %squeeze3A_908 : f32 to vector<16xf32>
            %mul3A_967 = arith.mulf %get3A_965, %mul3A_966 : vector<16xf32>
            %add3A_968 = arith.addf %add3A_806, %mul3A_967 : vector<16xf32>
            %add3A_969 = arith.constant 3 : i32
            %add3A_970 = arith.addi %add3A_412, %add3A_969 : i32
            %get3A_971 = arith.index_cast %rem3A_51 : i32 to index
            %get3A_972 = arith.index_cast %add3A_970 : i32 to index
            %get3A_973 = arith.constant 352 : index
            %get3A_974 = tpu.vector_load %arg10[%get3A_971, %get3A_972, %get3A_973] {strides = array<i32>} : memref<3x64x512xf32, #tpu.memory_space<vmem>>, vector<1x1x16xf32>,
            %get3A_975 = vector.shape_cast %get3A_974 : vector<1x1x16xf32> to vector<16xf32>
            %mul3A_976 = vector.broadcast %squeeze3A_908 : f32 to vector<16xf32>
            %mul3A_977 = arith.mulf %get3A_975, %mul3A_976 : vector<16xf32>
            %add3A_978 = arith.addf %add3A_816, %mul3A_977 : vector<16xf32>
            %add3A_979 = arith.constant 3 : i32
            %add3A_980 = arith.addi %add3A_412, %add3A_979 : i32
            %get3A_981 = arith.index_cast %rem3A_51 : i32 to index
            %get3A_982 = arith.index_cast %add3A_980 : i32 to index
            %get3A_983 = arith.constant 368 : index
            %get3A_984 = tpu.vector_load %arg10[%get3A_981, %get3A_982, %get3A_983] {strides = array<i32>} : memref<3x64x512xf32, #tpu.memory_space<vmem>>, vector<1x1x16xf32>,
            %get3A_985 = vector.shape_cast %get3A_984 : vector<1x1x16xf32> to vector<16xf32>
            %mul3A_986 = vector.broadcast %squeeze3A_908 : f32 to vector<16xf32>
            %mul3A_987 = arith.mulf %get3A_985, %mul3A_986 : vector<16xf32>
            %add3A_988 = arith.addf %add3A_826, %mul3A_987 : vector<16xf32>
            %add3A_989 = arith.constant 3 : i32
            %add3A_990 = arith.addi %add3A_412, %add3A_989 : i32
            %get3A_991 = arith.index_cast %rem3A_51 : i32 to index
            %get3A_992 = arith.index_cast %add3A_990 : i32 to index
            %get3A_993 = arith.constant 384 : index
            %get3A_994 = tpu.vector_load %arg10[%get3A_991, %get3A_992, %get3A_993] {strides = array<i32>} : memref<3x64x512xf32, #tpu.memory_space<vmem>>, vector<1x1x16xf32>,
            %get3A_995 = vector.shape_cast %get3A_994 : vector<1x1x16xf32> to vector<16xf32>
            %mul3A_996 = vector.broadcast %squeeze3A_908 : f32 to vector<16xf32>
            %mul3A_997 = arith.mulf %get3A_995, %mul3A_996 : vector<16xf32>
            %add3A_998 = arith.addf %add3A_836, %mul3A_997 : vector<16xf32>
            %add3A_999 = arith.constant 3 : i32
            %add3A_1000 = arith.addi %add3A_412, %add3A_999 : i32
            %get3A_1001 = arith.index_cast %rem3A_51 : i32 to index
            %get3A_1002 = arith.index_cast %add3A_1000 : i32 to index
            %get3A_1003 = arith.constant 400 : index
            %get3A_1004 = tpu.vector_load %arg10[%get3A_1001, %get3A_1002, %get3A_1003] {strides = array<i32>} : memref<3x64x512xf32, #tpu.memory_space<vmem>>, vector<1x1x16xf32>,
            %get3A_1005 = vector.shape_cast %get3A_1004 : vector<1x1x16xf32> to vector<16xf32>
            %mul3A_1006 = vector.broadcast %squeeze3A_908 : f32 to vector<16xf32>
            %mul3A_1007 = arith.mulf %get3A_1005, %mul3A_1006 : vector<16xf32>
            %add3A_1008 = arith.addf %add3A_846, %mul3A_1007 : vector<16xf32>
            %add3A_1009 = arith.constant 3 : i32
            %add3A_1010 = arith.addi %add3A_412, %add3A_1009 : i32
            %get3A_1011 = arith.index_cast %rem3A_51 : i32 to index
            %get3A_1012 = arith.index_cast %add3A_1010 : i32 to index
            %get3A_1013 = arith.constant 416 : index
            %get3A_1014 = tpu.vector_load %arg10[%get3A_1011, %get3A_1012, %get3A_1013] {strides = array<i32>} : memref<3x64x512xf32, #tpu.memory_space<vmem>>, vector<1x1x16xf32>,
            %get3A_1015 = vector.shape_cast %get3A_1014 : vector<1x1x16xf32> to vector<16xf32>
            %mul3A_1016 = vector.broadcast %squeeze3A_908 : f32 to vector<16xf32>
            %mul3A_1017 = arith.mulf %get3A_1015, %mul3A_1016 : vector<16xf32>
            %add3A_1018 = arith.addf %add3A_856, %mul3A_1017 : vector<16xf32>
            %add3A_1019 = arith.constant 3 : i32
            %add3A_1020 = arith.addi %add3A_412, %add3A_1019 : i32
            %get3A_1021 = arith.index_cast %rem3A_51 : i32 to index
            %get3A_1022 = arith.index_cast %add3A_1020 : i32 to index
            %get3A_1023 = arith.constant 432 : index
            %get3A_1024 = tpu.vector_load %arg10[%get3A_1021, %get3A_1022, %get3A_1023] {strides = array<i32>} : memref<3x64x512xf32, #tpu.memory_space<vmem>>, vector<1x1x16xf32>,
            %get3A_1025 = vector.shape_cast %get3A_1024 : vector<1x1x16xf32> to vector<16xf32>
            %mul3A_1026 = vector.broadcast %squeeze3A_908 : f32 to vector<16xf32>
            %mul3A_1027 = arith.mulf %get3A_1025, %mul3A_1026 : vector<16xf32>
            %add3A_1028 = arith.addf %add3A_866, %mul3A_1027 : vector<16xf32>
            %add3A_1029 = arith.constant 3 : i32
            %add3A_1030 = arith.addi %add3A_412, %add3A_1029 : i32
            %get3A_1031 = arith.index_cast %rem3A_51 : i32 to index
            %get3A_1032 = arith.index_cast %add3A_1030 : i32 to index
            %get3A_1033 = arith.constant 448 : index
            %get3A_1034 = tpu.vector_load %arg10[%get3A_1031, %get3A_1032, %get3A_1033] {strides = array<i32>} : memref<3x64x512xf32, #tpu.memory_space<vmem>>, vector<1x1x16xf32>,
            %get3A_1035 = vector.shape_cast %get3A_1034 : vector<1x1x16xf32> to vector<16xf32>
            %mul3A_1036 = vector.broadcast %squeeze3A_908 : f32 to vector<16xf32>
            %mul3A_1037 = arith.mulf %get3A_1035, %mul3A_1036 : vector<16xf32>
            %add3A_1038 = arith.addf %add3A_876, %mul3A_1037 : vector<16xf32>
            %add3A_1039 = arith.constant 3 : i32
            %add3A_1040 = arith.addi %add3A_412, %add3A_1039 : i32
            %get3A_1041 = arith.index_cast %rem3A_51 : i32 to index
            %get3A_1042 = arith.index_cast %add3A_1040 : i32 to index
            %get3A_1043 = arith.constant 464 : index
            %get3A_1044 = tpu.vector_load %arg10[%get3A_1041, %get3A_1042, %get3A_1043] {strides = array<i32>} : memref<3x64x512xf32, #tpu.memory_space<vmem>>, vector<1x1x16xf32>,
            %get3A_1045 = vector.shape_cast %get3A_1044 : vector<1x1x16xf32> to vector<16xf32>
            %mul3A_1046 = vector.broadcast %squeeze3A_908 : f32 to vector<16xf32>
            %mul3A_1047 = arith.mulf %get3A_1045, %mul3A_1046 : vector<16xf32>
            %add3A_1048 = arith.addf %add3A_886, %mul3A_1047 : vector<16xf32>
            %add3A_1049 = arith.constant 3 : i32
            %add3A_1050 = arith.addi %add3A_412, %add3A_1049 : i32
            %get3A_1051 = arith.index_cast %rem3A_51 : i32 to index
            %get3A_1052 = arith.index_cast %add3A_1050 : i32 to index
            %get3A_1053 = arith.constant 480 : index
            %get3A_1054 = tpu.vector_load %arg10[%get3A_1051, %get3A_1052, %get3A_1053] {strides = array<i32>} : memref<3x64x512xf32, #tpu.memory_space<vmem>>, vector<1x1x16xf32>,
            %get3A_1055 = vector.shape_cast %get3A_1054 : vector<1x1x16xf32> to vector<16xf32>
            %mul3A_1056 = vector.broadcast %squeeze3A_908 : f32 to vector<16xf32>
            %mul3A_1057 = arith.mulf %get3A_1055, %mul3A_1056 : vector<16xf32>
            %add3A_1058 = arith.addf %add3A_896, %mul3A_1057 : vector<16xf32>
            %add3A_1059 = arith.constant 3 : i32
            %add3A_1060 = arith.addi %add3A_412, %add3A_1059 : i32
            %get3A_1061 = arith.index_cast %rem3A_51 : i32 to index
            %get3A_1062 = arith.index_cast %add3A_1060 : i32 to index
            %get3A_1063 = arith.constant 496 : index
            %get3A_1064 = tpu.vector_load %arg10[%get3A_1061, %get3A_1062, %get3A_1063] {strides = array<i32>} : memref<3x64x512xf32, #tpu.memory_space<vmem>>, vector<1x1x16xf32>,
            %get3A_1065 = vector.shape_cast %get3A_1064 : vector<1x1x16xf32> to vector<16xf32>
            %mul3A_1066 = vector.broadcast %squeeze3A_908 : f32 to vector<16xf32>
            %mul3A_1067 = arith.mulf %get3A_1065, %mul3A_1066 : vector<16xf32>
            %add3A_1068 = arith.addf %add3A_906, %mul3A_1067 : vector<16xf32>
            scf.yield %add3A_918, %add3A_928, %add3A_938, %add3A_948, %add3A_958, %add3A_968, %add3A_978, %add3A_988, %add3A_998, %add3A_1008, %add3A_1018, %add3A_1028, %add3A_1038, %add3A_1048, %add3A_1058, %add3A_1068 : vector<16xf32>, vector<16xf32>, vector<16xf32>, vector<16xf32>, vector<16xf32>, vector<16xf32>, vector<16xf32>, vector<16xf32>, vector<16xf32>, vector<16xf32>, vector<16xf32>, vector<16xf32>, vector<16xf32>, vector<16xf32>, vector<16xf32>, vector<16xf32>
          }
          %while3A_298 = arith.constant 1 : i32
          %while3A_299:16 = scf.for %while3A_393 = %while3A_295 to %while3A_291 step %while3A_298 iter_args(%while3A_394 = %while3A_297#0, %while3A_395 = %while3A_297#1, %while3A_396 = %while3A_297#2, %while3A_397 = %while3A_297#3, %while3A_398 = %while3A_297#4, %while3A_399 = %while3A_297#5, %while3A_400 = %while3A_297#6, %while3A_401 = %while3A_297#7, %while3A_402 = %while3A_297#8, %while3A_403 = %while3A_297#9, %while3A_404 = %while3A_297#10, %while3A_405 = %while3A_297#11, %while3A_406 = %while3A_297#12, %while3A_407 = %while3A_297#13, %while3A_408 = %while3A_297#14, %while3A_409 = %while3A_297#15) -> (vector<16xf32>, vector<16xf32>, vector<16xf32>, vector<16xf32>, vector<16xf32>, vector<16xf32>, vector<16xf32>, vector<16xf32>, vector<16xf32>, vector<16xf32>, vector<16xf32>, vector<16xf32>, vector<16xf32>, vector<16xf32>, vector<16xf32>, vector<16xf32>)  : i32 {
            %mul3A_410 = arith.constant 4 : i32
            %mul3A_411 = arith.muli %while3A_393, %mul3A_410 : i32
            %add3A_412 = arith.addi %min3A, %mul3A_411 : i32
            %mul3A_413 = arith.constant 64 : i32
            %mul3A_414 = arith.muli %scan3A_49, %mul3A_413 : i32
            %add3A_415 = arith.addi %mul3A_414, %add3A_412 : i32
            %get3A_416 = arith.index_cast %add3A_415 : i32 to index
            %get3A_417 = tpu.vector_load %arg16[%get3A_416] {strides = array<i32>} : memref<1040xf32, #tpu.memory_space<vmem>>, vector<16xf32>,
            %get3A_418 = vector.shape_cast %get3A_417 : vector<16xf32> to vector<16xf32>
            %sub3A_419 = vector.broadcast %squeeze3A_99 : f32 to vector<16xf32>
            %sub3A_420 = arith.subf %get3A_418, %sub3A_419 : vector<16xf32>
            %exp3A = math.exp %sub3A_420 : vector<16xf32>
            %slice3A_421 = vector.extract_strided_slice %exp3A {offsets = [0], sizes = [1], strides = [1]} : vector<16xf32> to vector<1xf32>
            %squeeze3A_422 = vector.extract %slice3A_421[0] : f32 from vector<1xf32>
            %add3A_423 = arith.constant 0 : i32
            %add3A_424 = arith.addi %add3A_412, %add3A_423 : i32
            %get3A_425 = arith.index_cast %rem3A_51 : i32 to index
            %get3A_426 = arith.index_cast %add3A_424 : i32 to index
            %get3A_427 = arith.constant 256 : index
            %get3A_428 = tpu.vector_load %arg10[%get3A_425, %get3A_426, %get3A_427] {strides = array<i32>} : memref<3x64x512xf32, #tpu.memory_space<vmem>>, vector<1x1x16xf32>,
            %get3A_429 = vector.shape_cast %get3A_428 : vector<1x1x16xf32> to vector<16xf32>
            %mul3A_430 = vector.broadcast %squeeze3A_422 : f32 to vector<16xf32>
            %mul3A_431 = arith.mulf %get3A_429, %mul3A_430 : vector<16xf32>
            %add3A_432 = arith.addf %while3A_394, %mul3A_431 : vector<16xf32>
            %add3A_433 = arith.constant 0 : i32
            %add3A_434 = arith.addi %add3A_412, %add3A_433 : i32
            %get3A_435 = arith.index_cast %rem3A_51 : i32 to index
            %get3A_436 = arith.index_cast %add3A_434 : i32 to index
            %get3A_437 = arith.constant 272 : index
            %get3A_438 = tpu.vector_load %arg10[%get3A_435, %get3A_436, %get3A_437] {strides = array<i32>} : memref<3x64x512xf32, #tpu.memory_space<vmem>>, vector<1x1x16xf32>,
            %get3A_439 = vector.shape_cast %get3A_438 : vector<1x1x16xf32> to vector<16xf32>
            %mul3A_440 = vector.broadcast %squeeze3A_422 : f32 to vector<16xf32>
            %mul3A_441 = arith.mulf %get3A_439, %mul3A_440 : vector<16xf32>
            %add3A_442 = arith.addf %while3A_395, %mul3A_441 : vector<16xf32>
            %add3A_443 = arith.constant 0 : i32
            %add3A_444 = arith.addi %add3A_412, %add3A_443 : i32
            %get3A_445 = arith.index_cast %rem3A_51 : i32 to index
            %get3A_446 = arith.index_cast %add3A_444 : i32 to index
            %get3A_447 = arith.constant 288 : index
            %get3A_448 = tpu.vector_load %arg10[%get3A_445, %get3A_446, %get3A_447] {strides = array<i32>} : memref<3x64x512xf32, #tpu.memory_space<vmem>>, vector<1x1x16xf32>,
            %get3A_449 = vector.shape_cast %get3A_448 : vector<1x1x16xf32> to vector<16xf32>
            %mul3A_450 = vector.broadcast %squeeze3A_422 : f32 to vector<16xf32>
            %mul3A_451 = arith.mulf %get3A_449, %mul3A_450 : vector<16xf32>
            %add3A_452 = arith.addf %while3A_396, %mul3A_451 : vector<16xf32>
            %add3A_453 = arith.constant 0 : i32
            %add3A_454 = arith.addi %add3A_412, %add3A_453 : i32
            %get3A_455 = arith.index_cast %rem3A_51 : i32 to index
            %get3A_456 = arith.index_cast %add3A_454 : i32 to index
            %get3A_457 = arith.constant 304 : index
            %get3A_458 = tpu.vector_load %arg10[%get3A_455, %get3A_456, %get3A_457] {strides = array<i32>} : memref<3x64x512xf32, #tpu.memory_space<vmem>>, vector<1x1x16xf32>,
            %get3A_459 = vector.shape_cast %get3A_458 : vector<1x1x16xf32> to vector<16xf32>
            %mul3A_460 = vector.broadcast %squeeze3A_422 : f32 to vector<16xf32>
            %mul3A_461 = arith.mulf %get3A_459, %mul3A_460 : vector<16xf32>
            %add3A_462 = arith.addf %while3A_397, %mul3A_461 : vector<16xf32>
            %add3A_463 = arith.constant 0 : i32
            %add3A_464 = arith.addi %add3A_412, %add3A_463 : i32
            %get3A_465 = arith.index_cast %rem3A_51 : i32 to index
            %get3A_466 = arith.index_cast %add3A_464 : i32 to index
            %get3A_467 = arith.constant 320 : index
            %get3A_468 = tpu.vector_load %arg10[%get3A_465, %get3A_466, %get3A_467] {strides = array<i32>} : memref<3x64x512xf32, #tpu.memory_space<vmem>>, vector<1x1x16xf32>,
            %get3A_469 = vector.shape_cast %get3A_468 : vector<1x1x16xf32> to vector<16xf32>
            %mul3A_470 = vector.broadcast %squeeze3A_422 : f32 to vector<16xf32>
            %mul3A_471 = arith.mulf %get3A_469, %mul3A_470 : vector<16xf32>
            %add3A_472 = arith.addf %while3A_398, %mul3A_471 : vector<16xf32>
            %add3A_473 = arith.constant 0 : i32
            %add3A_474 = arith.addi %add3A_412, %add3A_473 : i32
            %get3A_475 = arith.index_cast %rem3A_51 : i32 to index
            %get3A_476 = arith.index_cast %add3A_474 : i32 to index
            %get3A_477 = arith.constant 336 : index
            %get3A_478 = tpu.vector_load %arg10[%get3A_475, %get3A_476, %get3A_477] {strides = array<i32>} : memref<3x64x512xf32, #tpu.memory_space<vmem>>, vector<1x1x16xf32>,
            %get3A_479 = vector.shape_cast %get3A_478 : vector<1x1x16xf32> to vector<16xf32>
            %mul3A_480 = vector.broadcast %squeeze3A_422 : f32 to vector<16xf32>
            %mul3A_481 = arith.mulf %get3A_479, %mul3A_480 : vector<16xf32>
            %add3A_482 = arith.addf %while3A_399, %mul3A_481 : vector<16xf32>
            %add3A_483 = arith.constant 0 : i32
            %add3A_484 = arith.addi %add3A_412, %add3A_483 : i32
            %get3A_485 = arith.index_cast %rem3A_51 : i32 to index
            %get3A_486 = arith.index_cast %add3A_484 : i32 to index
            %get3A_487 = arith.constant 352 : index
            %get3A_488 = tpu.vector_load %arg10[%get3A_485, %get3A_486, %get3A_487] {strides = array<i32>} : memref<3x64x512xf32, #tpu.memory_space<vmem>>, vector<1x1x16xf32>,
            %get3A_489 = vector.shape_cast %get3A_488 : vector<1x1x16xf32> to vector<16xf32>
            %mul3A_490 = vector.broadcast %squeeze3A_422 : f32 to vector<16xf32>
            %mul3A_491 = arith.mulf %get3A_489, %mul3A_490 : vector<16xf32>
            %add3A_492 = arith.addf %while3A_400, %mul3A_491 : vector<16xf32>
            %add3A_493 = arith.constant 0 : i32
            %add3A_494 = arith.addi %add3A_412, %add3A_493 : i32
            %get3A_495 = arith.index_cast %rem3A_51 : i32 to index
            %get3A_496 = arith.index_cast %add3A_494 : i32 to index
            %get3A_497 = arith.constant 368 : index
            %get3A_498 = tpu.vector_load %arg10[%get3A_495, %get3A_496, %get3A_497] {strides = array<i32>} : memref<3x64x512xf32, #tpu.memory_space<vmem>>, vector<1x1x16xf32>,
            %get3A_499 = vector.shape_cast %get3A_498 : vector<1x1x16xf32> to vector<16xf32>
            %mul3A_500 = vector.broadcast %squeeze3A_422 : f32 to vector<16xf32>
            %mul3A_501 = arith.mulf %get3A_499, %mul3A_500 : vector<16xf32>
            %add3A_502 = arith.addf %while3A_401, %mul3A_501 : vector<16xf32>
            %add3A_503 = arith.constant 0 : i32
            %add3A_504 = arith.addi %add3A_412, %add3A_503 : i32
            %get3A_505 = arith.index_cast %rem3A_51 : i32 to index
            %get3A_506 = arith.index_cast %add3A_504 : i32 to index
            %get3A_507 = arith.constant 384 : index
            %get3A_508 = tpu.vector_load %arg10[%get3A_505, %get3A_506, %get3A_507] {strides = array<i32>} : memref<3x64x512xf32, #tpu.memory_space<vmem>>, vector<1x1x16xf32>,
            %get3A_509 = vector.shape_cast %get3A_508 : vector<1x1x16xf32> to vector<16xf32>
            %mul3A_510 = vector.broadcast %squeeze3A_422 : f32 to vector<16xf32>
            %mul3A_511 = arith.mulf %get3A_509, %mul3A_510 : vector<16xf32>
            %add3A_512 = arith.addf %while3A_402, %mul3A_511 : vector<16xf32>
            %add3A_513 = arith.constant 0 : i32
            %add3A_514 = arith.addi %add3A_412, %add3A_513 : i32
            %get3A_515 = arith.index_cast %rem3A_51 : i32 to index
            %get3A_516 = arith.index_cast %add3A_514 : i32 to index
            %get3A_517 = arith.constant 400 : index
            %get3A_518 = tpu.vector_load %arg10[%get3A_515, %get3A_516, %get3A_517] {strides = array<i32>} : memref<3x64x512xf32, #tpu.memory_space<vmem>>, vector<1x1x16xf32>,
            %get3A_519 = vector.shape_cast %get3A_518 : vector<1x1x16xf32> to vector<16xf32>
            %mul3A_520 = vector.broadcast %squeeze3A_422 : f32 to vector<16xf32>
            %mul3A_521 = arith.mulf %get3A_519, %mul3A_520 : vector<16xf32>
            %add3A_522 = arith.addf %while3A_403, %mul3A_521 : vector<16xf32>
            %add3A_523 = arith.constant 0 : i32
            %add3A_524 = arith.addi %add3A_412, %add3A_523 : i32
            %get3A_525 = arith.index_cast %rem3A_51 : i32 to index
            %get3A_526 = arith.index_cast %add3A_524 : i32 to index
            %get3A_527 = arith.constant 416 : index
            %get3A_528 = tpu.vector_load %arg10[%get3A_525, %get3A_526, %get3A_527] {strides = array<i32>} : memref<3x64x512xf32, #tpu.memory_space<vmem>>, vector<1x1x16xf32>,
            %get3A_529 = vector.shape_cast %get3A_528 : vector<1x1x16xf32> to vector<16xf32>
            %mul3A_530 = vector.broadcast %squeeze3A_422 : f32 to vector<16xf32>
            %mul3A_531 = arith.mulf %get3A_529, %mul3A_530 : vector<16xf32>
            %add3A_532 = arith.addf %while3A_404, %mul3A_531 : vector<16xf32>
            %add3A_533 = arith.constant 0 : i32
            %add3A_534 = arith.addi %add3A_412, %add3A_533 : i32
            %get3A_535 = arith.index_cast %rem3A_51 : i32 to index
            %get3A_536 = arith.index_cast %add3A_534 : i32 to index
            %get3A_537 = arith.constant 432 : index
            %get3A_538 = tpu.vector_load %arg10[%get3A_535, %get3A_536, %get3A_537] {strides = array<i32>} : memref<3x64x512xf32, #tpu.memory_space<vmem>>, vector<1x1x16xf32>,
            %get3A_539 = vector.shape_cast %get3A_538 : vector<1x1x16xf32> to vector<16xf32>
            %mul3A_540 = vector.broadcast %squeeze3A_422 : f32 to vector<16xf32>
            %mul3A_541 = arith.mulf %get3A_539, %mul3A_540 : vector<16xf32>
            %add3A_542 = arith.addf %while3A_405, %mul3A_541 : vector<16xf32>
            %add3A_543 = arith.constant 0 : i32
            %add3A_544 = arith.addi %add3A_412, %add3A_543 : i32
            %get3A_545 = arith.index_cast %rem3A_51 : i32 to index
            %get3A_546 = arith.index_cast %add3A_544 : i32 to index
            %get3A_547 = arith.constant 448 : index
            %get3A_548 = tpu.vector_load %arg10[%get3A_545, %get3A_546, %get3A_547] {strides = array<i32>} : memref<3x64x512xf32, #tpu.memory_space<vmem>>, vector<1x1x16xf32>,
            %get3A_549 = vector.shape_cast %get3A_548 : vector<1x1x16xf32> to vector<16xf32>
            %mul3A_550 = vector.broadcast %squeeze3A_422 : f32 to vector<16xf32>
            %mul3A_551 = arith.mulf %get3A_549, %mul3A_550 : vector<16xf32>
            %add3A_552 = arith.addf %while3A_406, %mul3A_551 : vector<16xf32>
            %add3A_553 = arith.constant 0 : i32
            %add3A_554 = arith.addi %add3A_412, %add3A_553 : i32
            %get3A_555 = arith.index_cast %rem3A_51 : i32 to index
            %get3A_556 = arith.index_cast %add3A_554 : i32 to index
            %get3A_557 = arith.constant 464 : index
            %get3A_558 = tpu.vector_load %arg10[%get3A_555, %get3A_556, %get3A_557] {strides = array<i32>} : memref<3x64x512xf32, #tpu.memory_space<vmem>>, vector<1x1x16xf32>,
            %get3A_559 = vector.shape_cast %get3A_558 : vector<1x1x16xf32> to vector<16xf32>
            %mul3A_560 = vector.broadcast %squeeze3A_422 : f32 to vector<16xf32>
            %mul3A_561 = arith.mulf %get3A_559, %mul3A_560 : vector<16xf32>
            %add3A_562 = arith.addf %while3A_407, %mul3A_561 : vector<16xf32>
            %add3A_563 = arith.constant 0 : i32
            %add3A_564 = arith.addi %add3A_412, %add3A_563 : i32
            %get3A_565 = arith.index_cast %rem3A_51 : i32 to index
            %get3A_566 = arith.index_cast %add3A_564 : i32 to index
            %get3A_567 = arith.constant 480 : index
            %get3A_568 = tpu.vector_load %arg10[%get3A_565, %get3A_566, %get3A_567] {strides = array<i32>} : memref<3x64x512xf32, #tpu.memory_space<vmem>>, vector<1x1x16xf32>,
            %get3A_569 = vector.shape_cast %get3A_568 : vector<1x1x16xf32> to vector<16xf32>
            %mul3A_570 = vector.broadcast %squeeze3A_422 : f32 to vector<16xf32>
            %mul3A_571 = arith.mulf %get3A_569, %mul3A_570 : vector<16xf32>
            %add3A_572 = arith.addf %while3A_408, %mul3A_571 : vector<16xf32>
            %add3A_573 = arith.constant 0 : i32
            %add3A_574 = arith.addi %add3A_412, %add3A_573 : i32
            %get3A_575 = arith.index_cast %rem3A_51 : i32 to index
            %get3A_576 = arith.index_cast %add3A_574 : i32 to index
            %get3A_577 = arith.constant 496 : index
            %get3A_578 = tpu.vector_load %arg10[%get3A_575, %get3A_576, %get3A_577] {strides = array<i32>} : memref<3x64x512xf32, #tpu.memory_space<vmem>>, vector<1x1x16xf32>,
            %get3A_579 = vector.shape_cast %get3A_578 : vector<1x1x16xf32> to vector<16xf32>
            %mul3A_580 = vector.broadcast %squeeze3A_422 : f32 to vector<16xf32>
            %mul3A_581 = arith.mulf %get3A_579, %mul3A_580 : vector<16xf32>
            %add3A_582 = arith.addf %while3A_409, %mul3A_581 : vector<16xf32>
            %slice3A_583 = vector.extract_strided_slice %exp3A {offsets = [1], sizes = [1], strides = [1]} : vector<16xf32> to vector<1xf32>
            %squeeze3A_584 = vector.extract %slice3A_583[0] : f32 from vector<1xf32>
            %add3A_585 = arith.constant 1 : i32
            %add3A_586 = arith.addi %add3A_412, %add3A_585 : i32
            %get3A_587 = arith.index_cast %rem3A_51 : i32 to index
            %get3A_588 = arith.index_cast %add3A_586 : i32 to index
            %get3A_589 = arith.constant 256 : index
            %get3A_590 = tpu.vector_load %arg10[%get3A_587, %get3A_588, %get3A_589] {strides = array<i32>} : memref<3x64x512xf32, #tpu.memory_space<vmem>>, vector<1x1x16xf32>,
            %get3A_591 = vector.shape_cast %get3A_590 : vector<1x1x16xf32> to vector<16xf32>
            %mul3A_592 = vector.broadcast %squeeze3A_584 : f32 to vector<16xf32>
            %mul3A_593 = arith.mulf %get3A_591, %mul3A_592 : vector<16xf32>
            %add3A_594 = arith.addf %add3A_432, %mul3A_593 : vector<16xf32>
            %add3A_595 = arith.constant 1 : i32
            %add3A_596 = arith.addi %add3A_412, %add3A_595 : i32
            %get3A_597 = arith.index_cast %rem3A_51 : i32 to index
            %get3A_598 = arith.index_cast %add3A_596 : i32 to index
            %get3A_599 = arith.constant 272 : index
            %get3A_600 = tpu.vector_load %arg10[%get3A_597, %get3A_598, %get3A_599] {strides = array<i32>} : memref<3x64x512xf32, #tpu.memory_space<vmem>>, vector<1x1x16xf32>,
            %get3A_601 = vector.shape_cast %get3A_600 : vector<1x1x16xf32> to vector<16xf32>
            %mul3A_602 = vector.broadcast %squeeze3A_584 : f32 to vector<16xf32>
            %mul3A_603 = arith.mulf %get3A_601, %mul3A_602 : vector<16xf32>
            %add3A_604 = arith.addf %add3A_442, %mul3A_603 : vector<16xf32>
            %add3A_605 = arith.constant 1 : i32
            %add3A_606 = arith.addi %add3A_412, %add3A_605 : i32
            %get3A_607 = arith.index_cast %rem3A_51 : i32 to index
            %get3A_608 = arith.index_cast %add3A_606 : i32 to index
            %get3A_609 = arith.constant 288 : index
            %get3A_610 = tpu.vector_load %arg10[%get3A_607, %get3A_608, %get3A_609] {strides = array<i32>} : memref<3x64x512xf32, #tpu.memory_space<vmem>>, vector<1x1x16xf32>,
            %get3A_611 = vector.shape_cast %get3A_610 : vector<1x1x16xf32> to vector<16xf32>
            %mul3A_612 = vector.broadcast %squeeze3A_584 : f32 to vector<16xf32>
            %mul3A_613 = arith.mulf %get3A_611, %mul3A_612 : vector<16xf32>
            %add3A_614 = arith.addf %add3A_452, %mul3A_613 : vector<16xf32>
            %add3A_615 = arith.constant 1 : i32
            %add3A_616 = arith.addi %add3A_412, %add3A_615 : i32
            %get3A_617 = arith.index_cast %rem3A_51 : i32 to index
            %get3A_618 = arith.index_cast %add3A_616 : i32 to index
            %get3A_619 = arith.constant 304 : index
            %get3A_620 = tpu.vector_load %arg10[%get3A_617, %get3A_618, %get3A_619] {strides = array<i32>} : memref<3x64x512xf32, #tpu.memory_space<vmem>>, vector<1x1x16xf32>,
            %get3A_621 = vector.shape_cast %get3A_620 : vector<1x1x16xf32> to vector<16xf32>
            %mul3A_622 = vector.broadcast %squeeze3A_584 : f32 to vector<16xf32>
            %mul3A_623 = arith.mulf %get3A_621, %mul3A_622 : vector<16xf32>
            %add3A_624 = arith.addf %add3A_462, %mul3A_623 : vector<16xf32>
            %add3A_625 = arith.constant 1 : i32
            %add3A_626 = arith.addi %add3A_412, %add3A_625 : i32
            %get3A_627 = arith.index_cast %rem3A_51 : i32 to index
            %get3A_628 = arith.index_cast %add3A_626 : i32 to index
            %get3A_629 = arith.constant 320 : index
            %get3A_630 = tpu.vector_load %arg10[%get3A_627, %get3A_628, %get3A_629] {strides = array<i32>} : memref<3x64x512xf32, #tpu.memory_space<vmem>>, vector<1x1x16xf32>,
            %get3A_631 = vector.shape_cast %get3A_630 : vector<1x1x16xf32> to vector<16xf32>
            %mul3A_632 = vector.broadcast %squeeze3A_584 : f32 to vector<16xf32>
            %mul3A_633 = arith.mulf %get3A_631, %mul3A_632 : vector<16xf32>
            %add3A_634 = arith.addf %add3A_472, %mul3A_633 : vector<16xf32>
            %add3A_635 = arith.constant 1 : i32
            %add3A_636 = arith.addi %add3A_412, %add3A_635 : i32
            %get3A_637 = arith.index_cast %rem3A_51 : i32 to index
            %get3A_638 = arith.index_cast %add3A_636 : i32 to index
            %get3A_639 = arith.constant 336 : index
            %get3A_640 = tpu.vector_load %arg10[%get3A_637, %get3A_638, %get3A_639] {strides = array<i32>} : memref<3x64x512xf32, #tpu.memory_space<vmem>>, vector<1x1x16xf32>,
            %get3A_641 = vector.shape_cast %get3A_640 : vector<1x1x16xf32> to vector<16xf32>
            %mul3A_642 = vector.broadcast %squeeze3A_584 : f32 to vector<16xf32>
            %mul3A_643 = arith.mulf %get3A_641, %mul3A_642 : vector<16xf32>
            %add3A_644 = arith.addf %add3A_482, %mul3A_643 : vector<16xf32>
            %add3A_645 = arith.constant 1 : i32
            %add3A_646 = arith.addi %add3A_412, %add3A_645 : i32
            %get3A_647 = arith.index_cast %rem3A_51 : i32 to index
            %get3A_648 = arith.index_cast %add3A_646 : i32 to index
            %get3A_649 = arith.constant 352 : index
            %get3A_650 = tpu.vector_load %arg10[%get3A_647, %get3A_648, %get3A_649] {strides = array<i32>} : memref<3x64x512xf32, #tpu.memory_space<vmem>>, vector<1x1x16xf32>,
            %get3A_651 = vector.shape_cast %get3A_650 : vector<1x1x16xf32> to vector<16xf32>
            %mul3A_652 = vector.broadcast %squeeze3A_584 : f32 to vector<16xf32>
            %mul3A_653 = arith.mulf %get3A_651, %mul3A_652 : vector<16xf32>
            %add3A_654 = arith.addf %add3A_492, %mul3A_653 : vector<16xf32>
            %add3A_655 = arith.constant 1 : i32
            %add3A_656 = arith.addi %add3A_412, %add3A_655 : i32
            %get3A_657 = arith.index_cast %rem3A_51 : i32 to index
            %get3A_658 = arith.index_cast %add3A_656 : i32 to index
            %get3A_659 = arith.constant 368 : index
            %get3A_660 = tpu.vector_load %arg10[%get3A_657, %get3A_658, %get3A_659] {strides = array<i32>} : memref<3x64x512xf32, #tpu.memory_space<vmem>>, vector<1x1x16xf32>,
            %get3A_661 = vector.shape_cast %get3A_660 : vector<1x1x16xf32> to vector<16xf32>
            %mul3A_662 = vector.broadcast %squeeze3A_584 : f32 to vector<16xf32>
            %mul3A_663 = arith.mulf %get3A_661, %mul3A_662 : vector<16xf32>
            %add3A_664 = arith.addf %add3A_502, %mul3A_663 : vector<16xf32>
            %add3A_665 = arith.constant 1 : i32
            %add3A_666 = arith.addi %add3A_412, %add3A_665 : i32
            %get3A_667 = arith.index_cast %rem3A_51 : i32 to index
            %get3A_668 = arith.index_cast %add3A_666 : i32 to index
            %get3A_669 = arith.constant 384 : index
            %get3A_670 = tpu.vector_load %arg10[%get3A_667, %get3A_668, %get3A_669] {strides = array<i32>} : memref<3x64x512xf32, #tpu.memory_space<vmem>>, vector<1x1x16xf32>,
            %get3A_671 = vector.shape_cast %get3A_670 : vector<1x1x16xf32> to vector<16xf32>
            %mul3A_672 = vector.broadcast %squeeze3A_584 : f32 to vector<16xf32>
            %mul3A_673 = arith.mulf %get3A_671, %mul3A_672 : vector<16xf32>
            %add3A_674 = arith.addf %add3A_512, %mul3A_673 : vector<16xf32>
            %add3A_675 = arith.constant 1 : i32
            %add3A_676 = arith.addi %add3A_412, %add3A_675 : i32
            %get3A_677 = arith.index_cast %rem3A_51 : i32 to index
            %get3A_678 = arith.index_cast %add3A_676 : i32 to index
            %get3A_679 = arith.constant 400 : index
            %get3A_680 = tpu.vector_load %arg10[%get3A_677, %get3A_678, %get3A_679] {strides = array<i32>} : memref<3x64x512xf32, #tpu.memory_space<vmem>>, vector<1x1x16xf32>,
            %get3A_681 = vector.shape_cast %get3A_680 : vector<1x1x16xf32> to vector<16xf32>
            %mul3A_682 = vector.broadcast %squeeze3A_584 : f32 to vector<16xf32>
            %mul3A_683 = arith.mulf %get3A_681, %mul3A_682 : vector<16xf32>
            %add3A_684 = arith.addf %add3A_522, %mul3A_683 : vector<16xf32>
            %add3A_685 = arith.constant 1 : i32
            %add3A_686 = arith.addi %add3A_412, %add3A_685 : i32
            %get3A_687 = arith.index_cast %rem3A_51 : i32 to index
            %get3A_688 = arith.index_cast %add3A_686 : i32 to index
            %get3A_689 = arith.constant 416 : index
            %get3A_690 = tpu.vector_load %arg10[%get3A_687, %get3A_688, %get3A_689] {strides = array<i32>} : memref<3x64x512xf32, #tpu.memory_space<vmem>>, vector<1x1x16xf32>,
            %get3A_691 = vector.shape_cast %get3A_690 : vector<1x1x16xf32> to vector<16xf32>
            %mul3A_692 = vector.broadcast %squeeze3A_584 : f32 to vector<16xf32>
            %mul3A_693 = arith.mulf %get3A_691, %mul3A_692 : vector<16xf32>
            %add3A_694 = arith.addf %add3A_532, %mul3A_693 : vector<16xf32>
            %add3A_695 = arith.constant 1 : i32
            %add3A_696 = arith.addi %add3A_412, %add3A_695 : i32
            %get3A_697 = arith.index_cast %rem3A_51 : i32 to index
            %get3A_698 = arith.index_cast %add3A_696 : i32 to index
            %get3A_699 = arith.constant 432 : index
            %get3A_700 = tpu.vector_load %arg10[%get3A_697, %get3A_698, %get3A_699] {strides = array<i32>} : memref<3x64x512xf32, #tpu.memory_space<vmem>>, vector<1x1x16xf32>,
            %get3A_701 = vector.shape_cast %get3A_700 : vector<1x1x16xf32> to vector<16xf32>
            %mul3A_702 = vector.broadcast %squeeze3A_584 : f32 to vector<16xf32>
            %mul3A_703 = arith.mulf %get3A_701, %mul3A_702 : vector<16xf32>
            %add3A_704 = arith.addf %add3A_542, %mul3A_703 : vector<16xf32>
            %add3A_705 = arith.constant 1 : i32
            %add3A_706 = arith.addi %add3A_412, %add3A_705 : i32
            %get3A_707 = arith.index_cast %rem3A_51 : i32 to index
            %get3A_708 = arith.index_cast %add3A_706 : i32 to index
            %get3A_709 = arith.constant 448 : index
            %get3A_710 = tpu.vector_load %arg10[%get3A_707, %get3A_708, %get3A_709] {strides = array<i32>} : memref<3x64x512xf32, #tpu.memory_space<vmem>>, vector<1x1x16xf32>,
            %get3A_711 = vector.shape_cast %get3A_710 : vector<1x1x16xf32> to vector<16xf32>
            %mul3A_712 = vector.broadcast %squeeze3A_584 : f32 to vector<16xf32>
            %mul3A_713 = arith.mulf %get3A_711, %mul3A_712 : vector<16xf32>
            %add3A_714 = arith.addf %add3A_552, %mul3A_713 : vector<16xf32>
            %add3A_715 = arith.constant 1 : i32
            %add3A_716 = arith.addi %add3A_412, %add3A_715 : i32
            %get3A_717 = arith.index_cast %rem3A_51 : i32 to index
            %get3A_718 = arith.index_cast %add3A_716 : i32 to index
            %get3A_719 = arith.constant 464 : index
            %get3A_720 = tpu.vector_load %arg10[%get3A_717, %get3A_718, %get3A_719] {strides = array<i32>} : memref<3x64x512xf32, #tpu.memory_space<vmem>>, vector<1x1x16xf32>,
            %get3A_721 = vector.shape_cast %get3A_720 : vector<1x1x16xf32> to vector<16xf32>
            %mul3A_722 = vector.broadcast %squeeze3A_584 : f32 to vector<16xf32>
            %mul3A_723 = arith.mulf %get3A_721, %mul3A_722 : vector<16xf32>
            %add3A_724 = arith.addf %add3A_562, %mul3A_723 : vector<16xf32>
            %add3A_725 = arith.constant 1 : i32
            %add3A_726 = arith.addi %add3A_412, %add3A_725 : i32
            %get3A_727 = arith.index_cast %rem3A_51 : i32 to index
            %get3A_728 = arith.index_cast %add3A_726 : i32 to index
            %get3A_729 = arith.constant 480 : index
            %get3A_730 = tpu.vector_load %arg10[%get3A_727, %get3A_728, %get3A_729] {strides = array<i32>} : memref<3x64x512xf32, #tpu.memory_space<vmem>>, vector<1x1x16xf32>,
            %get3A_731 = vector.shape_cast %get3A_730 : vector<1x1x16xf32> to vector<16xf32>
            %mul3A_732 = vector.broadcast %squeeze3A_584 : f32 to vector<16xf32>
            %mul3A_733 = arith.mulf %get3A_731, %mul3A_732 : vector<16xf32>
            %add3A_734 = arith.addf %add3A_572, %mul3A_733 : vector<16xf32>
            %add3A_735 = arith.constant 1 : i32
            %add3A_736 = arith.addi %add3A_412, %add3A_735 : i32
            %get3A_737 = arith.index_cast %rem3A_51 : i32 to index
            %get3A_738 = arith.index_cast %add3A_736 : i32 to index
            %get3A_739 = arith.constant 496 : index
            %get3A_740 = tpu.vector_load %arg10[%get3A_737, %get3A_738, %get3A_739] {strides = array<i32>} : memref<3x64x512xf32, #tpu.memory_space<vmem>>, vector<1x1x16xf32>,
            %get3A_741 = vector.shape_cast %get3A_740 : vector<1x1x16xf32> to vector<16xf32>
            %mul3A_742 = vector.broadcast %squeeze3A_584 : f32 to vector<16xf32>
            %mul3A_743 = arith.mulf %get3A_741, %mul3A_742 : vector<16xf32>
            %add3A_744 = arith.addf %add3A_582, %mul3A_743 : vector<16xf32>
            %slice3A_745 = vector.extract_strided_slice %exp3A {offsets = [2], sizes = [1], strides = [1]} : vector<16xf32> to vector<1xf32>
            %squeeze3A_746 = vector.extract %slice3A_745[0] : f32 from vector<1xf32>
            %add3A_747 = arith.constant 2 : i32
            %add3A_748 = arith.addi %add3A_412, %add3A_747 : i32
            %get3A_749 = arith.index_cast %rem3A_51 : i32 to index
            %get3A_750 = arith.index_cast %add3A_748 : i32 to index
            %get3A_751 = arith.constant 256 : index
            %get3A_752 = tpu.vector_load %arg10[%get3A_749, %get3A_750, %get3A_751] {strides = array<i32>} : memref<3x64x512xf32, #tpu.memory_space<vmem>>, vector<1x1x16xf32>,
            %get3A_753 = vector.shape_cast %get3A_752 : vector<1x1x16xf32> to vector<16xf32>
            %mul3A_754 = vector.broadcast %squeeze3A_746 : f32 to vector<16xf32>
            %mul3A_755 = arith.mulf %get3A_753, %mul3A_754 : vector<16xf32>
            %add3A_756 = arith.addf %add3A_594, %mul3A_755 : vector<16xf32>
            %add3A_757 = arith.constant 2 : i32
            %add3A_758 = arith.addi %add3A_412, %add3A_757 : i32
            %get3A_759 = arith.index_cast %rem3A_51 : i32 to index
            %get3A_760 = arith.index_cast %add3A_758 : i32 to index
            %get3A_761 = arith.constant 272 : index
            %get3A_762 = tpu.vector_load %arg10[%get3A_759, %get3A_760, %get3A_761] {strides = array<i32>} : memref<3x64x512xf32, #tpu.memory_space<vmem>>, vector<1x1x16xf32>,
            %get3A_763 = vector.shape_cast %get3A_762 : vector<1x1x16xf32> to vector<16xf32>
            %mul3A_764 = vector.broadcast %squeeze3A_746 : f32 to vector<16xf32>
            %mul3A_765 = arith.mulf %get3A_763, %mul3A_764 : vector<16xf32>
            %add3A_766 = arith.addf %add3A_604, %mul3A_765 : vector<16xf32>
            %add3A_767 = arith.constant 2 : i32
            %add3A_768 = arith.addi %add3A_412, %add3A_767 : i32
            %get3A_769 = arith.index_cast %rem3A_51 : i32 to index
            %get3A_770 = arith.index_cast %add3A_768 : i32 to index
            %get3A_771 = arith.constant 288 : index
            %get3A_772 = tpu.vector_load %arg10[%get3A_769, %get3A_770, %get3A_771] {strides = array<i32>} : memref<3x64x512xf32, #tpu.memory_space<vmem>>, vector<1x1x16xf32>,
            %get3A_773 = vector.shape_cast %get3A_772 : vector<1x1x16xf32> to vector<16xf32>
            %mul3A_774 = vector.broadcast %squeeze3A_746 : f32 to vector<16xf32>
            %mul3A_775 = arith.mulf %get3A_773, %mul3A_774 : vector<16xf32>
            %add3A_776 = arith.addf %add3A_614, %mul3A_775 : vector<16xf32>
            %add3A_777 = arith.constant 2 : i32
            %add3A_778 = arith.addi %add3A_412, %add3A_777 : i32
            %get3A_779 = arith.index_cast %rem3A_51 : i32 to index
            %get3A_780 = arith.index_cast %add3A_778 : i32 to index
            %get3A_781 = arith.constant 304 : index
            %get3A_782 = tpu.vector_load %arg10[%get3A_779, %get3A_780, %get3A_781] {strides = array<i32>} : memref<3x64x512xf32, #tpu.memory_space<vmem>>, vector<1x1x16xf32>,
            %get3A_783 = vector.shape_cast %get3A_782 : vector<1x1x16xf32> to vector<16xf32>
            %mul3A_784 = vector.broadcast %squeeze3A_746 : f32 to vector<16xf32>
            %mul3A_785 = arith.mulf %get3A_783, %mul3A_784 : vector<16xf32>
            %add3A_786 = arith.addf %add3A_624, %mul3A_785 : vector<16xf32>
            %add3A_787 = arith.constant 2 : i32
            %add3A_788 = arith.addi %add3A_412, %add3A_787 : i32
            %get3A_789 = arith.index_cast %rem3A_51 : i32 to index
            %get3A_790 = arith.index_cast %add3A_788 : i32 to index
            %get3A_791 = arith.constant 320 : index
            %get3A_792 = tpu.vector_load %arg10[%get3A_789, %get3A_790, %get3A_791] {strides = array<i32>} : memref<3x64x512xf32, #tpu.memory_space<vmem>>, vector<1x1x16xf32>,
            %get3A_793 = vector.shape_cast %get3A_792 : vector<1x1x16xf32> to vector<16xf32>
            %mul3A_794 = vector.broadcast %squeeze3A_746 : f32 to vector<16xf32>
            %mul3A_795 = arith.mulf %get3A_793, %mul3A_794 : vector<16xf32>
            %add3A_796 = arith.addf %add3A_634, %mul3A_795 : vector<16xf32>
            %add3A_797 = arith.constant 2 : i32
            %add3A_798 = arith.addi %add3A_412, %add3A_797 : i32
            %get3A_799 = arith.index_cast %rem3A_51 : i32 to index
            %get3A_800 = arith.index_cast %add3A_798 : i32 to index
            %get3A_801 = arith.constant 336 : index
            %get3A_802 = tpu.vector_load %arg10[%get3A_799, %get3A_800, %get3A_801] {strides = array<i32>} : memref<3x64x512xf32, #tpu.memory_space<vmem>>, vector<1x1x16xf32>,
            %get3A_803 = vector.shape_cast %get3A_802 : vector<1x1x16xf32> to vector<16xf32>
            %mul3A_804 = vector.broadcast %squeeze3A_746 : f32 to vector<16xf32>
            %mul3A_805 = arith.mulf %get3A_803, %mul3A_804 : vector<16xf32>
            %add3A_806 = arith.addf %add3A_644, %mul3A_805 : vector<16xf32>
            %add3A_807 = arith.constant 2 : i32
            %add3A_808 = arith.addi %add3A_412, %add3A_807 : i32
            %get3A_809 = arith.index_cast %rem3A_51 : i32 to index
            %get3A_810 = arith.index_cast %add3A_808 : i32 to index
            %get3A_811 = arith.constant 352 : index
            %get3A_812 = tpu.vector_load %arg10[%get3A_809, %get3A_810, %get3A_811] {strides = array<i32>} : memref<3x64x512xf32, #tpu.memory_space<vmem>>, vector<1x1x16xf32>,
            %get3A_813 = vector.shape_cast %get3A_812 : vector<1x1x16xf32> to vector<16xf32>
            %mul3A_814 = vector.broadcast %squeeze3A_746 : f32 to vector<16xf32>
            %mul3A_815 = arith.mulf %get3A_813, %mul3A_814 : vector<16xf32>
            %add3A_816 = arith.addf %add3A_654, %mul3A_815 : vector<16xf32>
            %add3A_817 = arith.constant 2 : i32
            %add3A_818 = arith.addi %add3A_412, %add3A_817 : i32
            %get3A_819 = arith.index_cast %rem3A_51 : i32 to index
            %get3A_820 = arith.index_cast %add3A_818 : i32 to index
            %get3A_821 = arith.constant 368 : index
            %get3A_822 = tpu.vector_load %arg10[%get3A_819, %get3A_820, %get3A_821] {strides = array<i32>} : memref<3x64x512xf32, #tpu.memory_space<vmem>>, vector<1x1x16xf32>,
            %get3A_823 = vector.shape_cast %get3A_822 : vector<1x1x16xf32> to vector<16xf32>
            %mul3A_824 = vector.broadcast %squeeze3A_746 : f32 to vector<16xf32>
            %mul3A_825 = arith.mulf %get3A_823, %mul3A_824 : vector<16xf32>
            %add3A_826 = arith.addf %add3A_664, %mul3A_825 : vector<16xf32>
            %add3A_827 = arith.constant 2 : i32
            %add3A_828 = arith.addi %add3A_412, %add3A_827 : i32
            %get3A_829 = arith.index_cast %rem3A_51 : i32 to index
            %get3A_830 = arith.index_cast %add3A_828 : i32 to index
            %get3A_831 = arith.constant 384 : index
            %get3A_832 = tpu.vector_load %arg10[%get3A_829, %get3A_830, %get3A_831] {strides = array<i32>} : memref<3x64x512xf32, #tpu.memory_space<vmem>>, vector<1x1x16xf32>,
            %get3A_833 = vector.shape_cast %get3A_832 : vector<1x1x16xf32> to vector<16xf32>
            %mul3A_834 = vector.broadcast %squeeze3A_746 : f32 to vector<16xf32>
            %mul3A_835 = arith.mulf %get3A_833, %mul3A_834 : vector<16xf32>
            %add3A_836 = arith.addf %add3A_674, %mul3A_835 : vector<16xf32>
            %add3A_837 = arith.constant 2 : i32
            %add3A_838 = arith.addi %add3A_412, %add3A_837 : i32
            %get3A_839 = arith.index_cast %rem3A_51 : i32 to index
            %get3A_840 = arith.index_cast %add3A_838 : i32 to index
            %get3A_841 = arith.constant 400 : index
            %get3A_842 = tpu.vector_load %arg10[%get3A_839, %get3A_840, %get3A_841] {strides = array<i32>} : memref<3x64x512xf32, #tpu.memory_space<vmem>>, vector<1x1x16xf32>,
            %get3A_843 = vector.shape_cast %get3A_842 : vector<1x1x16xf32> to vector<16xf32>
            %mul3A_844 = vector.broadcast %squeeze3A_746 : f32 to vector<16xf32>
            %mul3A_845 = arith.mulf %get3A_843, %mul3A_844 : vector<16xf32>
            %add3A_846 = arith.addf %add3A_684, %mul3A_845 : vector<16xf32>
            %add3A_847 = arith.constant 2 : i32
            %add3A_848 = arith.addi %add3A_412, %add3A_847 : i32
            %get3A_849 = arith.index_cast %rem3A_51 : i32 to index
            %get3A_850 = arith.index_cast %add3A_848 : i32 to index
            %get3A_851 = arith.constant 416 : index
            %get3A_852 = tpu.vector_load %arg10[%get3A_849, %get3A_850, %get3A_851] {strides = array<i32>} : memref<3x64x512xf32, #tpu.memory_space<vmem>>, vector<1x1x16xf32>,
            %get3A_853 = vector.shape_cast %get3A_852 : vector<1x1x16xf32> to vector<16xf32>
            %mul3A_854 = vector.broadcast %squeeze3A_746 : f32 to vector<16xf32>
            %mul3A_855 = arith.mulf %get3A_853, %mul3A_854 : vector<16xf32>
            %add3A_856 = arith.addf %add3A_694, %mul3A_855 : vector<16xf32>
            %add3A_857 = arith.constant 2 : i32
            %add3A_858 = arith.addi %add3A_412, %add3A_857 : i32
            %get3A_859 = arith.index_cast %rem3A_51 : i32 to index
            %get3A_860 = arith.index_cast %add3A_858 : i32 to index
            %get3A_861 = arith.constant 432 : index
            %get3A_862 = tpu.vector_load %arg10[%get3A_859, %get3A_860, %get3A_861] {strides = array<i32>} : memref<3x64x512xf32, #tpu.memory_space<vmem>>, vector<1x1x16xf32>,
            %get3A_863 = vector.shape_cast %get3A_862 : vector<1x1x16xf32> to vector<16xf32>
            %mul3A_864 = vector.broadcast %squeeze3A_746 : f32 to vector<16xf32>
            %mul3A_865 = arith.mulf %get3A_863, %mul3A_864 : vector<16xf32>
            %add3A_866 = arith.addf %add3A_704, %mul3A_865 : vector<16xf32>
            %add3A_867 = arith.constant 2 : i32
            %add3A_868 = arith.addi %add3A_412, %add3A_867 : i32
            %get3A_869 = arith.index_cast %rem3A_51 : i32 to index
            %get3A_870 = arith.index_cast %add3A_868 : i32 to index
            %get3A_871 = arith.constant 448 : index
            %get3A_872 = tpu.vector_load %arg10[%get3A_869, %get3A_870, %get3A_871] {strides = array<i32>} : memref<3x64x512xf32, #tpu.memory_space<vmem>>, vector<1x1x16xf32>,
            %get3A_873 = vector.shape_cast %get3A_872 : vector<1x1x16xf32> to vector<16xf32>
            %mul3A_874 = vector.broadcast %squeeze3A_746 : f32 to vector<16xf32>
            %mul3A_875 = arith.mulf %get3A_873, %mul3A_874 : vector<16xf32>
            %add3A_876 = arith.addf %add3A_714, %mul3A_875 : vector<16xf32>
            %add3A_877 = arith.constant 2 : i32
            %add3A_878 = arith.addi %add3A_412, %add3A_877 : i32
            %get3A_879 = arith.index_cast %rem3A_51 : i32 to index
            %get3A_880 = arith.index_cast %add3A_878 : i32 to index
            %get3A_881 = arith.constant 464 : index
            %get3A_882 = tpu.vector_load %arg10[%get3A_879, %get3A_880, %get3A_881] {strides = array<i32>} : memref<3x64x512xf32, #tpu.memory_space<vmem>>, vector<1x1x16xf32>,
            %get3A_883 = vector.shape_cast %get3A_882 : vector<1x1x16xf32> to vector<16xf32>
            %mul3A_884 = vector.broadcast %squeeze3A_746 : f32 to vector<16xf32>
            %mul3A_885 = arith.mulf %get3A_883, %mul3A_884 : vector<16xf32>
            %add3A_886 = arith.addf %add3A_724, %mul3A_885 : vector<16xf32>
            %add3A_887 = arith.constant 2 : i32
            %add3A_888 = arith.addi %add3A_412, %add3A_887 : i32
            %get3A_889 = arith.index_cast %rem3A_51 : i32 to index
            %get3A_890 = arith.index_cast %add3A_888 : i32 to index
            %get3A_891 = arith.constant 480 : index
            %get3A_892 = tpu.vector_load %arg10[%get3A_889, %get3A_890, %get3A_891] {strides = array<i32>} : memref<3x64x512xf32, #tpu.memory_space<vmem>>, vector<1x1x16xf32>,
            %get3A_893 = vector.shape_cast %get3A_892 : vector<1x1x16xf32> to vector<16xf32>
            %mul3A_894 = vector.broadcast %squeeze3A_746 : f32 to vector<16xf32>
            %mul3A_895 = arith.mulf %get3A_893, %mul3A_894 : vector<16xf32>
            %add3A_896 = arith.addf %add3A_734, %mul3A_895 : vector<16xf32>
            %add3A_897 = arith.constant 2 : i32
            %add3A_898 = arith.addi %add3A_412, %add3A_897 : i32
            %get3A_899 = arith.index_cast %rem3A_51 : i32 to index
            %get3A_900 = arith.index_cast %add3A_898 : i32 to index
            %get3A_901 = arith.constant 496 : index
            %get3A_902 = tpu.vector_load %arg10[%get3A_899, %get3A_900, %get3A_901] {strides = array<i32>} : memref<3x64x512xf32, #tpu.memory_space<vmem>>, vector<1x1x16xf32>,
            %get3A_903 = vector.shape_cast %get3A_902 : vector<1x1x16xf32> to vector<16xf32>
            %mul3A_904 = vector.broadcast %squeeze3A_746 : f32 to vector<16xf32>
            %mul3A_905 = arith.mulf %get3A_903, %mul3A_904 : vector<16xf32>
            %add3A_906 = arith.addf %add3A_744, %mul3A_905 : vector<16xf32>
            %slice3A_907 = vector.extract_strided_slice %exp3A {offsets = [3], sizes = [1], strides = [1]} : vector<16xf32> to vector<1xf32>
            %squeeze3A_908 = vector.extract %slice3A_907[0] : f32 from vector<1xf32>
            %add3A_909 = arith.constant 3 : i32
            %add3A_910 = arith.addi %add3A_412, %add3A_909 : i32
            %get3A_911 = arith.index_cast %rem3A_51 : i32 to index
            %get3A_912 = arith.index_cast %add3A_910 : i32 to index
            %get3A_913 = arith.constant 256 : index
            %get3A_914 = tpu.vector_load %arg10[%get3A_911, %get3A_912, %get3A_913] {strides = array<i32>} : memref<3x64x512xf32, #tpu.memory_space<vmem>>, vector<1x1x16xf32>,
            %get3A_915 = vector.shape_cast %get3A_914 : vector<1x1x16xf32> to vector<16xf32>
            %mul3A_916 = vector.broadcast %squeeze3A_908 : f32 to vector<16xf32>
            %mul3A_917 = arith.mulf %get3A_915, %mul3A_916 : vector<16xf32>
            %add3A_918 = arith.addf %add3A_756, %mul3A_917 : vector<16xf32>
            %add3A_919 = arith.constant 3 : i32
            %add3A_920 = arith.addi %add3A_412, %add3A_919 : i32
            %get3A_921 = arith.index_cast %rem3A_51 : i32 to index
            %get3A_922 = arith.index_cast %add3A_920 : i32 to index
            %get3A_923 = arith.constant 272 : index
            %get3A_924 = tpu.vector_load %arg10[%get3A_921, %get3A_922, %get3A_923] {strides = array<i32>} : memref<3x64x512xf32, #tpu.memory_space<vmem>>, vector<1x1x16xf32>,
            %get3A_925 = vector.shape_cast %get3A_924 : vector<1x1x16xf32> to vector<16xf32>
            %mul3A_926 = vector.broadcast %squeeze3A_908 : f32 to vector<16xf32>
            %mul3A_927 = arith.mulf %get3A_925, %mul3A_926 : vector<16xf32>
            %add3A_928 = arith.addf %add3A_766, %mul3A_927 : vector<16xf32>
            %add3A_929 = arith.constant 3 : i32
            %add3A_930 = arith.addi %add3A_412, %add3A_929 : i32
            %get3A_931 = arith.index_cast %rem3A_51 : i32 to index
            %get3A_932 = arith.index_cast %add3A_930 : i32 to index
            %get3A_933 = arith.constant 288 : index
            %get3A_934 = tpu.vector_load %arg10[%get3A_931, %get3A_932, %get3A_933] {strides = array<i32>} : memref<3x64x512xf32, #tpu.memory_space<vmem>>, vector<1x1x16xf32>,
            %get3A_935 = vector.shape_cast %get3A_934 : vector<1x1x16xf32> to vector<16xf32>
            %mul3A_936 = vector.broadcast %squeeze3A_908 : f32 to vector<16xf32>
            %mul3A_937 = arith.mulf %get3A_935, %mul3A_936 : vector<16xf32>
            %add3A_938 = arith.addf %add3A_776, %mul3A_937 : vector<16xf32>
            %add3A_939 = arith.constant 3 : i32
            %add3A_940 = arith.addi %add3A_412, %add3A_939 : i32
            %get3A_941 = arith.index_cast %rem3A_51 : i32 to index
            %get3A_942 = arith.index_cast %add3A_940 : i32 to index
            %get3A_943 = arith.constant 304 : index
            %get3A_944 = tpu.vector_load %arg10[%get3A_941, %get3A_942, %get3A_943] {strides = array<i32>} : memref<3x64x512xf32, #tpu.memory_space<vmem>>, vector<1x1x16xf32>,
            %get3A_945 = vector.shape_cast %get3A_944 : vector<1x1x16xf32> to vector<16xf32>
            %mul3A_946 = vector.broadcast %squeeze3A_908 : f32 to vector<16xf32>
            %mul3A_947 = arith.mulf %get3A_945, %mul3A_946 : vector<16xf32>
            %add3A_948 = arith.addf %add3A_786, %mul3A_947 : vector<16xf32>
            %add3A_949 = arith.constant 3 : i32
            %add3A_950 = arith.addi %add3A_412, %add3A_949 : i32
            %get3A_951 = arith.index_cast %rem3A_51 : i32 to index
            %get3A_952 = arith.index_cast %add3A_950 : i32 to index
            %get3A_953 = arith.constant 320 : index
            %get3A_954 = tpu.vector_load %arg10[%get3A_951, %get3A_952, %get3A_953] {strides = array<i32>} : memref<3x64x512xf32, #tpu.memory_space<vmem>>, vector<1x1x16xf32>,
            %get3A_955 = vector.shape_cast %get3A_954 : vector<1x1x16xf32> to vector<16xf32>
            %mul3A_956 = vector.broadcast %squeeze3A_908 : f32 to vector<16xf32>
            %mul3A_957 = arith.mulf %get3A_955, %mul3A_956 : vector<16xf32>
            %add3A_958 = arith.addf %add3A_796, %mul3A_957 : vector<16xf32>
            %add3A_959 = arith.constant 3 : i32
            %add3A_960 = arith.addi %add3A_412, %add3A_959 : i32
            %get3A_961 = arith.index_cast %rem3A_51 : i32 to index
            %get3A_962 = arith.index_cast %add3A_960 : i32 to index
            %get3A_963 = arith.constant 336 : index
            %get3A_964 = tpu.vector_load %arg10[%get3A_961, %get3A_962, %get3A_963] {strides = array<i32>} : memref<3x64x512xf32, #tpu.memory_space<vmem>>, vector<1x1x16xf32>,
            %get3A_965 = vector.shape_cast %get3A_964 : vector<1x1x16xf32> to vector<16xf32>
            %mul3A_966 = vector.broadcast %squeeze3A_908 : f32 to vector<16xf32>
            %mul3A_967 = arith.mulf %get3A_965, %mul3A_966 : vector<16xf32>
            %add3A_968 = arith.addf %add3A_806, %mul3A_967 : vector<16xf32>
            %add3A_969 = arith.constant 3 : i32
            %add3A_970 = arith.addi %add3A_412, %add3A_969 : i32
            %get3A_971 = arith.index_cast %rem3A_51 : i32 to index
            %get3A_972 = arith.index_cast %add3A_970 : i32 to index
            %get3A_973 = arith.constant 352 : index
            %get3A_974 = tpu.vector_load %arg10[%get3A_971, %get3A_972, %get3A_973] {strides = array<i32>} : memref<3x64x512xf32, #tpu.memory_space<vmem>>, vector<1x1x16xf32>,
            %get3A_975 = vector.shape_cast %get3A_974 : vector<1x1x16xf32> to vector<16xf32>
            %mul3A_976 = vector.broadcast %squeeze3A_908 : f32 to vector<16xf32>
            %mul3A_977 = arith.mulf %get3A_975, %mul3A_976 : vector<16xf32>
            %add3A_978 = arith.addf %add3A_816, %mul3A_977 : vector<16xf32>
            %add3A_979 = arith.constant 3 : i32
            %add3A_980 = arith.addi %add3A_412, %add3A_979 : i32
            %get3A_981 = arith.index_cast %rem3A_51 : i32 to index
            %get3A_982 = arith.index_cast %add3A_980 : i32 to index
            %get3A_983 = arith.constant 368 : index
            %get3A_984 = tpu.vector_load %arg10[%get3A_981, %get3A_982, %get3A_983] {strides = array<i32>} : memref<3x64x512xf32, #tpu.memory_space<vmem>>, vector<1x1x16xf32>,
            %get3A_985 = vector.shape_cast %get3A_984 : vector<1x1x16xf32> to vector<16xf32>
            %mul3A_986 = vector.broadcast %squeeze3A_908 : f32 to vector<16xf32>
            %mul3A_987 = arith.mulf %get3A_985, %mul3A_986 : vector<16xf32>
            %add3A_988 = arith.addf %add3A_826, %mul3A_987 : vector<16xf32>
            %add3A_989 = arith.constant 3 : i32
            %add3A_990 = arith.addi %add3A_412, %add3A_989 : i32
            %get3A_991 = arith.index_cast %rem3A_51 : i32 to index
            %get3A_992 = arith.index_cast %add3A_990 : i32 to index
            %get3A_993 = arith.constant 384 : index
            %get3A_994 = tpu.vector_load %arg10[%get3A_991, %get3A_992, %get3A_993] {strides = array<i32>} : memref<3x64x512xf32, #tpu.memory_space<vmem>>, vector<1x1x16xf32>,
            %get3A_995 = vector.shape_cast %get3A_994 : vector<1x1x16xf32> to vector<16xf32>
            %mul3A_996 = vector.broadcast %squeeze3A_908 : f32 to vector<16xf32>
            %mul3A_997 = arith.mulf %get3A_995, %mul3A_996 : vector<16xf32>
            %add3A_998 = arith.addf %add3A_836, %mul3A_997 : vector<16xf32>
            %add3A_999 = arith.constant 3 : i32
            %add3A_1000 = arith.addi %add3A_412, %add3A_999 : i32
            %get3A_1001 = arith.index_cast %rem3A_51 : i32 to index
            %get3A_1002 = arith.index_cast %add3A_1000 : i32 to index
            %get3A_1003 = arith.constant 400 : index
            %get3A_1004 = tpu.vector_load %arg10[%get3A_1001, %get3A_1002, %get3A_1003] {strides = array<i32>} : memref<3x64x512xf32, #tpu.memory_space<vmem>>, vector<1x1x16xf32>,
            %get3A_1005 = vector.shape_cast %get3A_1004 : vector<1x1x16xf32> to vector<16xf32>
            %mul3A_1006 = vector.broadcast %squeeze3A_908 : f32 to vector<16xf32>
            %mul3A_1007 = arith.mulf %get3A_1005, %mul3A_1006 : vector<16xf32>
            %add3A_1008 = arith.addf %add3A_846, %mul3A_1007 : vector<16xf32>
            %add3A_1009 = arith.constant 3 : i32
            %add3A_1010 = arith.addi %add3A_412, %add3A_1009 : i32
            %get3A_1011 = arith.index_cast %rem3A_51 : i32 to index
            %get3A_1012 = arith.index_cast %add3A_1010 : i32 to index
            %get3A_1013 = arith.constant 416 : index
            %get3A_1014 = tpu.vector_load %arg10[%get3A_1011, %get3A_1012, %get3A_1013] {strides = array<i32>} : memref<3x64x512xf32, #tpu.memory_space<vmem>>, vector<1x1x16xf32>,
            %get3A_1015 = vector.shape_cast %get3A_1014 : vector<1x1x16xf32> to vector<16xf32>
            %mul3A_1016 = vector.broadcast %squeeze3A_908 : f32 to vector<16xf32>
            %mul3A_1017 = arith.mulf %get3A_1015, %mul3A_1016 : vector<16xf32>
            %add3A_1018 = arith.addf %add3A_856, %mul3A_1017 : vector<16xf32>
            %add3A_1019 = arith.constant 3 : i32
            %add3A_1020 = arith.addi %add3A_412, %add3A_1019 : i32
            %get3A_1021 = arith.index_cast %rem3A_51 : i32 to index
            %get3A_1022 = arith.index_cast %add3A_1020 : i32 to index
            %get3A_1023 = arith.constant 432 : index
            %get3A_1024 = tpu.vector_load %arg10[%get3A_1021, %get3A_1022, %get3A_1023] {strides = array<i32>} : memref<3x64x512xf32, #tpu.memory_space<vmem>>, vector<1x1x16xf32>,
            %get3A_1025 = vector.shape_cast %get3A_1024 : vector<1x1x16xf32> to vector<16xf32>
            %mul3A_1026 = vector.broadcast %squeeze3A_908 : f32 to vector<16xf32>
            %mul3A_1027 = arith.mulf %get3A_1025, %mul3A_1026 : vector<16xf32>
            %add3A_1028 = arith.addf %add3A_866, %mul3A_1027 : vector<16xf32>
            %add3A_1029 = arith.constant 3 : i32
            %add3A_1030 = arith.addi %add3A_412, %add3A_1029 : i32
            %get3A_1031 = arith.index_cast %rem3A_51 : i32 to index
            %get3A_1032 = arith.index_cast %add3A_1030 : i32 to index
            %get3A_1033 = arith.constant 448 : index
            %get3A_1034 = tpu.vector_load %arg10[%get3A_1031, %get3A_1032, %get3A_1033] {strides = array<i32>} : memref<3x64x512xf32, #tpu.memory_space<vmem>>, vector<1x1x16xf32>,
            %get3A_1035 = vector.shape_cast %get3A_1034 : vector<1x1x16xf32> to vector<16xf32>
            %mul3A_1036 = vector.broadcast %squeeze3A_908 : f32 to vector<16xf32>
            %mul3A_1037 = arith.mulf %get3A_1035, %mul3A_1036 : vector<16xf32>
            %add3A_1038 = arith.addf %add3A_876, %mul3A_1037 : vector<16xf32>
            %add3A_1039 = arith.constant 3 : i32
            %add3A_1040 = arith.addi %add3A_412, %add3A_1039 : i32
            %get3A_1041 = arith.index_cast %rem3A_51 : i32 to index
            %get3A_1042 = arith.index_cast %add3A_1040 : i32 to index
            %get3A_1043 = arith.constant 464 : index
            %get3A_1044 = tpu.vector_load %arg10[%get3A_1041, %get3A_1042, %get3A_1043] {strides = array<i32>} : memref<3x64x512xf32, #tpu.memory_space<vmem>>, vector<1x1x16xf32>,
            %get3A_1045 = vector.shape_cast %get3A_1044 : vector<1x1x16xf32> to vector<16xf32>
            %mul3A_1046 = vector.broadcast %squeeze3A_908 : f32 to vector<16xf32>
            %mul3A_1047 = arith.mulf %get3A_1045, %mul3A_1046 : vector<16xf32>
            %add3A_1048 = arith.addf %add3A_886, %mul3A_1047 : vector<16xf32>
            %add3A_1049 = arith.constant 3 : i32
            %add3A_1050 = arith.addi %add3A_412, %add3A_1049 : i32
            %get3A_1051 = arith.index_cast %rem3A_51 : i32 to index
            %get3A_1052 = arith.index_cast %add3A_1050 : i32 to index
            %get3A_1053 = arith.constant 480 : index
            %get3A_1054 = tpu.vector_load %arg10[%get3A_1051, %get3A_1052, %get3A_1053] {strides = array<i32>} : memref<3x64x512xf32, #tpu.memory_space<vmem>>, vector<1x1x16xf32>,
            %get3A_1055 = vector.shape_cast %get3A_1054 : vector<1x1x16xf32> to vector<16xf32>
            %mul3A_1056 = vector.broadcast %squeeze3A_908 : f32 to vector<16xf32>
            %mul3A_1057 = arith.mulf %get3A_1055, %mul3A_1056 : vector<16xf32>
            %add3A_1058 = arith.addf %add3A_896, %mul3A_1057 : vector<16xf32>
            %add3A_1059 = arith.constant 3 : i32
            %add3A_1060 = arith.addi %add3A_412, %add3A_1059 : i32
            %get3A_1061 = arith.index_cast %rem3A_51 : i32 to index
            %get3A_1062 = arith.index_cast %add3A_1060 : i32 to index
            %get3A_1063 = arith.constant 496 : index
            %get3A_1064 = tpu.vector_load %arg10[%get3A_1061, %get3A_1062, %get3A_1063] {strides = array<i32>} : memref<3x64x512xf32, #tpu.memory_space<vmem>>, vector<1x1x16xf32>,
            %get3A_1065 = vector.shape_cast %get3A_1064 : vector<1x1x16xf32> to vector<16xf32>
            %mul3A_1066 = vector.broadcast %squeeze3A_908 : f32 to vector<16xf32>
            %mul3A_1067 = arith.mulf %get3A_1065, %mul3A_1066 : vector<16xf32>
            %add3A_1068 = arith.addf %add3A_906, %mul3A_1067 : vector<16xf32>
            scf.yield %add3A_918, %add3A_928, %add3A_938, %add3A_948, %add3A_958, %add3A_968, %add3A_978, %add3A_988, %add3A_998, %add3A_1008, %add3A_1018, %add3A_1028, %add3A_1038, %add3A_1048, %add3A_1058, %add3A_1068 : vector<16xf32>, vector<16xf32>, vector<16xf32>, vector<16xf32>, vector<16xf32>, vector<16xf32>, vector<16xf32>, vector<16xf32>, vector<16xf32>, vector<16xf32>, vector<16xf32>, vector<16xf32>, vector<16xf32>, vector<16xf32>, vector<16xf32>, vector<16xf32>
          }
          %mul3A_300 = arith.constant 4 : i32
          %mul3A_301 = arith.muli %select_n3A, %mul3A_300 : i32
          %add3A_302 = arith.addi %min3A, %mul3A_301 : i32
          %while3A_303 = arith.subi %min3A_94, %add3A_302 : i32
          %while3A_304 = arith.addi %add3A_302, %while3A_303 : i32
          %while3A_305 = arith.constant 1 : i32
          %while3A_306 = arith.divsi %while3A_303, %while3A_305 : i32
          %while3A_307 = arith.muli %while3A_306, %while3A_305 : i32
          %while3A_308 = arith.addi %add3A_302, %while3A_307 : i32
          %while3A_309 = arith.constant 1 : i32
          %while3A_310:16 = scf.for %while3A_393 = %add3A_302 to %while3A_308 step %while3A_309 iter_args(%while3A_394 = %while3A_299#0, %while3A_395 = %while3A_299#1, %while3A_396 = %while3A_299#2, %while3A_397 = %while3A_299#3, %while3A_398 = %while3A_299#4, %while3A_399 = %while3A_299#5, %while3A_400 = %while3A_299#6, %while3A_401 = %while3A_299#7, %while3A_402 = %while3A_299#8, %while3A_403 = %while3A_299#9, %while3A_404 = %while3A_299#10, %while3A_405 = %while3A_299#11, %while3A_406 = %while3A_299#12, %while3A_407 = %while3A_299#13, %while3A_408 = %while3A_299#14, %while3A_409 = %while3A_299#15) -> (vector<16xf32>, vector<16xf32>, vector<16xf32>, vector<16xf32>, vector<16xf32>, vector<16xf32>, vector<16xf32>, vector<16xf32>, vector<16xf32>, vector<16xf32>, vector<16xf32>, vector<16xf32>, vector<16xf32>, vector<16xf32>, vector<16xf32>, vector<16xf32>)  : i32 {
            %mul3A_410 = arith.constant 64 : i32
            %mul3A_411 = arith.muli %scan3A_49, %mul3A_410 : i32
            %add3A_412 = arith.addi %mul3A_411, %while3A_393 : i32
            %get3A_413 = arith.index_cast %add3A_412 : i32 to index
            %get3A_414 = tpu.vector_load %arg16[%get3A_413] {strides = array<i32>} : memref<1040xf32, #tpu.memory_space<vmem>>, vector<16xf32>,
            %get3A_415 = vector.shape_cast %get3A_414 : vector<16xf32> to vector<16xf32>
            %slice3A_416 = vector.extract_strided_slice %get3A_415 {offsets = [0], sizes = [1], strides = [1]} : vector<16xf32> to vector<1xf32>
            %squeeze3A_417 = vector.extract %slice3A_416[0] : f32 from vector<1xf32>
            %sub3A_418 = arith.subf %squeeze3A_417, %squeeze3A_99 : f32
            %broadcast_in_dim3A_419 = vector.broadcast %sub3A_418 : f32 to vector<16xf32>
            %exp3A = math.exp %broadcast_in_dim3A_419 : vector<16xf32>
            %get3A_420 = arith.index_cast %rem3A_51 : i32 to index
            %get3A_421 = arith.index_cast %while3A_393 : i32 to index
            %get3A_422 = arith.constant 256 : index
            %get3A_423 = tpu.vector_load %arg10[%get3A_420, %get3A_421, %get3A_422] {strides = array<i32>} : memref<3x64x512xf32, #tpu.memory_space<vmem>>, vector<1x1x16xf32>,
            %get3A_424 = vector.shape_cast %get3A_423 : vector<1x1x16xf32> to vector<16xf32>
            %mul3A_425 = arith.mulf %get3A_424, %exp3A : vector<16xf32>
            %add3A_426 = arith.addf %while3A_394, %mul3A_425 : vector<16xf32>
            %get3A_427 = arith.index_cast %rem3A_51 : i32 to index
            %get3A_428 = arith.index_cast %while3A_393 : i32 to index
            %get3A_429 = arith.constant 272 : index
            %get3A_430 = tpu.vector_load %arg10[%get3A_427, %get3A_428, %get3A_429] {strides = array<i32>} : memref<3x64x512xf32, #tpu.memory_space<vmem>>, vector<1x1x16xf32>,
            %get3A_431 = vector.shape_cast %get3A_430 : vector<1x1x16xf32> to vector<16xf32>
            %mul3A_432 = arith.mulf %get3A_431, %exp3A : vector<16xf32>
            %add3A_433 = arith.addf %while3A_395, %mul3A_432 : vector<16xf32>
            %get3A_434 = arith.index_cast %rem3A_51 : i32 to index
            %get3A_435 = arith.index_cast %while3A_393 : i32 to index
            %get3A_436 = arith.constant 288 : index
            %get3A_437 = tpu.vector_load %arg10[%get3A_434, %get3A_435, %get3A_436] {strides = array<i32>} : memref<3x64x512xf32, #tpu.memory_space<vmem>>, vector<1x1x16xf32>,
            %get3A_438 = vector.shape_cast %get3A_437 : vector<1x1x16xf32> to vector<16xf32>
            %mul3A_439 = arith.mulf %get3A_438, %exp3A : vector<16xf32>
            %add3A_440 = arith.addf %while3A_396, %mul3A_439 : vector<16xf32>
            %get3A_441 = arith.index_cast %rem3A_51 : i32 to index
            %get3A_442 = arith.index_cast %while3A_393 : i32 to index
            %get3A_443 = arith.constant 304 : index
            %get3A_444 = tpu.vector_load %arg10[%get3A_441, %get3A_442, %get3A_443] {strides = array<i32>} : memref<3x64x512xf32, #tpu.memory_space<vmem>>, vector<1x1x16xf32>,
            %get3A_445 = vector.shape_cast %get3A_444 : vector<1x1x16xf32> to vector<16xf32>
            %mul3A_446 = arith.mulf %get3A_445, %exp3A : vector<16xf32>
            %add3A_447 = arith.addf %while3A_397, %mul3A_446 : vector<16xf32>
            %get3A_448 = arith.index_cast %rem3A_51 : i32 to index
            %get3A_449 = arith.index_cast %while3A_393 : i32 to index
            %get3A_450 = arith.constant 320 : index
            %get3A_451 = tpu.vector_load %arg10[%get3A_448, %get3A_449, %get3A_450] {strides = array<i32>} : memref<3x64x512xf32, #tpu.memory_space<vmem>>, vector<1x1x16xf32>,
            %get3A_452 = vector.shape_cast %get3A_451 : vector<1x1x16xf32> to vector<16xf32>
            %mul3A_453 = arith.mulf %get3A_452, %exp3A : vector<16xf32>
            %add3A_454 = arith.addf %while3A_398, %mul3A_453 : vector<16xf32>
            %get3A_455 = arith.index_cast %rem3A_51 : i32 to index
            %get3A_456 = arith.index_cast %while3A_393 : i32 to index
            %get3A_457 = arith.constant 336 : index
            %get3A_458 = tpu.vector_load %arg10[%get3A_455, %get3A_456, %get3A_457] {strides = array<i32>} : memref<3x64x512xf32, #tpu.memory_space<vmem>>, vector<1x1x16xf32>,
            %get3A_459 = vector.shape_cast %get3A_458 : vector<1x1x16xf32> to vector<16xf32>
            %mul3A_460 = arith.mulf %get3A_459, %exp3A : vector<16xf32>
            %add3A_461 = arith.addf %while3A_399, %mul3A_460 : vector<16xf32>
            %get3A_462 = arith.index_cast %rem3A_51 : i32 to index
            %get3A_463 = arith.index_cast %while3A_393 : i32 to index
            %get3A_464 = arith.constant 352 : index
            %get3A_465 = tpu.vector_load %arg10[%get3A_462, %get3A_463, %get3A_464] {strides = array<i32>} : memref<3x64x512xf32, #tpu.memory_space<vmem>>, vector<1x1x16xf32>,
            %get3A_466 = vector.shape_cast %get3A_465 : vector<1x1x16xf32> to vector<16xf32>
            %mul3A_467 = arith.mulf %get3A_466, %exp3A : vector<16xf32>
            %add3A_468 = arith.addf %while3A_400, %mul3A_467 : vector<16xf32>
            %get3A_469 = arith.index_cast %rem3A_51 : i32 to index
            %get3A_470 = arith.index_cast %while3A_393 : i32 to index
            %get3A_471 = arith.constant 368 : index
            %get3A_472 = tpu.vector_load %arg10[%get3A_469, %get3A_470, %get3A_471] {strides = array<i32>} : memref<3x64x512xf32, #tpu.memory_space<vmem>>, vector<1x1x16xf32>,
            %get3A_473 = vector.shape_cast %get3A_472 : vector<1x1x16xf32> to vector<16xf32>
            %mul3A_474 = arith.mulf %get3A_473, %exp3A : vector<16xf32>
            %add3A_475 = arith.addf %while3A_401, %mul3A_474 : vector<16xf32>
            %get3A_476 = arith.index_cast %rem3A_51 : i32 to index
            %get3A_477 = arith.index_cast %while3A_393 : i32 to index
            %get3A_478 = arith.constant 384 : index
            %get3A_479 = tpu.vector_load %arg10[%get3A_476, %get3A_477, %get3A_478] {strides = array<i32>} : memref<3x64x512xf32, #tpu.memory_space<vmem>>, vector<1x1x16xf32>,
            %get3A_480 = vector.shape_cast %get3A_479 : vector<1x1x16xf32> to vector<16xf32>
            %mul3A_481 = arith.mulf %get3A_480, %exp3A : vector<16xf32>
            %add3A_482 = arith.addf %while3A_402, %mul3A_481 : vector<16xf32>
            %get3A_483 = arith.index_cast %rem3A_51 : i32 to index
            %get3A_484 = arith.index_cast %while3A_393 : i32 to index
            %get3A_485 = arith.constant 400 : index
            %get3A_486 = tpu.vector_load %arg10[%get3A_483, %get3A_484, %get3A_485] {strides = array<i32>} : memref<3x64x512xf32, #tpu.memory_space<vmem>>, vector<1x1x16xf32>,
            %get3A_487 = vector.shape_cast %get3A_486 : vector<1x1x16xf32> to vector<16xf32>
            %mul3A_488 = arith.mulf %get3A_487, %exp3A : vector<16xf32>
            %add3A_489 = arith.addf %while3A_403, %mul3A_488 : vector<16xf32>
            %get3A_490 = arith.index_cast %rem3A_51 : i32 to index
            %get3A_491 = arith.index_cast %while3A_393 : i32 to index
            %get3A_492 = arith.constant 416 : index
            %get3A_493 = tpu.vector_load %arg10[%get3A_490, %get3A_491, %get3A_492] {strides = array<i32>} : memref<3x64x512xf32, #tpu.memory_space<vmem>>, vector<1x1x16xf32>,
            %get3A_494 = vector.shape_cast %get3A_493 : vector<1x1x16xf32> to vector<16xf32>
            %mul3A_495 = arith.mulf %get3A_494, %exp3A : vector<16xf32>
            %add3A_496 = arith.addf %while3A_404, %mul3A_495 : vector<16xf32>
            %get3A_497 = arith.index_cast %rem3A_51 : i32 to index
            %get3A_498 = arith.index_cast %while3A_393 : i32 to index
            %get3A_499 = arith.constant 432 : index
            %get3A_500 = tpu.vector_load %arg10[%get3A_497, %get3A_498, %get3A_499] {strides = array<i32>} : memref<3x64x512xf32, #tpu.memory_space<vmem>>, vector<1x1x16xf32>,
            %get3A_501 = vector.shape_cast %get3A_500 : vector<1x1x16xf32> to vector<16xf32>
            %mul3A_502 = arith.mulf %get3A_501, %exp3A : vector<16xf32>
            %add3A_503 = arith.addf %while3A_405, %mul3A_502 : vector<16xf32>
            %get3A_504 = arith.index_cast %rem3A_51 : i32 to index
            %get3A_505 = arith.index_cast %while3A_393 : i32 to index
            %get3A_506 = arith.constant 448 : index
            %get3A_507 = tpu.vector_load %arg10[%get3A_504, %get3A_505, %get3A_506] {strides = array<i32>} : memref<3x64x512xf32, #tpu.memory_space<vmem>>, vector<1x1x16xf32>,
            %get3A_508 = vector.shape_cast %get3A_507 : vector<1x1x16xf32> to vector<16xf32>
            %mul3A_509 = arith.mulf %get3A_508, %exp3A : vector<16xf32>
            %add3A_510 = arith.addf %while3A_406, %mul3A_509 : vector<16xf32>
            %get3A_511 = arith.index_cast %rem3A_51 : i32 to index
            %get3A_512 = arith.index_cast %while3A_393 : i32 to index
            %get3A_513 = arith.constant 464 : index
            %get3A_514 = tpu.vector_load %arg10[%get3A_511, %get3A_512, %get3A_513] {strides = array<i32>} : memref<3x64x512xf32, #tpu.memory_space<vmem>>, vector<1x1x16xf32>,
            %get3A_515 = vector.shape_cast %get3A_514 : vector<1x1x16xf32> to vector<16xf32>
            %mul3A_516 = arith.mulf %get3A_515, %exp3A : vector<16xf32>
            %add3A_517 = arith.addf %while3A_407, %mul3A_516 : vector<16xf32>
            %get3A_518 = arith.index_cast %rem3A_51 : i32 to index
            %get3A_519 = arith.index_cast %while3A_393 : i32 to index
            %get3A_520 = arith.constant 480 : index
            %get3A_521 = tpu.vector_load %arg10[%get3A_518, %get3A_519, %get3A_520] {strides = array<i32>} : memref<3x64x512xf32, #tpu.memory_space<vmem>>, vector<1x1x16xf32>,
            %get3A_522 = vector.shape_cast %get3A_521 : vector<1x1x16xf32> to vector<16xf32>
            %mul3A_523 = arith.mulf %get3A_522, %exp3A : vector<16xf32>
            %add3A_524 = arith.addf %while3A_408, %mul3A_523 : vector<16xf32>
            %get3A_525 = arith.index_cast %rem3A_51 : i32 to index
            %get3A_526 = arith.index_cast %while3A_393 : i32 to index
            %get3A_527 = arith.constant 496 : index
            %get3A_528 = tpu.vector_load %arg10[%get3A_525, %get3A_526, %get3A_527] {strides = array<i32>} : memref<3x64x512xf32, #tpu.memory_space<vmem>>, vector<1x1x16xf32>,
            %get3A_529 = vector.shape_cast %get3A_528 : vector<1x1x16xf32> to vector<16xf32>
            %mul3A_530 = arith.mulf %get3A_529, %exp3A : vector<16xf32>
            %add3A_531 = arith.addf %while3A_409, %mul3A_530 : vector<16xf32>
            scf.yield %add3A_426, %add3A_433, %add3A_440, %add3A_447, %add3A_454, %add3A_461, %add3A_468, %add3A_475, %add3A_482, %add3A_489, %add3A_496, %add3A_503, %add3A_510, %add3A_517, %add3A_524, %add3A_531 : vector<16xf32>, vector<16xf32>, vector<16xf32>, vector<16xf32>, vector<16xf32>, vector<16xf32>, vector<16xf32>, vector<16xf32>, vector<16xf32>, vector<16xf32>, vector<16xf32>, vector<16xf32>, vector<16xf32>, vector<16xf32>, vector<16xf32>, vector<16xf32>
          }
          %while3A_311 = arith.constant 1 : i32
          %while3A_312:16 = scf.for %while3A_393 = %while3A_308 to %while3A_304 step %while3A_311 iter_args(%while3A_394 = %while3A_310#0, %while3A_395 = %while3A_310#1, %while3A_396 = %while3A_310#2, %while3A_397 = %while3A_310#3, %while3A_398 = %while3A_310#4, %while3A_399 = %while3A_310#5, %while3A_400 = %while3A_310#6, %while3A_401 = %while3A_310#7, %while3A_402 = %while3A_310#8, %while3A_403 = %while3A_310#9, %while3A_404 = %while3A_310#10, %while3A_405 = %while3A_310#11, %while3A_406 = %while3A_310#12, %while3A_407 = %while3A_310#13, %while3A_408 = %while3A_310#14, %while3A_409 = %while3A_310#15) -> (vector<16xf32>, vector<16xf32>, vector<16xf32>, vector<16xf32>, vector<16xf32>, vector<16xf32>, vector<16xf32>, vector<16xf32>, vector<16xf32>, vector<16xf32>, vector<16xf32>, vector<16xf32>, vector<16xf32>, vector<16xf32>, vector<16xf32>, vector<16xf32>)  : i32 {
            %mul3A_410 = arith.constant 64 : i32
            %mul3A_411 = arith.muli %scan3A_49, %mul3A_410 : i32
            %add3A_412 = arith.addi %mul3A_411, %while3A_393 : i32
            %get3A_413 = arith.index_cast %add3A_412 : i32 to index
            %get3A_414 = tpu.vector_load %arg16[%get3A_413] {strides = array<i32>} : memref<1040xf32, #tpu.memory_space<vmem>>, vector<16xf32>,
            %get3A_415 = vector.shape_cast %get3A_414 : vector<16xf32> to vector<16xf32>
            %slice3A_416 = vector.extract_strided_slice %get3A_415 {offsets = [0], sizes = [1], strides = [1]} : vector<16xf32> to vector<1xf32>
            %squeeze3A_417 = vector.extract %slice3A_416[0] : f32 from vector<1xf32>
            %sub3A_418 = arith.subf %squeeze3A_417, %squeeze3A_99 : f32
            %broadcast_in_dim3A_419 = vector.broadcast %sub3A_418 : f32 to vector<16xf32>
            %exp3A = math.exp %broadcast_in_dim3A_419 : vector<16xf32>
            %get3A_420 = arith.index_cast %rem3A_51 : i32 to index
            %get3A_421 = arith.index_cast %while3A_393 : i32 to index
            %get3A_422 = arith.constant 256 : index
            %get3A_423 = tpu.vector_load %arg10[%get3A_420, %get3A_421, %get3A_422] {strides = array<i32>} : memref<3x64x512xf32, #tpu.memory_space<vmem>>, vector<1x1x16xf32>,
            %get3A_424 = vector.shape_cast %get3A_423 : vector<1x1x16xf32> to vector<16xf32>
            %mul3A_425 = arith.mulf %get3A_424, %exp3A : vector<16xf32>
            %add3A_426 = arith.addf %while3A_394, %mul3A_425 : vector<16xf32>
            %get3A_427 = arith.index_cast %rem3A_51 : i32 to index
            %get3A_428 = arith.index_cast %while3A_393 : i32 to index
            %get3A_429 = arith.constant 272 : index
            %get3A_430 = tpu.vector_load %arg10[%get3A_427, %get3A_428, %get3A_429] {strides = array<i32>} : memref<3x64x512xf32, #tpu.memory_space<vmem>>, vector<1x1x16xf32>,
            %get3A_431 = vector.shape_cast %get3A_430 : vector<1x1x16xf32> to vector<16xf32>
            %mul3A_432 = arith.mulf %get3A_431, %exp3A : vector<16xf32>
            %add3A_433 = arith.addf %while3A_395, %mul3A_432 : vector<16xf32>
            %get3A_434 = arith.index_cast %rem3A_51 : i32 to index
            %get3A_435 = arith.index_cast %while3A_393 : i32 to index
            %get3A_436 = arith.constant 288 : index
            %get3A_437 = tpu.vector_load %arg10[%get3A_434, %get3A_435, %get3A_436] {strides = array<i32>} : memref<3x64x512xf32, #tpu.memory_space<vmem>>, vector<1x1x16xf32>,
            %get3A_438 = vector.shape_cast %get3A_437 : vector<1x1x16xf32> to vector<16xf32>
            %mul3A_439 = arith.mulf %get3A_438, %exp3A : vector<16xf32>
            %add3A_440 = arith.addf %while3A_396, %mul3A_439 : vector<16xf32>
            %get3A_441 = arith.index_cast %rem3A_51 : i32 to index
            %get3A_442 = arith.index_cast %while3A_393 : i32 to index
            %get3A_443 = arith.constant 304 : index
            %get3A_444 = tpu.vector_load %arg10[%get3A_441, %get3A_442, %get3A_443] {strides = array<i32>} : memref<3x64x512xf32, #tpu.memory_space<vmem>>, vector<1x1x16xf32>,
            %get3A_445 = vector.shape_cast %get3A_444 : vector<1x1x16xf32> to vector<16xf32>
            %mul3A_446 = arith.mulf %get3A_445, %exp3A : vector<16xf32>
            %add3A_447 = arith.addf %while3A_397, %mul3A_446 : vector<16xf32>
            %get3A_448 = arith.index_cast %rem3A_51 : i32 to index
            %get3A_449 = arith.index_cast %while3A_393 : i32 to index
            %get3A_450 = arith.constant 320 : index
            %get3A_451 = tpu.vector_load %arg10[%get3A_448, %get3A_449, %get3A_450] {strides = array<i32>} : memref<3x64x512xf32, #tpu.memory_space<vmem>>, vector<1x1x16xf32>,
            %get3A_452 = vector.shape_cast %get3A_451 : vector<1x1x16xf32> to vector<16xf32>
            %mul3A_453 = arith.mulf %get3A_452, %exp3A : vector<16xf32>
            %add3A_454 = arith.addf %while3A_398, %mul3A_453 : vector<16xf32>
            %get3A_455 = arith.index_cast %rem3A_51 : i32 to index
            %get3A_456 = arith.index_cast %while3A_393 : i32 to index
            %get3A_457 = arith.constant 336 : index
            %get3A_458 = tpu.vector_load %arg10[%get3A_455, %get3A_456, %get3A_457] {strides = array<i32>} : memref<3x64x512xf32, #tpu.memory_space<vmem>>, vector<1x1x16xf32>,
            %get3A_459 = vector.shape_cast %get3A_458 : vector<1x1x16xf32> to vector<16xf32>
            %mul3A_460 = arith.mulf %get3A_459, %exp3A : vector<16xf32>
            %add3A_461 = arith.addf %while3A_399, %mul3A_460 : vector<16xf32>
            %get3A_462 = arith.index_cast %rem3A_51 : i32 to index
            %get3A_463 = arith.index_cast %while3A_393 : i32 to index
            %get3A_464 = arith.constant 352 : index
            %get3A_465 = tpu.vector_load %arg10[%get3A_462, %get3A_463, %get3A_464] {strides = array<i32>} : memref<3x64x512xf32, #tpu.memory_space<vmem>>, vector<1x1x16xf32>,
            %get3A_466 = vector.shape_cast %get3A_465 : vector<1x1x16xf32> to vector<16xf32>
            %mul3A_467 = arith.mulf %get3A_466, %exp3A : vector<16xf32>
            %add3A_468 = arith.addf %while3A_400, %mul3A_467 : vector<16xf32>
            %get3A_469 = arith.index_cast %rem3A_51 : i32 to index
            %get3A_470 = arith.index_cast %while3A_393 : i32 to index
            %get3A_471 = arith.constant 368 : index
            %get3A_472 = tpu.vector_load %arg10[%get3A_469, %get3A_470, %get3A_471] {strides = array<i32>} : memref<3x64x512xf32, #tpu.memory_space<vmem>>, vector<1x1x16xf32>,
            %get3A_473 = vector.shape_cast %get3A_472 : vector<1x1x16xf32> to vector<16xf32>
            %mul3A_474 = arith.mulf %get3A_473, %exp3A : vector<16xf32>
            %add3A_475 = arith.addf %while3A_401, %mul3A_474 : vector<16xf32>
            %get3A_476 = arith.index_cast %rem3A_51 : i32 to index
            %get3A_477 = arith.index_cast %while3A_393 : i32 to index
            %get3A_478 = arith.constant 384 : index
            %get3A_479 = tpu.vector_load %arg10[%get3A_476, %get3A_477, %get3A_478] {strides = array<i32>} : memref<3x64x512xf32, #tpu.memory_space<vmem>>, vector<1x1x16xf32>,
            %get3A_480 = vector.shape_cast %get3A_479 : vector<1x1x16xf32> to vector<16xf32>
            %mul3A_481 = arith.mulf %get3A_480, %exp3A : vector<16xf32>
            %add3A_482 = arith.addf %while3A_402, %mul3A_481 : vector<16xf32>
            %get3A_483 = arith.index_cast %rem3A_51 : i32 to index
            %get3A_484 = arith.index_cast %while3A_393 : i32 to index
            %get3A_485 = arith.constant 400 : index
            %get3A_486 = tpu.vector_load %arg10[%get3A_483, %get3A_484, %get3A_485] {strides = array<i32>} : memref<3x64x512xf32, #tpu.memory_space<vmem>>, vector<1x1x16xf32>,
            %get3A_487 = vector.shape_cast %get3A_486 : vector<1x1x16xf32> to vector<16xf32>
            %mul3A_488 = arith.mulf %get3A_487, %exp3A : vector<16xf32>
            %add3A_489 = arith.addf %while3A_403, %mul3A_488 : vector<16xf32>
            %get3A_490 = arith.index_cast %rem3A_51 : i32 to index
            %get3A_491 = arith.index_cast %while3A_393 : i32 to index
            %get3A_492 = arith.constant 416 : index
            %get3A_493 = tpu.vector_load %arg10[%get3A_490, %get3A_491, %get3A_492] {strides = array<i32>} : memref<3x64x512xf32, #tpu.memory_space<vmem>>, vector<1x1x16xf32>,
            %get3A_494 = vector.shape_cast %get3A_493 : vector<1x1x16xf32> to vector<16xf32>
            %mul3A_495 = arith.mulf %get3A_494, %exp3A : vector<16xf32>
            %add3A_496 = arith.addf %while3A_404, %mul3A_495 : vector<16xf32>
            %get3A_497 = arith.index_cast %rem3A_51 : i32 to index
            %get3A_498 = arith.index_cast %while3A_393 : i32 to index
            %get3A_499 = arith.constant 432 : index
            %get3A_500 = tpu.vector_load %arg10[%get3A_497, %get3A_498, %get3A_499] {strides = array<i32>} : memref<3x64x512xf32, #tpu.memory_space<vmem>>, vector<1x1x16xf32>,
            %get3A_501 = vector.shape_cast %get3A_500 : vector<1x1x16xf32> to vector<16xf32>
            %mul3A_502 = arith.mulf %get3A_501, %exp3A : vector<16xf32>
            %add3A_503 = arith.addf %while3A_405, %mul3A_502 : vector<16xf32>
            %get3A_504 = arith.index_cast %rem3A_51 : i32 to index
            %get3A_505 = arith.index_cast %while3A_393 : i32 to index
            %get3A_506 = arith.constant 448 : index
            %get3A_507 = tpu.vector_load %arg10[%get3A_504, %get3A_505, %get3A_506] {strides = array<i32>} : memref<3x64x512xf32, #tpu.memory_space<vmem>>, vector<1x1x16xf32>,
            %get3A_508 = vector.shape_cast %get3A_507 : vector<1x1x16xf32> to vector<16xf32>
            %mul3A_509 = arith.mulf %get3A_508, %exp3A : vector<16xf32>
            %add3A_510 = arith.addf %while3A_406, %mul3A_509 : vector<16xf32>
            %get3A_511 = arith.index_cast %rem3A_51 : i32 to index
            %get3A_512 = arith.index_cast %while3A_393 : i32 to index
            %get3A_513 = arith.constant 464 : index
            %get3A_514 = tpu.vector_load %arg10[%get3A_511, %get3A_512, %get3A_513] {strides = array<i32>} : memref<3x64x512xf32, #tpu.memory_space<vmem>>, vector<1x1x16xf32>,
            %get3A_515 = vector.shape_cast %get3A_514 : vector<1x1x16xf32> to vector<16xf32>
            %mul3A_516 = arith.mulf %get3A_515, %exp3A : vector<16xf32>
            %add3A_517 = arith.addf %while3A_407, %mul3A_516 : vector<16xf32>
            %get3A_518 = arith.index_cast %rem3A_51 : i32 to index
            %get3A_519 = arith.index_cast %while3A_393 : i32 to index
            %get3A_520 = arith.constant 480 : index
            %get3A_521 = tpu.vector_load %arg10[%get3A_518, %get3A_519, %get3A_520] {strides = array<i32>} : memref<3x64x512xf32, #tpu.memory_space<vmem>>, vector<1x1x16xf32>,
            %get3A_522 = vector.shape_cast %get3A_521 : vector<1x1x16xf32> to vector<16xf32>
            %mul3A_523 = arith.mulf %get3A_522, %exp3A : vector<16xf32>
            %add3A_524 = arith.addf %while3A_408, %mul3A_523 : vector<16xf32>
            %get3A_525 = arith.index_cast %rem3A_51 : i32 to index
            %get3A_526 = arith.index_cast %while3A_393 : i32 to index
            %get3A_527 = arith.constant 496 : index
            %get3A_528 = tpu.vector_load %arg10[%get3A_525, %get3A_526, %get3A_527] {strides = array<i32>} : memref<3x64x512xf32, #tpu.memory_space<vmem>>, vector<1x1x16xf32>,
            %get3A_529 = vector.shape_cast %get3A_528 : vector<1x1x16xf32> to vector<16xf32>
            %mul3A_530 = arith.mulf %get3A_529, %exp3A : vector<16xf32>
            %add3A_531 = arith.addf %while3A_409, %mul3A_530 : vector<16xf32>
            scf.yield %add3A_426, %add3A_433, %add3A_440, %add3A_447, %add3A_454, %add3A_461, %add3A_468, %add3A_475, %add3A_482, %add3A_489, %add3A_496, %add3A_503, %add3A_510, %add3A_517, %add3A_524, %add3A_531 : vector<16xf32>, vector<16xf32>, vector<16xf32>, vector<16xf32>, vector<16xf32>, vector<16xf32>, vector<16xf32>, vector<16xf32>, vector<16xf32>, vector<16xf32>, vector<16xf32>, vector<16xf32>, vector<16xf32>, vector<16xf32>, vector<16xf32>, vector<16xf32>
          }
          %swap3A_313 = arith.index_cast %scan3A_79 : i32 to index
          %swap3A_314 = arith.constant 256 : index
          %swap3A_315 = tpu.vector_load %arg11[%swap3A_313, %swap3A_314] {strides = array<i32>} : memref<16x512xf32, #tpu.memory_space<vmem>>, vector<1x16xf32>,
          %swap3A_316 = vector.shape_cast %swap3A_315 : vector<1x16xf32> to vector<16xf32>
          %swap3A_317 = vector.shape_cast %while3A_312#0 : vector<16xf32> to vector<1x16xf32>
          tpu.vector_store %arg11[%swap3A_313, %swap3A_314], %swap3A_317 {add = true, strides = array<i32>} : memref<16x512xf32, #tpu.memory_space<vmem>>, vector<1x16xf32>,
          %swap3A_318 = arith.index_cast %scan3A_79 : i32 to index
          %swap3A_319 = arith.constant 272 : index
          %swap3A_320 = tpu.vector_load %arg11[%swap3A_318, %swap3A_319] {strides = array<i32>} : memref<16x512xf32, #tpu.memory_space<vmem>>, vector<1x16xf32>,
          %swap3A_321 = vector.shape_cast %swap3A_320 : vector<1x16xf32> to vector<16xf32>
          %swap3A_322 = vector.shape_cast %while3A_312#1 : vector<16xf32> to vector<1x16xf32>
          tpu.vector_store %arg11[%swap3A_318, %swap3A_319], %swap3A_322 {add = true, strides = array<i32>} : memref<16x512xf32, #tpu.memory_space<vmem>>, vector<1x16xf32>,
          %swap3A_323 = arith.index_cast %scan3A_79 : i32 to index
          %swap3A_324 = arith.constant 288 : index
          %swap3A_325 = tpu.vector_load %arg11[%swap3A_323, %swap3A_324] {strides = array<i32>} : memref<16x512xf32, #tpu.memory_space<vmem>>, vector<1x16xf32>,
          %swap3A_326 = vector.shape_cast %swap3A_325 : vector<1x16xf32> to vector<16xf32>
          %swap3A_327 = vector.shape_cast %while3A_312#2 : vector<16xf32> to vector<1x16xf32>
          tpu.vector_store %arg11[%swap3A_323, %swap3A_324], %swap3A_327 {add = true, strides = array<i32>} : memref<16x512xf32, #tpu.memory_space<vmem>>, vector<1x16xf32>,
          %swap3A_328 = arith.index_cast %scan3A_79 : i32 to index
          %swap3A_329 = arith.constant 304 : index
          %swap3A_330 = tpu.vector_load %arg11[%swap3A_328, %swap3A_329] {strides = array<i32>} : memref<16x512xf32, #tpu.memory_space<vmem>>, vector<1x16xf32>,
          %swap3A_331 = vector.shape_cast %swap3A_330 : vector<1x16xf32> to vector<16xf32>
          %swap3A_332 = vector.shape_cast %while3A_312#3 : vector<16xf32> to vector<1x16xf32>
          tpu.vector_store %arg11[%swap3A_328, %swap3A_329], %swap3A_332 {add = true, strides = array<i32>} : memref<16x512xf32, #tpu.memory_space<vmem>>, vector<1x16xf32>,
          %swap3A_333 = arith.index_cast %scan3A_79 : i32 to index
          %swap3A_334 = arith.constant 320 : index
          %swap3A_335 = tpu.vector_load %arg11[%swap3A_333, %swap3A_334] {strides = array<i32>} : memref<16x512xf32, #tpu.memory_space<vmem>>, vector<1x16xf32>,
          %swap3A_336 = vector.shape_cast %swap3A_335 : vector<1x16xf32> to vector<16xf32>
          %swap3A_337 = vector.shape_cast %while3A_312#4 : vector<16xf32> to vector<1x16xf32>
          tpu.vector_store %arg11[%swap3A_333, %swap3A_334], %swap3A_337 {add = true, strides = array<i32>} : memref<16x512xf32, #tpu.memory_space<vmem>>, vector<1x16xf32>,
          %swap3A_338 = arith.index_cast %scan3A_79 : i32 to index
          %swap3A_339 = arith.constant 336 : index
          %swap3A_340 = tpu.vector_load %arg11[%swap3A_338, %swap3A_339] {strides = array<i32>} : memref<16x512xf32, #tpu.memory_space<vmem>>, vector<1x16xf32>,
          %swap3A_341 = vector.shape_cast %swap3A_340 : vector<1x16xf32> to vector<16xf32>
          %swap3A_342 = vector.shape_cast %while3A_312#5 : vector<16xf32> to vector<1x16xf32>
          tpu.vector_store %arg11[%swap3A_338, %swap3A_339], %swap3A_342 {add = true, strides = array<i32>} : memref<16x512xf32, #tpu.memory_space<vmem>>, vector<1x16xf32>,
          %swap3A_343 = arith.index_cast %scan3A_79 : i32 to index
          %swap3A_344 = arith.constant 352 : index
          %swap3A_345 = tpu.vector_load %arg11[%swap3A_343, %swap3A_344] {strides = array<i32>} : memref<16x512xf32, #tpu.memory_space<vmem>>, vector<1x16xf32>,
          %swap3A_346 = vector.shape_cast %swap3A_345 : vector<1x16xf32> to vector<16xf32>
          %swap3A_347 = vector.shape_cast %while3A_312#6 : vector<16xf32> to vector<1x16xf32>
          tpu.vector_store %arg11[%swap3A_343, %swap3A_344], %swap3A_347 {add = true, strides = array<i32>} : memref<16x512xf32, #tpu.memory_space<vmem>>, vector<1x16xf32>,
          %swap3A_348 = arith.index_cast %scan3A_79 : i32 to index
          %swap3A_349 = arith.constant 368 : index
          %swap3A_350 = tpu.vector_load %arg11[%swap3A_348, %swap3A_349] {strides = array<i32>} : memref<16x512xf32, #tpu.memory_space<vmem>>, vector<1x16xf32>,
          %swap3A_351 = vector.shape_cast %swap3A_350 : vector<1x16xf32> to vector<16xf32>
          %swap3A_352 = vector.shape_cast %while3A_312#7 : vector<16xf32> to vector<1x16xf32>
          tpu.vector_store %arg11[%swap3A_348, %swap3A_349], %swap3A_352 {add = true, strides = array<i32>} : memref<16x512xf32, #tpu.memory_space<vmem>>, vector<1x16xf32>,
          %swap3A_353 = arith.index_cast %scan3A_79 : i32 to index
          %swap3A_354 = arith.constant 384 : index
          %swap3A_355 = tpu.vector_load %arg11[%swap3A_353, %swap3A_354] {strides = array<i32>} : memref<16x512xf32, #tpu.memory_space<vmem>>, vector<1x16xf32>,
          %swap3A_356 = vector.shape_cast %swap3A_355 : vector<1x16xf32> to vector<16xf32>
          %swap3A_357 = vector.shape_cast %while3A_312#8 : vector<16xf32> to vector<1x16xf32>
          tpu.vector_store %arg11[%swap3A_353, %swap3A_354], %swap3A_357 {add = true, strides = array<i32>} : memref<16x512xf32, #tpu.memory_space<vmem>>, vector<1x16xf32>,
          %swap3A_358 = arith.index_cast %scan3A_79 : i32 to index
          %swap3A_359 = arith.constant 400 : index
          %swap3A_360 = tpu.vector_load %arg11[%swap3A_358, %swap3A_359] {strides = array<i32>} : memref<16x512xf32, #tpu.memory_space<vmem>>, vector<1x16xf32>,
          %swap3A_361 = vector.shape_cast %swap3A_360 : vector<1x16xf32> to vector<16xf32>
          %swap3A_362 = vector.shape_cast %while3A_312#9 : vector<16xf32> to vector<1x16xf32>
          tpu.vector_store %arg11[%swap3A_358, %swap3A_359], %swap3A_362 {add = true, strides = array<i32>} : memref<16x512xf32, #tpu.memory_space<vmem>>, vector<1x16xf32>,
          %swap3A_363 = arith.index_cast %scan3A_79 : i32 to index
          %swap3A_364 = arith.constant 416 : index
          %swap3A_365 = tpu.vector_load %arg11[%swap3A_363, %swap3A_364] {strides = array<i32>} : memref<16x512xf32, #tpu.memory_space<vmem>>, vector<1x16xf32>,
          %swap3A_366 = vector.shape_cast %swap3A_365 : vector<1x16xf32> to vector<16xf32>
          %swap3A_367 = vector.shape_cast %while3A_312#10 : vector<16xf32> to vector<1x16xf32>
          tpu.vector_store %arg11[%swap3A_363, %swap3A_364], %swap3A_367 {add = true, strides = array<i32>} : memref<16x512xf32, #tpu.memory_space<vmem>>, vector<1x16xf32>,
          %swap3A_368 = arith.index_cast %scan3A_79 : i32 to index
          %swap3A_369 = arith.constant 432 : index
          %swap3A_370 = tpu.vector_load %arg11[%swap3A_368, %swap3A_369] {strides = array<i32>} : memref<16x512xf32, #tpu.memory_space<vmem>>, vector<1x16xf32>,
          %swap3A_371 = vector.shape_cast %swap3A_370 : vector<1x16xf32> to vector<16xf32>
          %swap3A_372 = vector.shape_cast %while3A_312#11 : vector<16xf32> to vector<1x16xf32>
          tpu.vector_store %arg11[%swap3A_368, %swap3A_369], %swap3A_372 {add = true, strides = array<i32>} : memref<16x512xf32, #tpu.memory_space<vmem>>, vector<1x16xf32>,
          %swap3A_373 = arith.index_cast %scan3A_79 : i32 to index
          %swap3A_374 = arith.constant 448 : index
          %swap3A_375 = tpu.vector_load %arg11[%swap3A_373, %swap3A_374] {strides = array<i32>} : memref<16x512xf32, #tpu.memory_space<vmem>>, vector<1x16xf32>,
          %swap3A_376 = vector.shape_cast %swap3A_375 : vector<1x16xf32> to vector<16xf32>
          %swap3A_377 = vector.shape_cast %while3A_312#12 : vector<16xf32> to vector<1x16xf32>
          tpu.vector_store %arg11[%swap3A_373, %swap3A_374], %swap3A_377 {add = true, strides = array<i32>} : memref<16x512xf32, #tpu.memory_space<vmem>>, vector<1x16xf32>,
          %swap3A_378 = arith.index_cast %scan3A_79 : i32 to index
          %swap3A_379 = arith.constant 464 : index
          %swap3A_380 = tpu.vector_load %arg11[%swap3A_378, %swap3A_379] {strides = array<i32>} : memref<16x512xf32, #tpu.memory_space<vmem>>, vector<1x16xf32>,
          %swap3A_381 = vector.shape_cast %swap3A_380 : vector<1x16xf32> to vector<16xf32>
          %swap3A_382 = vector.shape_cast %while3A_312#13 : vector<16xf32> to vector<1x16xf32>
          tpu.vector_store %arg11[%swap3A_378, %swap3A_379], %swap3A_382 {add = true, strides = array<i32>} : memref<16x512xf32, #tpu.memory_space<vmem>>, vector<1x16xf32>,
          %swap3A_383 = arith.index_cast %scan3A_79 : i32 to index
          %swap3A_384 = arith.constant 480 : index
          %swap3A_385 = tpu.vector_load %arg11[%swap3A_383, %swap3A_384] {strides = array<i32>} : memref<16x512xf32, #tpu.memory_space<vmem>>, vector<1x16xf32>,
          %swap3A_386 = vector.shape_cast %swap3A_385 : vector<1x16xf32> to vector<16xf32>
          %swap3A_387 = vector.shape_cast %while3A_312#14 : vector<16xf32> to vector<1x16xf32>
          tpu.vector_store %arg11[%swap3A_383, %swap3A_384], %swap3A_387 {add = true, strides = array<i32>} : memref<16x512xf32, #tpu.memory_space<vmem>>, vector<1x16xf32>,
          %swap3A_388 = arith.index_cast %scan3A_79 : i32 to index
          %swap3A_389 = arith.constant 496 : index
          %swap3A_390 = tpu.vector_load %arg11[%swap3A_388, %swap3A_389] {strides = array<i32>} : memref<16x512xf32, #tpu.memory_space<vmem>>, vector<1x16xf32>,
          %swap3A_391 = vector.shape_cast %swap3A_390 : vector<1x16xf32> to vector<16xf32>
          %swap3A_392 = vector.shape_cast %while3A_312#15 : vector<16xf32> to vector<1x16xf32>
          tpu.vector_store %arg11[%swap3A_388, %swap3A_389], %swap3A_392 {add = true, strides = array<i32>} : memref<16x512xf32, #tpu.memory_space<vmem>>, vector<1x16xf32>,
        } else {
        }
      }
      %scan3A_77 = arith.constant 16 : i32
      %scan3A_78 = arith.constant 0 : i32
      scf.yield %scan3A_78 : i32
    }
    %scan3A_46 = arith.constant 16 : i32
    %eq3A = arith.constant 0 : i32
    %eq3A_47 = arith.cmpi eq, %add3A, %eq3A : i32
    %convert_element_type3A = arith.extui %eq3A_47 : i1 to i32
    %cond3A = arith.constant 0 : i32
    %cond3A_48 = arith.cmpi ne, %convert_element_type3A, %cond3A : i32
    scf.if %cond3A_48 {
      "tpu.region"() ({
        %run_scoped3A = tpu.sem_alloc : memref<!tpu.dma_semaphore, #tpu.memory_space<semaphore_mem>>
        tpu.enqueue_dma source(%arg5 : memref<16xi32, #tpu.memory_space<hbm>>) target(%arg13 : memref<16xi32, #tpu.memory_space<vmem>>) target_semaphore(%run_scoped3A : memref<!tpu.dma_semaphore, #tpu.memory_space<semaphore_mem>>)
        tpu.wait_dma2 semaphore(%run_scoped3A : memref<!tpu.dma_semaphore, #tpu.memory_space<semaphore_mem>>) src(%arg5 : memref<16xi32, #tpu.memory_space<hbm>>) dst(%arg13 : memref<16xi32, #tpu.memory_space<vmem>>)
        tpu.yield
      }) : () -> ()
      %dma_start3A_49 = arith.constant 0 : i32
      %dma_start3A_50 = arith.constant 0 : i32
      %dma_start3A_51 = tpu.memref_slice %arg7[%dma_start3A_49, %dma_start3A_50] : memref<100000x512xf32, #tpu.memory_space<hbm>> -> memref<100000x512xf32, #tpu.memory_space<hbm>>
      tpu.enqueue_indirect_dma source(%dma_start3A_51 : memref<100000x512xf32, #tpu.memory_space<hbm>>) target(%arg12 : memref<16x512xf32, #tpu.memory_space<vmem>>) offsets(%arg13 : memref<16xi32, #tpu.memory_space<vmem>>) semaphore(%arg18 : memref<!tpu.dma_semaphore, #tpu.memory_space<semaphore_mem>>)
      %dma_wait3A = arith.constant 0 : i32
      %dma_wait3A_52 = arith.constant 0 : i32
      %dma_wait3A_53 = tpu.memref_slice %arg7[%dma_wait3A, %dma_wait3A_52] : memref<100000x512xf32, #tpu.memory_space<hbm>> -> memref<100000x512xf32, #tpu.memory_space<hbm>>
      tpu.wait_indirect_dma semaphore(%arg18 : memref<!tpu.dma_semaphore, #tpu.memory_space<semaphore_mem>>) src(%dma_wait3A_53 : memref<100000x512xf32, #tpu.memory_space<hbm>>) dst(%arg12 : memref<16x512xf32, #tpu.memory_space<vmem>>)
      %get3A = arith.constant 0 : index
      %get3A_54 = tpu.vector_load %arg14[%get3A] {strides = array<i32>} : memref<32xi32, #tpu.memory_space<vmem>>, vector<16xi32>,
      %get3A_55 = vector.shape_cast %get3A_54 : vector<16xi32> to vector<16xi32>
      %get3A_56 = arith.constant 16 : index
      %get3A_57 = tpu.vector_load %arg14[%get3A_56] {strides = array<i32>} : memref<32xi32, #tpu.memory_space<vmem>>, vector<16xi32>,
      %get3A_58 = vector.shape_cast %get3A_57 : vector<16xi32> to vector<16xi32>
      %slice3A = vector.extract_strided_slice %get3A_55 {offsets = [1], sizes = [1], strides = [1]} : vector<16xi32> to vector<1xi32>
      %squeeze3A = vector.extract %slice3A[0] : i32 from vector<1xi32>
      %slice3A_59 = vector.extract_strided_slice %get3A_55 {offsets = [0], sizes = [1], strides = [1]} : vector<16xi32> to vector<1xi32>
      %squeeze3A_60 = vector.extract %slice3A_59[0] : i32 from vector<1xi32>
      %eq3A_61 = arith.cmpi eq, %squeeze3A, %squeeze3A_60 : i32
      %convert_element_type3A_62 = arith.extui %eq3A_61 : i1 to i32
      %cond3A_63 = arith.constant 0 : i32
      %cond3A_64 = arith.cmpi ne, %convert_element_type3A_62, %cond3A_63 : i32
      scf.if %cond3A_64 {
        %scan3A_185 = arith.constant 0 : i32
        %scan3A_186 = arith.constant 0 : i32
        %scan3A_187 = arith.constant 32 : i32
        %scan3A_188 = arith.addi %scan3A_186, %scan3A_187 : i32
        %scan3A_189 = arith.constant 1 : i32
        %scan3A_190 = scf.for %scan3A_192 = %scan3A_186 to %scan3A_188 step %scan3A_189 iter_args(%scan3A_193 = %scan3A_185) -> (i32)  : i32 {
          %mul3A_194 = arith.constant 16 : i32
          %mul3A_195 = arith.muli %scan3A_192, %mul3A_194 : i32
          %mul3A_196 = arith.constant 16 : i32
          %mul3A_197 = arith.muli %scan3A_192, %mul3A_196 : i32
          %get3A_198 = arith.constant 0 : i32
          %get3A_199 = arith.index_cast %get3A_198 : i32 to index
          %get3A_200 = arith.index_cast %mul3A_197 : i32 to index
          %get3A_201 = tpu.vector_load %arg12[%get3A_199, %get3A_200] {strides = array<i32>} : memref<16x512xf32, #tpu.memory_space<vmem>>, vector<1x16xf32>,
          %get3A_202 = vector.shape_cast %get3A_201 : vector<1x16xf32> to vector<16xf32>
          %swap3A = arith.constant 0 : i32
          %swap3A_203 = arith.index_cast %swap3A : i32 to index
          %swap3A_204 = arith.index_cast %mul3A_195 : i32 to index
          %swap3A_205 = tpu.vector_load %arg11[%swap3A_203, %swap3A_204] {strides = array<i32>} : memref<16x512xf32, #tpu.memory_space<vmem>>, vector<1x16xf32>,
          %swap3A_206 = vector.shape_cast %swap3A_205 : vector<1x16xf32> to vector<16xf32>
          %swap3A_207 = vector.shape_cast %get3A_202 : vector<16xf32> to vector<1x16xf32>
          tpu.vector_store %arg11[%swap3A_203, %swap3A_204], %swap3A_207 {add = true, strides = array<i32>} : memref<16x512xf32, #tpu.memory_space<vmem>>, vector<1x16xf32>,
          %scan3A_208 = arith.constant 0 : i32
          scf.yield %scan3A_208 : i32
        }
        %scan3A_191 = arith.constant 32 : i32
      } else {
      }
      %slice3A_65 = vector.extract_strided_slice %get3A_55 {offsets = [2], sizes = [1], strides = [1]} : vector<16xi32> to vector<1xi32>
      %squeeze3A_66 = vector.extract %slice3A_65[0] : i32 from vector<1xi32>
      %slice3A_67 = vector.extract_strided_slice %get3A_55 {offsets = [1], sizes = [1], strides = [1]} : vector<16xi32> to vector<1xi32>
      %squeeze3A_68 = vector.extract %slice3A_67[0] : i32 from vector<1xi32>
      %eq3A_69 = arith.cmpi eq, %squeeze3A_66, %squeeze3A_68 : i32
      %convert_element_type3A_70 = arith.extui %eq3A_69 : i1 to i32
      %cond3A_71 = arith.constant 0 : i32
      %cond3A_72 = arith.cmpi ne, %convert_element_type3A_70, %cond3A_71 : i32
      scf.if %cond3A_72 {
        %scan3A_185 = arith.constant 0 : i32
        %scan3A_186 = arith.constant 0 : i32
        %scan3A_187 = arith.constant 32 : i32
        %scan3A_188 = arith.addi %scan3A_186, %scan3A_187 : i32
        %scan3A_189 = arith.constant 1 : i32
        %scan3A_190 = scf.for %scan3A_192 = %scan3A_186 to %scan3A_188 step %scan3A_189 iter_args(%scan3A_193 = %scan3A_185) -> (i32)  : i32 {
          %mul3A_194 = arith.constant 16 : i32
          %mul3A_195 = arith.muli %scan3A_192, %mul3A_194 : i32
          %mul3A_196 = arith.constant 16 : i32
          %mul3A_197 = arith.muli %scan3A_192, %mul3A_196 : i32
          %get3A_198 = arith.constant 1 : i32
          %get3A_199 = arith.index_cast %get3A_198 : i32 to index
          %get3A_200 = arith.index_cast %mul3A_197 : i32 to index
          %get3A_201 = tpu.vector_load %arg12[%get3A_199, %get3A_200] {strides = array<i32>} : memref<16x512xf32, #tpu.memory_space<vmem>>, vector<1x16xf32>,
          %get3A_202 = vector.shape_cast %get3A_201 : vector<1x16xf32> to vector<16xf32>
          %swap3A = arith.constant 1 : i32
          %swap3A_203 = arith.index_cast %swap3A : i32 to index
          %swap3A_204 = arith.index_cast %mul3A_195 : i32 to index
          %swap3A_205 = tpu.vector_load %arg11[%swap3A_203, %swap3A_204] {strides = array<i32>} : memref<16x512xf32, #tpu.memory_space<vmem>>, vector<1x16xf32>,
          %swap3A_206 = vector.shape_cast %swap3A_205 : vector<1x16xf32> to vector<16xf32>
          %swap3A_207 = vector.shape_cast %get3A_202 : vector<16xf32> to vector<1x16xf32>
          tpu.vector_store %arg11[%swap3A_203, %swap3A_204], %swap3A_207 {add = true, strides = array<i32>} : memref<16x512xf32, #tpu.memory_space<vmem>>, vector<1x16xf32>,
          %scan3A_208 = arith.constant 0 : i32
          scf.yield %scan3A_208 : i32
        }
        %scan3A_191 = arith.constant 32 : i32
      } else {
      }
      %slice3A_73 = vector.extract_strided_slice %get3A_55 {offsets = [3], sizes = [1], strides = [1]} : vector<16xi32> to vector<1xi32>
      %squeeze3A_74 = vector.extract %slice3A_73[0] : i32 from vector<1xi32>
      %slice3A_75 = vector.extract_strided_slice %get3A_55 {offsets = [2], sizes = [1], strides = [1]} : vector<16xi32> to vector<1xi32>
      %squeeze3A_76 = vector.extract %slice3A_75[0] : i32 from vector<1xi32>
      %eq3A_77 = arith.cmpi eq, %squeeze3A_74, %squeeze3A_76 : i32
      %convert_element_type3A_78 = arith.extui %eq3A_77 : i1 to i32
      %cond3A_79 = arith.constant 0 : i32
      %cond3A_80 = arith.cmpi ne, %convert_element_type3A_78, %cond3A_79 : i32
      scf.if %cond3A_80 {
        %scan3A_185 = arith.constant 0 : i32
        %scan3A_186 = arith.constant 0 : i32
        %scan3A_187 = arith.constant 32 : i32
        %scan3A_188 = arith.addi %scan3A_186, %scan3A_187 : i32
        %scan3A_189 = arith.constant 1 : i32
        %scan3A_190 = scf.for %scan3A_192 = %scan3A_186 to %scan3A_188 step %scan3A_189 iter_args(%scan3A_193 = %scan3A_185) -> (i32)  : i32 {
          %mul3A_194 = arith.constant 16 : i32
          %mul3A_195 = arith.muli %scan3A_192, %mul3A_194 : i32
          %mul3A_196 = arith.constant 16 : i32
          %mul3A_197 = arith.muli %scan3A_192, %mul3A_196 : i32
          %get3A_198 = arith.constant 2 : i32
          %get3A_199 = arith.index_cast %get3A_198 : i32 to index
          %get3A_200 = arith.index_cast %mul3A_197 : i32 to index
          %get3A_201 = tpu.vector_load %arg12[%get3A_199, %get3A_200] {strides = array<i32>} : memref<16x512xf32, #tpu.memory_space<vmem>>, vector<1x16xf32>,
          %get3A_202 = vector.shape_cast %get3A_201 : vector<1x16xf32> to vector<16xf32>
          %swap3A = arith.constant 2 : i32
          %swap3A_203 = arith.index_cast %swap3A : i32 to index
          %swap3A_204 = arith.index_cast %mul3A_195 : i32 to index
          %swap3A_205 = tpu.vector_load %arg11[%swap3A_203, %swap3A_204] {strides = array<i32>} : memref<16x512xf32, #tpu.memory_space<vmem>>, vector<1x16xf32>,
          %swap3A_206 = vector.shape_cast %swap3A_205 : vector<1x16xf32> to vector<16xf32>
          %swap3A_207 = vector.shape_cast %get3A_202 : vector<16xf32> to vector<1x16xf32>
          tpu.vector_store %arg11[%swap3A_203, %swap3A_204], %swap3A_207 {add = true, strides = array<i32>} : memref<16x512xf32, #tpu.memory_space<vmem>>, vector<1x16xf32>,
          %scan3A_208 = arith.constant 0 : i32
          scf.yield %scan3A_208 : i32
        }
        %scan3A_191 = arith.constant 32 : i32
      } else {
      }
      %slice3A_81 = vector.extract_strided_slice %get3A_55 {offsets = [4], sizes = [1], strides = [1]} : vector<16xi32> to vector<1xi32>
      %squeeze3A_82 = vector.extract %slice3A_81[0] : i32 from vector<1xi32>
      %slice3A_83 = vector.extract_strided_slice %get3A_55 {offsets = [3], sizes = [1], strides = [1]} : vector<16xi32> to vector<1xi32>
      %squeeze3A_84 = vector.extract %slice3A_83[0] : i32 from vector<1xi32>
      %eq3A_85 = arith.cmpi eq, %squeeze3A_82, %squeeze3A_84 : i32
      %convert_element_type3A_86 = arith.extui %eq3A_85 : i1 to i32
      %cond3A_87 = arith.constant 0 : i32
      %cond3A_88 = arith.cmpi ne, %convert_element_type3A_86, %cond3A_87 : i32
      scf.if %cond3A_88 {
        %scan3A_185 = arith.constant 0 : i32
        %scan3A_186 = arith.constant 0 : i32
        %scan3A_187 = arith.constant 32 : i32
        %scan3A_188 = arith.addi %scan3A_186, %scan3A_187 : i32
        %scan3A_189 = arith.constant 1 : i32
        %scan3A_190 = scf.for %scan3A_192 = %scan3A_186 to %scan3A_188 step %scan3A_189 iter_args(%scan3A_193 = %scan3A_185) -> (i32)  : i32 {
          %mul3A_194 = arith.constant 16 : i32
          %mul3A_195 = arith.muli %scan3A_192, %mul3A_194 : i32
          %mul3A_196 = arith.constant 16 : i32
          %mul3A_197 = arith.muli %scan3A_192, %mul3A_196 : i32
          %get3A_198 = arith.constant 3 : i32
          %get3A_199 = arith.index_cast %get3A_198 : i32 to index
          %get3A_200 = arith.index_cast %mul3A_197 : i32 to index
          %get3A_201 = tpu.vector_load %arg12[%get3A_199, %get3A_200] {strides = array<i32>} : memref<16x512xf32, #tpu.memory_space<vmem>>, vector<1x16xf32>,
          %get3A_202 = vector.shape_cast %get3A_201 : vector<1x16xf32> to vector<16xf32>
          %swap3A = arith.constant 3 : i32
          %swap3A_203 = arith.index_cast %swap3A : i32 to index
          %swap3A_204 = arith.index_cast %mul3A_195 : i32 to index
          %swap3A_205 = tpu.vector_load %arg11[%swap3A_203, %swap3A_204] {strides = array<i32>} : memref<16x512xf32, #tpu.memory_space<vmem>>, vector<1x16xf32>,
          %swap3A_206 = vector.shape_cast %swap3A_205 : vector<1x16xf32> to vector<16xf32>
          %swap3A_207 = vector.shape_cast %get3A_202 : vector<16xf32> to vector<1x16xf32>
          tpu.vector_store %arg11[%swap3A_203, %swap3A_204], %swap3A_207 {add = true, strides = array<i32>} : memref<16x512xf32, #tpu.memory_space<vmem>>, vector<1x16xf32>,
          %scan3A_208 = arith.constant 0 : i32
          scf.yield %scan3A_208 : i32
        }
        %scan3A_191 = arith.constant 32 : i32
      } else {
      }
      %slice3A_89 = vector.extract_strided_slice %get3A_55 {offsets = [5], sizes = [1], strides = [1]} : vector<16xi32> to vector<1xi32>
      %squeeze3A_90 = vector.extract %slice3A_89[0] : i32 from vector<1xi32>
      %slice3A_91 = vector.extract_strided_slice %get3A_55 {offsets = [4], sizes = [1], strides = [1]} : vector<16xi32> to vector<1xi32>
      %squeeze3A_92 = vector.extract %slice3A_91[0] : i32 from vector<1xi32>
      %eq3A_93 = arith.cmpi eq, %squeeze3A_90, %squeeze3A_92 : i32
      %convert_element_type3A_94 = arith.extui %eq3A_93 : i1 to i32
      %cond3A_95 = arith.constant 0 : i32
      %cond3A_96 = arith.cmpi ne, %convert_element_type3A_94, %cond3A_95 : i32
      scf.if %cond3A_96 {
        %scan3A_185 = arith.constant 0 : i32
        %scan3A_186 = arith.constant 0 : i32
        %scan3A_187 = arith.constant 32 : i32
        %scan3A_188 = arith.addi %scan3A_186, %scan3A_187 : i32
        %scan3A_189 = arith.constant 1 : i32
        %scan3A_190 = scf.for %scan3A_192 = %scan3A_186 to %scan3A_188 step %scan3A_189 iter_args(%scan3A_193 = %scan3A_185) -> (i32)  : i32 {
          %mul3A_194 = arith.constant 16 : i32
          %mul3A_195 = arith.muli %scan3A_192, %mul3A_194 : i32
          %mul3A_196 = arith.constant 16 : i32
          %mul3A_197 = arith.muli %scan3A_192, %mul3A_196 : i32
          %get3A_198 = arith.constant 4 : i32
          %get3A_199 = arith.index_cast %get3A_198 : i32 to index
          %get3A_200 = arith.index_cast %mul3A_197 : i32 to index
          %get3A_201 = tpu.vector_load %arg12[%get3A_199, %get3A_200] {strides = array<i32>} : memref<16x512xf32, #tpu.memory_space<vmem>>, vector<1x16xf32>,
          %get3A_202 = vector.shape_cast %get3A_201 : vector<1x16xf32> to vector<16xf32>
          %swap3A = arith.constant 4 : i32
          %swap3A_203 = arith.index_cast %swap3A : i32 to index
          %swap3A_204 = arith.index_cast %mul3A_195 : i32 to index
          %swap3A_205 = tpu.vector_load %arg11[%swap3A_203, %swap3A_204] {strides = array<i32>} : memref<16x512xf32, #tpu.memory_space<vmem>>, vector<1x16xf32>,
          %swap3A_206 = vector.shape_cast %swap3A_205 : vector<1x16xf32> to vector<16xf32>
          %swap3A_207 = vector.shape_cast %get3A_202 : vector<16xf32> to vector<1x16xf32>
          tpu.vector_store %arg11[%swap3A_203, %swap3A_204], %swap3A_207 {add = true, strides = array<i32>} : memref<16x512xf32, #tpu.memory_space<vmem>>, vector<1x16xf32>,
          %scan3A_208 = arith.constant 0 : i32
          scf.yield %scan3A_208 : i32
        }
        %scan3A_191 = arith.constant 32 : i32
      } else {
      }
      %slice3A_97 = vector.extract_strided_slice %get3A_55 {offsets = [6], sizes = [1], strides = [1]} : vector<16xi32> to vector<1xi32>
      %squeeze3A_98 = vector.extract %slice3A_97[0] : i32 from vector<1xi32>
      %slice3A_99 = vector.extract_strided_slice %get3A_55 {offsets = [5], sizes = [1], strides = [1]} : vector<16xi32> to vector<1xi32>
      %squeeze3A_100 = vector.extract %slice3A_99[0] : i32 from vector<1xi32>
      %eq3A_101 = arith.cmpi eq, %squeeze3A_98, %squeeze3A_100 : i32
      %convert_element_type3A_102 = arith.extui %eq3A_101 : i1 to i32
      %cond3A_103 = arith.constant 0 : i32
      %cond3A_104 = arith.cmpi ne, %convert_element_type3A_102, %cond3A_103 : i32
      scf.if %cond3A_104 {
        %scan3A_185 = arith.constant 0 : i32
        %scan3A_186 = arith.constant 0 : i32
        %scan3A_187 = arith.constant 32 : i32
        %scan3A_188 = arith.addi %scan3A_186, %scan3A_187 : i32
        %scan3A_189 = arith.constant 1 : i32
        %scan3A_190 = scf.for %scan3A_192 = %scan3A_186 to %scan3A_188 step %scan3A_189 iter_args(%scan3A_193 = %scan3A_185) -> (i32)  : i32 {
          %mul3A_194 = arith.constant 16 : i32
          %mul3A_195 = arith.muli %scan3A_192, %mul3A_194 : i32
          %mul3A_196 = arith.constant 16 : i32
          %mul3A_197 = arith.muli %scan3A_192, %mul3A_196 : i32
          %get3A_198 = arith.constant 5 : i32
          %get3A_199 = arith.index_cast %get3A_198 : i32 to index
          %get3A_200 = arith.index_cast %mul3A_197 : i32 to index
          %get3A_201 = tpu.vector_load %arg12[%get3A_199, %get3A_200] {strides = array<i32>} : memref<16x512xf32, #tpu.memory_space<vmem>>, vector<1x16xf32>,
          %get3A_202 = vector.shape_cast %get3A_201 : vector<1x16xf32> to vector<16xf32>
          %swap3A = arith.constant 5 : i32
          %swap3A_203 = arith.index_cast %swap3A : i32 to index
          %swap3A_204 = arith.index_cast %mul3A_195 : i32 to index
          %swap3A_205 = tpu.vector_load %arg11[%swap3A_203, %swap3A_204] {strides = array<i32>} : memref<16x512xf32, #tpu.memory_space<vmem>>, vector<1x16xf32>,
          %swap3A_206 = vector.shape_cast %swap3A_205 : vector<1x16xf32> to vector<16xf32>
          %swap3A_207 = vector.shape_cast %get3A_202 : vector<16xf32> to vector<1x16xf32>
          tpu.vector_store %arg11[%swap3A_203, %swap3A_204], %swap3A_207 {add = true, strides = array<i32>} : memref<16x512xf32, #tpu.memory_space<vmem>>, vector<1x16xf32>,
          %scan3A_208 = arith.constant 0 : i32
          scf.yield %scan3A_208 : i32
        }
        %scan3A_191 = arith.constant 32 : i32
      } else {
      }
      %slice3A_105 = vector.extract_strided_slice %get3A_55 {offsets = [7], sizes = [1], strides = [1]} : vector<16xi32> to vector<1xi32>
      %squeeze3A_106 = vector.extract %slice3A_105[0] : i32 from vector<1xi32>
      %slice3A_107 = vector.extract_strided_slice %get3A_55 {offsets = [6], sizes = [1], strides = [1]} : vector<16xi32> to vector<1xi32>
      %squeeze3A_108 = vector.extract %slice3A_107[0] : i32 from vector<1xi32>
      %eq3A_109 = arith.cmpi eq, %squeeze3A_106, %squeeze3A_108 : i32
      %convert_element_type3A_110 = arith.extui %eq3A_109 : i1 to i32
      %cond3A_111 = arith.constant 0 : i32
      %cond3A_112 = arith.cmpi ne, %convert_element_type3A_110, %cond3A_111 : i32
      scf.if %cond3A_112 {
        %scan3A_185 = arith.constant 0 : i32
        %scan3A_186 = arith.constant 0 : i32
        %scan3A_187 = arith.constant 32 : i32
        %scan3A_188 = arith.addi %scan3A_186, %scan3A_187 : i32
        %scan3A_189 = arith.constant 1 : i32
        %scan3A_190 = scf.for %scan3A_192 = %scan3A_186 to %scan3A_188 step %scan3A_189 iter_args(%scan3A_193 = %scan3A_185) -> (i32)  : i32 {
          %mul3A_194 = arith.constant 16 : i32
          %mul3A_195 = arith.muli %scan3A_192, %mul3A_194 : i32
          %mul3A_196 = arith.constant 16 : i32
          %mul3A_197 = arith.muli %scan3A_192, %mul3A_196 : i32
          %get3A_198 = arith.constant 6 : i32
          %get3A_199 = arith.index_cast %get3A_198 : i32 to index
          %get3A_200 = arith.index_cast %mul3A_197 : i32 to index
          %get3A_201 = tpu.vector_load %arg12[%get3A_199, %get3A_200] {strides = array<i32>} : memref<16x512xf32, #tpu.memory_space<vmem>>, vector<1x16xf32>,
          %get3A_202 = vector.shape_cast %get3A_201 : vector<1x16xf32> to vector<16xf32>
          %swap3A = arith.constant 6 : i32
          %swap3A_203 = arith.index_cast %swap3A : i32 to index
          %swap3A_204 = arith.index_cast %mul3A_195 : i32 to index
          %swap3A_205 = tpu.vector_load %arg11[%swap3A_203, %swap3A_204] {strides = array<i32>} : memref<16x512xf32, #tpu.memory_space<vmem>>, vector<1x16xf32>,
          %swap3A_206 = vector.shape_cast %swap3A_205 : vector<1x16xf32> to vector<16xf32>
          %swap3A_207 = vector.shape_cast %get3A_202 : vector<16xf32> to vector<1x16xf32>
          tpu.vector_store %arg11[%swap3A_203, %swap3A_204], %swap3A_207 {add = true, strides = array<i32>} : memref<16x512xf32, #tpu.memory_space<vmem>>, vector<1x16xf32>,
          %scan3A_208 = arith.constant 0 : i32
          scf.yield %scan3A_208 : i32
        }
        %scan3A_191 = arith.constant 32 : i32
      } else {
      }
      %slice3A_113 = vector.extract_strided_slice %get3A_55 {offsets = [8], sizes = [1], strides = [1]} : vector<16xi32> to vector<1xi32>
      %squeeze3A_114 = vector.extract %slice3A_113[0] : i32 from vector<1xi32>
      %slice3A_115 = vector.extract_strided_slice %get3A_55 {offsets = [7], sizes = [1], strides = [1]} : vector<16xi32> to vector<1xi32>
      %squeeze3A_116 = vector.extract %slice3A_115[0] : i32 from vector<1xi32>
      %eq3A_117 = arith.cmpi eq, %squeeze3A_114, %squeeze3A_116 : i32
      %convert_element_type3A_118 = arith.extui %eq3A_117 : i1 to i32
      %cond3A_119 = arith.constant 0 : i32
      %cond3A_120 = arith.cmpi ne, %convert_element_type3A_118, %cond3A_119 : i32
      scf.if %cond3A_120 {
        %scan3A_185 = arith.constant 0 : i32
        %scan3A_186 = arith.constant 0 : i32
        %scan3A_187 = arith.constant 32 : i32
        %scan3A_188 = arith.addi %scan3A_186, %scan3A_187 : i32
        %scan3A_189 = arith.constant 1 : i32
        %scan3A_190 = scf.for %scan3A_192 = %scan3A_186 to %scan3A_188 step %scan3A_189 iter_args(%scan3A_193 = %scan3A_185) -> (i32)  : i32 {
          %mul3A_194 = arith.constant 16 : i32
          %mul3A_195 = arith.muli %scan3A_192, %mul3A_194 : i32
          %mul3A_196 = arith.constant 16 : i32
          %mul3A_197 = arith.muli %scan3A_192, %mul3A_196 : i32
          %get3A_198 = arith.constant 7 : i32
          %get3A_199 = arith.index_cast %get3A_198 : i32 to index
          %get3A_200 = arith.index_cast %mul3A_197 : i32 to index
          %get3A_201 = tpu.vector_load %arg12[%get3A_199, %get3A_200] {strides = array<i32>} : memref<16x512xf32, #tpu.memory_space<vmem>>, vector<1x16xf32>,
          %get3A_202 = vector.shape_cast %get3A_201 : vector<1x16xf32> to vector<16xf32>
          %swap3A = arith.constant 7 : i32
          %swap3A_203 = arith.index_cast %swap3A : i32 to index
          %swap3A_204 = arith.index_cast %mul3A_195 : i32 to index
          %swap3A_205 = tpu.vector_load %arg11[%swap3A_203, %swap3A_204] {strides = array<i32>} : memref<16x512xf32, #tpu.memory_space<vmem>>, vector<1x16xf32>,
          %swap3A_206 = vector.shape_cast %swap3A_205 : vector<1x16xf32> to vector<16xf32>
          %swap3A_207 = vector.shape_cast %get3A_202 : vector<16xf32> to vector<1x16xf32>
          tpu.vector_store %arg11[%swap3A_203, %swap3A_204], %swap3A_207 {add = true, strides = array<i32>} : memref<16x512xf32, #tpu.memory_space<vmem>>, vector<1x16xf32>,
          %scan3A_208 = arith.constant 0 : i32
          scf.yield %scan3A_208 : i32
        }
        %scan3A_191 = arith.constant 32 : i32
      } else {
      }
      %slice3A_121 = vector.extract_strided_slice %get3A_55 {offsets = [9], sizes = [1], strides = [1]} : vector<16xi32> to vector<1xi32>
      %squeeze3A_122 = vector.extract %slice3A_121[0] : i32 from vector<1xi32>
      %slice3A_123 = vector.extract_strided_slice %get3A_55 {offsets = [8], sizes = [1], strides = [1]} : vector<16xi32> to vector<1xi32>
      %squeeze3A_124 = vector.extract %slice3A_123[0] : i32 from vector<1xi32>
      %eq3A_125 = arith.cmpi eq, %squeeze3A_122, %squeeze3A_124 : i32
      %convert_element_type3A_126 = arith.extui %eq3A_125 : i1 to i32
      %cond3A_127 = arith.constant 0 : i32
      %cond3A_128 = arith.cmpi ne, %convert_element_type3A_126, %cond3A_127 : i32
      scf.if %cond3A_128 {
        %scan3A_185 = arith.constant 0 : i32
        %scan3A_186 = arith.constant 0 : i32
        %scan3A_187 = arith.constant 32 : i32
        %scan3A_188 = arith.addi %scan3A_186, %scan3A_187 : i32
        %scan3A_189 = arith.constant 1 : i32
        %scan3A_190 = scf.for %scan3A_192 = %scan3A_186 to %scan3A_188 step %scan3A_189 iter_args(%scan3A_193 = %scan3A_185) -> (i32)  : i32 {
          %mul3A_194 = arith.constant 16 : i32
          %mul3A_195 = arith.muli %scan3A_192, %mul3A_194 : i32
          %mul3A_196 = arith.constant 16 : i32
          %mul3A_197 = arith.muli %scan3A_192, %mul3A_196 : i32
          %get3A_198 = arith.constant 8 : i32
          %get3A_199 = arith.index_cast %get3A_198 : i32 to index
          %get3A_200 = arith.index_cast %mul3A_197 : i32 to index
          %get3A_201 = tpu.vector_load %arg12[%get3A_199, %get3A_200] {strides = array<i32>} : memref<16x512xf32, #tpu.memory_space<vmem>>, vector<1x16xf32>,
          %get3A_202 = vector.shape_cast %get3A_201 : vector<1x16xf32> to vector<16xf32>
          %swap3A = arith.constant 8 : i32
          %swap3A_203 = arith.index_cast %swap3A : i32 to index
          %swap3A_204 = arith.index_cast %mul3A_195 : i32 to index
          %swap3A_205 = tpu.vector_load %arg11[%swap3A_203, %swap3A_204] {strides = array<i32>} : memref<16x512xf32, #tpu.memory_space<vmem>>, vector<1x16xf32>,
          %swap3A_206 = vector.shape_cast %swap3A_205 : vector<1x16xf32> to vector<16xf32>
          %swap3A_207 = vector.shape_cast %get3A_202 : vector<16xf32> to vector<1x16xf32>
          tpu.vector_store %arg11[%swap3A_203, %swap3A_204], %swap3A_207 {add = true, strides = array<i32>} : memref<16x512xf32, #tpu.memory_space<vmem>>, vector<1x16xf32>,
          %scan3A_208 = arith.constant 0 : i32
          scf.yield %scan3A_208 : i32
        }
        %scan3A_191 = arith.constant 32 : i32
      } else {
      }
      %slice3A_129 = vector.extract_strided_slice %get3A_55 {offsets = [10], sizes = [1], strides = [1]} : vector<16xi32> to vector<1xi32>
      %squeeze3A_130 = vector.extract %slice3A_129[0] : i32 from vector<1xi32>
      %slice3A_131 = vector.extract_strided_slice %get3A_55 {offsets = [9], sizes = [1], strides = [1]} : vector<16xi32> to vector<1xi32>
      %squeeze3A_132 = vector.extract %slice3A_131[0] : i32 from vector<1xi32>
      %eq3A_133 = arith.cmpi eq, %squeeze3A_130, %squeeze3A_132 : i32
      %convert_element_type3A_134 = arith.extui %eq3A_133 : i1 to i32
      %cond3A_135 = arith.constant 0 : i32
      %cond3A_136 = arith.cmpi ne, %convert_element_type3A_134, %cond3A_135 : i32
      scf.if %cond3A_136 {
        %scan3A_185 = arith.constant 0 : i32
        %scan3A_186 = arith.constant 0 : i32
        %scan3A_187 = arith.constant 32 : i32
        %scan3A_188 = arith.addi %scan3A_186, %scan3A_187 : i32
        %scan3A_189 = arith.constant 1 : i32
        %scan3A_190 = scf.for %scan3A_192 = %scan3A_186 to %scan3A_188 step %scan3A_189 iter_args(%scan3A_193 = %scan3A_185) -> (i32)  : i32 {
          %mul3A_194 = arith.constant 16 : i32
          %mul3A_195 = arith.muli %scan3A_192, %mul3A_194 : i32
          %mul3A_196 = arith.constant 16 : i32
          %mul3A_197 = arith.muli %scan3A_192, %mul3A_196 : i32
          %get3A_198 = arith.constant 9 : i32
          %get3A_199 = arith.index_cast %get3A_198 : i32 to index
          %get3A_200 = arith.index_cast %mul3A_197 : i32 to index
          %get3A_201 = tpu.vector_load %arg12[%get3A_199, %get3A_200] {strides = array<i32>} : memref<16x512xf32, #tpu.memory_space<vmem>>, vector<1x16xf32>,
          %get3A_202 = vector.shape_cast %get3A_201 : vector<1x16xf32> to vector<16xf32>
          %swap3A = arith.constant 9 : i32
          %swap3A_203 = arith.index_cast %swap3A : i32 to index
          %swap3A_204 = arith.index_cast %mul3A_195 : i32 to index
          %swap3A_205 = tpu.vector_load %arg11[%swap3A_203, %swap3A_204] {strides = array<i32>} : memref<16x512xf32, #tpu.memory_space<vmem>>, vector<1x16xf32>,
          %swap3A_206 = vector.shape_cast %swap3A_205 : vector<1x16xf32> to vector<16xf32>
          %swap3A_207 = vector.shape_cast %get3A_202 : vector<16xf32> to vector<1x16xf32>
          tpu.vector_store %arg11[%swap3A_203, %swap3A_204], %swap3A_207 {add = true, strides = array<i32>} : memref<16x512xf32, #tpu.memory_space<vmem>>, vector<1x16xf32>,
          %scan3A_208 = arith.constant 0 : i32
          scf.yield %scan3A_208 : i32
        }
        %scan3A_191 = arith.constant 32 : i32
      } else {
      }
      %slice3A_137 = vector.extract_strided_slice %get3A_55 {offsets = [11], sizes = [1], strides = [1]} : vector<16xi32> to vector<1xi32>
      %squeeze3A_138 = vector.extract %slice3A_137[0] : i32 from vector<1xi32>
      %slice3A_139 = vector.extract_strided_slice %get3A_55 {offsets = [10], sizes = [1], strides = [1]} : vector<16xi32> to vector<1xi32>
      %squeeze3A_140 = vector.extract %slice3A_139[0] : i32 from vector<1xi32>
      %eq3A_141 = arith.cmpi eq, %squeeze3A_138, %squeeze3A_140 : i32
      %convert_element_type3A_142 = arith.extui %eq3A_141 : i1 to i32
      %cond3A_143 = arith.constant 0 : i32
      %cond3A_144 = arith.cmpi ne, %convert_element_type3A_142, %cond3A_143 : i32
      scf.if %cond3A_144 {
        %scan3A_185 = arith.constant 0 : i32
        %scan3A_186 = arith.constant 0 : i32
        %scan3A_187 = arith.constant 32 : i32
        %scan3A_188 = arith.addi %scan3A_186, %scan3A_187 : i32
        %scan3A_189 = arith.constant 1 : i32
        %scan3A_190 = scf.for %scan3A_192 = %scan3A_186 to %scan3A_188 step %scan3A_189 iter_args(%scan3A_193 = %scan3A_185) -> (i32)  : i32 {
          %mul3A_194 = arith.constant 16 : i32
          %mul3A_195 = arith.muli %scan3A_192, %mul3A_194 : i32
          %mul3A_196 = arith.constant 16 : i32
          %mul3A_197 = arith.muli %scan3A_192, %mul3A_196 : i32
          %get3A_198 = arith.constant 10 : i32
          %get3A_199 = arith.index_cast %get3A_198 : i32 to index
          %get3A_200 = arith.index_cast %mul3A_197 : i32 to index
          %get3A_201 = tpu.vector_load %arg12[%get3A_199, %get3A_200] {strides = array<i32>} : memref<16x512xf32, #tpu.memory_space<vmem>>, vector<1x16xf32>,
          %get3A_202 = vector.shape_cast %get3A_201 : vector<1x16xf32> to vector<16xf32>
          %swap3A = arith.constant 10 : i32
          %swap3A_203 = arith.index_cast %swap3A : i32 to index
          %swap3A_204 = arith.index_cast %mul3A_195 : i32 to index
          %swap3A_205 = tpu.vector_load %arg11[%swap3A_203, %swap3A_204] {strides = array<i32>} : memref<16x512xf32, #tpu.memory_space<vmem>>, vector<1x16xf32>,
          %swap3A_206 = vector.shape_cast %swap3A_205 : vector<1x16xf32> to vector<16xf32>
          %swap3A_207 = vector.shape_cast %get3A_202 : vector<16xf32> to vector<1x16xf32>
          tpu.vector_store %arg11[%swap3A_203, %swap3A_204], %swap3A_207 {add = true, strides = array<i32>} : memref<16x512xf32, #tpu.memory_space<vmem>>, vector<1x16xf32>,
          %scan3A_208 = arith.constant 0 : i32
          scf.yield %scan3A_208 : i32
        }
        %scan3A_191 = arith.constant 32 : i32
      } else {
      }
      %slice3A_145 = vector.extract_strided_slice %get3A_55 {offsets = [12], sizes = [1], strides = [1]} : vector<16xi32> to vector<1xi32>
      %squeeze3A_146 = vector.extract %slice3A_145[0] : i32 from vector<1xi32>
      %slice3A_147 = vector.extract_strided_slice %get3A_55 {offsets = [11], sizes = [1], strides = [1]} : vector<16xi32> to vector<1xi32>
      %squeeze3A_148 = vector.extract %slice3A_147[0] : i32 from vector<1xi32>
      %eq3A_149 = arith.cmpi eq, %squeeze3A_146, %squeeze3A_148 : i32
      %convert_element_type3A_150 = arith.extui %eq3A_149 : i1 to i32
      %cond3A_151 = arith.constant 0 : i32
      %cond3A_152 = arith.cmpi ne, %convert_element_type3A_150, %cond3A_151 : i32
      scf.if %cond3A_152 {
        %scan3A_185 = arith.constant 0 : i32
        %scan3A_186 = arith.constant 0 : i32
        %scan3A_187 = arith.constant 32 : i32
        %scan3A_188 = arith.addi %scan3A_186, %scan3A_187 : i32
        %scan3A_189 = arith.constant 1 : i32
        %scan3A_190 = scf.for %scan3A_192 = %scan3A_186 to %scan3A_188 step %scan3A_189 iter_args(%scan3A_193 = %scan3A_185) -> (i32)  : i32 {
          %mul3A_194 = arith.constant 16 : i32
          %mul3A_195 = arith.muli %scan3A_192, %mul3A_194 : i32
          %mul3A_196 = arith.constant 16 : i32
          %mul3A_197 = arith.muli %scan3A_192, %mul3A_196 : i32
          %get3A_198 = arith.constant 11 : i32
          %get3A_199 = arith.index_cast %get3A_198 : i32 to index
          %get3A_200 = arith.index_cast %mul3A_197 : i32 to index
          %get3A_201 = tpu.vector_load %arg12[%get3A_199, %get3A_200] {strides = array<i32>} : memref<16x512xf32, #tpu.memory_space<vmem>>, vector<1x16xf32>,
          %get3A_202 = vector.shape_cast %get3A_201 : vector<1x16xf32> to vector<16xf32>
          %swap3A = arith.constant 11 : i32
          %swap3A_203 = arith.index_cast %swap3A : i32 to index
          %swap3A_204 = arith.index_cast %mul3A_195 : i32 to index
          %swap3A_205 = tpu.vector_load %arg11[%swap3A_203, %swap3A_204] {strides = array<i32>} : memref<16x512xf32, #tpu.memory_space<vmem>>, vector<1x16xf32>,
          %swap3A_206 = vector.shape_cast %swap3A_205 : vector<1x16xf32> to vector<16xf32>
          %swap3A_207 = vector.shape_cast %get3A_202 : vector<16xf32> to vector<1x16xf32>
          tpu.vector_store %arg11[%swap3A_203, %swap3A_204], %swap3A_207 {add = true, strides = array<i32>} : memref<16x512xf32, #tpu.memory_space<vmem>>, vector<1x16xf32>,
          %scan3A_208 = arith.constant 0 : i32
          scf.yield %scan3A_208 : i32
        }
        %scan3A_191 = arith.constant 32 : i32
      } else {
      }
      %slice3A_153 = vector.extract_strided_slice %get3A_55 {offsets = [13], sizes = [1], strides = [1]} : vector<16xi32> to vector<1xi32>
      %squeeze3A_154 = vector.extract %slice3A_153[0] : i32 from vector<1xi32>
      %slice3A_155 = vector.extract_strided_slice %get3A_55 {offsets = [12], sizes = [1], strides = [1]} : vector<16xi32> to vector<1xi32>
      %squeeze3A_156 = vector.extract %slice3A_155[0] : i32 from vector<1xi32>
      %eq3A_157 = arith.cmpi eq, %squeeze3A_154, %squeeze3A_156 : i32
      %convert_element_type3A_158 = arith.extui %eq3A_157 : i1 to i32
      %cond3A_159 = arith.constant 0 : i32
      %cond3A_160 = arith.cmpi ne, %convert_element_type3A_158, %cond3A_159 : i32
      scf.if %cond3A_160 {
        %scan3A_185 = arith.constant 0 : i32
        %scan3A_186 = arith.constant 0 : i32
        %scan3A_187 = arith.constant 32 : i32
        %scan3A_188 = arith.addi %scan3A_186, %scan3A_187 : i32
        %scan3A_189 = arith.constant 1 : i32
        %scan3A_190 = scf.for %scan3A_192 = %scan3A_186 to %scan3A_188 step %scan3A_189 iter_args(%scan3A_193 = %scan3A_185) -> (i32)  : i32 {
          %mul3A_194 = arith.constant 16 : i32
          %mul3A_195 = arith.muli %scan3A_192, %mul3A_194 : i32
          %mul3A_196 = arith.constant 16 : i32
          %mul3A_197 = arith.muli %scan3A_192, %mul3A_196 : i32
          %get3A_198 = arith.constant 12 : i32
          %get3A_199 = arith.index_cast %get3A_198 : i32 to index
          %get3A_200 = arith.index_cast %mul3A_197 : i32 to index
          %get3A_201 = tpu.vector_load %arg12[%get3A_199, %get3A_200] {strides = array<i32>} : memref<16x512xf32, #tpu.memory_space<vmem>>, vector<1x16xf32>,
          %get3A_202 = vector.shape_cast %get3A_201 : vector<1x16xf32> to vector<16xf32>
          %swap3A = arith.constant 12 : i32
          %swap3A_203 = arith.index_cast %swap3A : i32 to index
          %swap3A_204 = arith.index_cast %mul3A_195 : i32 to index
          %swap3A_205 = tpu.vector_load %arg11[%swap3A_203, %swap3A_204] {strides = array<i32>} : memref<16x512xf32, #tpu.memory_space<vmem>>, vector<1x16xf32>,
          %swap3A_206 = vector.shape_cast %swap3A_205 : vector<1x16xf32> to vector<16xf32>
          %swap3A_207 = vector.shape_cast %get3A_202 : vector<16xf32> to vector<1x16xf32>
          tpu.vector_store %arg11[%swap3A_203, %swap3A_204], %swap3A_207 {add = true, strides = array<i32>} : memref<16x512xf32, #tpu.memory_space<vmem>>, vector<1x16xf32>,
          %scan3A_208 = arith.constant 0 : i32
          scf.yield %scan3A_208 : i32
        }
        %scan3A_191 = arith.constant 32 : i32
      } else {
      }
      %slice3A_161 = vector.extract_strided_slice %get3A_55 {offsets = [14], sizes = [1], strides = [1]} : vector<16xi32> to vector<1xi32>
      %squeeze3A_162 = vector.extract %slice3A_161[0] : i32 from vector<1xi32>
      %slice3A_163 = vector.extract_strided_slice %get3A_55 {offsets = [13], sizes = [1], strides = [1]} : vector<16xi32> to vector<1xi32>
      %squeeze3A_164 = vector.extract %slice3A_163[0] : i32 from vector<1xi32>
      %eq3A_165 = arith.cmpi eq, %squeeze3A_162, %squeeze3A_164 : i32
      %convert_element_type3A_166 = arith.extui %eq3A_165 : i1 to i32
      %cond3A_167 = arith.constant 0 : i32
      %cond3A_168 = arith.cmpi ne, %convert_element_type3A_166, %cond3A_167 : i32
      scf.if %cond3A_168 {
        %scan3A_185 = arith.constant 0 : i32
        %scan3A_186 = arith.constant 0 : i32
        %scan3A_187 = arith.constant 32 : i32
        %scan3A_188 = arith.addi %scan3A_186, %scan3A_187 : i32
        %scan3A_189 = arith.constant 1 : i32
        %scan3A_190 = scf.for %scan3A_192 = %scan3A_186 to %scan3A_188 step %scan3A_189 iter_args(%scan3A_193 = %scan3A_185) -> (i32)  : i32 {
          %mul3A_194 = arith.constant 16 : i32
          %mul3A_195 = arith.muli %scan3A_192, %mul3A_194 : i32
          %mul3A_196 = arith.constant 16 : i32
          %mul3A_197 = arith.muli %scan3A_192, %mul3A_196 : i32
          %get3A_198 = arith.constant 13 : i32
          %get3A_199 = arith.index_cast %get3A_198 : i32 to index
          %get3A_200 = arith.index_cast %mul3A_197 : i32 to index
          %get3A_201 = tpu.vector_load %arg12[%get3A_199, %get3A_200] {strides = array<i32>} : memref<16x512xf32, #tpu.memory_space<vmem>>, vector<1x16xf32>,
          %get3A_202 = vector.shape_cast %get3A_201 : vector<1x16xf32> to vector<16xf32>
          %swap3A = arith.constant 13 : i32
          %swap3A_203 = arith.index_cast %swap3A : i32 to index
          %swap3A_204 = arith.index_cast %mul3A_195 : i32 to index
          %swap3A_205 = tpu.vector_load %arg11[%swap3A_203, %swap3A_204] {strides = array<i32>} : memref<16x512xf32, #tpu.memory_space<vmem>>, vector<1x16xf32>,
          %swap3A_206 = vector.shape_cast %swap3A_205 : vector<1x16xf32> to vector<16xf32>
          %swap3A_207 = vector.shape_cast %get3A_202 : vector<16xf32> to vector<1x16xf32>
          tpu.vector_store %arg11[%swap3A_203, %swap3A_204], %swap3A_207 {add = true, strides = array<i32>} : memref<16x512xf32, #tpu.memory_space<vmem>>, vector<1x16xf32>,
          %scan3A_208 = arith.constant 0 : i32
          scf.yield %scan3A_208 : i32
        }
        %scan3A_191 = arith.constant 32 : i32
      } else {
      }
      %slice3A_169 = vector.extract_strided_slice %get3A_55 {offsets = [15], sizes = [1], strides = [1]} : vector<16xi32> to vector<1xi32>
      %squeeze3A_170 = vector.extract %slice3A_169[0] : i32 from vector<1xi32>
      %slice3A_171 = vector.extract_strided_slice %get3A_55 {offsets = [14], sizes = [1], strides = [1]} : vector<16xi32> to vector<1xi32>
      %squeeze3A_172 = vector.extract %slice3A_171[0] : i32 from vector<1xi32>
      %eq3A_173 = arith.cmpi eq, %squeeze3A_170, %squeeze3A_172 : i32
      %convert_element_type3A_174 = arith.extui %eq3A_173 : i1 to i32
      %cond3A_175 = arith.constant 0 : i32
      %cond3A_176 = arith.cmpi ne, %convert_element_type3A_174, %cond3A_175 : i32
      scf.if %cond3A_176 {
        %scan3A_185 = arith.constant 0 : i32
        %scan3A_186 = arith.constant 0 : i32
        %scan3A_187 = arith.constant 32 : i32
        %scan3A_188 = arith.addi %scan3A_186, %scan3A_187 : i32
        %scan3A_189 = arith.constant 1 : i32
        %scan3A_190 = scf.for %scan3A_192 = %scan3A_186 to %scan3A_188 step %scan3A_189 iter_args(%scan3A_193 = %scan3A_185) -> (i32)  : i32 {
          %mul3A_194 = arith.constant 16 : i32
          %mul3A_195 = arith.muli %scan3A_192, %mul3A_194 : i32
          %mul3A_196 = arith.constant 16 : i32
          %mul3A_197 = arith.muli %scan3A_192, %mul3A_196 : i32
          %get3A_198 = arith.constant 14 : i32
          %get3A_199 = arith.index_cast %get3A_198 : i32 to index
          %get3A_200 = arith.index_cast %mul3A_197 : i32 to index
          %get3A_201 = tpu.vector_load %arg12[%get3A_199, %get3A_200] {strides = array<i32>} : memref<16x512xf32, #tpu.memory_space<vmem>>, vector<1x16xf32>,
          %get3A_202 = vector.shape_cast %get3A_201 : vector<1x16xf32> to vector<16xf32>
          %swap3A = arith.constant 14 : i32
          %swap3A_203 = arith.index_cast %swap3A : i32 to index
          %swap3A_204 = arith.index_cast %mul3A_195 : i32 to index
          %swap3A_205 = tpu.vector_load %arg11[%swap3A_203, %swap3A_204] {strides = array<i32>} : memref<16x512xf32, #tpu.memory_space<vmem>>, vector<1x16xf32>,
          %swap3A_206 = vector.shape_cast %swap3A_205 : vector<1x16xf32> to vector<16xf32>
          %swap3A_207 = vector.shape_cast %get3A_202 : vector<16xf32> to vector<1x16xf32>
          tpu.vector_store %arg11[%swap3A_203, %swap3A_204], %swap3A_207 {add = true, strides = array<i32>} : memref<16x512xf32, #tpu.memory_space<vmem>>, vector<1x16xf32>,
          %scan3A_208 = arith.constant 0 : i32
          scf.yield %scan3A_208 : i32
        }
        %scan3A_191 = arith.constant 32 : i32
      } else {
      }
      %slice3A_177 = vector.extract_strided_slice %get3A_58 {offsets = [0], sizes = [1], strides = [1]} : vector<16xi32> to vector<1xi32>
      %squeeze3A_178 = vector.extract %slice3A_177[0] : i32 from vector<1xi32>
      %slice3A_179 = vector.extract_strided_slice %get3A_55 {offsets = [15], sizes = [1], strides = [1]} : vector<16xi32> to vector<1xi32>
      %squeeze3A_180 = vector.extract %slice3A_179[0] : i32 from vector<1xi32>
      %eq3A_181 = arith.cmpi eq, %squeeze3A_178, %squeeze3A_180 : i32
      %convert_element_type3A_182 = arith.extui %eq3A_181 : i1 to i32
      %cond3A_183 = arith.constant 0 : i32
      %cond3A_184 = arith.cmpi ne, %convert_element_type3A_182, %cond3A_183 : i32
      scf.if %cond3A_184 {
        %scan3A_185 = arith.constant 0 : i32
        %scan3A_186 = arith.constant 0 : i32
        %scan3A_187 = arith.constant 32 : i32
        %scan3A_188 = arith.addi %scan3A_186, %scan3A_187 : i32
        %scan3A_189 = arith.constant 1 : i32
        %scan3A_190 = scf.for %scan3A_192 = %scan3A_186 to %scan3A_188 step %scan3A_189 iter_args(%scan3A_193 = %scan3A_185) -> (i32)  : i32 {
          %mul3A_194 = arith.constant 16 : i32
          %mul3A_195 = arith.muli %scan3A_192, %mul3A_194 : i32
          %mul3A_196 = arith.constant 16 : i32
          %mul3A_197 = arith.muli %scan3A_192, %mul3A_196 : i32
          %get3A_198 = arith.constant 15 : i32
          %get3A_199 = arith.index_cast %get3A_198 : i32 to index
          %get3A_200 = arith.index_cast %mul3A_197 : i32 to index
          %get3A_201 = tpu.vector_load %arg12[%get3A_199, %get3A_200] {strides = array<i32>} : memref<16x512xf32, #tpu.memory_space<vmem>>, vector<1x16xf32>,
          %get3A_202 = vector.shape_cast %get3A_201 : vector<1x16xf32> to vector<16xf32>
          %swap3A = arith.constant 15 : i32
          %swap3A_203 = arith.index_cast %swap3A : i32 to index
          %swap3A_204 = arith.index_cast %mul3A_195 : i32 to index
          %swap3A_205 = tpu.vector_load %arg11[%swap3A_203, %swap3A_204] {strides = array<i32>} : memref<16x512xf32, #tpu.memory_space<vmem>>, vector<1x16xf32>,
          %swap3A_206 = vector.shape_cast %swap3A_205 : vector<1x16xf32> to vector<16xf32>
          %swap3A_207 = vector.shape_cast %get3A_202 : vector<16xf32> to vector<1x16xf32>
          tpu.vector_store %arg11[%swap3A_203, %swap3A_204], %swap3A_207 {add = true, strides = array<i32>} : memref<16x512xf32, #tpu.memory_space<vmem>>, vector<1x16xf32>,
          %scan3A_208 = arith.constant 0 : i32
          scf.yield %scan3A_208 : i32
        }
        %scan3A_191 = arith.constant 32 : i32
      } else {
      }
    } else {
    }
    "tpu.region"() ({
      %run_scoped3A = tpu.sem_alloc : memref<!tpu.dma_semaphore, #tpu.memory_space<semaphore_mem>>
      %dma_start3A_49 = arith.constant 0 : i32
      %dma_start3A_50 = arith.constant 0 : i32
      %dma_start3A_51 = tpu.memref_slice %arg8[%add3A, %dma_start3A_49, %dma_start3A_50] : memref<32x16x512xf32, #tpu.memory_space<hbm>> -> memref<1x16x512xf32, #tpu.memory_space<hbm>>
      %dma_start3A_52 = tpu.memref_squeeze %dma_start3A_51 : memref<1x16x512xf32, #tpu.memory_space<hbm>> -> memref<16x512xf32, #tpu.memory_space<hbm>>
      %dma_start3A_53 = arith.constant 0 : i32
      %dma_start3A_54 = arith.constant 0 : i32
      %dma_start3A_55 = tpu.memref_slice %arg8[%add3A, %dma_start3A_53, %dma_start3A_54] : memref<32x16x512xf32, #tpu.memory_space<hbm>> -> memref<1x16x512xf32, #tpu.memory_space<hbm>>
      %dma_start3A_56 = tpu.memref_squeeze %dma_start3A_55 : memref<1x16x512xf32, #tpu.memory_space<hbm>> -> memref<16x512xf32, #tpu.memory_space<hbm>>
      tpu.enqueue_dma source(%arg11 : memref<16x512xf32, #tpu.memory_space<vmem>>) target(%dma_start3A_56 : memref<16x512xf32, #tpu.memory_space<hbm>>) target_semaphore(%run_scoped3A : memref<!tpu.dma_semaphore, #tpu.memory_space<semaphore_mem>>)
      %dma_wait3A = arith.constant 0 : i32
      %dma_wait3A_57 = arith.constant 0 : i32
      %dma_wait3A_58 = tpu.memref_slice %arg8[%add3A, %dma_wait3A, %dma_wait3A_57] : memref<32x16x512xf32, #tpu.memory_space<hbm>> -> memref<1x16x512xf32, #tpu.memory_space<hbm>>
      %dma_wait3A_59 = tpu.memref_squeeze %dma_wait3A_58 : memref<1x16x512xf32, #tpu.memory_space<hbm>> -> memref<16x512xf32, #tpu.memory_space<hbm>>
      %dma_wait3A_60 = arith.constant 0 : i32
      %dma_wait3A_61 = arith.constant 0 : i32
      %dma_wait3A_62 = tpu.memref_slice %arg8[%add3A, %dma_wait3A_60, %dma_wait3A_61] : memref<32x16x512xf32, #tpu.memory_space<hbm>> -> memref<1x16x512xf32, #tpu.memory_space<hbm>>
      %dma_wait3A_63 = tpu.memref_squeeze %dma_wait3A_62 : memref<1x16x512xf32, #tpu.memory_space<hbm>> -> memref<16x512xf32, #tpu.memory_space<hbm>>
      tpu.wait_dma2 semaphore(%run_scoped3A : memref<!tpu.dma_semaphore, #tpu.memory_space<semaphore_mem>>) src(%arg11 : memref<16x512xf32, #tpu.memory_space<vmem>>) dst(%dma_wait3A_63 : memref<16x512xf32, #tpu.memory_space<hbm>>)
      tpu.yield
    }) : () -> ()
    return
  }
}

module attributes {stable_mosaic.version = 14 : i64} {
  func.func @_tc_body(%arg0: memref<32x16x512xf32, #tpu.memory_space<vmem>>, %arg1: memref<512x512xf32, #tpu.memory_space<vmem>>, %arg2: memref<1x512xf32, #tpu.memory_space<vmem>>, %arg3: memref<16x512xf32, #tpu.memory_space<vmem>>) attributes {dimension_semantics = [], scalar_prefetch = 0 : i64, scratch_operands = 0 : i64, tpu.core_type = #tpu.core_type<tc>} {
    %get3A = arith.constant 0 : index
    %get3A_0 = arith.constant 0 : index
    %get3A_1 = arith.constant 0 : index
    %get3A_2 = vector.load %arg0[%get3A, %get3A_0, %get3A_1] : memref<32x16x512xf32, #tpu.memory_space<vmem>>, vector<32x16x512xf32>
    %reduce_sum3A = arith.constant dense<0.000000e+00> : vector<16x512xf32>
    %reduce_sum3A_3 = vector.multi_reduction <add>, %get3A_2, %reduce_sum3A [0] : vector<32x16x512xf32> to vector<16x512xf32>
    %get3A_4 = arith.constant 0 : index
    %get3A_5 = arith.constant 0 : index
    %get3A_6 = vector.load %arg1[%get3A_4, %get3A_5] : memref<512x512xf32, #tpu.memory_space<vmem>>, vector<512x512xf32>
    %dot_general3A = arith.constant dense<0.000000e+00> : vector<16x512xf32>
    %dot_general3A_7 = tpu.matmul %reduce_sum3A_3, %get3A_6, %dot_general3A {dimension_numbers = #tpu.dot_dimension_numbers<[1], [1], [0], [0], [0, 0, 1, 0], [], []>, transpose_lhs_hint = false} : vector<16x512xf32>, vector<512x512xf32>, vector<16x512xf32> -> vector<16x512xf32>
    %get3A_8 = arith.constant 0 : index
    %get3A_9 = arith.constant 0 : index
    %get3A_10 = vector.load %arg2[%get3A_8, %get3A_9] : memref<1x512xf32, #tpu.memory_space<vmem>>, vector<1x512xf32>
    %add3A = vector.broadcast %get3A_10 : vector<1x512xf32> to vector<16x512xf32>
    %add3A_11 = arith.addf %dot_general3A_7, %add3A : vector<16x512xf32>
    %swap3A = arith.constant 0 : index
    %swap3A_12 = arith.constant 0 : index
    %swap3A_13 = vector.load %arg3[%swap3A, %swap3A_12] : memref<16x512xf32, #tpu.memory_space<vmem>>, vector<16x512xf32>
    tpu.vector_store %arg3[%swap3A, %swap3A_12], %add3A_11 {strides = array<i32>} : memref<16x512xf32, #tpu.memory_space<vmem>>, vector<16x512xf32>,
    return
  }
}

</mosaic_0001>

<sc_bundles>
// kernel: kernel.4.cloned.1.call-start
scs
__scs_entry_jumppad:
0x0: {  	(pc) =	sbr.rel $0x88, $3  }
0x1: {  	(tag) =	ssettag $0x0;
	lr =	simm.s32 $0x1  }
0x2: {  	[smem:$0x3F99] =	sst lr;
	_ =	strace $0xD0000000  }
0x3: {  	_ = 	snop  }
0x4: {  	_ = 	snop  }
0x5: {  	_ = 	snop  }
0x6: {  	_ = 	snop  }
0x7: {  	_ = 	snop  }
__scs_overlays_trampoline_lowered:
0x8: {  	[smem:$0x3FA8] =	sst s0  }
0x9: {  	[smem:$0x3FA9] =	sst s1  }
0xa: {  	[smem:$0x3FAA] =	sst s2  }
0xb: {  	[smem:$0x3FAB] =	sst s3  }
0xc: {  	[smem:$0x3FAC] =	sst s4  }
0xd: {  	[smem:$0x3FAD] =	sst s5  }
0xe: {  	[smem:$0x3FAE] =	sst s6  }
0xf: {  	[smem:$0x3FAF] =	sst s7  }
0x10: {  	[smem:$0x3FB0] =	sst s8  }
0x11: {  	[smem:$0x3FB1] =	sst s9;
	s0 =	simm.s32 @!p0 $0x0  }
0x12: {  	s1 =	sld [smem:$0x3F97];
	s0 =	simm.s32 @p0 $0x1  }
0x13: {  	[smem:$0x3FB2] =	sst s0;
	s0 =	simm.s32 @!p1 $0x0  }
0x14: {  	s2 =	sld [smem:$0x3F96];
	s0 =	simm.s32 @p1 $0x1  }
0x15: {  	[smem:$0x3FB3] =	sst s0;
	s0 =	simm.s32 @!p2 $0x0  }
0x16: {  	s3 =	sld [smem:$0x3FDB];
	s0 =	simm.s32 @p2 $0x1  }
0x17: {  	s4 =	simm.s32 $0x1BF5;
	[smem:$0x3FB5] =	sst s0  }
0x18: {  	s0 =	sld [smem:$0x3F98];
	_ =	swait.ge [sflag:s4], $0x0  }
0x19: {  	s7 =	sld [smem:$0x3F99]  }
0x1a: {  	s8 =	sadd.s32 $0xFFFFE003, lr  }
0x1b: {  	s9 =	sadd.s32 $0xFFFFFEF7, lr;
	s5 =	simm.s32 $0xFFFFFFFF;
	p2 =	slt.u32 s8, $0xFFFFF086  }
0x1c: {  	p1 =	slt.u32 s9, $0xF7A;
	s5 =	simm.s32 @!p2 $0x0  }
0x1d: {  	s5 =	simm.s32 @p1 $0x1;
	p0 =	seq.s32 s7, s2  }
0x1e: {  	s7 =	smul.u32 @!p0 $0xF7A, s2;
	p2 =	seq.s32 @!p0 s5, $0x0  }
0x1f: {  	s9 =	smul.u32 $0xF7A, s1;
	s8 =	simm.s32 @!p0 $0x1BF5;
	p2 =	por !p2, p0  }
0x20: {  	[sflag:s8] =	ssyncset.s32 @!p0 $0xFFFFF086;
	s6 =	sadd.s32 @!p0 s3, s7;
	s7 =	simm.s32 @!p0 $0x108  }
0x21: {  	s3 =	sadd.s32 s3, s9;
	s6 =	sadd.s32 @!p0 $0x88, s6;
	s7 =	simm.s32 @p2 $0x1082  }
0x22: {  	[simem:s7], [sflag:s8] =	dma.local @!p0 [hbm:s6], $0xF7A  }
0x23: {  	s9 =	sor.u32 $0xD0000000, s2;
	s6 =	simm.s32 $0x108;
	_ =	swait.ge @!p0 [sflag:s8], $0x0  }
0x24: {  	s3 =	sadd.s32 $0x88, s3;
	s6 =	simm.s32 @!p1 $0x1082;
	[sflag:s4] =	ssyncset.s32 $0xFFFFF086  }
0x25: {  	[simem:s6], [sflag:s4] =	dma.local [hbm:s3], $0xF7A  }
0x26: {  	[smem:$0x3F99] =	sst s1;
	(tag) =	ssettag s2;
	_ =	strace s9  }
0x27: {  	s1 =	sld [smem:$0x3FA9]  }
0x28: {  	s2 =	sld [smem:$0x3FAA]  }
0x29: {  	s4 =	sld [smem:$0x3FAC]  }
0x2a: {  	p0 =	seq.s32 s5, $0x0;
	s5 =	sld [smem:$0x3FAD]  }
0x2b: {  	s6 =	sld [smem:$0x3FAE]  }
0x2c: {  	s7 =	sld [smem:$0x3FAF]  }
0x2d: {  	s3 =	simm.s32 $0x108;
	s8 =	sld [smem:$0x3FB0]  }
0x2e: {  	s3 =	simm.s32 @!p0 $0x1082;
	s9 =	sld [smem:$0x3FB1]  }
0x2f: {  	lr =	sadd.s32 s0, s3;
	s0 =	sld [smem:$0x3FA8]  }
0x30: {  	s3 =	sld [smem:$0x3FAB]  }
0x31: {  	[smem:$0x3FB4] =	sst s10  }
0x32: {  	s10 =	sld [smem:$0x3FB2];
	_ =	sdelay $0x3  }
0x33: {  	p0 =	seq.s32 s10, $0x1;
	s10 =	sld [smem:$0x3FB4];
	_ =	sdelay $0x3  }
0x34: {  	[smem:$0x3FB4] =	sst s10  }
0x35: {  	s10 =	sld [smem:$0x3FB3];
	_ =	sdelay $0x3  }
0x36: {  	p1 =	seq.s32 s10, $0x1;
	s10 =	sld [smem:$0x3FB4];
	_ =	sdelay $0x3  }
0x37: {  	[smem:$0x3FB4] =	sst s10  }
0x38: {  	s10 =	sld [smem:$0x3FB5]  }
0x39: {  	_ = 	snop;
	(pc) =	sbr.ind lr, $3  }
0x3a: {  	_ = 	snop  }
0x3b: {  	_ = 	snop  }
0x3c: {  	p2 =	seq.s32 s10, $0x1;
	s10 =	sld [smem:$0x3FB4]  }
0x3d: {  	_ =	shalt  }
0x3e: {  	_ =	shalt  }
0x3f: {  	_ =	shalt  }
0x40: {  	_ =	shalt  }
0x41: {  	_ =	shalt  }
0x42: {  	_ =	shalt  }
0x43: {  	_ =	shalt  }
0x44: {  	_ =	shalt  }
0x45: {  	_ =	shalt  }
0x46: {  	_ =	shalt  }
0x47: {  	_ =	shalt  }
0x48: {  	_ =	shalt  }
0x49: {  	_ =	shalt  }
0x4a: {  	_ =	shalt  }
0x4b: {  	_ =	shalt  }
0x4c: {  	_ =	shalt  }
0x4d: {  	_ =	shalt  }
0x4e: {  	_ =	shalt  }
0x4f: {  	_ =	shalt  }
0x50: {  	_ =	shalt  }
0x51: {  	_ =	shalt  }
0x52: {  	_ =	shalt  }
0x53: {  	_ =	shalt  }
0x54: {  	_ =	shalt  }
0x55: {  	_ =	shalt  }
0x56: {  	_ =	shalt  }
0x57: {  	_ =	shalt  }
0x58: {  	_ =	shalt  }
0x59: {  	_ =	shalt  }
0x5a: {  	_ =	shalt  }
0x5b: {  	_ =	shalt  }
0x5c: {  	_ =	shalt  }
0x5d: {  	_ =	shalt  }
0x5e: {  	_ =	shalt  }
0x5f: {  	_ =	shalt  }
0x60: {  	_ =	shalt  }
0x61: {  	_ =	shalt  }
0x62: {  	_ =	shalt  }
0x63: {  	_ =	shalt  }
0x64: {  	_ =	shalt  }
0x65: {  	_ =	shalt  }
0x66: {  	_ =	shalt  }
0x67: {  	_ =	shalt  }
0x68: {  	_ =	shalt  }
0x69: {  	_ =	shalt  }
0x6a: {  	_ =	shalt  }
0x6b: {  	_ =	shalt  }
0x6c: {  	_ =	shalt  }
0x6d: {  	_ =	shalt  }
0x6e: {  	_ =	shalt  }
0x6f: {  	_ =	shalt  }
0x70: {  	_ =	shalt  }
0x71: {  	_ =	shalt  }
0x72: {  	_ =	shalt  }
0x73: {  	_ =	shalt  }
0x74: {  	_ =	shalt  }
0x75: {  	_ =	shalt  }
0x76: {  	_ =	shalt  }
0x77: {  	_ =	shalt  }
0x78: {  	_ =	shalt  }
0x79: {  	_ =	shalt  }
0x7a: {  	_ =	shalt  }
0x7b: {  	_ =	shalt  }
0x7c: {  	_ =	shalt  }
0x7d: {  	_ =	shalt  }
0x7e: {  	_ =	shalt  }
0x7f: {  	_ =	shalt  }
0x80: {  	_ =	shalt  }
0x81: {  	_ =	shalt  }
0x82: {  	_ =	shalt  }
0x83: {  	_ =	shalt  }
0x84: {  	_ =	shalt  }
0x85: {  	_ =	shalt  }
0x86: {  	_ =	shalt  }
0x87: {  	_ =	shalt  }
.Lfunc_end0:
.L_simem_size_0:
called_computation_lowered:
.L_overlay_start_0:
0x88: {  	s2 =	sld [smem:$0x3FD9]  }
0x89: {  	s3 =	sld [smem:$0x3FFE];
	_ =	sdelay $0x1  }
0x8a: {  	s1 =	srdreg.scid  }
0x8b: {  	s0 =	sand.u32 $0x1, s1  }
0x8c: {  	s17 =	sshll.u32 s0, $0xA;
	s2 =	sadd.s32 s3, s2  }
0x8d: {  	s2 =	sadd.s32 s2, s17  }
0x8e: {  	[smem:$0x3FC0] =	sst s2  }
0x8f: {  	_ = 	snop  }
0x90: {  	s2 =	sld [smem:$0x3FC8]  }
0x91: {  	s18 =	sld [smem:$0x3FC6]  }
0x92: {  	s4 =	sld [smem:$0x3FC5]  }
0x93: {  	s5 =	sld [smem:$0x3FC4]  }
0x94: {  	s6 =	sld [smem:$0x3FD0];
	(tm) =	ssettm $0x1  }
0x95: {  	s7 =	sld [smem:$0x3FFB];
	_ =	sdelay $0x3  }
0x96: {  	_ =	strace s7  }
0x97: {  	s7 =	sld [smem:$0x3FFC];
	_ =	sdelay $0x3  }
0x98: {  	_ =	strace s7  }
0x99: {  	s7 =	sld [smem:$0x3FFD];
	_ =	sdelay $0x3  }
0x9a: {  	_ =	strace s7  }
0x9b: {  	_ =	strace $0x8FFFFFFF  }
0x9c: {  	s19 =	sld [smem:$0x3FDB];
	_ =	sdelay $0x1  }
0x9d: {  	s8 =	simm.s32 $_scs_section_size  }
0x9e: {  	s9 =	simm.s32 $_size__tile_overlayer_lowered;
	s10 =	simm.s32 $_tile_overlayer_lowered  }
0x9f: {  	s22 =	simm.s32 $0x1BFF;
	s21 =	sshll.u32 s10, $0x1;
	s7 =	sadd.s32 s8, s19  }
0xa0: {  	s11 =	simm.s32 $0x0;
	s20 =	sshll.u32 s9, $0x1;
	s9 =	sadd.s32 s21, s7  }
0xa1: {  	[timem:s11], [sflag:s22] =	dma.local [hbm:s9], s20  }
0xa2: {  	_ =	swait.ge [sflag:s22], s20  }
0xa3: {  	s8 =	ssub.s32 $0x0, s20;
	[sflag:s22] =	ssyncset.done $0x0  }
0xa4: {  	[sflag:s22] =	ssyncadd.s32 s8;
	_ =	sdelay $0x1  }
0xa5: {  	s23 =	simm.s32 $0x1B8B  }
0xa6: {  	_ =	swait.ge [sflag:s23], $0x1  }
0xa7: {  	[sflag:s23] =	ssyncset.done $0x0  }
0xa8: {  	s25 =	simm.s32 $0x1B8E;
	s24 =	sld [smem:$0x3FFE];
	[sflag:s23] =	ssyncadd.s32 $0xFFFFFFFF  }
0xa9: {  	s26 =	simm.s32 $execute0_lowered;
	[smem:$0x3FD2] =	sst s25  }
0xaa: {  	s9 =	sshll.u32 s26, $0x1;
	_ =	strace $0x80000046;
	[dreg:$0x1] =	wrdreg $0xFFFFFFFF  }
0xab: {  	s28 =	simm.s32 $_size_execute0_lowered;
	s7 =	sadd.s32 s7, s9;
	[dreg:$0x0] =	wrdreg $0x0  }
0xac: {  	s9 =	sshll.u32 s28, $0x1;
	[dreg:$0x2] =	wrdreg s7  }
0xad: {  	[dreg:$0x3] =	wrdreg s9  }
0xae: {  	[dreg:$0x4] =	wrdreg $0xC0  }
0xaf: {  	_ =	task [dreg:s11], $0x5FFFF  }
0xb0: {  	[dreg:$0x1] =	wrdreg $0xFFFFFFFF  }
0xb1: {  	[dreg:$0x0] =	wrdreg $0x60  }
0xb2: {  	[dreg:$0x2] =	wrdreg s24  }
0xb3: {  	[dreg:$0x3] =	wrdreg s2  }
0xb4: {  	[dreg:$0x4] =	wrdreg s6  }
0xb5: {  	[dreg:$0x5] =	wrdreg s18  }
0xb6: {  	[dreg:$0x6] =	wrdreg s4  }
0xb7: {  	[dreg:$0x7] =	wrdreg s5  }
0xb8: {  	[dreg:$0x8] =	wrdreg $0x9  }
0xb9: {  	_ =	task.clear_ibuf [dreg:s11], $0x9FFFF;
	_ =	strace $0x90000046  }
0xba: {  	s29 =	simm.s32 $0x9;
	_ =	strace $0x80000048  }
0xbb: {  	_ =	swait.ge [sflag:s29], $0x1  }
0xbc: {  	[sflag:s29] =	ssyncadd.s32 $0xFFFFFFFF  }
0xbd: {  	_ =	strace $0x90000048  }
0xbe: {  	_ =	sfence  }
0xbf: {  	s30 =	sld [smem:$0x0];
	_ =	sdelay $0x2  }
0xc0: {  	s31 =	sshll.u32 s1, $0xD;
	s1 =	sshrl.u32 s1, $0x2  }
0xc1: {  	s3 =	sand.u32 $0x4000, s31;
	s1 =	sadd.s32 s1, s30  }
0xc2: {  	s0 =	sor.u32 s3, s0;
	s1 =	sshll.u32 s1, $0x11  }
0xc3: {  	s0 =	sor.u32 s1, s0  }
0xc4: {  	s0 =	sadd.s32 $0x8F2B, s0  }
0xc5: {  	[sflag:s0] =	ssyncadd.remote.s32 $0x1  }
0xc6: {  	_ =	sfence.sel $0xFFFF  }
0xc7: {  	[dreg:$0x0] =	wrdreg $0xFFFFFFFF;
	(pc) =	sbr.abs _section_cstart, $3  }
0xc8: {  	[dreg:$0x1] =	wrdreg $0xFFFFFFFF  }
0xc9: {  	_ =	task.clear_ibuf [dreg:s11], $0x2FFFF;
	_ =	strace $0x9FFFFFFF  }
0xca: {  	(tm) =	ssettm $0x7FFFFFFF  }
0xcb: {  	_ =	shalt  }
tec
execute0_lowered:
.L_overlay_start_1:
0x0: {  	(tag) =	ssettag $0x1  }
0x1: {  	s0 =	rddreg [dreg:$0x0]  }
0x2: {  	s1 =	rddreg [dreg:$0x1]  }
0x3: {  	s5 =	rddreg [dreg:$0x5];
	s6 =	simm.s32 $0x0  }
0x4: {  	s2 =	srdreg.scid;
	s10 =	stileid.u32;
	s14 =	simm.s32 $0x5  }
0x5: {  	s31 =	simm.s32 $0x0;
	[smem:$0x7FF] =	sst s6;
	s2 =	sand.u32 $0x1, s2  }
0x6: {  	s3 =	sshll.u32 s10, $0x1;
	s29 =	sshll.u32 s10, $0xB;
	_ =	strace $0x80000047  }
0x7: {  	s3 =	sor.u32 s2, s3;
	s4 =	ssub.s32 $0x2, s2;
	s28 =	sshll.u32 s2, $0xA  }
0x8: {  	s8 =	sshll.u32 s3, $0x8;
	s7 =	sshll.u32 s3, $0xA;
	s9 =	sshrl.u32 s4, $0x1  }
.Ltmp0:
0x9: {  	s26 =	sshll.u32 s3, $0x7;
	s30 =	sor.u32 s29, s28;
	(pc) =	sbr.rel .LBB2_1-.Ltmp0, $4  }
0xa: {  	v3 =	vlaneseq.u32;
	p0 =	sne.s32 s3, $0x0;
	s8 =	sadd.s32 s8, s0;
	s0 =	sadd.s32 s7, s0  }
0xb: {  	v1 =	vand.u32 $0x7, v3;
	s4 =	ssub.s32 s4, s9;
	s9 =	sadd.s32 $0x100, s5;
	s1 =	sadd.s32 s1, s26  }
0xc: {  	v2 =	vshrl.u32 v3, $0x3;
	[tilespmem:$0x1FFE0] =	vst v1;
	v1 =	vor.u32 $0x8, v3;
	s2 =	ssub.s32 $0x0, s30;
	s8 =	sadd.s32 $0xA00, s8;
	[dreg:$0x8] =	wrdreg s1  }
0xd: {  	v0 =	vimm.f32 $0.0e+00;
	vm0 =	vmmov $0xffff;
	v2 =	vmul.u32 $0x8, v2;
	[tilespmem:$0x1FFF0] =	vst v1;
	s11 =	sadd.s32 $0x2A00, s0;
	s12 =	smax.u32 s4, $0x1;
	[dreg:$0x7] =	wrdreg s8  }
.LBB2_41:
.Ltmp1:
0xe: {  	(pc) =	sbr.rel @!p0 .LBB2_42-.Ltmp1, $1  }
0xf: {  	_ =	sdelay $0x3  }
.LBB2_106:
0x10: {  	s31 =	sadd.s32 $0x1, s31  }
0x11: {  	p1 =	sne.s32 s31, s12  }
.Ltmp2:
0x12: {  	s0 =	simm.s32 $0x18800;
	(pc) =	sbr.rel @!p1 .LBB2_107-.Ltmp2, $4  }
0x13: {  	[hbm4b:s11+s6] =	stream.linear.scatter [tilespmem:s0], [sflag:$0x5], $0x2000, $0x38;
	[tilespmem:$0x1CE00] =	vst v63  }
0x14: {  	_ =	swait.ge [sflag:s14], $0x2000  }
0x15: {  	[sflag:s14] =	ssyncset.done $0x0  }
0x16: {  	[sflag:s14] =	ssyncadd.s32 $0xFFFFE000  }
.LBB2_1:
0x17: {  	s0 =	rddreg [dreg:$0x7]  }
0x18: {  	s30 =	simm.s32 $0x0;
	s1 =	sand.u32 $0x3000, s6;
	s3 =	simm.s32 $0x0  }
0x19: {  	[tilespmem:s6], [sflag:$0x5] =	stream.linear.gather [hbm4b:s0+s6], $0x800, $0x38;
	[tilespmem:$0x1CE00] =	vst v63  }
0x1a: {  	s0 =	sand.u32 $0x1000, s30;
	s1 =	sshrl.u32 s1, $0x2;
	_ =	swait.ge [sflag:s14], $0x800  }
0x1b: {  	s3 =	sand.u32 $0x380, s3;
	s0 =	sor.u32 s1, s0;
	[sflag:s14] =	ssyncset.done $0x0  }
0x1c: {  	s1 =	sor.u32 s3, s0;
	[sflag:s14] =	ssyncadd.s32 $0xFFFFF800  }
0x1d: {  	s0 =	sadd.s32 $0x18800, s1;
	[tilespmem:s1+$0x18800] =	vst v0  }
0x1e: {  	[tilespmem:s0+$0x40] =	vst v0  }
0x1f: {  	[tilespmem:s0+$0x10] =	vst v0  }
0x20: {  	s4 =	simm.s32 $0x20;
	s1 =	simm.s32 $0x1000;
	[tilespmem:s0+$0x20] =	vst v0  }
0x21: {  	s8 =	simm.s32 $0x80;
	s3 =	simm.s32 $0x2;
	[tilespmem:s0+$0x30] =	vst v0;
	s13 =	sand.u32 $0x3000, s1  }
.LBB2_2:
0x22: {  	p1 =	sne.s32 s3, $0x3F;
	s8 =	sand.u32 $0x1000, s8;
	s13 =	sshrl.u32 s13, $0x2;
	[tilespmem:s0+$0x50] =	vst v0  }
0x23: {  	s4 =	sand.u32 $0x380, s4;
	s8 =	sor.u32 s13, s8;
	[tilespmem:s0+$0x60] =	vst v0  }
0x24: {  	s4 =	sor.u32 s4, s8;
	[tilespmem:s0+$0x70] =	vst v0  }
.Ltmp3:
0x25: {  	s0 =	sadd.s32 $0x18800, s4;
	[tilespmem:s4+$0x18800] =	vst v0;
	(pc) =	sbr.rel @p1 .LBB2_2-.Ltmp3, $4  }
0x26: {  	[tilespmem:s0+$0x10] =	vst v0  }
0x27: {  	[tilespmem:s0+$0x20] =	vst v0  }
0x28: {  	s1 =	sadd.s32 $0x1000, s1;
	s4 =	sshll.u32 s3, $0x5;
	[tilespmem:s0+$0x30] =	vst v0  }
0x29: {  	s13 =	sand.u32 $0x3000, s1;
	s8 =	sshll.u32 s3, $0x7;
	s3 =	sadd.s32 $0x1, s3;
	[tilespmem:s0+$0x40] =	vst v0  }
0x2a: {  	s1 =	sand.u32 $0x1000, s8;
	s3 =	sshrl.u32 s13, $0x2;
	[tilespmem:s0+$0x50] =	vst v0  }
0x2b: {  	s4 =	sand.u32 $0x380, s4;
	[tilespmem:s0+$0x60] =	vst v0;
	s1 =	sor.u32 s3, s1  }
0x2c: {  	[tilespmem:s0+$0x70] =	vst v0;
	s1 =	sor.u32 s4, s1  }
0x2d: {  	s8 =	sadd.s32 $0x18800, s1;
	[tilespmem:s1+$0x18800] =	vst v0  }
0x2e: {  	[tilespmem:s8+$0x10] =	vst v0  }
0x2f: {  	[tilespmem:s8+$0x20] =	vst v0  }
0x30: {  	[tilespmem:s8+$0x30] =	vst v0  }
0x31: {  	[tilespmem:s8+$0x40] =	vst v0  }
0x32: {  	[tilespmem:s8+$0x50] =	vst v0  }
0x33: {  	[tilespmem:s8+$0x60] =	vst v0  }
0x34: {  	[tilespmem:s8+$0x70] =	vst v0  }
0x35: {  	v4 =	vld [tilespmem:$0x0];
	_ =	sdelay $0x2  }
0x36: {  	v1 =	vld [tilespmem:$0x1FFE0];
	_ =	sdelay $0x1  }
0x37: {  	v5 =	vshll.u32 v4, $0x2  }
0x38: {  	v4 =	vand.u32 $0x7, v4;
	v5 =	vand.u32 $0xFFFFFFE0, v5  }
0x39: {  	v3 =	vld [tilespmem:$0x1FFF0];
	v4 =	vor.u32 v4, v5  }
0x3a: {  	v5 =	vperm.xlane v4, v1;
	_ =	sdelay $0x1  }
0x3b: {  	v5 =	vadd.s32 v2, v5;
	_ =	sdelay $0x1  }
0x3c: {  	v4 =	vperm.xlane v4, v3;
	_ =	sdelay $0x1  }
0x3d: {  	s0 =	simm.s32 $0x0;
	s10 =	simm.s32 $0x800;
	v4 =	vadd.s32 v2, v4  }
0x3e: {  	[tilespmem:s10], [sflag:$0x1] =	stream.indirect_vreg.gather [hbm4b:s5+s0], $0x80, v5, vm0, $0xb8;
	[tilespmem:$0x1CE00] =	vst v63  }
0x3f: {  	s13 =	simm.s32 $0x1000  }
0x40: {  	[tilespmem:s13], [sflag:$0x1] =	stream.indirect_vreg.gather [hbm4b:s9+s0], $0x80, v5, vm0, $0xb8;
	[tilespmem:$0x1CE00] =	vst v63  }
0x41: {  	s15 =	simm.s32 $0x1800  }
0x42: {  	[tilespmem:s15], [sflag:$0x1] =	stream.indirect_vreg.gather [hbm4b:s5+s0], $0x80, v4, vm0, $0xb8;
	[tilespmem:$0x1CE00] =	vst v63  }
0x43: {  	s16 =	simm.s32 $0x2000  }
0x44: {  	[tilespmem:s16], [sflag:$0x1] =	stream.indirect_vreg.gather [hbm4b:s9+s0], $0x80, v4, vm0, $0xb8;
	[tilespmem:$0x1CE00] =	vst v63  }
0x45: {  	v4 =	vld [tilespmem:$0x10];
	_ =	sdelay $0x4  }
0x46: {  	v57 =	vshll.u32 v4, $0x2  }
0x47: {  	v4 =	vand.u32 $0x7, v4;
	v5 =	vand.u32 $0xFFFFFFE0, v57  }
0x48: {  	v4 =	vor.u32 v4, v5  }
0x49: {  	v5 =	vperm.xlane v4, v1;
	_ =	sdelay $0x1  }
0x4a: {  	v5 =	vadd.s32 v2, v5;
	_ =	sdelay $0x1  }
0x4b: {  	v4 =	vperm.xlane v4, v3;
	_ =	sdelay $0x1  }
0x4c: {  	s17 =	simm.s32 $0x2800;
	v4 =	vadd.s32 v2, v4  }
0x4d: {  	[tilespmem:s17], [sflag:$0x1] =	stream.indirect_vreg.gather [hbm4b:s5+s0], $0x80, v5, vm0, $0xb8;
	[tilespmem:$0x1CE00] =	vst v63  }
0x4e: {  	s18 =	simm.s32 $0x3000  }
0x4f: {  	[tilespmem:s18], [sflag:$0x1] =	stream.indirect_vreg.gather [hbm4b:s9+s0], $0x80, v5, vm0, $0xb8;
	[tilespmem:$0x1CE00] =	vst v63  }
0x50: {  	s19 =	simm.s32 $0x3800  }
0x51: {  	[tilespmem:s19], [sflag:$0x1] =	stream.indirect_vreg.gather [hbm4b:s5+s0], $0x80, v4, vm0, $0xb8;
	[tilespmem:$0x1CE00] =	vst v63  }
0x52: {  	s20 =	simm.s32 $0x4000  }
0x53: {  	[tilespmem:s20], [sflag:$0x1] =	stream.indirect_vreg.gather [hbm4b:s9+s0], $0x80, v4, vm0, $0xb8;
	[tilespmem:$0x1CE00] =	vst v63  }
0x54: {  	v4 =	vld [tilespmem:$0x20];
	_ =	sdelay $0x4  }
0x55: {  	v58 =	vshll.u32 v4, $0x2  }
0x56: {  	v4 =	vand.u32 $0x7, v4;
	v5 =	vand.u32 $0xFFFFFFE0, v58  }
0x57: {  	v4 =	vor.u32 v4, v5  }
0x58: {  	v5 =	vperm.xlane v4, v1;
	_ =	sdelay $0x1  }
0x59: {  	v5 =	vadd.s32 v2, v5;
	_ =	sdelay $0x1  }
0x5a: {  	v4 =	vperm.xlane v4, v3;
	_ =	sdelay $0x1  }
0x5b: {  	s21 =	simm.s32 $0x4800;
	v4 =	vadd.s32 v2, v4  }
0x5c: {  	[tilespmem:s21], [sflag:$0x1] =	stream.indirect_vreg.gather [hbm4b:s5+s0], $0x80, v5, vm0, $0xb8;
	[tilespmem:$0x1CE00] =	vst v63  }
0x5d: {  	s22 =	simm.s32 $0x5000  }
0x5e: {  	[tilespmem:s22], [sflag:$0x1] =	stream.indirect_vreg.gather [hbm4b:s9+s0], $0x80, v5, vm0, $0xb8;
	[tilespmem:$0x1CE00] =	vst v63  }
0x5f: {  	s23 =	simm.s32 $0x5800  }
0x60: {  	[tilespmem:s23], [sflag:$0x1] =	stream.indirect_vreg.gather [hbm4b:s5+s0], $0x80, v4, vm0, $0xb8;
	[tilespmem:$0x1CE00] =	vst v63  }
0x61: {  	s24 =	simm.s32 $0x6000  }
0x62: {  	[tilespmem:s24], [sflag:$0x1] =	stream.indirect_vreg.gather [hbm4b:s9+s0], $0x80, v4, vm0, $0xb8;
	[tilespmem:$0x1CE00] =	vst v63  }
0x63: {  	v4 =	vld [tilespmem:$0x30];
	_ =	sdelay $0x4  }
0x64: {  	v59 =	vshll.u32 v4, $0x2  }
0x65: {  	v4 =	vand.u32 $0x7, v4;
	v5 =	vand.u32 $0xFFFFFFE0, v59  }
0x66: {  	v4 =	vor.u32 v4, v5  }
0x67: {  	v5 =	vperm.xlane v4, v1;
	_ =	sdelay $0x1  }
0x68: {  	v5 =	vadd.s32 v2, v5;
	_ =	sdelay $0x1  }
0x69: {  	v4 =	vperm.xlane v4, v3;
	_ =	sdelay $0x1  }
0x6a: {  	s25 =	simm.s32 $0x6800;
	v4 =	vadd.s32 v2, v4  }
0x6b: {  	[tilespmem:s25], [sflag:$0x1] =	stream.indirect_vreg.gather [hbm4b:s5+s0], $0x80, v5, vm0, $0xb8;
	[tilespmem:$0x1CE00] =	vst v63  }
0x6c: {  	s26 =	simm.s32 $0x7000  }
0x6d: {  	[tilespmem:s26], [sflag:$0x1] =	stream.indirect_vreg.gather [hbm4b:s9+s0], $0x80, v5, vm0, $0xb8;
	[tilespmem:$0x1CE00] =	vst v63  }
0x6e: {  	s28 =	simm.s32 $0x7800  }
0x6f: {  	[tilespmem:s28], [sflag:$0x1] =	stream.indirect_vreg.gather [hbm4b:s5+s0], $0x80, v4, vm0, $0xb8;
	[tilespmem:$0x1CE00] =	vst v63  }
0x70: {  	s29 =	simm.s32 $0x8000  }
0x71: {  	[tilespmem:s29], [sflag:$0x1] =	stream.indirect_vreg.gather [hbm4b:s9+s0], $0x80, v4, vm0, $0xb8;
	[tilespmem:$0x1CE00] =	vst v63  }
0x72: {  	v4 =	vld [tilespmem:$0x80];
	_ =	sdelay $0x4  }
0x73: {  	v60 =	vshll.u32 v4, $0x2  }
0x74: {  	v4 =	vand.u32 $0x7, v4;
	v5 =	vand.u32 $0xFFFFFFE0, v60  }
0x75: {  	v4 =	vor.u32 v4, v5  }
0x76: {  	v5 =	vperm.xlane v4, v1;
	_ =	sdelay $0x1  }
0x77: {  	v5 =	vadd.s32 v2, v5;
	_ =	sdelay $0x1  }
0x78: {  	v4 =	vperm.xlane v4, v3;
	_ =	sdelay $0x1  }
0x79: {  	s30 =	simm.s32 $0x8800;
	v4 =	vadd.s32 v2, v4  }
0x7a: {  	[tilespmem:s30], [sflag:$0x2] =	stream.indirect_vreg.gather [hbm4b:s5+s0], $0x80, v5, vm0, $0xb8;
	[tilespmem:$0x1CE00] =	vst v63  }
0x7b: {  	s3 =	simm.s32 $0x9000  }
0x7c: {  	[tilespmem:s3], [sflag:$0x2] =	stream.indirect_vreg.gather [hbm4b:s9+s0], $0x80, v5, vm0, $0xb8;
	[tilespmem:$0x1CE00] =	vst v63  }
0x7d: {  	s4 =	simm.s32 $0x9800  }
0x7e: {  	[tilespmem:s4], [sflag:$0x2] =	stream.indirect_vreg.gather [hbm4b:s5+s0], $0x80, v4, vm0, $0xb8;
	[tilespmem:$0x1CE00] =	vst v63  }
0x7f: {  	s8 =	simm.s32 $0xA000  }
0x80: {  	[tilespmem:s8], [sflag:$0x2] =	stream.indirect_vreg.gather [hbm4b:s9+s0], $0x80, v4, vm0, $0xb8;
	[tilespmem:$0x1CE00] =	vst v63  }
0x81: {  	v4 =	vld [tilespmem:$0x90];
	_ =	sdelay $0x4  }
0x82: {  	v61 =	vshll.u32 v4, $0x2  }
0x83: {  	v4 =	vand.u32 $0x7, v4;
	v5 =	vand.u32 $0xFFFFFFE0, v61  }
0x84: {  	v4 =	vor.u32 v4, v5  }
0x85: {  	v5 =	vperm.xlane v4, v1;
	_ =	sdelay $0x1  }
0x86: {  	v5 =	vadd.s32 v2, v5;
	_ =	sdelay $0x1  }
0x87: {  	v4 =	vperm.xlane v4, v3;
	_ =	sdelay $0x1  }
0x88: {  	s10 =	simm.s32 $0xA800;
	v4 =	vadd.s32 v2, v4  }
0x89: {  	[tilespmem:s10], [sflag:$0x2] =	stream.indirect_vreg.gather [hbm4b:s5+s0], $0x80, v5, vm0, $0xb8;
	[tilespmem:$0x1CE00] =	vst v63  }
0x8a: {  	s13 =	simm.s32 $0xB000  }
0x8b: {  	[tilespmem:s13], [sflag:$0x2] =	stream.indirect_vreg.gather [hbm4b:s9+s0], $0x80, v5, vm0, $0xb8;
	[tilespmem:$0x1CE00] =	vst v63  }
0x8c: {  	s15 =	simm.s32 $0xB800  }
0x8d: {  	[tilespmem:s15], [sflag:$0x2] =	stream.indirect_vreg.gather [hbm4b:s5+s0], $0x80, v4, vm0, $0xb8;
	[tilespmem:$0x1CE00] =	vst v63  }
0x8e: {  	s16 =	simm.s32 $0xC000  }
0x8f: {  	[tilespmem:s16], [sflag:$0x2] =	stream.indirect_vreg.gather [hbm4b:s9+s0], $0x80, v4, vm0, $0xb8;
	[tilespmem:$0x1CE00] =	vst v63  }
0x90: {  	v4 =	vld [tilespmem:$0xA0];
	_ =	sdelay $0x4  }
0x91: {  	v62 =	vshll.u32 v4, $0x2  }
0x92: {  	v4 =	vand.u32 $0x7, v4;
	v5 =	vand.u32 $0xFFFFFFE0, v62  }
0x93: {  	v4 =	vor.u32 v4, v5  }
0x94: {  	v5 =	vperm.xlane v4, v1;
	_ =	sdelay $0x1  }
0x95: {  	v5 =	vadd.s32 v2, v5;
	_ =	sdelay $0x1  }
0x96: {  	v4 =	vperm.xlane v4, v3;
	_ =	sdelay $0x1  }
0x97: {  	s17 =	simm.s32 $0xC800;
	v4 =	vadd.s32 v2, v4  }
0x98: {  	[tilespmem:s17], [sflag:$0x2] =	stream.indirect_vreg.gather [hbm4b:s5+s0], $0x80, v5, vm0, $0xb8;
	[tilespmem:$0x1CE00] =	vst v63  }
0x99: {  	s18 =	simm.s32 $0xD000  }
0x9a: {  	[tilespmem:s18], [sflag:$0x2] =	stream.indirect_vreg.gather [hbm4b:s9+s0], $0x80, v5, vm0, $0xb8;
	[tilespmem:$0x1CE00] =	vst v63  }
0x9b: {  	s19 =	simm.s32 $0xD800  }
0x9c: {  	[tilespmem:s19], [sflag:$0x2] =	stream.indirect_vreg.gather [hbm4b:s5+s0], $0x80, v4, vm0, $0xb8;
	[tilespmem:$0x1CE00] =	vst v63  }
0x9d: {  	s20 =	simm.s32 $0xE000  }
0x9e: {  	[tilespmem:s20], [sflag:$0x2] =	stream.indirect_vreg.gather [hbm4b:s9+s0], $0x80, v4, vm0, $0xb8;
	[tilespmem:$0x1CE00] =	vst v63  }
0x9f: {  	v4 =	vld [tilespmem:$0xB0];
	_ =	sdelay $0x4  }
0xa0: {  	v63 =	vshll.u32 v4, $0x2  }
0xa1: {  	v4 =	vand.u32 $0x7, v4;
	v5 =	vand.u32 $0xFFFFFFE0, v63  }
0xa2: {  	v4 =	vor.u32 v4, v5  }
0xa3: {  	v5 =	vperm.xlane v4, v1;
	_ =	sdelay $0x1  }
0xa4: {  	v5 =	vadd.s32 v2, v5;
	_ =	sdelay $0x1  }
0xa5: {  	v4 =	vperm.xlane v4, v3;
	_ =	sdelay $0x1  }
0xa6: {  	s21 =	simm.s32 $0xE800;
	v4 =	vadd.s32 v2, v4  }
0xa7: {  	[tilespmem:s21], [sflag:$0x2] =	stream.indirect_vreg.gather [hbm4b:s5+s0], $0x80, v5, vm0, $0xb8;
	[tilespmem:$0x1CE00] =	vst v63  }
0xa8: {  	s22 =	simm.s32 $0xF000  }
0xa9: {  	[tilespmem:s22], [sflag:$0x2] =	stream.indirect_vreg.gather [hbm4b:s9+s0], $0x80, v5, vm0, $0xb8;
	[tilespmem:$0x1CE00] =	vst v63  }
0xaa: {  	s23 =	simm.s32 $0xF800  }
0xab: {  	[tilespmem:s23], [sflag:$0x2] =	stream.indirect_vreg.gather [hbm4b:s5+s0], $0x80, v4, vm0, $0xb8;
	[tilespmem:$0x1CE00] =	vst v63  }
0xac: {  	s24 =	simm.s32 $0x10000  }
0xad: {  	[tilespmem:s24], [sflag:$0x2] =	stream.indirect_vreg.gather [hbm4b:s9+s0], $0x80, v4, vm0, $0xb8;
	[tilespmem:$0x1CE00] =	vst v63  }
0xae: {  	s25 =	rddreg [dreg:$0x8];
	s4 =	simm.s32 $0x1C980  }
0xaf: {  	[tilespmem:s4], [sflag:$0x5] =	stream.linear.gather [hbm4b:s25+s0], $0x400, $0x38;
	[tilespmem:$0x1CE00] =	vst v63  }
0xb0: {  	_ =	swait.ge [sflag:s14], $0x400  }
0xb1: {  	[sflag:s14] =	ssyncset.done $0x0  }
0xb2: {  	[sflag:s14] =	ssyncadd.s32 $0xFFFFFC00  }
0xb3: {  	s28 =	simm.s32 $0x1C880;
	s26 =	rddreg [dreg:$0x2]  }
0xb4: {  	[tilespmem:s28], [sflag:$0x5] =	stream.linear.gather [hbm4b:s26+s0], $0x80, $0x38;
	[tilespmem:$0x1CE00] =	vst v63  }
0xb5: {  	_ =	swait.ge [sflag:s14], $0x80  }
0xb6: {  	[sflag:s14] =	ssyncset.done $0x0  }
0xb7: {  	[sflag:s14] =	ssyncadd.s32 $0xFFFFFF80  }
.Ltmp4:
0xb8: {  	s30 =	simm.s32 $0x1C900;
	s29 =	rddreg [dreg:$0x4];
	(pc) =	sbr.rel .LBB2_4-.Ltmp4, $4  }
0xb9: {  	[tilespmem:s30], [sflag:$0x5] =	stream.linear.gather [hbm4b:s29+s0], $0x10, $0x38;
	[tilespmem:$0x1CE00] =	vst v63  }
0xba: {  	_ =	swait.ge [sflag:s14], $0x10  }
0xbb: {  	[sflag:s14] =	ssyncset.done $0x0  }
0xbc: {  	s13 =	smov.u32 s2;
	[sflag:s14] =	ssyncadd.s32 $0xFFFFFFF0  }
.LBB2_40:
0xbd: {  	s0 =	sadd.s32 $0x1, s0  }
0xbe: {  	p1 =	sne.s32 s0, $0x10  }
.Ltmp5:
0xbf: {  	_ = 	snop;
	(pc) =	sbr.rel @!p1 .LBB2_41-.Ltmp5, $2  }
0xc0: {  	_ =	sdelay $0x2  }
0xc1: {  	s13 =	sadd.s32 $0xFFFFFFC0, s13;
	s4 =	sadd.s32 $0x40, s4  }
.LBB2_4:
0xc2: {  	p1 =	sgt.u32 s0, $0xD  }
.Ltmp6:
0xc3: {  	_ = 	snop;
	(pc) =	sbr.rel @p1 .LBB2_6-.Ltmp6, $1  }
0xc4: {  	_ =	sdelay $0x3  }
0xc5: {  	s1 =	sadd.s32 $0x2, s0  }
0xc6: {  	s3 =	sshll.u32 s1, $0x7  }
0xc7: {  	s3 =	sand.u32 $0x3FFFFF80, s3  }
0xc8: {  	v4 =	vld [tilespmem:s3+$0x0];
	_ =	sdelay $0x2  }
0xc9: {  	v1 =	vld [tilespmem:$0x1FFE0];
	_ =	sdelay $0x1  }
0xca: {  	s8 =	smul.u32 $0xAB, s1;
	v5 =	vshll.u32 v4, $0x2  }
0xcb: {  	v4 =	vand.u32 $0x7, v4;
	v5 =	vand.u32 $0xFFFFFFE0, v5  }
0xcc: {  	v3 =	vld [tilespmem:$0x1FFF0];
	s8 =	sshrl.u32 s8, $0x9;
	v4 =	vor.u32 v4, v5  }
0xcd: {  	s8 =	sand.u32 $0x7F, s8;
	v5 =	vperm.xlane v4, v1  }
0xce: {  	s8 =	smul.u32 $0x3, s8  }
0xcf: {  	v5 =	vadd.s32 v2, v5  }
0xd0: {  	s1 =	ssub.s32 s1, s8  }
0xd1: {  	s1 =	sand.u32 $0xFF, s1;
	v4 =	vperm.xlane v4, v3  }
0xd2: {  	s30 =	sshll.u32 s1, $0xF  }
0xd3: {  	s1 =	sadd.s32 $0x1, s1;
	s15 =	sor.u32 $0x800, s30;
	v4 =	vadd.s32 v2, v4  }
0xd4: {  	[tilespmem:s15], [sflag:s1] =	stream.indirect_vreg.gather [hbm4b:s5+s6], $0x80, v5, vm0, $0xb8;
	[tilespmem:$0x1CE00] =	vst v63  }
0xd5: {  	s10 =	sor.u32 $0x1000, s30  }
0xd6: {  	[tilespmem:s10], [sflag:s1] =	stream.indirect_vreg.gather [hbm4b:s9+s6], $0x80, v5, vm0, $0xb8;
	[tilespmem:$0x1CE00] =	vst v63  }
0xd7: {  	s16 =	sor.u32 $0x1800, s30  }
0xd8: {  	[tilespmem:s16], [sflag:s1] =	stream.indirect_vreg.gather [hbm4b:s5+s6], $0x80, v4, vm0, $0xb8;
	[tilespmem:$0x1CE00] =	vst v63  }
0xd9: {  	s17 =	sor.u32 $0x2000, s30  }
0xda: {  	[tilespmem:s17], [sflag:s1] =	stream.indirect_vreg.gather [hbm4b:s9+s6], $0x80, v4, vm0, $0xb8;
	[tilespmem:$0x1CE00] =	vst v63  }
0xdb: {  	v4 =	vld [tilespmem:s3+$0x10];
	_ =	sdelay $0x4  }
0xdc: {  	v61 =	vshll.u32 v4, $0x2  }
0xdd: {  	v4 =	vand.u32 $0x7, v4;
	v5 =	vand.u32 $0xFFFFFFE0, v61  }
0xde: {  	v4 =	vor.u32 v4, v5  }
0xdf: {  	v5 =	vperm.xlane v4, v1;
	_ =	sdelay $0x1  }
0xe0: {  	v5 =	vadd.s32 v2, v5;
	_ =	sdelay $0x1  }
0xe1: {  	v4 =	vperm.xlane v4, v3;
	_ =	sdelay $0x1  }
0xe2: {  	s18 =	sor.u32 $0x2800, s30;
	v4 =	vadd.s32 v2, v4  }
0xe3: {  	[tilespmem:s18], [sflag:s1] =	stream.indirect_vreg.gather [hbm4b:s5+s6], $0x80, v5, vm0, $0xb8;
	[tilespmem:$0x1CE00] =	vst v63  }
0xe4: {  	s19 =	sor.u32 $0x3000, s30  }
0xe5: {  	[tilespmem:s19], [sflag:s1] =	stream.indirect_vreg.gather [hbm4b:s9+s6], $0x80, v5, vm0, $0xb8;
	[tilespmem:$0x1CE00] =	vst v63  }
0xe6: {  	s20 =	sor.u32 $0x3800, s30  }
0xe7: {  	[tilespmem:s20], [sflag:s1] =	stream.indirect_vreg.gather [hbm4b:s5+s6], $0x80, v4, vm0, $0xb8;
	[tilespmem:$0x1CE00] =	vst v63  }
0xe8: {  	s21 =	sor.u32 $0x4000, s30  }
0xe9: {  	[tilespmem:s21], [sflag:s1] =	stream.indirect_vreg.gather [hbm4b:s9+s6], $0x80, v4, vm0, $0xb8;
	[tilespmem:$0x1CE00] =	vst v63  }
0xea: {  	v4 =	vld [tilespmem:s3+$0x20];
	_ =	sdelay $0x4  }
0xeb: {  	v62 =	vshll.u32 v4, $0x2  }
0xec: {  	v4 =	vand.u32 $0x7, v4;
	v5 =	vand.u32 $0xFFFFFFE0, v62  }
0xed: {  	v4 =	vor.u32 v4, v5  }
0xee: {  	v5 =	vperm.xlane v4, v1;
	_ =	sdelay $0x1  }
0xef: {  	v5 =	vadd.s32 v2, v5;
	_ =	sdelay $0x1  }
0xf0: {  	v4 =	vperm.xlane v4, v3;
	_ =	sdelay $0x1  }
0xf1: {  	s22 =	sor.u32 $0x4800, s30;
	v4 =	vadd.s32 v2, v4  }
0xf2: {  	[tilespmem:s22], [sflag:s1] =	stream.indirect_vreg.gather [hbm4b:s5+s6], $0x80, v5, vm0, $0xb8;
	[tilespmem:$0x1CE00] =	vst v63  }
0xf3: {  	s23 =	sor.u32 $0x5000, s30  }
0xf4: {  	[tilespmem:s23], [sflag:s1] =	stream.indirect_vreg.gather [hbm4b:s9+s6], $0x80, v5, vm0, $0xb8;
	[tilespmem:$0x1CE00] =	vst v63  }
0xf5: {  	s24 =	sor.u32 $0x5800, s30  }
0xf6: {  	[tilespmem:s24], [sflag:s1] =	stream.indirect_vreg.gather [hbm4b:s5+s6], $0x80, v4, vm0, $0xb8;
	[tilespmem:$0x1CE00] =	vst v63  }
0xf7: {  	s25 =	sor.u32 $0x6000, s30  }
0xf8: {  	[tilespmem:s25], [sflag:s1] =	stream.indirect_vreg.gather [hbm4b:s9+s6], $0x80, v4, vm0, $0xb8;
	[tilespmem:$0x1CE00] =	vst v63  }
0xf9: {  	v4 =	vld [tilespmem:s3+$0x30];
	_ =	sdelay $0x4  }
0xfa: {  	v63 =	vshll.u32 v4, $0x2  }
0xfb: {  	v4 =	vand.u32 $0x7, v4;
	v5 =	vand.u32 $0xFFFFFFE0, v63  }
0xfc: {  	v4 =	vor.u32 v4, v5  }
0xfd: {  	v5 =	vperm.xlane v4, v1;
	_ =	sdelay $0x1  }
0xfe: {  	v5 =	vadd.s32 v2, v5;
	_ =	sdelay $0x1  }
0xff: {  	v4 =	vperm.xlane v4, v3;
	_ =	sdelay $0x1  }
0x100: {  	s26 =	sor.u32 $0x6800, s30;
	v4 =	vadd.s32 v2, v4  }
0x101: {  	[tilespmem:s26], [sflag:s1] =	stream.indirect_vreg.gather [hbm4b:s5+s6], $0x80, v5, vm0, $0xb8;
	[tilespmem:$0x1CE00] =	vst v63  }
0x102: {  	s28 =	sor.u32 $0x7000, s30  }
0x103: {  	[tilespmem:s28], [sflag:s1] =	stream.indirect_vreg.gather [hbm4b:s9+s6], $0x80, v5, vm0, $0xb8;
	[tilespmem:$0x1CE00] =	vst v63  }
0x104: {  	s29 =	sor.u32 $0x7800, s30  }
0x105: {  	[tilespmem:s29], [sflag:s1] =	stream.indirect_vreg.gather [hbm4b:s5+s6], $0x80, v4, vm0, $0xb8;
	[tilespmem:$0x1CE00] =	vst v63  }
0x106: {  	s30 =	sadd.s32 $0x8000, s30  }
0x107: {  	[tilespmem:s30], [sflag:s1] =	stream.indirect_vreg.gather [hbm4b:s9+s6], $0x80, v4, vm0, $0xb8;
	[tilespmem:$0x1CE00] =	vst v63  }
.LBB2_6:
0x108: {  	s1 =	smul.u32 $0xAB, s0;
	_ =	sdelay $0x1  }
0x109: {  	s1 =	sshrl.u32 s1, $0x9  }
0x10a: {  	s1 =	sand.u32 $0x7F, s1  }
0x10b: {  	s1 =	smul.u32 $0x3, s1;
	_ =	sdelay $0x1  }
0x10c: {  	s1 =	ssub.s32 s0, s1  }
.Ltmp7:
0x10d: {  	s1 =	sand.u32 $0xFF, s1;
	(pc) =	sbr.rel .LBB2_7-.Ltmp7, $4  }
0x10e: {  	s3 =	sadd.s32 $0x1, s1  }
0x10f: {  	s30 =	sshll.u32 s0, $0x6;
	_ =	swait.ge [sflag:s3], $0x8000  }
0x110: {  	s15 =	simm.s32 $0x0;
	s8 =	sshll.u32 s1, $0xF;
	[sflag:s3] =	ssyncset.done $0x0  }
0x111: {  	s1 =	sor.u32 s7, s30;
	[sflag:s3] =	ssyncadd.s32 $0xFFFF8000;
	s3 =	sor.u32 $0x800, s8  }
.LBB2_27:
0x112: {  	v31 =	vmov v10  }
0x113: {  	v32 =	vmovc v12;
	v33 =	vmovc v15;
	v34 =	vmov v17;
	v35 =	vmov v18;
	v36 =	vmov v16  }
0x114: {  	v22 =	vmovc v19;
	v21 =	vmovc v4;
	v23 =	vmov v5;
	v24 =	vmov v6;
	v25 =	vmov v7  }
0x115: {  	v27 =	vmovc v8;
	s8 =	smov.u32 s19;
	v26 =	vmovc v11;
	s20 =	smov.u32 s18;
	v29 =	vmov v13;
	v28 =	vmov v14;
	v30 =	vmov v9  }
.LBB2_37:
0x116: {  	v1 =	vld @p1 [tilespmem:s21+$0x800]  }
0x117: {  	v3 =	vld @p1 [tilespmem:s21+$0x810]  }
0x118: {  	v44 =	vld @p1 [tilespmem:s21+$0x820];
	v38 =	vmul.f32 @p2 v38, v20  }
0x119: {  	s10 =	spop (v2sf);
	v45 =	vld @p1 [tilespmem:s21+$0x830];
	v39 =	vmul.f32 @p2 v39, v20;
	v32 =	vadd.f32 @p2 v43, v32;
	v43 =	vpop @p1 (erf)  }
0x11a: {  	v31 =	vadd.f32 @p2 v42, v31;
	v42 =	vld @p1 [tilespmem:s21+$0x840];
	s10 =	ssub.f32 s10, s16;
	v37 =	vmul.f32 @p1 v37, v43;
	v33 =	vadd.f32 @p2 v38, v33  }
0x11b: {  	s8 =	sadd.s32 @p1 $0x200, s8;
	v38 =	vmul.f32 @p2 v40, v20;
	v40 =	vld @p1 [tilespmem:s21+$0x850];
	v34 =	vadd.f32 @p2 v39, v34;
	v20 =	vmul.f32 @p2 v41, v20  }
0x11c: {  	s19 =	smov.u32 @p1 s8;
	s8 =	sadd.s32 @p1 $0x80, s20;
	v41 =	vld @p1 [tilespmem:s21+$0x860];
	v31 =	vpsel p2, v31, v10;
	v32 =	vpsel p2, v32, v12;
	v60 =	vmov s10  }
0x11d: {  	v39 =	vld @p1 [tilespmem:s21+$0x870];
	s30 =	sand.u32 $0xFFFFF000, s19;
	s18 =	smov.u32 @p1 s8;
	v22 =	vadd.f32 @p1 v37, v22;
	v35 =	vadd.f32 @p2 v38, v35;
	v61 =	vmul.f32 $1.442695020e+00, v60  }
0x11e: {  	s8 =	sand.u32 $0x380, s18;
	s10 =	sadd.s32 s30, s3;
	v20 =	vadd.f32 @p2 v20, v36;
	v36 =	vld @p1 [tilespmem:s21+$0xC00];
	v33 =	vpsel p2, v33, v15;
	v1 =	vmul.f32 @p1 v43, v1  }
0x11f: {  	s8 =	sadd.s32 s8, s10;
	v34 =	vpsel p2, v34, v17;
	v3 =	vmul.f32 @p1 v43, v3;
	v37 =	vmul.f32 @p1 v43, v44;
	v44 =	vld @p1 [tilespmem:s21+$0xC10]  }
0x120: {  	v62 =	vld [tilespmem:s8+$0xC70];
	v19 =	vpsel p1, v22, v19;
	v38 =	vbroadcast v61, $0x0;
	v35 =	vpsel p2, v35, v18  }
0x121: {  	v63 =	vld [tilespmem:s8+$0x800];
	v20 =	vpsel p2, v20, v16;
	v1 =	vadd.f32 @p1 v1, v21;
	v21 =	vmul.f32 @p1 v43, v45  }
0x122: {  	v46 =	vld [tilespmem:s8+$0x850];
	v3 =	vadd.f32 @p1 v3, v23;
	v24 =	vadd.f32 @p1 v37, v24;
	v37 =	vmul.f32 @p1 v43, v42  }
0x123: {  	v23 =	vld @p1 [tilespmem:s21+$0xC20];
	(erf) = vpow2.f32 v38;
	v21 =	vadd.f32 @p1 v21, v25;
	v25 =	vmul.f32 @p1 v43, v40  }
0x124: {  	v38 =	vld @p1 [tilespmem:s21+$0xC30];
	v40 =	vmul.f32 @p1 v41, v43;
	v27 =	vadd.f32 @p1 v37, v27;
	v37 =	vmul.f32 @p1 v39, v43  }
0x125: {  	v47 =	vld [tilespmem:s8+$0x860];
	v36 =	vmul.f32 @p1 v36, v43;
	v1 =	vpsel p1, v1, v4;
	v3 =	vpsel p1, v3, v5  }
0x126: {  	v41 =	vld @p1 [tilespmem:s21+$0xC40];
	v6 =	vpsel p1, v24, v6;
	v25 =	vadd.f32 @p1 v25, v26;
	v26 =	vadd.f32 @p1 v40, v29  }
0x127: {  	v39 =	vld @p1 [tilespmem:s21+$0xC50];
	v29 =	vmul.f32 @p1 v44, v43;
	v28 =	vadd.f32 @p1 v37, v28;
	v30 =	vadd.f32 @p1 v36, v30  }
0x128: {  	v52 =	vld [tilespmem:s8+$0xC00];
	v36 =	vpsel p1, v43, v0;
	v7 =	vpsel p1, v21, v7;
	v8 =	vpsel p1, v27, v8  }
0x129: {  	v40 =	vld @p1 [tilespmem:s21+$0xC60];
	v23 =	vmul.f32 @p1 v23, v43;
	v29 =	vpsel p1, v29, v0;
	v38 =	vpsel p1, v38, v0  }
0x12a: {  	v4 =	vld [tilespmem:s8+$0x820];
	v11 =	vpsel p1, v25, v11;
	v13 =	vpsel p1, v26, v13;
	v14 =	vpsel p1, v28, v14  }
0x12b: {  	v44 =	vld [tilespmem:s8+$0x810];
	v9 =	vpsel p1, v30, v9;
	v23 =	vpsel p1, v23, v0;
	v41 =	vpsel p1, v41, v0  }
0x12c: {  	v5 =	vld [tilespmem:s8+$0x830];
	v39 =	vpsel p1, v39, v0;
	v24 =	vmul.f32 @p1 v38, v36;
	v27 =	vadd.f32 @p1 v29, v31  }
0x12d: {  	v55 =	vld [tilespmem:s8+$0xC20];
	v25 =	vmul.f32 @p1 v41, v36;
	v23 =	vadd.f32 @p1 v23, v32;
	v28 =	vmul.f32 @p1 v39, v36  }
0x12e: {  	v58 =	vld [tilespmem:s8+$0xC40];
	v40 =	vpsel p1, v40, v0;
	v24 =	vadd.f32 @p1 v24, v33;
	v10 =	vpsel p1, v27, v10;
	v48 =	vpop (erf)  }
0x12f: {  	v45 =	vld [tilespmem:s8+$0x840];
	v25 =	vadd.f32 @p1 v25, v34;
	v32 =	vmul.f32 @p1 v40, v36;
	v51 =	vmul.f32 v48, v63  }
0x130: {  	v60 =	vld [tilespmem:s8+$0xC50];
	v28 =	vadd.f32 @p1 v28, v35;
	v50 =	vmul.f32 v62, v48;
	v22 =	vmul.f32 v48, v44  }
0x131: {  	v49 =	vld [tilespmem:s8+$0x870];
	v53 =	vmul.f32 v48, v4;
	v4 =	vadd.f32 v51, v1;
	v1 =	vmul.f32 v48, v5  }
0x132: {  	v12 =	vpsel p1, v23, v12;
	v57 =	vmul.f32 v47, v48;
	v59 =	vmul.f32 v52, v48  }
0x133: {  	v54 =	vld [tilespmem:s8+$0xC10];
	v61 =	vmul.f32 v55, v48;
	v7 =	vadd.f32 v1, v7;
	v1 =	vmul.f32 v48, v46  }
0x134: {  	v56 =	vld [tilespmem:s8+$0xC30];
	v15 =	vpsel p1, v24, v15;
	v5 =	vadd.f32 v22, v3;
	v3 =	vmul.f32 v48, v45  }
0x135: {  	v62 =	vmul.f32 v58, v48;
	v63 =	vmul.f32 v60, v48;
	v11 =	vadd.f32 v1, v11;
	v1 =	vld [tilespmem:s8+$0xC60]  }
0x136: {  	v20 =	vadd.f32 @p1 v32, v20;
	v8 =	vadd.f32 v3, v8;
	v3 =	vmul.f32 v49, v48  }
0x137: {  	v17 =	vpsel p1, v25, v17;
	v19 =	vadd.f32 v50, v19;
	v6 =	vadd.f32 v53, v6  }
0x138: {  	v13 =	vadd.f32 v57, v13;
	v14 =	vadd.f32 v3, v14;
	v3 =	vmul.f32 v54, v48  }
0x139: {  	v18 =	vpsel p1, v28, v18;
	v9 =	vadd.f32 v59, v9;
	v12 =	vadd.f32 v61, v12  }
0x13a: {  	v10 =	vadd.f32 v3, v10;
	v3 =	vmul.f32 v56, v48;
	v1 =	vmul.f32 v1, v48  }
0x13b: {  	v17 =	vadd.f32 v62, v17;
	v18 =	vadd.f32 v63, v18;
	v16 =	vpsel p1, v20, v16  }
0x13c: {  	v15 =	vadd.f32 v3, v15;
	v16 =	vadd.f32 v1, v16  }
.LBB2_38:
0x13d: {  	[tilespmem:s22+$0x800] =	vst.add.f32.msk $0xffff, v4  }
0x13e: {  	[tilespmem:s22+$0x810] =	vst.add.f32.msk $0xffff, v5  }
0x13f: {  	[tilespmem:s22+$0x820] =	vst.add.f32.msk $0xffff, v6  }
0x140: {  	[tilespmem:s22+$0x830] =	vst.add.f32.msk $0xffff, v7  }
0x141: {  	[tilespmem:s22+$0x840] =	vst.add.f32.msk $0xffff, v8  }
0x142: {  	[tilespmem:s22+$0x850] =	vst.add.f32.msk $0xffff, v11  }
0x143: {  	[tilespmem:s22+$0x860] =	vst.add.f32.msk $0xffff, v13  }
0x144: {  	[tilespmem:s22+$0x870] =	vst.add.f32.msk $0xffff, v14  }
0x145: {  	[tilespmem:s22+$0xC00] =	vst.add.f32.msk $0xffff, v9  }
0x146: {  	[tilespmem:s22+$0xC10] =	vst.add.f32.msk $0xffff, v10  }
0x147: {  	[tilespmem:s22+$0xC20] =	vst.add.f32.msk $0xffff, v12  }
0x148: {  	[tilespmem:s22+$0xC40] =	vst.add.f32.msk $0xffff, v17  }
0x149: {  	[tilespmem:s22+$0xC50] =	vst.add.f32.msk $0xffff, v18  }
0x14a: {  	[tilespmem:s22+$0xC70] =	vst.add.f32.msk $0xffff, v19  }
0x14b: {  	[tilespmem:s22+$0xC30] =	vst.add.f32.msk $0xffff, v15  }
0x14c: {  	[tilespmem:s22+$0xC60] =	vst.add.f32.msk $0xffff, v16  }
.LBB2_39:
0x14d: {  	s15 =	sadd.s32 $0x1, s15  }
0x14e: {  	p1 =	sne.s32 s15, $0x10  }
.Ltmp8:
0x14f: {  	_ = 	snop;
	(pc) =	sbr.rel @!p1 .LBB2_40-.Ltmp8, $1  }
0x150: {  	_ =	sdelay $0x3  }
.LBB2_7:
0x151: {  	v4 =	vld [tilespmem:s15+$0x1C880]  }
0x152: {  	v5 =	vld [tilespmem:s15+$0x1C881];
	_ =	sdelay $0x3  }
0x153: {  	(v2sf) =	vpush v4, $0x0  }
0x154: {  	(v2sf) =	vpush v5, $0x0;
	_ =	sdelay $0x5  }
0x155: {  	v4 =	vld [tilespmem:s15+$0x1C900];
	_ =	sdelay $0x4  }
0x156: {  	(v2sf) =	vpush v4, $0x0;
	_ =	sdelay $0x2  }
0x157: {  	s8 =	spop (v2sf)  }
0x158: {  	s16 =	spop (v2sf)  }
0x159: {  	s17 =	ssub.s32 s8, s1;
	s16 =	ssub.s32 s16, s1  }
0x15a: {  	p1 =	sgt.s32 s17, $0x0;
	p2 =	sgt.s32 s16, $0x0  }
0x15b: {  	s17 =	simm.s32 @!p1 $0x0;
	s16 =	simm.s32 @!p2 $0x0  }
0x15c: {  	s20 =	smin.u32 s17, $0x40;
	s17 =	smin.u32 s16, $0x40  }
0x15d: {  	s18 =	ssub.s32 s17, s20  }
0x15e: {  	p1 =	slt.s32 s18, $0x1  }
.Ltmp9:
0x15f: {  	_ = 	snop;
	(pc) =	sbr.rel @p1 .LBB2_39-.Ltmp9, $2  }
0x160: {  	_ =	sdelay $0x2  }
0x161: {  	s16 =	spop (v2sf)  }
0x162: {  	p1 =	sgt.s32 s18, $0x0;
	s19 =	simm.s32 $0x1  }
0x163: {  	s21 =	sshll.u32 s18, $0x18;
	s22 =	sshra.s32 s18, $0x1F;
	s19 =	simm.s32 @!p1 $0x0  }
0x164: {  	s29 =	sand.u32 $0x3, s18;
	s21 =	sshra.s32 s21, $0x1F;
	s19 =	sadd.s32 s19, s22  }
0x165: {  	p2 =	sne.s32 s29, $0x0;
	s21 =	sand.u32 $0x3, s21;
	p6 =	sne.s32 s19, $0x1  }
0x166: {  	s30 =	sadd.s32 s21, s18;
	p1 =	por !p2, !p6  }
0x167: {  	s19 =	simm.s32 $0x1;
	s18 =	sshll.u32 s30, $0x18;
	p1 =	por !p1, !p1  }
0x168: {  	s18 =	sshra.s32 s18, $0x1A;
	s19 =	simm.s32 @!p1 $0x0  }
0x169: {  	s18 =	ssub.s32 s18, s19  }
0x16a: {  	p2 =	slt.s32 s18, $0x1  }
.Ltmp10:
0x16b: {  	_ = 	snop;
	(pc) =	sbr.rel @p2 .LBB2_9-.Ltmp10, $3  }
0x16c: {  	_ =	sdelay $0x1  }
0x16d: {  	s19 =	sadd.s32 s8, s13  }
0x16e: {  	v4 =	vbroadcast v4, $0x0;
	p1 =	sgt.s32 s19, $0x0  }
0x16f: {  	s8 =	smov.u32 s19  }
0x170: {  	s8 =	simm.s32 @!p1 $0x0  }
0x171: {  	s8 =	smin.u32 s8, $0x40  }
0x172: {  	s23 =	sshll.u32 s8, $0x9  }
0x173: {  	s24 =	sshll.u32 s8, $0x7;
	s25 =	sadd.s32 s8, s4;
	s30 =	sand.u32 $0xFFFFF000, s23  }
0x174: {  	s21 =	sand.u32 $0x380, s24;
	s26 =	sadd.s32 $0x600, s23;
	s8 =	sadd.s32 s30, s3  }
0x175: {  	v5 =	vld [tilespmem:s25+$0x0];
	s10 =	sand.u32 $0xFFFFF000, s26;
	s26 =	sadd.s32 $0x180, s24;
	s22 =	sadd.s32 s21, s8  }
0x176: {  	s21 =	sand.u32 $0x380, s26;
	s8 =	sadd.s32 s10, s3;
	v6 =	vld [tilespmem:s22+$0x0]  }
0x177: {  	v7 =	vld [tilespmem:s22+$0x10];
	s21 =	sadd.s32 s21, s8  }
0x178: {  	v8 =	vld [tilespmem:s21+$0x0]  }
0x179: {  	v9 =	vld [tilespmem:s21+$0x10]  }
0x17a: {  	v10 =	vld [tilespmem:s21+$0x20]  }
0x17b: {  	v12 =	vld [tilespmem:s21+$0x30]  }
0x17c: {  	v13 =	vld [tilespmem:s21+$0x40];
	v5 =	vsub.f32 v5, v4  }
0x17d: {  	v14 =	vld [tilespmem:s21+$0x50]  }
0x17e: {  	v15 =	vld [tilespmem:s21+$0x60];
	v5 =	vmul.f32 $1.442695020e+00, v5  }
0x17f: {  	v16 =	vld [tilespmem:s21+$0x70]  }
0x180: {  	v20 =	vld [tilespmem:s21+$0x410];
	(erf) = vpow2.f32 v5  }
0x181: {  	s30 =	sadd.s32 $0x400, s23;
	v21 =	vld [tilespmem:s21+$0x420]  }
0x182: {  	s10 =	sadd.s32 $0x100, s24;
	s8 =	sand.u32 $0xFFFFF000, s30;
	v22 =	vld [tilespmem:s21+$0x430]  }
0x183: {  	s26 =	sand.u32 $0x380, s10;
	s8 =	sadd.s32 s8, s3;
	v23 =	vld [tilespmem:s21+$0x440]  }
0x184: {  	v24 =	vld [tilespmem:s21+$0x450];
	s26 =	sadd.s32 s26, s8  }
0x185: {  	v25 =	vld [tilespmem:s26+$0x0]  }
0x186: {  	v26 =	vld [tilespmem:s26+$0x10]  }
0x187: {  	v31 =	vld [tilespmem:s26+$0x20]  }
0x188: {  	v32 =	vld [tilespmem:s26+$0x30]  }
0x189: {  	v37 =	vld [tilespmem:s26+$0x40];
	v19 =	vpop (erf)  }
0x18a: {  	v38 =	vld [tilespmem:s26+$0x50];
	v17 =	vbroadcast v19, $0x3;
	v18 =	vbroadcast v19, $0x2  }
0x18b: {  	v5 =	vld [tilespmem:s21+$0x400];
	v11 =	vbroadcast v19, $0x0;
	v19 =	vbroadcast v19, $0x1  }
0x18c: {  	v43 =	vmul.f32 v8, v17;
	v8 =	vld [tilespmem:s26+$0x60];
	v44 =	vmul.f32 v9, v17  }
0x18d: {  	v41 =	vmul.f32 v10, v17;
	v9 =	vld [tilespmem:s26+$0x70];
	v42 =	vmul.f32 v12, v17  }
0x18e: {  	v35 =	vmul.f32 v13, v17;
	v10 =	vld [tilespmem:s26+$0x400];
	v36 =	vmul.f32 v14, v17  }
0x18f: {  	v33 =	vmul.f32 v15, v17;
	v12 =	vld [tilespmem:s26+$0x410];
	v34 =	vmul.f32 v16, v17  }
0x190: {  	s30 =	sadd.s32 $0x200, s23;
	v27 =	vmul.f32 v5, v17;
	v5 =	vld [tilespmem:s26+$0x420];
	v29 =	vmul.f32 v20, v17  }
0x191: {  	s28 =	sadd.s32 $0x80, s24;
	s8 =	sand.u32 $0xFFFFF000, s30;
	v28 =	vmul.f32 v21, v17;
	v13 =	vld [tilespmem:s26+$0x430];
	v30 =	vmul.f32 v22, v17  }
0x192: {  	s28 =	sand.u32 $0x380, s28;
	s8 =	sadd.s32 s8, s3;
	v20 =	vmul.f32 v23, v17;
	v14 =	vld [tilespmem:s26+$0x440];
	v21 =	vmul.f32 v24, v17  }
0x193: {  	s29 =	sadd.s32 s28, s8;
	v51 =	vmul.f32 v25, v18;
	v53 =	vmul.f32 v26, v18;
	v15 =	vld [tilespmem:s26+$0x450]  }
0x194: {  	v52 =	vmul.f32 v31, v18;
	v16 =	vld [tilespmem:s29+$0x0];
	v54 =	vmul.f32 v32, v18  }
0x195: {  	v47 =	vmul.f32 v37, v18;
	v48 =	vmul.f32 v38, v18;
	v22 =	vld [tilespmem:s22+$0x20]  }
0x196: {  	v6 =	vmul.f32 v11, v6;
	v45 =	vmul.f32 v8, v18;
	v8 =	vld [tilespmem:s22+$0x30]  }
0x197: {  	v7 =	vmul.f32 v11, v7;
	v26 =	vimm.f32 $0.0e+00;
	v46 =	vmul.f32 v9, v18;
	v9 =	vld [tilespmem:s29+$0x10]  }
0x198: {  	v24 =	vimm.f32 $0.0e+00;
	v37 =	vmul.f32 v10, v18;
	v38 =	vmul.f32 v5, v18;
	v5 =	vld [tilespmem:s29+$0x20]  }
0x199: {  	v25 =	vimm.f32 $0.0e+00;
	v39 =	vmul.f32 v12, v18;
	v40 =	vmul.f32 v13, v18;
	v10 =	vld [tilespmem:s29+$0x30]  }
0x19a: {  	v23 =	vimm.f32 $0.0e+00;
	v31 =	vmul.f32 v14, v18;
	v32 =	vmul.f32 v15, v18;
	v14 =	vld [tilespmem:s29+$0x40]  }
0x19b: {  	v13 =	vmul.f32 v16, v19;
	v12 =	vimm.f32 $0.0e+00;
	v15 =	vmul.f32 v11, v22  }
0x19c: {  	p3 =	sne.s32 s18, $0x1;
	v16 =	vimm.f32 $0.0e+00;
	v22 =	vimm.f32 $0.0e+00;
	v6 =	vadd.f32 v6, v12  }
.Ltmp11:
0x19d: {  	v50 =	vld [tilespmem:s29+$0x50];
	v7 =	vadd.f32 v7, v12;
	v58 =	vadd.f32 v15, v12;
	v8 =	vmul.f32 v11, v8;
	(pc) =	sbr.rel @!p3 .LBB2_12-.Ltmp11, $4  }
0x19e: {  	v55 =	vld [tilespmem:s22+$0x40];
	v15 =	vimm.f32 $0.0e+00;
	v9 =	vmul.f32 v9, v19;
	v56 =	vmul.f32 v5, v19  }
0x19f: {  	v60 =	vmul.f32 v10, v19;
	v49 =	vmul.f32 v14, v19;
	v14 =	vimm.f32 $0.0e+00;
	v5 =	vld [tilespmem:s22+$0x50]  }
0x1a0: {  	v10 =	vimm.f32 $0.0e+00;
	v59 =	vadd.f32 v8, v12;
	v8 =	vadd.f32 v13, v6;
	v6 =	vld [tilespmem:s22+$0x60]  }
0x1a1: {  	s28 =	sadd.s32 $0xFFFFFFFF, s18;
	v57 =	vadd.f32 v9, v7;
	v9 =	vimm.f32 $0.0e+00;
	v13 =	vimm.f32 $0.0e+00;
	v7 =	vld [tilespmem:s22+$0x70]  }
.LBB2_11:
0x1a2: {  	p3 =	sne.s32 s28, $0x1;
	v56 =	vadd.f32 v56, v58;
	v58 =	vadd.f32 v60, v59;
	v50 =	vmul.f32 v50, v19;
	v59 =	vld [tilespmem:s29+$0x60]  }
0x1a3: {  	v55 =	vmul.f32 v55, v11;
	v60 =	vld [tilespmem:s29+$0x70];
	v8 =	vadd.f32 v51, v8;
	v51 =	vadd.f32 v53, v57  }
0x1a4: {  	v53 =	vmul.f32 v5, v11;
	v57 =	vld [tilespmem:s29+$0x400];
	v52 =	vadd.f32 v52, v56;
	v54 =	vadd.f32 v54, v58  }
0x1a5: {  	v56 =	vmul.f32 v6, v11;
	v58 =	vld [tilespmem:s29+$0x410];
	v5 =	vadd.f32 v43, v8;
	v6 =	vadd.f32 v44, v51  }
0x1a6: {  	v43 =	vmul.f32 v7, v11;
	v44 =	vld [tilespmem:s22+$0x400];
	v7 =	vadd.f32 v41, v52;
	v8 =	vadd.f32 v42, v54  }
0x1a7: {  	v12 =	vadd.f32 v55, v12;
	v16 =	vadd.f32 v53, v16;
	v41 =	vld [tilespmem:s22+$0x410];
	v42 =	vmul.f32 v59, v19  }
0x1a8: {  	v14 =	vadd.f32 v56, v14;
	v15 =	vadd.f32 v43, v15;
	v43 =	vld [tilespmem:s22+$0x420];
	v51 =	vmul.f32 v60, v19  }
0x1a9: {  	v12 =	vadd.f32 v49, v12;
	v16 =	vadd.f32 v50, v16;
	v52 =	vld [tilespmem:s22+$0x430];
	v49 =	vmul.f32 v57, v19  }
0x1aa: {  	v14 =	vadd.f32 v42, v14;
	v15 =	vadd.f32 v51, v15;
	v42 =	vmul.f32 v58, v19;
	v50 =	vld [tilespmem:s29+$0x420]  }
0x1ab: {  	v12 =	vadd.f32 v47, v12;
	v16 =	vadd.f32 v48, v16;
	v44 =	vmul.f32 v44, v11;
	v51 =	vld [tilespmem:s29+$0x430]  }
0x1ac: {  	v14 =	vadd.f32 v45, v14;
	v41 =	vmul.f32 v41, v11;
	v47 =	vld [tilespmem:s29+$0x440];
	v15 =	vadd.f32 v46, v15  }
0x1ad: {  	v12 =	vadd.f32 v35, v12;
	v16 =	vadd.f32 v36, v16;
	v43 =	vmul.f32 v43, v11;
	v45 =	vld [tilespmem:s29+$0x450]  }
0x1ae: {  	v14 =	vadd.f32 v33, v14;
	v35 =	vmul.f32 v52, v11;
	v36 =	vld [tilespmem:s22+$0x440];
	v15 =	vadd.f32 v34, v15  }
0x1af: {  	v9 =	vadd.f32 v44, v9;
	v10 =	vadd.f32 v41, v10;
	v33 =	vld [tilespmem:s22+$0x450];
	v34 =	vmul.f32 v50, v19  }
0x1b0: {  	v13 =	vadd.f32 v43, v13;
	v26 =	vadd.f32 v35, v26;
	v35 =	vld [tilespmem:s22+$0x460];
	v41 =	vmul.f32 v51, v19  }
0x1b1: {  	v9 =	vadd.f32 v49, v9;
	v10 =	vadd.f32 v42, v10;
	v43 =	vld [tilespmem:s22+$0x470];
	v42 =	vmul.f32 v47, v19  }
0x1b2: {  	v13 =	vadd.f32 v34, v13;
	v26 =	vadd.f32 v41, v26;
	v34 =	vmul.f32 v45, v19;
	v41 =	vld [tilespmem:s29+$0x460]  }
0x1b3: {  	v9 =	vadd.f32 v37, v9;
	v10 =	vadd.f32 v39, v10;
	v36 =	vmul.f32 v36, v11;
	v44 =	vld [tilespmem:s29+$0x470]  }
0x1b4: {  	v13 =	vadd.f32 v38, v13;
	v33 =	vmul.f32 v33, v11;
	v26 =	vadd.f32 v40, v26;
	v37 =	vld [tilespmem:s26+$0x460]  }
0x1b5: {  	s23 =	sadd.s32 $0x800, s23;
	v9 =	vadd.f32 v27, v9;
	v10 =	vadd.f32 v29, v10;
	v35 =	vmul.f32 v35, v11;
	v38 =	vld [tilespmem:s26+$0x470]  }
0x1b6: {  	s24 =	sadd.s32 $0x200, s24;
	s25 =	sadd.s32 $0x4, s25;
	s8 =	sand.u32 $0xFFFFF000, s23;
	v13 =	vadd.f32 v28, v13;
	v11 =	vmul.f32 v43, v11;
	v26 =	vadd.f32 v30, v26;
	v27 =	vld [tilespmem:s21+$0x460]  }
0x1b7: {  	s8 =	sadd.s32 s8, s3;
	s22 =	sand.u32 $0x380, s24;
	s26 =	sadd.s32 $0x600, s23;
	v24 =	vadd.f32 v36, v24;
	v25 =	vadd.f32 v33, v25;
	v28 =	vmul.f32 v41, v19;
	v29 =	vld [tilespmem:s21+$0x470]  }
0x1b8: {  	s22 =	sadd.s32 s22, s8;
	s8 =	sand.u32 $0xFFFFF000, s26;
	s21 =	sadd.s32 $0x180, s24;
	v22 =	vadd.f32 v35, v22;
	v30 =	vld [tilespmem:s25+$0x0];
	v11 =	vadd.f32 v11, v23;
	v19 =	vmul.f32 v44, v19  }
0x1b9: {  	s8 =	sadd.s32 s8, s3;
	s21 =	sand.u32 $0x380, s21;
	v23 =	vadd.f32 v42, v24;
	v24 =	vadd.f32 v34, v25;
	v49 =	vld [tilespmem:s22+$0x0];
	v25 =	vmul.f32 v37, v18  }
0x1ba: {  	s21 =	sadd.s32 s21, s8;
	v22 =	vadd.f32 v28, v22;
	v50 =	vld [tilespmem:s22+$0x10];
	v11 =	vadd.f32 v19, v11;
	v18 =	vmul.f32 v38, v18  }
0x1bb: {  	v19 =	vadd.f32 v31, v23;
	v23 =	vadd.f32 v32, v24;
	v28 =	vld [tilespmem:s21+$0x0];
	v27 =	vmul.f32 v27, v17  }
0x1bc: {  	v22 =	vadd.f32 v25, v22;
	v31 =	vld [tilespmem:s21+$0x10];
	v11 =	vadd.f32 v18, v11;
	v17 =	vmul.f32 v29, v17  }
0x1bd: {  	v24 =	vadd.f32 v20, v19;
	v25 =	vadd.f32 v21, v23;
	v29 =	vld [tilespmem:s21+$0x20]  }
0x1be: {  	v22 =	vadd.f32 v27, v22;
	v20 =	vld [tilespmem:s21+$0x30];
	v23 =	vadd.f32 v17, v11  }
0x1bf: {  	v11 =	vsub.f32 v30, v4;
	v21 =	vld [tilespmem:s21+$0x40]  }
0x1c0: {  	v27 =	vld [tilespmem:s21+$0x50]  }
0x1c1: {  	v11 =	vmul.f32 $1.442695020e+00, v11;
	v30 =	vld [tilespmem:s21+$0x60]  }
0x1c2: {  	v32 =	vld [tilespmem:s21+$0x70]  }
0x1c3: {  	v37 =	vld [tilespmem:s21+$0x400];
	(erf) = vpow2.f32 v11  }
0x1c4: {  	v38 =	vld [tilespmem:s21+$0x410]  }
0x1c5: {  	s8 =	sadd.s32 $0x400, s23;
	v39 =	vld [tilespmem:s21+$0x420]  }
0x1c6: {  	s26 =	sadd.s32 $0x100, s24;
	s8 =	sand.u32 $0xFFFFF000, s8;
	v40 =	vld [tilespmem:s21+$0x430]  }
0x1c7: {  	s26 =	sand.u32 $0x380, s26;
	s8 =	sadd.s32 s8, s3;
	v45 =	vld [tilespmem:s21+$0x440]  }
0x1c8: {  	s26 =	sadd.s32 s26, s8;
	v46 =	vld [tilespmem:s21+$0x450]  }
0x1c9: {  	v47 =	vld [tilespmem:s26+$0x0]  }
0x1ca: {  	v48 =	vld [tilespmem:s26+$0x10]  }
0x1cb: {  	v52 =	vld [tilespmem:s26+$0x20]  }
0x1cc: {  	v54 =	vld [tilespmem:s26+$0x30];
	v19 =	vpop (erf)  }
0x1cd: {  	v18 =	vbroadcast v19, $0x2;
	v55 =	vld [tilespmem:s26+$0x40];
	v17 =	vbroadcast v19, $0x3  }
0x1ce: {  	v11 =	vbroadcast v19, $0x0;
	v19 =	vbroadcast v19, $0x1;
	v56 =	vld [tilespmem:s26+$0x50]  }
0x1cf: {  	v57 =	vld [tilespmem:s26+$0x60];
	v43 =	vmul.f32 v28, v17;
	v44 =	vmul.f32 v31, v17  }
0x1d0: {  	v41 =	vmul.f32 v29, v17;
	v42 =	vmul.f32 v20, v17;
	v31 =	vld [tilespmem:s26+$0x70]  }
0x1d1: {  	v35 =	vmul.f32 v21, v17;
	v36 =	vmul.f32 v27, v17;
	v58 =	vld [tilespmem:s26+$0x400]  }
0x1d2: {  	v33 =	vmul.f32 v30, v17;
	v34 =	vmul.f32 v32, v17;
	v59 =	vld [tilespmem:s26+$0x410]  }
0x1d3: {  	s8 =	sadd.s32 $0x200, s23;
	v27 =	vmul.f32 v37, v17;
	v29 =	vmul.f32 v38, v17;
	v32 =	vld [tilespmem:s26+$0x420]  }
0x1d4: {  	s29 =	sadd.s32 $0x80, s24;
	s8 =	sand.u32 $0xFFFFF000, s8;
	v28 =	vmul.f32 v39, v17;
	v30 =	vmul.f32 v40, v17;
	v60 =	vld [tilespmem:s26+$0x430]  }
0x1d5: {  	s29 =	sand.u32 $0x380, s29;
	s8 =	sadd.s32 s8, s3;
	v20 =	vmul.f32 v45, v17;
	v21 =	vmul.f32 v46, v17;
	v61 =	vld [tilespmem:s26+$0x440]  }
0x1d6: {  	s29 =	sadd.s32 s29, s8;
	v51 =	vmul.f32 v47, v18;
	v53 =	vmul.f32 v48, v18;
	v62 =	vld [tilespmem:s26+$0x450]  }
0x1d7: {  	v52 =	vmul.f32 v52, v18;
	v54 =	vmul.f32 v54, v18;
	v63 =	vld [tilespmem:s29+$0x0]  }
0x1d8: {  	v47 =	vmul.f32 v55, v18;
	v48 =	vmul.f32 v56, v18;
	v1 =	vld [tilespmem:s29+$0x10]  }
0x1d9: {  	v45 =	vmul.f32 v57, v18;
	v46 =	vmul.f32 v31, v18;
	v55 =	vld [tilespmem:s22+$0x20]  }
0x1da: {  	v37 =	vmul.f32 v58, v18;
	v39 =	vmul.f32 v59, v18;
	v56 =	vld [tilespmem:s22+$0x30]  }
0x1db: {  	v38 =	vmul.f32 v32, v18;
	v40 =	vmul.f32 v60, v18;
	v57 =	vld [tilespmem:s29+$0x20]  }
0x1dc: {  	v31 =	vmul.f32 v61, v18;
	v32 =	vmul.f32 v62, v18;
	v60 =	vld [tilespmem:s29+$0x30]  }
0x1dd: {  	v61 =	vmul.f32 v63, v19;
	v1 =	vmul.f32 v1, v19;
	v62 =	vld [tilespmem:s29+$0x40]  }
.Ltmp12:
0x1de: {  	v49 =	vmul.f32 v11, v49;
	v58 =	vmul.f32 v11, v50;
	v50 =	vld [tilespmem:s29+$0x50];
	(pc) =	sbr.rel @p3 .LBB2_11-.Ltmp12, $4  }
0x1df: {  	v59 =	vmul.f32 v11, v55;
	v63 =	vmul.f32 v11, v56;
	v55 =	vld [tilespmem:s22+$0x40]  }
0x1e0: {  	v49 =	vadd.f32 v49, v5;
	v3 =	vadd.f32 v58, v6;
	v5 =	vld [tilespmem:s22+$0x50];
	v56 =	vmul.f32 v57, v19  }
0x1e1: {  	v58 =	vadd.f32 v59, v7;
	v59 =	vadd.f32 v63, v8;
	v6 =	vld [tilespmem:s22+$0x60];
	v60 =	vmul.f32 v60, v19  }
0x1e2: {  	s28 =	sadd.s32 $0xFFFFFFFF, s28;
	v57 =	vadd.f32 v1, v3;
	v8 =	vadd.f32 v61, v49;
	v7 =	vld [tilespmem:s22+$0x70];
	v49 =	vmul.f32 v62, v19  }
.LBB2_12:
0x1e3: {  	v1 =	vadd.f32 v56, v58;
	v3 =	vadd.f32 v60, v59;
	v50 =	vmul.f32 v50, v19;
	v56 =	vld [tilespmem:s29+$0x60]  }
0x1e4: {  	v60 =	vld [tilespmem:s22+$0x400];
	v55 =	vmul.f32 v55, v11;
	v8 =	vadd.f32 v51, v8;
	v61 =	vadd.f32 v53, v57  }
0x1e5: {  	v58 =	vld [tilespmem:s29+$0x70];
	v62 =	vmul.f32 v5, v11;
	v1 =	vadd.f32 v52, v1;
	v3 =	vadd.f32 v54, v3  }
0x1e6: {  	v57 =	vld [tilespmem:s29+$0x400];
	v63 =	vmul.f32 v6, v11;
	v5 =	vadd.f32 v43, v8;
	v6 =	vadd.f32 v44, v61  }
0x1e7: {  	v54 =	vld [tilespmem:s29+$0x410];
	v59 =	vmul.f32 v7, v11;
	v7 =	vadd.f32 v41, v1;
	v8 =	vadd.f32 v42, v3  }
0x1e8: {  	v61 =	vld [tilespmem:s22+$0x420];
	v1 =	vadd.f32 v55, v12;
	v3 =	vadd.f32 v62, v16;
	v16 =	vmul.f32 v56, v19  }
0x1e9: {  	v12 =	vld [tilespmem:s22+$0x410];
	v14 =	vadd.f32 v63, v14;
	v44 =	vmul.f32 v60, v11;
	v15 =	vadd.f32 v59, v15  }
0x1ea: {  	v55 =	vld [tilespmem:s29+$0x420];
	v62 =	vmul.f32 v58, v19;
	v1 =	vadd.f32 v49, v1;
	v3 =	vadd.f32 v50, v3  }
0x1eb: {  	v63 =	vld [tilespmem:s22+$0x430];
	v49 =	vmul.f32 v57, v19;
	v14 =	vadd.f32 v16, v14;
	v9 =	vadd.f32 v44, v9  }
0x1ec: {  	v56 =	vld [tilespmem:s29+$0x430];
	v54 =	vmul.f32 v54, v19;
	v15 =	vadd.f32 v62, v15;
	v1 =	vadd.f32 v47, v1  }
0x1ed: {  	v58 =	vld [tilespmem:s29+$0x440];
	v3 =	vadd.f32 v48, v3;
	v41 =	vmul.f32 v61, v11;
	v16 =	vadd.f32 v45, v14  }
0x1ee: {  	v60 =	vld [tilespmem:s29+$0x450];
	v57 =	vmul.f32 v12, v11;
	v9 =	vadd.f32 v49, v9;
	v59 =	vadd.f32 v46, v15  }
0x1ef: {  	v61 =	vld [tilespmem:s22+$0x450];
	v62 =	vmul.f32 v55, v19;
	v12 =	vadd.f32 v35, v1;
	v14 =	vadd.f32 v36, v3  }
0x1f0: {  	v47 =	vld [tilespmem:s22+$0x470];
	v1 =	vmul.f32 v63, v11;
	v13 =	vadd.f32 v41, v13;
	v15 =	vadd.f32 v33, v16  }
0x1f1: {  	v3 =	vld [tilespmem:s22+$0x440];
	v45 =	vmul.f32 v56, v19;
	v10 =	vadd.f32 v57, v10;
	v9 =	vadd.f32 v37, v9  }
0x1f2: {  	v63 =	vld [tilespmem:s22+$0x460];
	v50 =	vmul.f32 v58, v19;
	v1 =	vadd.f32 v1, v26;
	v13 =	vadd.f32 v62, v13  }
0x1f3: {  	v52 =	vld [tilespmem:s29+$0x460];
	v51 =	vmul.f32 v60, v19;
	v16 =	vadd.f32 v34, v59;
	v10 =	vadd.f32 v54, v10  }
0x1f4: {  	v53 =	vld [tilespmem:s29+$0x470];
	v33 =	vmul.f32 v61, v11;
	v1 =	vadd.f32 v45, v1;
	v13 =	vadd.f32 v38, v13  }
0x1f5: {  	v55 =	vld [tilespmem:s26+$0x460];
	v57 =	vmul.f32 v47, v11;
	v54 =	vadd.f32 v39, v10;
	v10 =	vadd.f32 v27, v9  }
0x1f6: {  	v56 =	vld [tilespmem:s26+$0x470];
	v3 =	vmul.f32 v3, v11;
	v58 =	vadd.f32 v33, v25;
	v1 =	vadd.f32 v40, v1  }
0x1f7: {  	v60 =	vld [tilespmem:s21+$0x470];
	v26 =	vmul.f32 v63, v11;
	v23 =	vadd.f32 v57, v23;
	v11 =	vadd.f32 v28, v13  }
0x1f8: {  	v59 =	vmul.f32 v52, v19;
	v3 =	vadd.f32 v3, v24;
	v13 =	vadd.f32 v30, v1;
	v1 =	vld [tilespmem:s21+$0x460]  }
0x1f9: {  	v19 =	vmul.f32 v53, v19;
	v9 =	vadd.f32 v29, v54;
	v22 =	vadd.f32 v26, v22  }
0x1fa: {  	v61 =	vmul.f32 v55, v18;
	v24 =	vadd.f32 v51, v58;
	v3 =	vadd.f32 v50, v3  }
.Ltmp13:
0x1fb: {  	v18 =	vmul.f32 v56, v18;
	v19 =	vadd.f32 v19, v23;
	v22 =	vadd.f32 v59, v22;
	(pc) =	sbr.rel .LBB2_13-.Ltmp13, $4  }
0x1fc: {  	v63 =	vmul.f32 v60, v17;
	v23 =	vadd.f32 v32, v24;
	v3 =	vadd.f32 v31, v3  }
0x1fd: {  	v62 =	vadd.f32 v18, v19;
	v22 =	vadd.f32 v61, v22;
	v1 =	vmul.f32 v1, v17  }
0x1fe: {  	v19 =	vadd.f32 v21, v23;
	v18 =	vadd.f32 v20, v3  }
0x1ff: {  	v20 =	vadd.f32 v63, v62;
	v17 =	vadd.f32 v1, v22  }
.LBB2_9:
0x200: {  	v5 =	vimm.f32 $0.0e+00  }
0x201: {  	v6 =	vimm.f32 $0.0e+00;
	v7 =	vimm.f32 $0.0e+00;
	v8 =	vimm.f32 $0.0e+00  }
0x202: {  	v12 =	vimm.f32 $0.0e+00;
	v14 =	vimm.f32 $0.0e+00;
	v15 =	vimm.f32 $0.0e+00  }
0x203: {  	v16 =	vimm.f32 $0.0e+00;
	v10 =	vimm.f32 $0.0e+00;
	v9 =	vimm.f32 $0.0e+00  }
0x204: {  	v11 =	vimm.f32 $0.0e+00;
	v13 =	vimm.f32 $0.0e+00;
	v18 =	vimm.f32 $0.0e+00  }
0x205: {  	v19 =	vimm.f32 $0.0e+00;
	v17 =	vimm.f32 $0.0e+00;
	v20 =	vimm.f32 $0.0e+00  }
.LBB2_13:
0x206: {  	s8 =	sshll.u32 s18, $0x2  }
0x207: {  	s20 =	sadd.s32 s20, s8  }
0x208: {  	p3 =	sge.s32 s20, s17  }
.Ltmp14:
0x209: {  	_ = 	snop;
	(pc) =	sbr.rel @p3 .LBB2_23-.Ltmp14, $2  }
0x20a: {  	_ =	sdelay $0x2  }
0x20b: {  	s21 =	sshll.u32 s18, $0x9  }
0x20c: {  	s8 =	smov.u32 s19  }
0x20d: {  	s8 =	simm.s32 @!p1 $0x0  }
0x20e: {  	s8 =	smin.u32 s8, $0x40  }
0x20f: {  	s22 =	sshll.u32 s18, $0x4;
	s23 =	sshll.u32 s8, $0x2  }
0x210: {  	s22 =	sadd.s32 s23, s22  }
0x211: {  	s22 =	sshra.s32 s22, $0x2  }
0x212: {  	s24 =	sadd.s32 $0x1, s20;
	s25 =	sadd.s32 s22, s4  }
0x213: {  	p6 =	slt.s32 s24, s17;
	v1 =	vld [tilespmem:s25+$0x0]  }
.Ltmp15:
0x214: {  	_ = 	snop;
	(pc) =	sbr.rel @!p6 .LBB2_15-.Ltmp15, $4  }
0x215: {  	_ = 	snop  }
0x216: {  	s30 =	sshll.u32 s18, $0xB;
	p4 =	por $0x0, $0x0  }
0x217: {  	p5 =	por $0x0, $0x0;
	s29 =	sshll.u32 s8, $0x7;
	s8 =	sshll.u32 s8, $0x9  }
0x218: {  	s23 =	sadd.s32 s8, s30;
	s22 =	sadd.s32 s29, s21;
	s8 =	sadd.s32 $0x1, s25;
	(v2sf) =	vpush v1, $0x0  }
0x219: {  	_ =	sdelay $0xd  }
0x21a: {  	s25 =	spop (v2sf)  }
0x21b: {  	s25 =	ssub.f32 s25, s16  }
0x21c: {  	s26 =	sadd.s32 $0x1, s24  }
0x21d: {  	v1 =	vld [tilespmem:s8+$0x0];
	p6 =	slt.s32 s26, s17;
	v3 =	vmov s25  }
.Ltmp16:
0x21e: {  	v3 =	vmul.f32 $1.442695020e+00, v3;
	(pc) =	sbr.rel @!p6 .LBB2_17-.Ltmp16, $4  }
0x21f: {  	s28 =	sand.u32 $0xFFFFF000, s23  }
0x220: {  	s30 =	sand.u32 $0x380, s22;
	s25 =	sadd.s32 s28, s3;
	v3 =	vbroadcast v3, $0x0  }
0x221: {  	s25 =	sadd.s32 s30, s25  }
0x222: {  	s29 =	sadd.s32 $0x1, s8;
	p4 =	por $0x1, $0x1;
	(v2sf) =	vpush v1, $0x0;
	v38 =	vld [tilespmem:s25+$0x470];
	(erf) = vpow2.f32 v3  }
0x223: {  	_ =	sdelay $0x9  }
0x224: {  	v1 =	vld [tilespmem:s29+$0x0]  }
0x225: {  	v3 =	vld [tilespmem:s25+$0x0]  }
0x226: {  	v22 =	vld [tilespmem:s25+$0x10]  }
0x227: {  	v24 =	vld [tilespmem:s25+$0x20]  }
0x228: {  	v25 =	vld [tilespmem:s25+$0x30];
	s8 =	spop (v2sf)  }
0x229: {  	v26 =	vld [tilespmem:s25+$0x40];
	s8 =	ssub.f32 s8, s16  }
0x22a: {  	v27 =	vld [tilespmem:s25+$0x50];
	(v2sf) =	vpush v1, $0x0  }
0x22b: {  	v28 =	vld [tilespmem:s25+$0x60];
	v29 =	vmov s8  }
0x22c: {  	v30 =	vld [tilespmem:s25+$0x70];
	v21 =	vpop (erf);
	v1 =	vmul.f32 $1.442695020e+00, v29  }
0x22d: {  	v32 =	vld [tilespmem:s25+$0x410];
	v23 =	vmul.f32 v38, v21;
	v3 =	vmul.f32 v21, v3  }
0x22e: {  	v31 =	vld [tilespmem:s25+$0x400];
	v29 =	vmul.f32 v21, v22;
	v1 =	vbroadcast v1, $0x0  }
0x22f: {  	v33 =	vld [tilespmem:s25+$0x420];
	s26 =	sadd.s32 $0x1, s26;
	v27 =	vmul.f32 v21, v27;
	v22 =	vadd.f32 v3, v5;
	v3 =	vmul.f32 v21, v24  }
0x230: {  	p6 =	slt.s32 s26, s17;
	v24 =	vadd.f32 v29, v6;
	v29 =	vmul.f32 v21, v25;
	(erf) = vpow2.f32 v1  }
.Ltmp17:
0x231: {  	v39 =	vld [tilespmem:s25+$0x430];
	v34 =	vmul.f32 v30, v21;
	s8 =	sadd.s32 $0x200, s23;
	v25 =	vadd.f32 v3, v7;
	v3 =	vmul.f32 v21, v26;
	(pc) =	sbr.rel @!p6 .LBB2_19-.Ltmp17, $4  }
0x232: {  	v40 =	vld [tilespmem:s25+$0x440];
	s24 =	sadd.s32 $0x80, s22;
	v35 =	vmovc v18;
	v43 =	vmul.f32 v32, v21;
	s28 =	sand.u32 $0xFFFFF000, s8;
	v26 =	vadd.f32 v29, v8;
	v29 =	vmul.f32 v28, v21  }
0x233: {  	v41 =	vld [tilespmem:s25+$0x450];
	v36 =	vmovc v19;
	s30 =	sand.u32 $0x380, s24;
	v23 =	vadd.f32 v23, v20;
	s28 =	sadd.s32 s28, s3;
	v28 =	vadd.f32 v3, v12;
	v3 =	vmul.f32 v31, v21  }
0x234: {  	v42 =	vld [tilespmem:s25+$0x460];
	v37 =	vmovc v17;
	v44 =	vmul.f32 v33, v21;
	v27 =	vadd.f32 v27, v14;
	s28 =	sadd.s32 s30, s28;
	v30 =	vadd.f32 v29, v15  }
0x235: {  	s25 =	sadd.s32 $0x1, s29;
	p5 =	por $0x1, $0x1;
	v32 =	vmovc v9;
	v33 =	vmovc v11;
	v38 =	vld [tilespmem:s28+$0x470];
	v29 =	vadd.f32 v34, v16;
	v31 =	vadd.f32 v3, v10;
	v34 =	vmov v13  }
.LBB2_20:
0x236: {  	v1 =	vld [tilespmem:s25+$0x0];
	s26 =	sadd.s32 $0x1, s26;
	v32 =	vadd.f32 v43, v32;
	v3 =	vmul.f32 v39, v21  }
0x237: {  	p6 =	slt.s32 s26, s17;
	v39 =	vld [tilespmem:s28+$0x0];
	v33 =	vadd.f32 v44, v33;
	v40 =	vmul.f32 v40, v21  }
0x238: {  	v43 =	vld [tilespmem:s28+$0x10];
	v34 =	vadd.f32 v3, v34;
	v3 =	vmul.f32 v41, v21  }
0x239: {  	s29 =	spop (v2sf);
	v41 =	vld [tilespmem:s28+$0x20];
	v35 =	vadd.f32 v40, v35;
	v40 =	vmul.f32 v42, v21;
	v21 =	vpop (erf)  }
0x23a: {  	s29 =	ssub.f32 s29, s16;
	v42 =	vld [tilespmem:s28+$0x30];
	v38 =	vmul.f32 v38, v21;
	v36 =	vadd.f32 v3, v36  }
0x23b: {  	(v2sf) =	vpush v1, $0x0;
	v1 =	vld [tilespmem:s28+$0x40];
	v37 =	vadd.f32 v40, v37  }
0x23c: {  	v3 =	vmov s29;
	v39 =	vmul.f32 v21, v39;
	v40 =	vld [tilespmem:s28+$0x50];
	v23 =	vadd.f32 v38, v23  }
0x23d: {  	v3 =	vmul.f32 $1.442695020e+00, v3;
	v38 =	vmul.f32 v21, v43;
	v43 =	vld [tilespmem:s28+$0x60]  }
0x23e: {  	v22 =	vadd.f32 v39, v22;
	v39 =	vmul.f32 v21, v41;
	v41 =	vld [tilespmem:s28+$0x70]  }
0x23f: {  	v3 =	vbroadcast v3, $0x0;
	v24 =	vadd.f32 v38, v24;
	v38 =	vmul.f32 v21, v42;
	v42 =	vld [tilespmem:s28+$0x400]  }
0x240: {  	v25 =	vadd.f32 v39, v25;
	v1 =	vmul.f32 v21, v1;
	v44 =	vld [tilespmem:s28+$0x410]  }
0x241: {  	(erf) = vpow2.f32 v3;
	v26 =	vadd.f32 v38, v26;
	v3 =	vmul.f32 v21, v40;
	v45 =	vld [tilespmem:s28+$0x420]  }
.Ltmp18:
0x242: {  	s8 =	sadd.s32 $0x200, s8;
	v28 =	vadd.f32 v1, v28;
	v1 =	vmul.f32 v43, v21;
	v39 =	vld [tilespmem:s28+$0x430];
	(pc) =	sbr.rel @p6 .LBB2_20-.Ltmp18, $4  }
0x243: {  	s24 =	sadd.s32 $0x80, s24;
	s29 =	sand.u32 $0xFFFFF000, s8;
	v27 =	vadd.f32 v3, v27;
	v3 =	vmul.f32 v41, v21;
	v40 =	vld [tilespmem:s28+$0x440]  }
0x244: {  	s30 =	sand.u32 $0x380, s24;
	s29 =	sadd.s32 s29, s3;
	v30 =	vadd.f32 v1, v30;
	v1 =	vmul.f32 v42, v21;
	v41 =	vld [tilespmem:s28+$0x450]  }
0x245: {  	v29 =	vadd.f32 v3, v29;
	v43 =	vmul.f32 v44, v21;
	v42 =	vld [tilespmem:s28+$0x460];
	s28 =	sadd.s32 s30, s29  }
0x246: {  	s25 =	sadd.s32 $0x1, s25;
	v38 =	vld [tilespmem:s28+$0x470];
	v31 =	vadd.f32 v1, v31;
	v44 =	vmul.f32 v45, v21  }
0x247: {  	s25 =	smov.u32 s28  }
.LBB2_22:
0x248: {  	v1 =	vld @p4 [tilespmem:s25+$0x0]  }
0x249: {  	v3 =	vld @p4 [tilespmem:s25+$0x10];
	v39 =	vmul.f32 @p5 v39, v21  }
0x24a: {  	v45 =	vld @p4 [tilespmem:s25+$0x20];
	v32 =	vadd.f32 @p5 v43, v32;
	v40 =	vmul.f32 @p5 v40, v21  }
0x24b: {  	v46 =	vld @p4 [tilespmem:s25+$0x30];
	v33 =	vadd.f32 @p5 v44, v33;
	v34 =	vadd.f32 @p5 v39, v34;
	v39 =	vmul.f32 @p5 v41, v21  }
0x24c: {  	v43 =	vld @p4 [tilespmem:s25+$0x40];
	s26 =	spop (v2sf);
	v44 =	vpop @p4 (erf);
	v35 =	vadd.f32 @p5 v40, v35;
	v21 =	vmul.f32 @p5 v42, v21;
	v32 =	vpsel p5, v32, v9  }
0x24d: {  	s8 =	sadd.s32 @p4 $0x200, s8;
	v41 =	vld @p4 [tilespmem:s25+$0x50];
	v33 =	vpsel p5, v33, v11;
	s26 =	ssub.f32 s26, s16;
	v38 =	vmul.f32 @p4 v38, v44;
	v36 =	vadd.f32 @p5 v39, v36  }
0x24e: {  	s23 =	smov.u32 @p4 s8;
	s8 =	sadd.s32 @p4 $0x80, s24;
	v42 =	vld @p4 [tilespmem:s25+$0x60];
	v21 =	vadd.f32 @p5 v21, v37;
	v34 =	vpsel p5, v34, v13;
	v35 =	vpsel p5, v35, v18  }
0x24f: {  	v40 =	vld @p4 [tilespmem:s25+$0x70];
	s23 =	sand.u32 $0xFFFFF000, s23;
	s22 =	smov.u32 @p4 s8;
	v47 =	vmov s26;
	v1 =	vmul.f32 @p4 v44, v1;
	v3 =	vmul.f32 @p4 v44, v3  }
0x250: {  	s8 =	sand.u32 $0x380, s22;
	s30 =	sadd.s32 s23, s3;
	v37 =	vld @p4 [tilespmem:s25+$0x400];
	v23 =	vadd.f32 @p4 v38, v23;
	v38 =	vmul.f32 @p4 v44, v45;
	v48 =	vmul.f32 $1.442695020e+00, v47  }
0x251: {  	s8 =	sadd.s32 s8, s30;
	v45 =	vld @p4 [tilespmem:s25+$0x410];
	v36 =	vpsel p5, v36, v19;
	v21 =	vpsel p5, v21, v17;
	v1 =	vadd.f32 @p4 v1, v22  }
0x252: {  	v49 =	vld [tilespmem:s8+$0x470];
	v3 =	vadd.f32 @p4 v3, v24;
	v22 =	vmul.f32 @p4 v44, v46;
	v25 =	vadd.f32 @p4 v38, v25  }
0x253: {  	v50 =	vld [tilespmem:s8+$0x0];
	v38 =	vmul.f32 @p4 v44, v43;
	v20 =	vpsel p4, v23, v20;
	v39 =	vbroadcast v48, $0x0  }
0x254: {  	v51 =	vld [tilespmem:s8+$0x50];
	v22 =	vadd.f32 @p4 v22, v26;
	v26 =	vmul.f32 @p4 v44, v41;
	v41 =	vmul.f32 @p4 v42, v44  }
0x255: {  	v24 =	vld @p4 [tilespmem:s25+$0x420];
	v28 =	vadd.f32 @p4 v38, v28;
	v38 =	vmul.f32 @p4 v40, v44;
	v37 =	vmul.f32 @p4 v37, v44  }
0x256: {  	v42 =	vld @p4 [tilespmem:s25+$0x440];
	v1 =	vpsel p4, v1, v5;
	v3 =	vpsel p4, v3, v6;
	(erf) = vpow2.f32 v39  }
0x257: {  	v40 =	vld @p4 [tilespmem:s25+$0x450];
	v7 =	vpsel p4, v25, v7;
	v26 =	vadd.f32 @p4 v26, v27;
	v27 =	vadd.f32 @p4 v41, v30  }
0x258: {  	v39 =	vld @p4 [tilespmem:s25+$0x430];
	v30 =	vmul.f32 @p4 v45, v44;
	v29 =	vadd.f32 @p4 v38, v29;
	v31 =	vadd.f32 @p4 v37, v31  }
0x259: {  	v41 =	vld @p4 [tilespmem:s25+$0x460];
	v37 =	vpsel p4, v44, v0;
	v8 =	vpsel p4, v22, v8;
	v12 =	vpsel p4, v28, v12  }
0x25a: {  	v52 =	vld [tilespmem:s8+$0x60];
	v24 =	vmul.f32 @p4 v24, v44;
	v30 =	vpsel p4, v30, v0;
	v14 =	vpsel p4, v26, v14  }
0x25b: {  	v23 =	vld [tilespmem:s8+$0x10];
	v15 =	vpsel p4, v27, v15;
	v16 =	vpsel p4, v29, v16;
	v10 =	vpsel p4, v31, v10  }
0x25c: {  	v5 =	vld [tilespmem:s8+$0x20];
	v24 =	vpsel p4, v24, v0;
	v42 =	vpsel p4, v42, v0;
	v40 =	vpsel p4, v40, v0  }
0x25d: {  	v6 =	vld [tilespmem:s8+$0x30];
	v28 =	vadd.f32 @p4 v30, v32;
	v39 =	vpsel p4, v39, v0;
	v26 =	vmul.f32 @p4 v42, v37  }
0x25e: {  	v54 =	vld [tilespmem:s8+$0x70];
	v24 =	vadd.f32 @p4 v24, v33;
	v29 =	vmul.f32 @p4 v40, v37;
	v41 =	vpsel p4, v41, v0  }
0x25f: {  	v22 =	vld [tilespmem:s8+$0x40];
	v25 =	vmul.f32 @p4 v39, v37;
	v9 =	vpsel p4, v28, v9;
	v26 =	vadd.f32 @p4 v26, v35;
	v53 =	vpop (erf)  }
0x260: {  	v57 =	vld [tilespmem:s8+$0x400];
	v33 =	vmul.f32 @p4 v41, v37;
	v29 =	vadd.f32 @p4 v29, v36;
	v56 =	vmul.f32 v53, v50  }
0x261: {  	v59 =	vld [tilespmem:s8+$0x410];
	v11 =	vpsel p4, v24, v11;
	v25 =	vadd.f32 @p4 v25, v34;
	v23 =	vmul.f32 v53, v23  }
0x262: {  	v60 =	vld [tilespmem:s8+$0x420];
	v58 =	vmul.f32 v53, v5;
	v5 =	vadd.f32 v56, v1;
	v1 =	vmul.f32 v53, v6  }
0x263: {  	v61 =	vld [tilespmem:s8+$0x440];
	v21 =	vadd.f32 @p4 v33, v21;
	v18 =	vpsel p4, v26, v18;
	v6 =	vadd.f32 v23, v3  }
0x264: {  	v63 =	vld [tilespmem:s8+$0x450];
	v3 =	vmul.f32 v53, v22;
	v8 =	vadd.f32 v1, v8;
	v1 =	vmul.f32 v53, v51  }
0x265: {  	v19 =	vpsel p4, v29, v19;
	v55 =	vmul.f32 v49, v53;
	v22 =	vld [tilespmem:s8+$0x430];
	v23 =	vmul.f32 v52, v53  }
0x266: {  	v12 =	vadd.f32 v3, v12;
	v3 =	vmul.f32 v54, v53;
	v14 =	vadd.f32 v1, v14;
	v1 =	vld [tilespmem:s8+$0x460]  }
0x267: {  	v62 =	vmul.f32 v57, v53;
	v15 =	vadd.f32 v23, v15;
	v23 =	vmul.f32 v60, v53  }
0x268: {  	v20 =	vadd.f32 v55, v20;
	v16 =	vadd.f32 v3, v16;
	v3 =	vmul.f32 v59, v53  }
0x269: {  	v13 =	vpsel p4, v25, v13;
	v7 =	vadd.f32 v58, v7;
	v11 =	vadd.f32 v23, v11  }
0x26a: {  	v23 =	vmul.f32 v63, v53;
	v9 =	vadd.f32 v3, v9;
	v3 =	vmul.f32 v22, v53  }
0x26b: {  	v10 =	vadd.f32 v62, v10;
	v22 =	vmul.f32 v61, v53;
	v1 =	vmul.f32 v1, v53  }
0x26c: {  	v17 =	vpsel p4, v21, v17;
	v19 =	vadd.f32 v23, v19;
	v13 =	vadd.f32 v3, v13  }
0x26d: {  	v18 =	vadd.f32 v22, v18;
	v17 =	vadd.f32 v1, v17  }
.LBB2_23:
0x26e: {  	s8 =	sshll.u32 s15, $0x9;
	s22 =	sshll.u32 s15, $0x7  }
0x26f: {  	s8 =	sand.u32 $0x1000, s8;
	s22 =	sand.u32 $0x380, s22  }
0x270: {  	s8 =	sor.u32 s22, s8  }
0x271: {  	s22 =	sor.u32 $0x18800, s8  }
0x272: {  	s23 =	sor.u32 $0x18810, s8;
	[tilespmem:s22+$0x0] =	vst.add.f32.msk $0xffff, v5  }
0x273: {  	s24 =	sor.u32 $0x18820, s8;
	[tilespmem:s23+$0x0] =	vst.add.f32.msk $0xffff, v6  }
0x274: {  	s25 =	sor.u32 $0x18830, s8;
	[tilespmem:s24+$0x0] =	vst.add.f32.msk $0xffff, v7  }
0x275: {  	s26 =	sor.u32 $0x18840, s8;
	[tilespmem:s25+$0x0] =	vst.add.f32.msk $0xffff, v8  }
0x276: {  	s28 =	sor.u32 $0x18850, s8;
	[tilespmem:s26+$0x0] =	vst.add.f32.msk $0xffff, v12  }
0x277: {  	s29 =	sor.u32 $0x18860, s8;
	[tilespmem:s28+$0x0] =	vst.add.f32.msk $0xffff, v14  }
0x278: {  	s30 =	sor.u32 $0x18870, s8;
	[tilespmem:s29+$0x0] =	vst.add.f32.msk $0xffff, v15  }
0x279: {  	s10 =	sor.u32 $0x18C00, s8;
	[tilespmem:s30+$0x0] =	vst.add.f32.msk $0xffff, v16  }
0x27a: {  	s24 =	sor.u32 $0x18C10, s8;
	[tilespmem:s10+$0x0] =	vst.add.f32.msk $0xffff, v10  }
0x27b: {  	s25 =	sor.u32 $0x18C20, s8;
	[tilespmem:s24+$0x0] =	vst.add.f32.msk $0xffff, v9  }
0x27c: {  	s26 =	sor.u32 $0x18C30, s8;
	[tilespmem:s25+$0x0] =	vst.add.f32.msk $0xffff, v11  }
.Ltmp19:
0x27d: {  	s28 =	sor.u32 $0x18C40, s8;
	[tilespmem:s26+$0x0] =	vst.add.f32.msk $0xffff, v13;
	(pc) =	sbr.rel @p2 .LBB2_24-.Ltmp19, $4  }
0x27e: {  	s29 =	sor.u32 $0x18C50, s8;
	[tilespmem:s28+$0x0] =	vst.add.f32.msk $0xffff, v18  }
0x27f: {  	s30 =	sor.u32 $0x18C60, s8;
	[tilespmem:s29+$0x0] =	vst.add.f32.msk $0xffff, v19  }
0x280: {  	s8 =	sor.u32 $0x18C70, s8;
	[tilespmem:s30+$0x0] =	vst.add.f32.msk $0xffff, v17  }
0x281: {  	[tilespmem:s8+$0x0] =	vst.add.f32.msk $0xffff, v20  }
0x282: {  	s8 =	smov.u32 s19  }
0x283: {  	s8 =	simm.s32 @!p1 $0x0  }
0x284: {  	s8 =	smin.u32 s8, $0x40  }
0x285: {  	s26 =	sshll.u32 s8, $0x9  }
0x286: {  	s25 =	sshll.u32 s8, $0x7;
	s28 =	sadd.s32 s8, s4;
	s24 =	sand.u32 $0xFFFFF000, s26  }
0x287: {  	s23 =	sand.u32 $0x380, s25;
	s29 =	sadd.s32 $0x600, s26;
	s8 =	sadd.s32 s24, s3  }
0x288: {  	v1 =	vld [tilespmem:s28+$0x0];
	s10 =	sadd.s32 $0x180, s25;
	s24 =	sadd.s32 s23, s8;
	s8 =	sand.u32 $0xFFFFF000, s29  }
0x289: {  	s23 =	sand.u32 $0x380, s10;
	v3 =	vld [tilespmem:s24+$0x800];
	s8 =	sadd.s32 s8, s3  }
0x28a: {  	v5 =	vld [tilespmem:s24+$0x810];
	s23 =	sadd.s32 s23, s8  }
0x28b: {  	v6 =	vld [tilespmem:s23+$0x800]  }
0x28c: {  	v7 =	vld [tilespmem:s23+$0x810]  }
0x28d: {  	v9 =	vld [tilespmem:s23+$0x820];
	v1 =	vsub.f32 v1, v4  }
0x28e: {  	v10 =	vld [tilespmem:s23+$0x830]  }
0x28f: {  	v11 =	vld [tilespmem:s23+$0x840];
	v1 =	vmul.f32 $1.442695020e+00, v1  }
0x290: {  	v13 =	vld [tilespmem:s23+$0x850]  }
0x291: {  	v14 =	vld [tilespmem:s23+$0x860];
	(erf) = vpow2.f32 v1  }
0x292: {  	v15 =	vld [tilespmem:s23+$0x870]  }
0x293: {  	v19 =	vld [tilespmem:s23+$0xC10]  }
0x294: {  	s10 =	sadd.s32 $0x400, s26;
	v20 =	vld [tilespmem:s23+$0xC20]  }
0x295: {  	s29 =	sadd.s32 $0x100, s25;
	s8 =	sand.u32 $0xFFFFF000, s10;
	v21 =	vld [tilespmem:s23+$0xC30]  }
0x296: {  	s29 =	sand.u32 $0x380, s29;
	s8 =	sadd.s32 s8, s3;
	v22 =	vld [tilespmem:s23+$0xC40]  }
0x297: {  	v23 =	vld [tilespmem:s23+$0xC50];
	s30 =	sadd.s32 s29, s8  }
0x298: {  	v24 =	vld [tilespmem:s30+$0x800]  }
0x299: {  	v25 =	vld [tilespmem:s30+$0x810]  }
0x29a: {  	v30 =	vld [tilespmem:s30+$0x820];
	v18 =	vpop (erf)  }
0x29b: {  	v31 =	vld [tilespmem:s30+$0x830];
	v16 =	vbroadcast v18, $0x3  }
0x29c: {  	v1 =	vld [tilespmem:s23+$0xC00];
	v17 =	vbroadcast v18, $0x2;
	v12 =	vbroadcast v18, $0x0  }
0x29d: {  	v36 =	vld [tilespmem:s30+$0x840];
	v18 =	vbroadcast v18, $0x1;
	v43 =	vmul.f32 v6, v16  }
0x29e: {  	v37 =	vld [tilespmem:s30+$0x850];
	v44 =	vmul.f32 v7, v16;
	v41 =	vmul.f32 v9, v16  }
0x29f: {  	v6 =	vld [tilespmem:s30+$0x860];
	v42 =	vmul.f32 v10, v16;
	v34 =	vmul.f32 v11, v16  }
0x2a0: {  	v7 =	vld [tilespmem:s30+$0x870];
	v35 =	vmul.f32 v13, v16;
	v32 =	vmul.f32 v14, v16  }
0x2a1: {  	v9 =	vld [tilespmem:s30+$0xC00];
	v33 =	vmul.f32 v15, v16;
	v26 =	vmul.f32 v1, v16  }
0x2a2: {  	v10 =	vld [tilespmem:s30+$0xC10];
	v28 =	vmul.f32 v19, v16;
	v27 =	vmul.f32 v20, v16  }
0x2a3: {  	s10 =	sadd.s32 $0x200, s26;
	v1 =	vld [tilespmem:s30+$0xC20];
	v29 =	vmul.f32 v21, v16;
	v19 =	vmul.f32 v22, v16  }
0x2a4: {  	s8 =	sand.u32 $0xFFFFF000, s10;
	s29 =	sadd.s32 $0x80, s25;
	v11 =	vld [tilespmem:s30+$0xC30];
	v20 =	vmul.f32 v23, v16;
	v51 =	vmul.f32 v24, v17  }
0x2a5: {  	s29 =	sand.u32 $0x380, s29;
	s8 =	sadd.s32 s8, s3;
	v13 =	vld [tilespmem:s30+$0xC40];
	v53 =	vmul.f32 v25, v17;
	v52 =	vmul.f32 v30, v17  }
0x2a6: {  	s8 =	sadd.s32 s29, s8;
	v14 =	vld [tilespmem:s30+$0xC50];
	v54 =	vmul.f32 v31, v17;
	v47 =	vmul.f32 v36, v17  }
0x2a7: {  	v8 =	vimm.f32 $0.0e+00;
	v15 =	vld [tilespmem:s8+$0x800];
	v48 =	vmul.f32 v37, v17;
	v3 =	vmul.f32 v12, v3  }
0x2a8: {  	v21 =	vld [tilespmem:s24+$0x820];
	v5 =	vmul.f32 v12, v5;
	v25 =	vimm.f32 $0.0e+00;
	v23 =	vimm.f32 $0.0e+00  }
0x2a9: {  	v24 =	vimm.f32 $0.0e+00;
	v45 =	vmul.f32 v6, v17;
	v46 =	vmul.f32 v7, v17;
	v7 =	vld [tilespmem:s8+$0x810]  }
0x2aa: {  	v22 =	vimm.f32 $0.0e+00;
	v6 =	vld [tilespmem:s24+$0x830];
	v37 =	vmul.f32 v9, v17;
	v39 =	vmul.f32 v10, v17  }
0x2ab: {  	v3 =	vadd.f32 v3, v8;
	v38 =	vmul.f32 v1, v17;
	v1 =	vld [tilespmem:s8+$0x820];
	v40 =	vmul.f32 v11, v17  }
0x2ac: {  	v5 =	vadd.f32 v5, v8;
	v30 =	vmul.f32 v13, v17;
	v9 =	vld [tilespmem:s8+$0x830];
	v31 =	vmul.f32 v14, v17  }
0x2ad: {  	p2 =	seq.s32 s18, $0x1;
	v10 =	vmul.f32 v15, v18;
	v11 =	vld [tilespmem:s8+$0x840];
	v13 =	vmul.f32 v12, v21;
	v14 =	vimm.f32 $0.0e+00  }
.Ltmp20:
0x2ae: {  	v50 =	vld [tilespmem:s8+$0x850];
	v15 =	vimm.f32 $0.0e+00;
	v21 =	vimm.f32 $0.0e+00;
	v7 =	vmul.f32 v7, v18;
	(pc) =	sbr.rel @p2 .LBB2_30-.Ltmp20, $4  }
0x2af: {  	v55 =	vld [tilespmem:s24+$0x840];
	v58 =	vadd.f32 v13, v8;
	v36 =	vadd.f32 v10, v3;
	v6 =	vmul.f32 v12, v6  }
0x2b0: {  	v13 =	vimm.f32 $0.0e+00;
	v10 =	vimm.f32 $0.0e+00;
	v57 =	vadd.f32 v7, v5;
	v5 =	vld [tilespmem:s24+$0x850]  }
0x2b1: {  	v56 =	vmul.f32 v1, v18;
	v60 =	vmul.f32 v9, v18;
	v59 =	vadd.f32 v6, v8;
	v6 =	vld [tilespmem:s24+$0x860]  }
0x2b2: {  	s29 =	sadd.s32 $0xFFFFFFFF, s18;
	v49 =	vmul.f32 v11, v18;
	v11 =	vimm.f32 $0.0e+00;
	v9 =	vimm.f32 $0.0e+00;
	v7 =	vld [tilespmem:s24+$0x870]  }
.LBB2_29:
0x2b3: {  	p2 =	seq.s32 s29, $0x1;
	v1 =	vadd.f32 v56, v58;
	v3 =	vadd.f32 v60, v59;
	v50 =	vmul.f32 v50, v18;
	v56 =	vld [tilespmem:s8+$0x860]  }
0x2b4: {  	v55 =	vmul.f32 v55, v12;
	v58 =	vld [tilespmem:s8+$0x870];
	v36 =	vadd.f32 v51, v36;
	v51 =	vadd.f32 v53, v57  }
0x2b5: {  	v53 =	vmul.f32 v5, v12;
	v57 =	vld [tilespmem:s8+$0xC00];
	v1 =	vadd.f32 v52, v1;
	v3 =	vadd.f32 v54, v3  }
0x2b6: {  	v52 =	vmul.f32 v6, v12;
	v54 =	vld [tilespmem:s8+$0xC10];
	v5 =	vadd.f32 v43, v36;
	v6 =	vadd.f32 v44, v51  }
0x2b7: {  	v43 =	vmul.f32 v7, v12;
	v44 =	vld [tilespmem:s24+$0xC00];
	v7 =	vadd.f32 v41, v1;
	v36 =	vadd.f32 v42, v3  }
0x2b8: {  	v1 =	vadd.f32 v55, v8;
	v3 =	vadd.f32 v53, v14;
	v8 =	vld [tilespmem:s24+$0xC10];
	v14 =	vmul.f32 v56, v18  }
0x2b9: {  	v11 =	vadd.f32 v52, v11;
	v13 =	vadd.f32 v43, v13;
	v41 =	vld [tilespmem:s24+$0xC20];
	v42 =	vmul.f32 v58, v18  }
0x2ba: {  	v1 =	vadd.f32 v49, v1;
	v3 =	vadd.f32 v50, v3;
	v43 =	vld [tilespmem:s24+$0xC30];
	v49 =	vmul.f32 v57, v18  }
0x2bb: {  	v11 =	vadd.f32 v14, v11;
	v13 =	vadd.f32 v42, v13;
	v42 =	vmul.f32 v54, v18;
	v50 =	vld [tilespmem:s8+$0xC20]  }
0x2bc: {  	v1 =	vadd.f32 v47, v1;
	v3 =	vadd.f32 v48, v3;
	v44 =	vmul.f32 v44, v12;
	v51 =	vld [tilespmem:s8+$0xC30]  }
0x2bd: {  	v11 =	vadd.f32 v45, v11;
	v47 =	vmul.f32 v8, v12;
	v48 =	vld [tilespmem:s8+$0xC40];
	v13 =	vadd.f32 v46, v13  }
0x2be: {  	v8 =	vadd.f32 v34, v1;
	v14 =	vadd.f32 v35, v3;
	v41 =	vmul.f32 v41, v12;
	v45 =	vld [tilespmem:s8+$0xC50]  }
0x2bf: {  	v11 =	vadd.f32 v32, v11;
	v1 =	vmul.f32 v43, v12;
	v3 =	vld [tilespmem:s24+$0xC40];
	v13 =	vadd.f32 v33, v13  }
0x2c0: {  	v9 =	vadd.f32 v44, v9;
	v10 =	vadd.f32 v47, v10;
	v32 =	vld [tilespmem:s24+$0xC50];
	v33 =	vmul.f32 v50, v18  }
0x2c1: {  	v15 =	vadd.f32 v41, v15;
	v1 =	vadd.f32 v1, v25;
	v25 =	vld [tilespmem:s24+$0xC60];
	v34 =	vmul.f32 v51, v18  }
0x2c2: {  	v9 =	vadd.f32 v49, v9;
	v10 =	vadd.f32 v42, v10;
	v35 =	vld [tilespmem:s24+$0xC70];
	v41 =	vmul.f32 v48, v18  }
0x2c3: {  	v15 =	vadd.f32 v33, v15;
	v1 =	vadd.f32 v34, v1;
	v33 =	vmul.f32 v45, v18;
	v34 =	vld [tilespmem:s8+$0xC60]  }
0x2c4: {  	v9 =	vadd.f32 v37, v9;
	v10 =	vadd.f32 v39, v10;
	v3 =	vmul.f32 v3, v12;
	v42 =	vld [tilespmem:s8+$0xC70]  }
0x2c5: {  	v15 =	vadd.f32 v38, v15;
	v32 =	vmul.f32 v32, v12;
	v1 =	vadd.f32 v40, v1;
	v37 =	vld [tilespmem:s30+$0xC60]  }
0x2c6: {  	s26 =	sadd.s32 $0x800, s26;
	v9 =	vadd.f32 v26, v9;
	v10 =	vadd.f32 v28, v10;
	v38 =	vmul.f32 v25, v12;
	v39 =	vld [tilespmem:s30+$0xC70]  }
0x2c7: {  	s25 =	sadd.s32 $0x200, s25;
	s28 =	sadd.s32 $0x4, s28;
	s8 =	sand.u32 $0xFFFFF000, s26;
	v15 =	vadd.f32 v27, v15;
	v12 =	vmul.f32 v35, v12;
	v25 =	vadd.f32 v29, v1;
	v1 =	vld [tilespmem:s23+$0xC60]  }
0x2c8: {  	s24 =	sand.u32 $0x380, s25;
	s8 =	sadd.s32 s8, s3;
	s30 =	sadd.s32 $0x600, s26;
	v3 =	vadd.f32 v3, v23;
	v23 =	vadd.f32 v32, v24;
	v24 =	vmul.f32 v34, v18;
	v26 =	vld [tilespmem:s23+$0xC70]  }
0x2c9: {  	s24 =	sadd.s32 s24, s8;
	s8 =	sand.u32 $0xFFFFF000, s30;
	s23 =	sadd.s32 $0x180, s25;
	v21 =	vadd.f32 v38, v21;
	v27 =	vld [tilespmem:s28+$0x0];
	v12 =	vadd.f32 v12, v22;
	v18 =	vmul.f32 v42, v18  }
0x2ca: {  	s8 =	sadd.s32 s8, s3;
	v3 =	vadd.f32 v41, v3;
	s23 =	sand.u32 $0x380, s23;
	v22 =	vadd.f32 v33, v23;
	v49 =	vld [tilespmem:s24+$0x800];
	v23 =	vmul.f32 v37, v17  }
0x2cb: {  	s23 =	sadd.s32 s23, s8;
	v21 =	vadd.f32 v24, v21;
	v50 =	vld [tilespmem:s24+$0x810];
	v12 =	vadd.f32 v18, v12;
	v17 =	vmul.f32 v39, v17  }
0x2cc: {  	v3 =	vadd.f32 v30, v3;
	v18 =	vadd.f32 v31, v22;
	v28 =	vld [tilespmem:s23+$0x800];
	v1 =	vmul.f32 v1, v16  }
0x2cd: {  	v21 =	vadd.f32 v23, v21;
	v29 =	vld [tilespmem:s23+$0x810];
	v12 =	vadd.f32 v17, v12;
	v16 =	vmul.f32 v26, v16  }
0x2ce: {  	v23 =	vadd.f32 v19, v3;
	v24 =	vadd.f32 v20, v18;
	v26 =	vld [tilespmem:s23+$0x820]  }
0x2cf: {  	v21 =	vadd.f32 v1, v21;
	v3 =	vld [tilespmem:s23+$0x830];
	v22 =	vadd.f32 v16, v12  }
0x2d0: {  	v1 =	vsub.f32 v27, v4;
	v19 =	vld [tilespmem:s23+$0x840]  }
0x2d1: {  	v20 =	vld [tilespmem:s23+$0x850]  }
0x2d2: {  	v1 =	vmul.f32 $1.442695020e+00, v1;
	v27 =	vld [tilespmem:s23+$0x860]  }
0x2d3: {  	v30 =	vld [tilespmem:s23+$0x870]  }
0x2d4: {  	v31 =	vld [tilespmem:s23+$0xC00];
	(erf) = vpow2.f32 v1  }
0x2d5: {  	v1 =	vld [tilespmem:s23+$0xC10]  }
0x2d6: {  	s8 =	sadd.s32 $0x400, s26;
	v37 =	vld [tilespmem:s23+$0xC20]  }
0x2d7: {  	s30 =	sadd.s32 $0x100, s25;
	s8 =	sand.u32 $0xFFFFF000, s8;
	v38 =	vld [tilespmem:s23+$0xC30]  }
0x2d8: {  	s30 =	sand.u32 $0x380, s30;
	s8 =	sadd.s32 s8, s3;
	v39 =	vld [tilespmem:s23+$0xC40]  }
0x2d9: {  	s30 =	sadd.s32 s30, s8;
	v40 =	vld [tilespmem:s23+$0xC50]  }
0x2da: {  	v45 =	vld [tilespmem:s30+$0x800]  }
0x2db: {  	v46 =	vld [tilespmem:s30+$0x810]  }
0x2dc: {  	v47 =	vld [tilespmem:s30+$0x820]  }
0x2dd: {  	v48 =	vld [tilespmem:s30+$0x830];
	v18 =	vpop (erf)  }
0x2de: {  	v17 =	vbroadcast v18, $0x2;
	v55 =	vld [tilespmem:s30+$0x840];
	v16 =	vbroadcast v18, $0x3  }
0x2df: {  	v12 =	vbroadcast v18, $0x0;
	v18 =	vbroadcast v18, $0x1;
	v56 =	vld [tilespmem:s30+$0x850]  }
0x2e0: {  	v57 =	vld [tilespmem:s30+$0x860];
	v43 =	vmul.f32 v28, v16;
	v44 =	vmul.f32 v29, v16  }
0x2e1: {  	v41 =	vmul.f32 v26, v16;
	v42 =	vmul.f32 v3, v16;
	v58 =	vld [tilespmem:s30+$0x870]  }
0x2e2: {  	v34 =	vmul.f32 v19, v16;
	v35 =	vmul.f32 v20, v16;
	v3 =	vld [tilespmem:s30+$0xC00]  }
0x2e3: {  	v32 =	vmul.f32 v27, v16;
	v33 =	vmul.f32 v30, v16;
	v59 =	vld [tilespmem:s30+$0xC10]  }
0x2e4: {  	s8 =	sadd.s32 $0x200, s26;
	v26 =	vmul.f32 v31, v16;
	v28 =	vmul.f32 v1, v16;
	v30 =	vld [tilespmem:s30+$0xC20]  }
0x2e5: {  	s10 =	sadd.s32 $0x80, s25;
	s8 =	sand.u32 $0xFFFFF000, s8;
	v27 =	vmul.f32 v37, v16;
	v29 =	vmul.f32 v38, v16;
	v1 =	vld [tilespmem:s30+$0xC30]  }
0x2e6: {  	s10 =	sand.u32 $0x380, s10;
	s8 =	sadd.s32 s8, s3;
	v19 =	vmul.f32 v39, v16;
	v20 =	vmul.f32 v40, v16;
	v31 =	vld [tilespmem:s30+$0xC40]  }
0x2e7: {  	s8 =	sadd.s32 s10, s8;
	v51 =	vmul.f32 v45, v17;
	v53 =	vmul.f32 v46, v17;
	v60 =	vld [tilespmem:s30+$0xC50]  }
0x2e8: {  	v52 =	vmul.f32 v47, v17;
	v54 =	vmul.f32 v48, v17;
	v61 =	vld [tilespmem:s8+$0x800]  }
0x2e9: {  	v47 =	vmul.f32 v55, v17;
	v48 =	vmul.f32 v56, v17;
	v62 =	vld [tilespmem:s8+$0x810]  }
0x2ea: {  	v45 =	vmul.f32 v57, v17;
	v46 =	vmul.f32 v58, v17;
	v55 =	vld [tilespmem:s24+$0x820]  }
0x2eb: {  	v37 =	vmul.f32 v3, v17;
	v39 =	vmul.f32 v59, v17;
	v56 =	vld [tilespmem:s24+$0x830]  }
0x2ec: {  	v38 =	vmul.f32 v30, v17;
	v40 =	vmul.f32 v1, v17;
	v3 =	vld [tilespmem:s8+$0x820]  }
0x2ed: {  	v30 =	vmul.f32 v31, v17;
	v31 =	vmul.f32 v60, v17;
	v1 =	vld [tilespmem:s8+$0x830]  }
0x2ee: {  	v57 =	vmul.f32 v61, v18;
	v61 =	vmul.f32 v62, v18;
	v62 =	vld [tilespmem:s8+$0x840]  }
.Ltmp21:
0x2ef: {  	v49 =	vmul.f32 v12, v49;
	v58 =	vmul.f32 v12, v50;
	v50 =	vld [tilespmem:s8+$0x850];
	(pc) =	sbr.rel @!p2 .LBB2_29-.Ltmp21, $4  }
0x2f0: {  	v59 =	vmul.f32 v12, v55;
	v60 =	vmul.f32 v12, v56;
	v55 =	vld [tilespmem:s24+$0x840]  }
0x2f1: {  	v49 =	vadd.f32 v49, v5;
	v63 =	vadd.f32 v58, v6;
	v5 =	vld [tilespmem:s24+$0x850];
	v56 =	vmul.f32 v3, v18  }
0x2f2: {  	v58 =	vadd.f32 v59, v7;
	v59 =	vadd.f32 v60, v36;
	v6 =	vld [tilespmem:s24+$0x860];
	v60 =	vmul.f32 v1, v18  }
0x2f3: {  	s29 =	sadd.s32 $0xFFFFFFFF, s29;
	v36 =	vadd.f32 v57, v49;
	v57 =	vadd.f32 v61, v63;
	v7 =	vld [tilespmem:s24+$0x870];
	v49 =	vmul.f32 v62, v18  }
.LBB2_30:
0x2f4: {  	v1 =	vadd.f32 v56, v58;
	v3 =	vadd.f32 v60, v59;
	v50 =	vmul.f32 v50, v18;
	v56 =	vld [tilespmem:s8+$0x860]  }
0x2f5: {  	v58 =	vld [tilespmem:s8+$0x870];
	v55 =	vmul.f32 v55, v12;
	v4 =	vadd.f32 v51, v36;
	v62 =	vadd.f32 v53, v57  }
0x2f6: {  	v60 =	vld [tilespmem:s8+$0xC10];
	v63 =	vmul.f32 v5, v12;
	v1 =	vadd.f32 v52, v1;
	v3 =	vadd.f32 v54, v3  }
0x2f7: {  	v57 =	vld [tilespmem:s8+$0xC00];
	v59 =	vmul.f32 v6, v12;
	v4 =	vadd.f32 v43, v4;
	v5 =	vadd.f32 v44, v62  }
0x2f8: {  	v62 =	vld [tilespmem:s24+$0xC00];
	v61 =	vmul.f32 v7, v12;
	v6 =	vadd.f32 v41, v1;
	v7 =	vadd.f32 v42, v3  }
0x2f9: {  	v1 =	vadd.f32 v55, v8;
	v3 =	vadd.f32 v63, v14;
	v8 =	vld [tilespmem:s24+$0xC10];
	v14 =	vmul.f32 v56, v18  }
0x2fa: {  	v63 =	vld [tilespmem:s24+$0xC20];
	v11 =	vadd.f32 v59, v11;
	v51 =	vmul.f32 v58, v18;
	v13 =	vadd.f32 v61, v13  }
0x2fb: {  	v52 =	vld [tilespmem:s24+$0xC30];
	v56 =	vmul.f32 v60, v18;
	v1 =	vadd.f32 v49, v1;
	v3 =	vadd.f32 v50, v3  }
0x2fc: {  	v58 =	vld [tilespmem:s8+$0xC30];
	v55 =	vmul.f32 v57, v18;
	v11 =	vadd.f32 v14, v11;
	v13 =	vadd.f32 v51, v13  }
0x2fd: {  	v57 =	vld [tilespmem:s8+$0xC20];
	v43 =	vmul.f32 v62, v12;
	v1 =	vadd.f32 v47, v1;
	v3 =	vadd.f32 v48, v3  }
0x2fe: {  	v60 =	vld [tilespmem:s8+$0xC40];
	v59 =	vmul.f32 v8, v12;
	v14 =	vadd.f32 v45, v11;
	v61 =	vadd.f32 v46, v13  }
0x2ff: {  	v49 =	vld [tilespmem:s24+$0xC70];
	v36 =	vmul.f32 v63, v12;
	v8 =	vadd.f32 v34, v1;
	v11 =	vadd.f32 v35, v3  }
0x300: {  	v62 =	vld [tilespmem:s8+$0xC50];
	v1 =	vmul.f32 v52, v12;
	v9 =	vadd.f32 v43, v9;
	v13 =	vadd.f32 v32, v14  }
0x301: {  	v63 =	vld [tilespmem:s24+$0xC50];
	v47 =	vmul.f32 v58, v18;
	v10 =	vadd.f32 v59, v10;
	v15 =	vadd.f32 v36, v15  }
0x302: {  	v3 =	vld [tilespmem:s24+$0xC40];
	v43 =	vmul.f32 v57, v18;
	v14 =	vadd.f32 v33, v61;
	v1 =	vadd.f32 v1, v25  }
0x303: {  	v45 =	vld [tilespmem:s24+$0xC60];
	v50 =	vmul.f32 v60, v18;
	v9 =	vadd.f32 v55, v9;
	v10 =	vadd.f32 v56, v10  }
0x304: {  	v52 =	vld [tilespmem:s8+$0xC60];
	v15 =	vadd.f32 v43, v15;
	v56 =	vmul.f32 v49, v12;
	v1 =	vadd.f32 v47, v1  }
0x305: {  	v53 =	vld [tilespmem:s8+$0xC70];
	v51 =	vmul.f32 v62, v18;
	v9 =	vadd.f32 v37, v9;
	v10 =	vadd.f32 v39, v10  }
0x306: {  	v54 =	vld [tilespmem:s30+$0xC60];
	v32 =	vmul.f32 v63, v12;
	v15 =	vadd.f32 v38, v15;
	v22 =	vadd.f32 v56, v22  }
0x307: {  	v55 =	vld [tilespmem:s30+$0xC70];
	v3 =	vmul.f32 v3, v12;
	v1 =	vadd.f32 v40, v1;
	v9 =	vadd.f32 v26, v9  }
0x308: {  	v59 =	vld [tilespmem:s23+$0xC70];
	v25 =	vmul.f32 v45, v12;
	v57 =	vadd.f32 v32, v24;
	v12 =	vadd.f32 v27, v15  }
0x309: {  	v58 =	vmul.f32 v52, v18;
	v3 =	vadd.f32 v3, v23;
	v15 =	vadd.f32 v29, v1;
	v1 =	vld [tilespmem:s23+$0xC60]  }
0x30a: {  	v18 =	vmul.f32 v53, v18;
	v21 =	vadd.f32 v25, v21;
	v10 =	vadd.f32 v28, v10  }
0x30b: {  	v60 =	vmul.f32 v54, v17;
	v23 =	vadd.f32 v51, v57;
	v3 =	vadd.f32 v50, v3  }
.Ltmp22:
0x30c: {  	v18 =	vadd.f32 v18, v22;
	v17 =	vmul.f32 v55, v17;
	v21 =	vadd.f32 v58, v21;
	(pc) =	sbr.rel .LBB2_25-.Ltmp22, $4  }
0x30d: {  	v63 =	vmul.f32 v59, v16;
	v61 =	vadd.f32 v31, v23;
	v3 =	vadd.f32 v30, v3  }
0x30e: {  	v62 =	vadd.f32 v17, v18;
	v21 =	vadd.f32 v60, v21;
	v1 =	vmul.f32 v1, v16  }
0x30f: {  	v18 =	vadd.f32 v20, v61;
	v17 =	vadd.f32 v19, v3  }
0x310: {  	v19 =	vadd.f32 v63, v62;
	v16 =	vadd.f32 v1, v21  }
.LBB2_24:
0x311: {  	v4 =	vimm.f32 $0.0e+00  }
0x312: {  	v5 =	vimm.f32 $0.0e+00;
	v6 =	vimm.f32 $0.0e+00;
	v7 =	vimm.f32 $0.0e+00  }
0x313: {  	v8 =	vimm.f32 $0.0e+00;
	v11 =	vimm.f32 $0.0e+00;
	v13 =	vimm.f32 $0.0e+00  }
0x314: {  	v14 =	vimm.f32 $0.0e+00;
	v9 =	vimm.f32 $0.0e+00;
	v10 =	vimm.f32 $0.0e+00  }
0x315: {  	v12 =	vimm.f32 $0.0e+00;
	v15 =	vimm.f32 $0.0e+00;
	v17 =	vimm.f32 $0.0e+00  }
0x316: {  	v18 =	vimm.f32 $0.0e+00;
	v16 =	vimm.f32 $0.0e+00;
	v19 =	vimm.f32 $0.0e+00  }
.LBB2_25:
.Ltmp23:
0x317: {  	(pc) =	sbr.rel @p3 .LBB2_38-.Ltmp23, $1  }
0x318: {  	_ =	sdelay $0x3  }
0x319: {  	s19 =	simm.s32 @!p1 $0x0  }
0x31a: {  	s8 =	smin.u32 s19, $0x40  }
0x31b: {  	s28 =	sshll.u32 s18, $0x4;
	s23 =	sshll.u32 s8, $0x2  }
0x31c: {  	s19 =	sadd.s32 s23, s28  }
0x31d: {  	s25 =	sshra.s32 s19, $0x2  }
0x31e: {  	s30 =	sadd.s32 s25, s4  }
0x31f: {  	v1 =	vld [tilespmem:s30+$0x0];
	_ =	sdelay $0x4  }
0x320: {  	(v2sf) =	vpush v1, $0x0;
	_ =	sdelay $0x4  }
0x321: {  	s20 =	sadd.s32 $0x1, s20  }
0x322: {  	p3 =	slt.s32 s20, s17  }
.Ltmp24:
0x323: {  	_ = 	snop;
	(pc) =	sbr.rel @!p3 .LBB2_27-.Ltmp24, $4  }
0x324: {  	_ = 	snop  }
0x325: {  	s29 =	sshll.u32 s18, $0xB;
	p1 =	por $0x0, $0x0  }
0x326: {  	p2 =	por $0x0, $0x0;
	s24 =	sshll.u32 s8, $0x7;
	s8 =	sshll.u32 s8, $0x9  }
0x327: {  	s18 =	sadd.s32 s24, s21;
	s19 =	sadd.s32 s8, s29;
	s8 =	sadd.s32 $0x1, s30  }
0x328: {  	v1 =	vld [tilespmem:s8+$0x0];
	_ =	sdelay $0x2  }
0x329: {  	s10 =	spop (v2sf)  }
0x32a: {  	s10 =	ssub.f32 s10, s16  }
0x32b: {  	(v2sf) =	vpush v1, $0x0  }
0x32c: {  	v3 =	vmov s10  }
0x32d: {  	v3 =	vmul.f32 $1.442695020e+00, v3;
	_ =	sdelay $0x1  }
0x32e: {  	v3 =	vbroadcast v3, $0x0  }
0x32f: {  	s23 =	sadd.s32 $0x1, s20  }
0x330: {  	p3 =	slt.s32 s23, s17;
	(erf) = vpow2.f32 v3  }
.Ltmp25:
0x331: {  	_ = 	snop;
	(pc) =	sbr.rel @!p3 .LBB2_32-.Ltmp25, $4  }
0x332: {  	s29 =	sand.u32 $0xFFFFF000, s19  }
0x333: {  	s30 =	sand.u32 $0x380, s18;
	s10 =	sadd.s32 s29, s3  }
0x334: {  	s21 =	sadd.s32 s30, s10  }
0x335: {  	s25 =	sadd.s32 $0x1, s8;
	p1 =	por $0x1, $0x1;
	v37 =	vld [tilespmem:s21+$0xC70]  }
0x336: {  	v1 =	vld [tilespmem:s25+$0x0]  }
0x337: {  	v3 =	vld [tilespmem:s21+$0x800]  }
0x338: {  	v21 =	vld [tilespmem:s21+$0x810]  }
0x339: {  	v23 =	vld [tilespmem:s21+$0x820]  }
0x33a: {  	v24 =	vld [tilespmem:s21+$0x830];
	s8 =	spop (v2sf)  }
0x33b: {  	v25 =	vld [tilespmem:s21+$0x840];
	s8 =	ssub.f32 s8, s16  }
0x33c: {  	v26 =	vld [tilespmem:s21+$0x850];
	(v2sf) =	vpush v1, $0x0  }
0x33d: {  	v27 =	vld [tilespmem:s21+$0x860];
	v28 =	vmov s8  }
0x33e: {  	v29 =	vld [tilespmem:s21+$0x870];
	v20 =	vpop (erf);
	v1 =	vmul.f32 $1.442695020e+00, v28  }
0x33f: {  	v31 =	vld [tilespmem:s21+$0xC10];
	v22 =	vmul.f32 v37, v20;
	v3 =	vmul.f32 v20, v3  }
0x340: {  	v30 =	vld [tilespmem:s21+$0xC00];
	v28 =	vmul.f32 v20, v21;
	v1 =	vbroadcast v1, $0x0  }
0x341: {  	v32 =	vld [tilespmem:s21+$0xC20];
	s23 =	sadd.s32 $0x1, s23;
	v26 =	vmul.f32 v20, v26;
	v21 =	vadd.f32 v3, v4;
	v3 =	vmul.f32 v20, v23  }
0x342: {  	p3 =	slt.s32 s23, s17;
	v23 =	vadd.f32 v28, v5;
	v28 =	vmul.f32 v20, v24;
	(erf) = vpow2.f32 v1  }
.Ltmp26:
0x343: {  	v38 =	vld [tilespmem:s21+$0xC30];
	v33 =	vmul.f32 v29, v20;
	s8 =	sadd.s32 $0x200, s19;
	v24 =	vadd.f32 v3, v6;
	v3 =	vmul.f32 v20, v25;
	(pc) =	sbr.rel @!p3 .LBB2_34-.Ltmp26, $4  }
0x344: {  	v39 =	vld [tilespmem:s21+$0xC40];
	s20 =	sadd.s32 $0x80, s18;
	v34 =	vmovc v17;
	v42 =	vmul.f32 v31, v20;
	s10 =	sand.u32 $0xFFFFF000, s8;
	v25 =	vadd.f32 v28, v7;
	v28 =	vmul.f32 v27, v20  }
0x345: {  	v40 =	vld [tilespmem:s21+$0xC50];
	v35 =	vmovc v18;
	s24 =	sand.u32 $0x380, s20;
	v22 =	vadd.f32 v22, v19;
	s10 =	sadd.s32 s10, s3;
	v27 =	vadd.f32 v3, v8;
	v3 =	vmul.f32 v30, v20  }
0x346: {  	v41 =	vld [tilespmem:s21+$0xC60];
	v36 =	vmovc v16;
	v43 =	vmul.f32 v32, v20;
	v26 =	vadd.f32 v26, v11;
	s24 =	sadd.s32 s24, s10;
	v29 =	vadd.f32 v28, v13  }
0x347: {  	s21 =	sadd.s32 $0x1, s25;
	p2 =	por $0x1, $0x1;
	v31 =	vmovc v10;
	v32 =	vmovc v12;
	v37 =	vld [tilespmem:s24+$0xC70];
	v28 =	vadd.f32 v33, v14;
	v30 =	vadd.f32 v3, v9;
	v33 =	vmov v15  }
.LBB2_35:
0x348: {  	v1 =	vld [tilespmem:s21+$0x0];
	s23 =	sadd.s32 $0x1, s23;
	v31 =	vadd.f32 v42, v31;
	v3 =	vmul.f32 v38, v20  }
0x349: {  	p3 =	slt.s32 s23, s17;
	v38 =	vld [tilespmem:s24+$0x800];
	v32 =	vadd.f32 v43, v32;
	v39 =	vmul.f32 v39, v20  }
0x34a: {  	v42 =	vld [tilespmem:s24+$0x810];
	v33 =	vadd.f32 v3, v33;
	v3 =	vmul.f32 v40, v20  }
0x34b: {  	s10 =	spop (v2sf);
	v40 =	vld [tilespmem:s24+$0x820];
	v34 =	vadd.f32 v39, v34;
	v39 =	vmul.f32 v41, v20;
	v20 =	vpop (erf)  }
0x34c: {  	s10 =	ssub.f32 s10, s16;
	v41 =	vld [tilespmem:s24+$0x830];
	v37 =	vmul.f32 v37, v20;
	v35 =	vadd.f32 v3, v35  }
0x34d: {  	(v2sf) =	vpush v1, $0x0;
	v1 =	vld [tilespmem:s24+$0x840];
	v36 =	vadd.f32 v39, v36  }
0x34e: {  	v3 =	vmov s10;
	v38 =	vmul.f32 v20, v38;
	v39 =	vld [tilespmem:s24+$0x850];
	v22 =	vadd.f32 v37, v22  }
0x34f: {  	v3 =	vmul.f32 $1.442695020e+00, v3;
	v37 =	vmul.f32 v20, v42;
	v42 =	vld [tilespmem:s24+$0x860]  }
0x350: {  	v21 =	vadd.f32 v38, v21;
	v38 =	vmul.f32 v20, v40;
	v40 =	vld [tilespmem:s24+$0x870]  }
0x351: {  	v3 =	vbroadcast v3, $0x0;
	v23 =	vadd.f32 v37, v23;
	v37 =	vmul.f32 v20, v41;
	v41 =	vld [tilespmem:s24+$0xC00]  }
0x352: {  	v24 =	vadd.f32 v38, v24;
	v1 =	vmul.f32 v20, v1;
	v43 =	vld [tilespmem:s24+$0xC10]  }
0x353: {  	(erf) = vpow2.f32 v3;
	v25 =	vadd.f32 v37, v25;
	v3 =	vmul.f32 v20, v39;
	v44 =	vld [tilespmem:s24+$0xC20]  }
.Ltmp27:
0x354: {  	s8 =	sadd.s32 $0x200, s8;
	v27 =	vadd.f32 v1, v27;
	v1 =	vmul.f32 v42, v20;
	v38 =	vld [tilespmem:s24+$0xC30];
	(pc) =	sbr.rel @p3 .LBB2_35-.Ltmp27, $4  }
0x355: {  	s20 =	sadd.s32 $0x80, s20;
	s10 =	sand.u32 $0xFFFFF000, s8;
	v26 =	vadd.f32 v3, v26;
	v3 =	vmul.f32 v40, v20;
	v39 =	vld [tilespmem:s24+$0xC40]  }
0x356: {  	s25 =	sand.u32 $0x380, s20;
	s10 =	sadd.s32 s10, s3;
	v29 =	vadd.f32 v1, v29;
	v1 =	vmul.f32 v41, v20;
	v40 =	vld [tilespmem:s24+$0xC50]  }
0x357: {  	v28 =	vadd.f32 v3, v28;
	v42 =	vmul.f32 v43, v20;
	v41 =	vld [tilespmem:s24+$0xC60];
	s24 =	sadd.s32 s25, s10  }
0x358: {  	s21 =	sadd.s32 $0x1, s21;
	v37 =	vld [tilespmem:s24+$0xC70];
	v30 =	vadd.f32 v1, v30;
	v43 =	vmul.f32 v44, v20  }
.Ltmp28:
0x359: {  	(pc) =	sbr.rel .LBB2_37-.Ltmp28, $2  }
0x35a: {  	_ =	sdelay $0x2  }
0x35b: {  	s21 =	smov.u32 s24  }
.LBB2_15:
.Ltmp29:
0x35c: {  	(pc) =	sbr.rel .LBB2_22-.Ltmp29, $4  }
0x35d: {  	v32 =	vmov v9  }
0x35e: {  	v33 =	vmovc v11;
	v34 =	vmovc v13;
	v35 =	vmov v18;
	v36 =	vmov v19;
	v37 =	vmov v17  }
0x35f: {  	v23 =	vmovc v20;
	v22 =	vmovc v5;
	v24 =	vmov v6;
	v25 =	vmov v7;
	v26 =	vmov v8  }
0x360: {  	v28 =	vmovc v12;
	s8 =	smov.u32 s23;
	v27 =	vmovc v14;
	s24 =	smov.u32 s22;
	v30 =	vmov v15;
	v29 =	vmov v16;
	v31 =	vmov v10  }
.LBB2_17:
.Ltmp30:
0x361: {  	(pc) =	sbr.rel .LBB2_22-.Ltmp30, $4  }
0x362: {  	v32 =	vmov v9  }
0x363: {  	v33 =	vmovc v11;
	v34 =	vmovc v13;
	v35 =	vmov v18;
	v36 =	vmov v19;
	v37 =	vmov v17  }
0x364: {  	v23 =	vmovc v20;
	v22 =	vmovc v5;
	v24 =	vmov v6;
	v25 =	vmov v7;
	v26 =	vmov v8  }
0x365: {  	v28 =	vmovc v12;
	s8 =	smov.u32 s23;
	v27 =	vmovc v14;
	s24 =	smov.u32 s22;
	v30 =	vmov v15;
	v29 =	vmov v16;
	v31 =	vmov v10  }
.LBB2_32:
.Ltmp31:
0x366: {  	(pc) =	sbr.rel .LBB2_37-.Ltmp31, $4  }
0x367: {  	v31 =	vmov v10  }
0x368: {  	v32 =	vmovc v12;
	v33 =	vmovc v15;
	v34 =	vmov v17;
	v35 =	vmov v18;
	v36 =	vmov v16  }
0x369: {  	v22 =	vmovc v19;
	v21 =	vmovc v4;
	v23 =	vmov v5;
	v24 =	vmov v6;
	v25 =	vmov v7  }
0x36a: {  	v27 =	vmovc v8;
	s8 =	smov.u32 s19;
	v26 =	vmovc v11;
	s20 =	smov.u32 s18;
	v29 =	vmov v13;
	v28 =	vmov v14;
	v30 =	vmov v9  }
.LBB2_19:
.Ltmp32:
0x36b: {  	(pc) =	sbr.rel .LBB2_22-.Ltmp32, $3  }
0x36c: {  	_ =	sdelay $0x1  }
0x36d: {  	v32 =	vmov v9  }
0x36e: {  	s25 =	smov.u32 s28;
	v33 =	vmovc v11;
	v34 =	vmovc v13;
	v35 =	vmov v18;
	v36 =	vmov v19;
	v37 =	vmov v17  }
.LBB2_34:
.Ltmp33:
0x36f: {  	(pc) =	sbr.rel .LBB2_37-.Ltmp33, $3  }
0x370: {  	_ =	sdelay $0x1  }
0x371: {  	v31 =	vmov v10  }
0x372: {  	s21 =	smov.u32 s24;
	v32 =	vmovc v12;
	v33 =	vmovc v15;
	v34 =	vmov v17;
	v35 =	vmov v18;
	v36 =	vmov v16  }
.LBB2_42:
0x373: {  	s0 =	simm.s32 $0x0;
	s1 =	rddreg [dreg:$0x3];
	s3 =	simm.s32 $0x1C800  }
0x374: {  	[tilespmem:s3], [sflag:$0x5] =	stream.linear.gather [hbm4b:s1+s0], $0x80, $0x38;
	[tilespmem:$0x1CE00] =	vst v63  }
0x375: {  	_ =	swait.ge [sflag:s14], $0x80  }
0x376: {  	[sflag:s14] =	ssyncset.done $0x0  }
0x377: {  	[sflag:s14] =	ssyncadd.s32 $0xFFFFFF80  }
0x378: {  	v1 =	vld [tilespmem:$0x1C800];
	_ =	sdelay $0x4  }
0x379: {  	v3 =	vshll.u32 v1, $0x2  }
0x37a: {  	v1 =	vand.u32 $0x7, v1;
	v3 =	vand.u32 $0xFFFFFFE0, v3  }
0x37b: {  	v1 =	vor.u32 v1, v3;
	v3 =	vld [tilespmem:$0x1FFE0];
	_ =	sdelay $0x3  }
0x37c: {  	v4 =	vld [tilespmem:$0x1FFF0]  }
0x37d: {  	v3 =	vperm.xlane v1, v3;
	_ =	sdelay $0x1  }
0x37e: {  	v3 =	vadd.s32 v2, v3;
	_ =	sdelay $0x1  }
0x37f: {  	v1 =	vperm.xlane v1, v4;
	_ =	sdelay $0x1  }
0x380: {  	s24 =	simm.s32 $0x1A800;
	v1 =	vadd.s32 v2, v1  }
0x381: {  	[tilespmem:s24], [sflag:$0x4] =	stream.indirect_vreg.gather [hbm4b:s5+s0], $0x80, v3, vm0, $0xb8;
	[tilespmem:$0x1CE00] =	vst v63  }
0x382: {  	s25 =	simm.s32 $0x1B000  }
0x383: {  	[tilespmem:s25], [sflag:$0x4] =	stream.indirect_vreg.gather [hbm4b:s9+s0], $0x80, v3, vm0, $0xb8;
	[tilespmem:$0x1CE00] =	vst v63  }
0x384: {  	s26 =	simm.s32 $0x1B800  }
0x385: {  	[tilespmem:s26], [sflag:$0x4] =	stream.indirect_vreg.gather [hbm4b:s5+s0], $0x80, v1, vm0, $0xb8;
	[tilespmem:$0x1CE00] =	vst v63  }
0x386: {  	s28 =	simm.s32 $0x1C000;
	s29 =	simm.s32 $0x4  }
0x387: {  	[tilespmem:s28], [sflag:$0x4] =	stream.indirect_vreg.gather [hbm4b:s9+s0], $0x80, v1, vm0, $0xb8;
	[tilespmem:$0x1CE00] =	vst v63  }
0x388: {  	_ =	swait.ge [sflag:s29], $0x2000  }
0x389: {  	[sflag:s29] =	ssyncset.done $0x0  }
0x38a: {  	[sflag:s29] =	ssyncadd.s32 $0xFFFFE000  }
0x38b: {  	v5 =	vld [tilespmem:$0x1C880];
	_ =	sdelay $0x4  }
0x38c: {  	(v2sf) =	vpush v5, $0x1  }
0x38d: {  	(v2sf) =	vpush v5, $0x0;
	_ =	sdelay $0xd  }
0x38e: {  	s1 =	spop (v2sf)  }
0x38f: {  	s30 =	spop (v2sf)  }
0x390: {  	p1 =	sne.s32 s1, s30  }
.Ltmp34:
0x391: {  	_ = 	snop;
	(pc) =	sbr.rel @p1 .LBB2_46-.Ltmp34, $2  }
0x392: {  	_ =	sdelay $0x2  }
0x393: {  	v4 =	vld [tilespmem:$0x1C890]  }
0x394: {  	s3 =	sand.u32 $0x70, s0;
	s4 =	sand.u32 $0xC00, s0  }
0x395: {  	s3 =	sor.u32 s3, s4  }
0x396: {  	s4 =	sadd.s32 $0x10, s0;
	v6 =	vld [tilespmem:s3+$0x1A800]  }
.LBB2_44:
0x397: {  	p1 =	sne.s32 s4, $0x1F0  }
.Ltmp35:
0x398: {  	_ = 	snop;
	(pc) =	sbr.rel @p1 .LBB2_44-.Ltmp35, $4  }
0x399: {  	s0 =	sadd.s32 $0x80, s0  }
0x39a: {  	s8 =	sand.u32 $0x70, s4;
	s10 =	sand.u32 $0xC00, s0  }
0x39b: {  	[tilespmem:s3+$0x18800] =	vst.add.f32.msk $0xffff, v6;
	s3 =	sor.u32 s8, s10  }
0x39c: {  	s4 =	sadd.s32 $0x10, s4;
	v6 =	vld [tilespmem:s3+$0x1A800]  }
0x39d: {  	_ =	sdelay $0x3  }
0x39e: {  	[tilespmem:s3+$0x18800] =	vst.add.f32.msk $0xffff, v6  }
.LBB2_46:
0x39f: {  	(v2sf) =	vpush v5, $0x2;
	_ =	sdelay $0xe  }
0x3a0: {  	s0 =	spop (v2sf)  }
0x3a1: {  	p1 =	sne.s32 s0, s1  }
.Ltmp36:
0x3a2: {  	_ = 	snop;
	(pc) =	sbr.rel @p1 .LBB2_50-.Ltmp36, $2  }
0x3a3: {  	_ =	sdelay $0x2  }
0x3a4: {  	s1 =	simm.s32 $0x0  }
0x3a5: {  	s3 =	sand.u32 $0x70, s1;
	s4 =	sand.u32 $0xC00, s1  }
0x3a6: {  	s3 =	sor.u32 s4, s3  }
0x3a7: {  	s4 =	sadd.s32 $0x10, s1;
	v6 =	vld [tilespmem:s3+$0x1A880]  }
.LBB2_48:
0x3a8: {  	p1 =	sne.s32 s4, $0x1F0  }
.Ltmp37:
0x3a9: {  	_ = 	snop;
	(pc) =	sbr.rel @p1 .LBB2_48-.Ltmp37, $4  }
0x3aa: {  	s1 =	sadd.s32 $0x80, s1  }
0x3ab: {  	s8 =	sand.u32 $0x70, s4;
	s10 =	sand.u32 $0xC00, s1  }
0x3ac: {  	[tilespmem:s3+$0x18880] =	vst.add.f32.msk $0xffff, v6;
	s3 =	sor.u32 s10, s8  }
0x3ad: {  	s4 =	sadd.s32 $0x10, s4;
	v6 =	vld [tilespmem:s3+$0x1A880]  }
0x3ae: {  	_ =	sdelay $0x3  }
0x3af: {  	[tilespmem:s3+$0x18880] =	vst.add.f32.msk $0xffff, v6  }
.LBB2_50:
0x3b0: {  	(v2sf) =	vpush v5, $0x3;
	_ =	sdelay $0xe  }
0x3b1: {  	s1 =	spop (v2sf)  }
0x3b2: {  	p1 =	sne.s32 s1, s0  }
.Ltmp38:
0x3b3: {  	_ = 	snop;
	(pc) =	sbr.rel @p1 .LBB2_54-.Ltmp38, $2  }
0x3b4: {  	_ =	sdelay $0x2  }
0x3b5: {  	s0 =	simm.s32 $0x0  }
0x3b6: {  	s3 =	sand.u32 $0x70, s0;
	s4 =	sand.u32 $0xC00, s0  }
0x3b7: {  	s3 =	sor.u32 s4, s3  }
0x3b8: {  	s4 =	sadd.s32 $0x10, s0;
	v6 =	vld [tilespmem:s3+$0x1A900]  }
.LBB2_52:
0x3b9: {  	p1 =	sne.s32 s4, $0x1F0  }
.Ltmp39:
0x3ba: {  	_ = 	snop;
	(pc) =	sbr.rel @p1 .LBB2_52-.Ltmp39, $4  }
0x3bb: {  	s0 =	sadd.s32 $0x80, s0  }
0x3bc: {  	s8 =	sand.u32 $0x70, s4;
	s10 =	sand.u32 $0xC00, s0  }
0x3bd: {  	[tilespmem:s3+$0x18900] =	vst.add.f32.msk $0xffff, v6;
	s3 =	sor.u32 s10, s8  }
0x3be: {  	s4 =	sadd.s32 $0x10, s4;
	v6 =	vld [tilespmem:s3+$0x1A900]  }
0x3bf: {  	_ =	sdelay $0x3  }
0x3c0: {  	[tilespmem:s3+$0x18900] =	vst.add.f32.msk $0xffff, v6  }
.LBB2_54:
0x3c1: {  	(v2sf) =	vpush v5, $0x4;
	_ =	sdelay $0xe  }
0x3c2: {  	s0 =	spop (v2sf)  }
0x3c3: {  	p1 =	sne.s32 s0, s1  }
.Ltmp40:
0x3c4: {  	_ = 	snop;
	(pc) =	sbr.rel @p1 .LBB2_58-.Ltmp40, $2  }
0x3c5: {  	_ =	sdelay $0x2  }
0x3c6: {  	s4 =	simm.s32 $0x0  }
0x3c7: {  	s1 =	sand.u32 $0xFFFFFC00, s4  }
0x3c8: {  	s1 =	sadd.s32 s1, s4  }
0x3c9: {  	s1 =	sor.u32 $0x180, s1  }
0x3ca: {  	v6 =	vld [tilespmem:s1+$0x1A800];
	_ =	sdelay $0x1  }
0x3cb: {  	s3 =	sadd.s32 $0x80, s4;
	s4 =	sadd.s32 $0x10, s4  }
.LBB2_56:
0x3cc: {  	s8 =	sand.u32 $0xFFFFFC00, s3;
	p1 =	sne.s32 s3, $0xF80;
	s3 =	sadd.s32 $0x80, s3  }
.Ltmp41:
0x3cd: {  	s8 =	sadd.s32 s8, s4;
	(pc) =	sbr.rel @p1 .LBB2_56-.Ltmp41, $3  }
0x3ce: {  	[tilespmem:s1+$0x18800] =	vst.add.f32.msk $0xffff, v6;
	s1 =	sor.u32 $0x180, s8  }
0x3cf: {  	v6 =	vld [tilespmem:s1+$0x1A800];
	_ =	sdelay $0x1  }
0x3d0: {  	s4 =	sadd.s32 $0x10, s4  }
0x3d1: {  	_ =	sdelay $0x1  }
0x3d2: {  	[tilespmem:s1+$0x18800] =	vst.add.f32.msk $0xffff, v6  }
.LBB2_58:
0x3d3: {  	(v2sf) =	vpush v5, $0x5;
	_ =	sdelay $0xe  }
0x3d4: {  	s1 =	spop (v2sf)  }
0x3d5: {  	p1 =	sne.s32 s1, s0  }
.Ltmp42:
0x3d6: {  	_ = 	snop;
	(pc) =	sbr.rel @p1 .LBB2_62-.Ltmp42, $2  }
0x3d7: {  	_ =	sdelay $0x2  }
0x3d8: {  	s0 =	simm.s32 $0x0  }
0x3d9: {  	s3 =	sand.u32 $0x70, s0;
	s4 =	sand.u32 $0xC00, s0  }
0x3da: {  	s3 =	sor.u32 s4, s3  }
0x3db: {  	s4 =	sadd.s32 $0x10, s0;
	v6 =	vld [tilespmem:s3+$0x1AA00]  }
.LBB2_60:
0x3dc: {  	p1 =	sne.s32 s4, $0x1F0  }
.Ltmp43:
0x3dd: {  	_ = 	snop;
	(pc) =	sbr.rel @p1 .LBB2_60-.Ltmp43, $4  }
0x3de: {  	s0 =	sadd.s32 $0x80, s0  }
0x3df: {  	s8 =	sand.u32 $0x70, s4;
	s10 =	sand.u32 $0xC00, s0  }
0x3e0: {  	[tilespmem:s3+$0x18A00] =	vst.add.f32.msk $0xffff, v6;
	s3 =	sor.u32 s10, s8  }
0x3e1: {  	s4 =	sadd.s32 $0x10, s4;
	v6 =	vld [tilespmem:s3+$0x1AA00]  }
0x3e2: {  	_ =	sdelay $0x3  }
0x3e3: {  	[tilespmem:s3+$0x18A00] =	vst.add.f32.msk $0xffff, v6  }
.LBB2_62:
0x3e4: {  	(v2sf) =	vpush v5, $0x6;
	_ =	sdelay $0xe  }
0x3e5: {  	s0 =	spop (v2sf)  }
0x3e6: {  	p1 =	sne.s32 s0, s1  }
.Ltmp44:
0x3e7: {  	_ = 	snop;
	(pc) =	sbr.rel @p1 .LBB2_66-.Ltmp44, $2  }
0x3e8: {  	_ =	sdelay $0x2  }
0x3e9: {  	s1 =	simm.s32 $0x0  }
0x3ea: {  	s3 =	sand.u32 $0x70, s1;
	s4 =	sand.u32 $0xC00, s1  }
0x3eb: {  	s3 =	sor.u32 s4, s3  }
0x3ec: {  	s4 =	sadd.s32 $0x10, s1;
	v6 =	vld [tilespmem:s3+$0x1AA80]  }
.LBB2_64:
0x3ed: {  	p1 =	sne.s32 s4, $0x1F0  }
.Ltmp45:
0x3ee: {  	_ = 	snop;
	(pc) =	sbr.rel @p1 .LBB2_64-.Ltmp45, $4  }
0x3ef: {  	s1 =	sadd.s32 $0x80, s1  }
0x3f0: {  	s8 =	sand.u32 $0x70, s4;
	s10 =	sand.u32 $0xC00, s1  }
0x3f1: {  	[tilespmem:s3+$0x18A80] =	vst.add.f32.msk $0xffff, v6;
	s3 =	sor.u32 s10, s8  }
0x3f2: {  	s4 =	sadd.s32 $0x10, s4;
	v6 =	vld [tilespmem:s3+$0x1AA80]  }
0x3f3: {  	_ =	sdelay $0x3  }
0x3f4: {  	[tilespmem:s3+$0x18A80] =	vst.add.f32.msk $0xffff, v6  }
.LBB2_66:
0x3f5: {  	(v2sf) =	vpush v5, $0x7;
	_ =	sdelay $0xe  }
0x3f6: {  	s1 =	spop (v2sf)  }
0x3f7: {  	p1 =	sne.s32 s1, s0  }
.Ltmp46:
0x3f8: {  	_ = 	snop;
	(pc) =	sbr.rel @p1 .LBB2_70-.Ltmp46, $2  }
0x3f9: {  	_ =	sdelay $0x2  }
0x3fa: {  	s0 =	simm.s32 $0x0  }
0x3fb: {  	s3 =	sand.u32 $0x70, s0;
	s4 =	sand.u32 $0xC00, s0  }
0x3fc: {  	s3 =	sor.u32 s4, s3  }
0x3fd: {  	s4 =	sadd.s32 $0x10, s0;
	v6 =	vld [tilespmem:s3+$0x1AB00]  }
.LBB2_68:
0x3fe: {  	p1 =	sne.s32 s4, $0x1F0  }
.Ltmp47:
0x3ff: {  	_ = 	snop;
	(pc) =	sbr.rel @p1 .LBB2_68-.Ltmp47, $4  }
0x400: {  	s0 =	sadd.s32 $0x80, s0  }
0x401: {  	s8 =	sand.u32 $0x70, s4;
	s10 =	sand.u32 $0xC00, s0  }
0x402: {  	[tilespmem:s3+$0x18B00] =	vst.add.f32.msk $0xffff, v6;
	s3 =	sor.u32 s10, s8  }
0x403: {  	s4 =	sadd.s32 $0x10, s4;
	v6 =	vld [tilespmem:s3+$0x1AB00]  }
0x404: {  	_ =	sdelay $0x3  }
0x405: {  	[tilespmem:s3+$0x18B00] =	vst.add.f32.msk $0xffff, v6  }
.LBB2_70:
0x406: {  	(v2sf) =	vpush v5, $0x8;
	_ =	sdelay $0xe  }
0x407: {  	s0 =	spop (v2sf)  }
0x408: {  	p1 =	sne.s32 s0, s1  }
.Ltmp48:
0x409: {  	_ = 	snop;
	(pc) =	sbr.rel @p1 .LBB2_74-.Ltmp48, $2  }
0x40a: {  	_ =	sdelay $0x2  }
0x40b: {  	s4 =	simm.s32 $0x0  }
0x40c: {  	s1 =	sor.u32 s4, s4  }
0x40d: {  	s1 =	sor.u32 $0x380, s1  }
0x40e: {  	v6 =	vld [tilespmem:s1+$0x1A800];
	_ =	sdelay $0x2  }
0x40f: {  	s3 =	sadd.s32 $0x10, s4;
	s4 =	sadd.s32 $0x80, s4  }
.LBB2_72:
0x410: {  	s8 =	sor.u32 s4, s3;
	p1 =	sne.s32 s3, $0x1F0;
	s3 =	sadd.s32 $0x10, s3  }
.Ltmp49:
0x411: {  	[tilespmem:s1+$0x18800] =	vst.add.f32.msk $0xffff, v6;
	s1 =	sor.u32 $0x380, s8;
	(pc) =	sbr.rel @p1 .LBB2_72-.Ltmp49, $2  }
0x412: {  	v6 =	vld [tilespmem:s1+$0x1A800];
	_ =	sdelay $0x2  }
0x413: {  	s4 =	sadd.s32 $0x80, s4  }
0x414: {  	_ = 	snop  }
0x415: {  	[tilespmem:s1+$0x18800] =	vst.add.f32.msk $0xffff, v6  }
.LBB2_74:
0x416: {  	(v2sf) =	vpush v5, $0x9;
	_ =	sdelay $0xe  }
0x417: {  	s1 =	spop (v2sf)  }
0x418: {  	p1 =	sne.s32 s1, s0  }
.Ltmp50:
0x419: {  	_ = 	snop;
	(pc) =	sbr.rel @p1 .LBB2_78-.Ltmp50, $2  }
0x41a: {  	_ =	sdelay $0x2  }
0x41b: {  	s0 =	simm.s32 $0x0  }
0x41c: {  	s3 =	sand.u32 $0x70, s0;
	s4 =	sand.u32 $0xC00, s0  }
0x41d: {  	s3 =	sor.u32 s4, s3  }
0x41e: {  	s4 =	sadd.s32 $0x10, s0;
	v6 =	vld [tilespmem:s3+$0x1B800]  }
.LBB2_76:
0x41f: {  	p1 =	sne.s32 s4, $0x1F0  }
.Ltmp51:
0x420: {  	_ = 	snop;
	(pc) =	sbr.rel @p1 .LBB2_76-.Ltmp51, $4  }
0x421: {  	s0 =	sadd.s32 $0x80, s0  }
0x422: {  	s8 =	sand.u32 $0x70, s4;
	s10 =	sand.u32 $0xC00, s0  }
0x423: {  	[tilespmem:s3+$0x19800] =	vst.add.f32.msk $0xffff, v6;
	s3 =	sor.u32 s10, s8  }
0x424: {  	s4 =	sadd.s32 $0x10, s4;
	v6 =	vld [tilespmem:s3+$0x1B800]  }
0x425: {  	_ =	sdelay $0x3  }
0x426: {  	[tilespmem:s3+$0x19800] =	vst.add.f32.msk $0xffff, v6  }
.LBB2_78:
0x427: {  	(v2sf) =	vpush v5, $0xA;
	_ =	sdelay $0xe  }
0x428: {  	s0 =	spop (v2sf)  }
0x429: {  	p1 =	sne.s32 s0, s1  }
.Ltmp52:
0x42a: {  	_ = 	snop;
	(pc) =	sbr.rel @p1 .LBB2_82-.Ltmp52, $2  }
0x42b: {  	_ =	sdelay $0x2  }
0x42c: {  	s1 =	simm.s32 $0x0  }
0x42d: {  	s3 =	sand.u32 $0x70, s1;
	s4 =	sand.u32 $0xC00, s1  }
0x42e: {  	s3 =	sor.u32 s4, s3  }
0x42f: {  	s4 =	sadd.s32 $0x10, s1;
	v6 =	vld [tilespmem:s3+$0x1B880]  }
.LBB2_80:
0x430: {  	p1 =	sne.s32 s4, $0x1F0  }
.Ltmp53:
0x431: {  	_ = 	snop;
	(pc) =	sbr.rel @p1 .LBB2_80-.Ltmp53, $4  }
0x432: {  	s1 =	sadd.s32 $0x80, s1  }
0x433: {  	s8 =	sand.u32 $0x70, s4;
	s10 =	sand.u32 $0xC00, s1  }
0x434: {  	[tilespmem:s3+$0x19880] =	vst.add.f32.msk $0xffff, v6;
	s3 =	sor.u32 s10, s8  }
0x435: {  	s4 =	sadd.s32 $0x10, s4;
	v6 =	vld [tilespmem:s3+$0x1B880]  }
0x436: {  	_ =	sdelay $0x3  }
0x437: {  	[tilespmem:s3+$0x19880] =	vst.add.f32.msk $0xffff, v6  }
.LBB2_82:
0x438: {  	(v2sf) =	vpush v5, $0xB;
	_ =	sdelay $0xe  }
0x439: {  	s1 =	spop (v2sf)  }
0x43a: {  	p1 =	sne.s32 s1, s0  }
.Ltmp54:
0x43b: {  	_ = 	snop;
	(pc) =	sbr.rel @p1 .LBB2_86-.Ltmp54, $2  }
0x43c: {  	_ =	sdelay $0x2  }
0x43d: {  	s0 =	simm.s32 $0x0  }
0x43e: {  	s3 =	sand.u32 $0x70, s0;
	s4 =	sand.u32 $0xC00, s0  }
0x43f: {  	s3 =	sor.u32 s4, s3  }
0x440: {  	s4 =	sadd.s32 $0x10, s0;
	v6 =	vld [tilespmem:s3+$0x1B900]  }
.LBB2_84:
0x441: {  	p1 =	sne.s32 s4, $0x1F0  }
.Ltmp55:
0x442: {  	_ = 	snop;
	(pc) =	sbr.rel @p1 .LBB2_84-.Ltmp55, $4  }
0x443: {  	s0 =	sadd.s32 $0x80, s0  }
0x444: {  	s8 =	sand.u32 $0x70, s4;
	s10 =	sand.u32 $0xC00, s0  }
0x445: {  	[tilespmem:s3+$0x19900] =	vst.add.f32.msk $0xffff, v6;
	s3 =	sor.u32 s10, s8  }
0x446: {  	s4 =	sadd.s32 $0x10, s4;
	v6 =	vld [tilespmem:s3+$0x1B900]  }
0x447: {  	_ =	sdelay $0x3  }
0x448: {  	[tilespmem:s3+$0x19900] =	vst.add.f32.msk $0xffff, v6  }
.LBB2_86:
0x449: {  	(v2sf) =	vpush v5, $0xC;
	_ =	sdelay $0xe  }
0x44a: {  	s0 =	spop (v2sf)  }
0x44b: {  	p1 =	sne.s32 s0, s1  }
.Ltmp56:
0x44c: {  	_ = 	snop;
	(pc) =	sbr.rel @p1 .LBB2_90-.Ltmp56, $2  }
0x44d: {  	_ =	sdelay $0x2  }
0x44e: {  	s4 =	simm.s32 $0x0  }
0x44f: {  	s1 =	sand.u32 $0xFFFFFC00, s4  }
0x450: {  	s1 =	sadd.s32 s1, s4  }
0x451: {  	s1 =	sor.u32 $0x1180, s1  }
0x452: {  	v6 =	vld [tilespmem:s1+$0x1A800];
	_ =	sdelay $0x1  }
0x453: {  	s3 =	sadd.s32 $0x80, s4;
	s4 =	sadd.s32 $0x10, s4  }
.LBB2_88:
0x454: {  	s8 =	sand.u32 $0xFFFFFC00, s3;
	p1 =	sne.s32 s3, $0xF80;
	s3 =	sadd.s32 $0x80, s3  }
.Ltmp57:
0x455: {  	s8 =	sadd.s32 s8, s4;
	(pc) =	sbr.rel @p1 .LBB2_88-.Ltmp57, $3  }
0x456: {  	[tilespmem:s1+$0x18800] =	vst.add.f32.msk $0xffff, v6;
	s1 =	sor.u32 $0x1180, s8  }
0x457: {  	v6 =	vld [tilespmem:s1+$0x1A800];
	_ =	sdelay $0x1  }
0x458: {  	s4 =	sadd.s32 $0x10, s4  }
0x459: {  	_ =	sdelay $0x1  }
0x45a: {  	[tilespmem:s1+$0x18800] =	vst.add.f32.msk $0xffff, v6  }
.LBB2_90:
0x45b: {  	(v2sf) =	vpush v5, $0xD;
	_ =	sdelay $0xe  }
0x45c: {  	s1 =	spop (v2sf)  }
0x45d: {  	p1 =	sne.s32 s1, s0  }
.Ltmp58:
0x45e: {  	_ = 	snop;
	(pc) =	sbr.rel @p1 .LBB2_94-.Ltmp58, $2  }
0x45f: {  	_ =	sdelay $0x2  }
0x460: {  	s0 =	simm.s32 $0x0  }
0x461: {  	s3 =	sand.u32 $0x70, s0;
	s4 =	sand.u32 $0xC00, s0  }
0x462: {  	s3 =	sor.u32 s4, s3  }
0x463: {  	s4 =	sadd.s32 $0x10, s0;
	v6 =	vld [tilespmem:s3+$0x1BA00]  }
.LBB2_92:
0x464: {  	p1 =	sne.s32 s4, $0x1F0  }
.Ltmp59:
0x465: {  	_ = 	snop;
	(pc) =	sbr.rel @p1 .LBB2_92-.Ltmp59, $4  }
0x466: {  	s0 =	sadd.s32 $0x80, s0  }
0x467: {  	s8 =	sand.u32 $0x70, s4;
	s10 =	sand.u32 $0xC00, s0  }
0x468: {  	[tilespmem:s3+$0x19A00] =	vst.add.f32.msk $0xffff, v6;
	s3 =	sor.u32 s10, s8  }
0x469: {  	s4 =	sadd.s32 $0x10, s4;
	v6 =	vld [tilespmem:s3+$0x1BA00]  }
0x46a: {  	_ =	sdelay $0x3  }
0x46b: {  	[tilespmem:s3+$0x19A00] =	vst.add.f32.msk $0xffff, v6  }
.LBB2_94:
0x46c: {  	(v2sf) =	vpush v5, $0xE;
	_ =	sdelay $0xe  }
0x46d: {  	s0 =	spop (v2sf)  }
0x46e: {  	p1 =	sne.s32 s0, s1  }
.Ltmp60:
0x46f: {  	_ = 	snop;
	(pc) =	sbr.rel @p1 .LBB2_98-.Ltmp60, $2  }
0x470: {  	_ =	sdelay $0x2  }
0x471: {  	s1 =	simm.s32 $0x0  }
0x472: {  	s3 =	sand.u32 $0x70, s1;
	s4 =	sand.u32 $0xC00, s1  }
0x473: {  	s3 =	sor.u32 s4, s3  }
0x474: {  	s4 =	sadd.s32 $0x10, s1;
	v6 =	vld [tilespmem:s3+$0x1BA80]  }
.LBB2_96:
0x475: {  	p1 =	sne.s32 s4, $0x1F0  }
.Ltmp61:
0x476: {  	_ = 	snop;
	(pc) =	sbr.rel @p1 .LBB2_96-.Ltmp61, $4  }
0x477: {  	s1 =	sadd.s32 $0x80, s1  }
0x478: {  	s8 =	sand.u32 $0x70, s4;
	s10 =	sand.u32 $0xC00, s1  }
0x479: {  	[tilespmem:s3+$0x19A80] =	vst.add.f32.msk $0xffff, v6;
	s3 =	sor.u32 s10, s8  }
0x47a: {  	s4 =	sadd.s32 $0x10, s4;
	v6 =	vld [tilespmem:s3+$0x1BA80]  }
0x47b: {  	_ =	sdelay $0x3  }
0x47c: {  	[tilespmem:s3+$0x19A80] =	vst.add.f32.msk $0xffff, v6  }
.LBB2_98:
0x47d: {  	(v2sf) =	vpush v5, $0xF;
	_ =	sdelay $0xe  }
0x47e: {  	s1 =	spop (v2sf)  }
0x47f: {  	p1 =	sne.s32 s1, s0  }
.Ltmp62:
0x480: {  	_ = 	snop;
	(pc) =	sbr.rel @p1 .LBB2_102-.Ltmp62, $2  }
0x481: {  	_ =	sdelay $0x2  }
0x482: {  	s0 =	simm.s32 $0x0  }
0x483: {  	s3 =	sand.u32 $0x70, s0;
	s4 =	sand.u32 $0xC00, s0  }
0x484: {  	s3 =	sor.u32 s4, s3  }
0x485: {  	s4 =	sadd.s32 $0x10, s0;
	v5 =	vld [tilespmem:s3+$0x1BB00]  }
.LBB2_100:
0x486: {  	p1 =	sne.s32 s4, $0x1F0  }
.Ltmp63:
0x487: {  	_ = 	snop;
	(pc) =	sbr.rel @p1 .LBB2_100-.Ltmp63, $4  }
0x488: {  	s0 =	sadd.s32 $0x80, s0  }
0x489: {  	s8 =	sand.u32 $0x70, s4;
	s10 =	sand.u32 $0xC00, s0  }
0x48a: {  	[tilespmem:s3+$0x19B00] =	vst.add.f32.msk $0xffff, v5;
	s3 =	sor.u32 s10, s8  }
0x48b: {  	s4 =	sadd.s32 $0x10, s4;
	v5 =	vld [tilespmem:s3+$0x1BB00]  }
0x48c: {  	_ =	sdelay $0x3  }
0x48d: {  	[tilespmem:s3+$0x19B00] =	vst.add.f32.msk $0xffff, v5  }
.LBB2_102:
0x48e: {  	(v2sf) =	vpush v4, $0x0;
	_ =	sdelay $0xe  }
0x48f: {  	s0 =	spop (v2sf)  }
0x490: {  	p1 =	sne.s32 s0, s1  }
.Ltmp64:
0x491: {  	_ = 	snop;
	(pc) =	sbr.rel @p1 .LBB2_106-.Ltmp64, $2  }
0x492: {  	_ =	sdelay $0x2  }
0x493: {  	s3 =	simm.s32 $0x0  }
0x494: {  	s0 =	sor.u32 s3, s3  }
0x495: {  	s0 =	sor.u32 $0x1380, s0  }
0x496: {  	v4 =	vld [tilespmem:s0+$0x1A800];
	_ =	sdelay $0x2  }
0x497: {  	s1 =	sadd.s32 $0x10, s3;
	s3 =	sadd.s32 $0x80, s3  }
.LBB2_104:
0x498: {  	s4 =	sor.u32 s3, s1;
	p1 =	sne.s32 s1, $0x1F0;
	s1 =	sadd.s32 $0x10, s1  }
.Ltmp65:
0x499: {  	[tilespmem:s0+$0x18800] =	vst.add.f32.msk $0xffff, v4;
	s0 =	sor.u32 $0x1380, s4;
	(pc) =	sbr.rel @p1 .LBB2_104-.Ltmp65, $2  }
0x49a: {  	v4 =	vld [tilespmem:s0+$0x1A800];
	_ =	sdelay $0x2  }
0x49b: {  	s3 =	sadd.s32 $0x80, s3  }
.Ltmp66:
0x49c: {  	(pc) =	sbr.rel .LBB2_106-.Ltmp66, $2  }
0x49d: {  	_ =	sdelay $0x2  }
0x49e: {  	[tilespmem:s0+$0x18800] =	vst.add.f32.msk $0xffff, v4  }
.LBB2_107:
0x49f: {  	_ =	sfence.sel $0x180000  }
0x4a0: {  	[bflag:$0x0] =	sbarrier.arrive $0xFFFF  }
0x4a1: {  	_ =	strace $0x90000047  }
0x4a2: {  	s0 =	stileid.u32;
	[bflag:$0x2] =	sbarrier.arrive $0xFFFF  }
0x4a3: {  	p0 =	sne.s32 s0, $0x0;
	s0 =	rddreg [dreg:$0x6]  }
0x4a4: {  	s0 =	sadd.s32 @!p0 $0x100000, s0  }
0x4a5: {  	[sflag:s0] =	ssyncadd.tile.s32 @!p0 $0x1;
	_ =	shalt  }
.Lfunc_end2:
_tile_overlayer_lowered:
.L_overlay_start_2:
0x4a6: {  	(tag) =	ssettag $0x2  }
0x4a7: {  	s0 =	rddreg [dreg:$0x0];
	s2 =	stileid.u32  }
0x4a8: {  	s1 =	rddreg [dreg:$0x1];
	p0 =	sne.s32 s2, $0x0  }
0x4a9: {  	s3 =	rddreg [dreg:$0x2];
	[bflag:$0x3] =	sbarrier.arrive $0xFFFF;
	s2 =	simm.s32 @!p0 $0x1C05  }
0x4aa: {  	[timem:s3], [sflag:s2] =	dma.local @!p0 [hbm:s0], s1  }
0x4ab: {  	s0 =	simm.s32 @!p0 $0x5  }
0x4ac: {  	_ =	swait.ge @!p0 [sflag:s0], s1  }
0x4ad: {  	s1 =	ssub.s32 @!p0 $0x0, s1;
	[sflag:s0] =	ssyncset.done @!p0 $0x0  }
0x4ae: {  	[sflag:s0] =	ssyncadd.s32 @!p0 s1  }
0x4af: {  	[bflag:$0x3] =	sbarrier.arrive $0xFFFF  }
0x4b0: {  	_ =	shalt  }

</sc_bundles>
